<compile_context>
chip_gen: v7x
topology: tpu7x:2x2x1
jax: 0.10.2.dev20260603
libtpu: 0.0.44.dev20260713+nightly
codegen_flags: <defaults>
</compile_context>

<pallas_src>
import functools

import jax
import jax.numpy as jnp
from jax import lax
from jax.experimental import pallas as pl
from jax.experimental.pallas import tpu as pltpu
from jax.experimental.pallas import tpu_sc as plsc

_NC = 2
_NS = 16
_L = 16
_NW = _NC * _NS
_CHUNK = 128
_EBLK = 8192
_EPS = 1e-5


def _mesh():
  return plsc.VectorSubcoreMesh(core_axis_name="c", subcore_axis_name="s",
                                num_cores=_NC, num_subcores=_NS)


_SC_PARAMS = pltpu.CompilerParams(use_tc_tiling_on_sc=False)


def _zero_rows(rows, d):
  def zrow(r, carry):
    for k in range(d // _L):
      rows[r, pl.ds(k * _L, _L)] = jnp.zeros((_L,), jnp.float32)
    return carry
  lax.fori_loop(0, _CHUNK, zrow, 0)


def _make_deg(npad, nchunks):
  _WAVE = 8

  @functools.partial(
      pl.kernel,
      out_type=jax.ShapeDtypeStruct((_NC, npad, _L), jnp.float32),
      mesh=_mesh(),
      compiler_params=_SC_PARAMS,
      scratch_types=(
          [pltpu.VMEM((nchunks, _CHUNK), jnp.int32),
           pltpu.VMEM((_CHUNK, _L), jnp.float32),
           pltpu.VMEM_SHARED((npad, _L), jnp.float32)]
          + [pltpu.SemaphoreType.DMA] * _WAVE
      ),
  )
  def deg_kernel(dst2_hbm, out_hbm, didxb, rows, acc, *ssem):
    c = lax.axis_index("c")
    s = lax.axis_index("s")
    wid = s * _NC + c
    rpt = npad // _NS
    r0 = s * rpt
    _zero_rows(rows, _L)
    for t in range(rpt // _CHUNK):
      pltpu.sync_copy(rows, acc.at[pl.ds(r0 + t * _CHUNK, _CHUNK)])
    e1 = jnp.where(lax.iota(jnp.int32, _L) == 0, 1.0, 0.0).astype(jnp.float32)
    def fill(r, carry):
      rows[r, pl.ds(0, _L)] = e1
      return carry
    lax.fori_loop(0, _CHUNK, fill, 0)
    pltpu.sync_copy(dst2_hbm.at[pl.ds(wid * nchunks, nchunks)], didxb)
    plsc.subcore_barrier()

    nwave = nchunks // _WAVE
    def step(g, carry):
      for i in range(_WAVE):
        pltpu.async_copy(rows, acc.at[didxb.at[g * _WAVE + i]], ssem[i],
                         add=True)
      for i in range(_WAVE):
        pltpu.make_async_copy(rows, acc.at[didxb.at[g * _WAVE + i]],
                              ssem[i]).wait()
      return carry
    lax.fori_loop(0, nwave, step, 0)
    for k in range(nwave * _WAVE, nchunks):
      pltpu.sync_copy(rows, acc.at[didxb.at[k]], add=True)
    plsc.subcore_barrier()
    for t in range(rpt // _CHUNK):
      sl = pl.ds(r0 + t * _CHUNK, _CHUNK)
      pltpu.sync_copy(acc.at[sl], out_hbm.at[c, sl])

  return deg_kernel


_NB = 4
_LAG = 2


def _make_segsum(d2, npad, nchunks):
  nb = 4
  lag = _LAG

  @functools.partial(
      pl.kernel,
      out_type=jax.ShapeDtypeStruct((_NC, npad, d2), jnp.float32),
      mesh=_mesh(),
      compiler_params=_SC_PARAMS,
      scratch_types=(
          [pltpu.VMEM((nchunks, _CHUNK), jnp.int32)] * 2
          + [pltpu.VMEM((_CHUNK, d2), jnp.float32)] * nb
          + [pltpu.VMEM_SHARED((npad, d2), jnp.float32)]
          + [pltpu.SemaphoreType.DMA] * (2 * nb)
      ),
  )
  def seg_kernel(tl_hbm, tr_hbm, src2_hbm, dst2_hbm, out_hbm, *refs):
    sidxb = refs[0]
    didxb = refs[1]
    rows = refs[2:2 + nb]
    acc = refs[2 + nb]
    gsem = refs[3 + nb:3 + 2 * nb]
    ssem = refs[3 + 2 * nb:3 + 3 * nb]
    c = lax.axis_index("c")
    s = lax.axis_index("s")
    rpt = npad // _NS
    r0 = s * rpt
    _zero_rows(rows[0], d2)
    for t in range(rpt // _CHUNK):
      pltpu.sync_copy(rows[0], acc.at[pl.ds(r0 + t * _CHUNK, _CHUNK)])
    pltpu.sync_copy(src2_hbm.at[pl.ds(s * nchunks, nchunks)], sidxb)
    pltpu.sync_copy(dst2_hbm.at[pl.ds(s * nchunks, nchunks)], didxb)
    plsc.subcore_barrier()
    nouter = (nchunks + lag + nb - 1) // nb

    def outer(g, carry):
      for b in range(nb):
        k = g * nb + b

        @pl.when(k < nchunks)
        def _(b=b, k=k):
          @pl.when(k >= nb)
          def _(b=b, k=k):
            pltpu.make_async_copy(rows[b], acc.at[didxb.at[k - nb]],
                                  ssem[b]).wait()
          @pl.when(c == 0)
          def _(b=b, k=k):
            pltpu.async_copy(tl_hbm.at[sidxb.at[k]], rows[b], gsem[b])
          @pl.when(c == 1)
          def _(b=b, k=k):
            pltpu.async_copy(tr_hbm.at[sidxb.at[k]], rows[b], gsem[b])

        kc = k - lag
        bc = (b - lag) % nb

        @pl.when((kc >= 0) & (kc < nchunks))
        def _(bc=bc, kc=kc):
          pltpu.make_async_copy(tl_hbm.at[sidxb.at[kc]], rows[bc],
                                gsem[bc]).wait()
          pltpu.async_copy(rows[bc], acc.at[didxb.at[kc]], ssem[bc], add=True)
      return carry

    lax.fori_loop(0, nouter, outer, 0)
    for kc in range(max(0, nchunks - nb), nchunks):
      b = kc % nb
      pltpu.make_async_copy(rows[b], acc.at[didxb.at[kc]], ssem[b]).wait()
    plsc.subcore_barrier()
    for t in range(rpt // _CHUNK):
      sl = pl.ds(r0 + t * _CHUNK, _CHUNK)
      pltpu.sync_copy(acc.at[sl], out_hbm.at[c, sl])

  return seg_kernel


def _make_edge_gather(d, epad, nchunks):

  @functools.partial(
      pl.kernel,
      out_type=jax.ShapeDtypeStruct((epad, 2 * d), jnp.float32),
      mesh=_mesh(),
      compiler_params=_SC_PARAMS,
      scratch_types=(
          [pltpu.VMEM((nchunks, _CHUNK), jnp.int32)] * 2
          + [pltpu.VMEM((_CHUNK, d), jnp.float32)] * _NB
          + [pltpu.VMEM((_CHUNK, d), jnp.float32)] * _NB
          + [pltpu.SemaphoreType.DMA] * (4 * _NB)
      ),
  )
  def gather_kernel(a_hbm, b_hbm, src2_hbm, dst2_hbm, g_hbm, *refs):
    sidxb = refs[0]
    didxb = refs[1]
    ra = refs[2:2 + _NB]
    rb = refs[2 + _NB:2 + 2 * _NB]
    gasem = refs[2 + 2 * _NB:2 + 3 * _NB]
    gbsem = refs[2 + 3 * _NB:2 + 4 * _NB]
    w1sem = refs[2 + 4 * _NB:2 + 5 * _NB]
    w2sem = refs[2 + 5 * _NB:2 + 6 * _NB]
    c = lax.axis_index("c")
    s = lax.axis_index("s")
    wid = s * _NC + c
    base = wid * nchunks * _CHUNK
    pltpu.sync_copy(src2_hbm.at[pl.ds(wid * nchunks, nchunks)], sidxb)
    pltpu.sync_copy(dst2_hbm.at[pl.ds(wid * nchunks, nchunks)], didxb)
    nouter = (nchunks + _LAG + _NB - 1) // _NB

    def outer(g, carry):
      for b in range(_NB):
        k = g * _NB + b

        @pl.when(k < nchunks)
        def _(b=b, k=k):
          @pl.when(k >= _NB)
          def _(b=b, k=k):
            ow = base + (k - _NB) * _CHUNK
            pltpu.make_async_copy(
                ra[b], g_hbm.at[pl.ds(ow, _CHUNK), pl.ds(0, d)],
                w1sem[b]).wait()
            pltpu.make_async_copy(
                rb[b], g_hbm.at[pl.ds(ow, _CHUNK), pl.ds(d, d)],
                w2sem[b]).wait()
          pltpu.async_copy(a_hbm.at[sidxb.at[k]], ra[b], gasem[b])
          pltpu.async_copy(b_hbm.at[didxb.at[k]], rb[b], gbsem[b])

        kc = k - _LAG
        bc = (b - _LAG) % _NB

        @pl.when((kc >= 0) & (kc < nchunks))
        def _(bc=bc, kc=kc):
          pltpu.make_async_copy(a_hbm.at[sidxb.at[kc]], ra[bc],
                                gasem[bc]).wait()
          pltpu.make_async_copy(b_hbm.at[didxb.at[kc]], rb[bc],
                                gbsem[bc]).wait()
          oc = base + kc * _CHUNK
          pltpu.async_copy(ra[bc], g_hbm.at[pl.ds(oc, _CHUNK), pl.ds(0, d)],
                           w1sem[bc])
          pltpu.async_copy(rb[bc], g_hbm.at[pl.ds(oc, _CHUNK), pl.ds(d, d)],
                           w2sem[bc])
      return carry

    lax.fori_loop(0, nouter, outer, 0)
    for kc in range(max(0, nchunks - _NB), nchunks):
      b = kc % _NB
      ow = base + kc * _CHUNK
      pltpu.make_async_copy(ra[b], g_hbm.at[pl.ds(ow, _CHUNK), pl.ds(0, d)],
                            w1sem[b]).wait()
      pltpu.make_async_copy(rb[b], g_hbm.at[pl.ds(ow, _CHUNK), pl.ds(d, d)],
                            w2sem[b]).wait()

  return gather_kernel


def _dis_from_degp(dp, n):
  deg = 1.0 + jnp.sum(dp, axis=(0, 2))[:n]
  return lax.rsqrt(deg)[:, None]


def _tc1(x, wemb, bemb, wg1, degp, n):
  d = wg1.shape[1]

  def body(x_ref, we_ref, be_ref, wg_ref, dp_ref, l_ref, r_ref):
    h0 = jnp.dot(x_ref[...], we_ref[...],
                 preferred_element_type=jnp.float32) + be_ref[...]
    hw = jnp.dot(h0, wg_ref[...], preferred_element_type=jnp.float32)
    s = hw * _dis_from_degp(dp_ref[...], n)
    l_ref[...] = s[:, :d // 2]
    r_ref[...] = s[:, d // 2:]

  return pl.pallas_call(
      body,
      out_shape=(jax.ShapeDtypeStruct((n, d // 2), jnp.float32),
                 jax.ShapeDtypeStruct((n, d // 2), jnp.float32)),
  )(x, wemb, bemb, wg1, degp)


def _tc2(p1, s1l, s1r, degp, wg2, bg1, n):
  d = wg2.shape[1]

  def body(p_ref, sl_ref, sr_ref, dp_ref, wg_ref, bg_ref, l_ref, r_ref):
    dis = _dis_from_degp(dp_ref[...], n)
    tot = jnp.concatenate(
        [p_ref[0, :n, :] + sl_ref[...], p_ref[1, :n, :] + sr_ref[...]], axis=1)
    h1 = jnp.maximum(tot * dis + bg_ref[...], 0.0)
    s = jnp.dot(h1, wg_ref[...], preferred_element_type=jnp.float32) * dis
    l_ref[...] = s[:, :d // 2]
    r_ref[...] = s[:, d // 2:]

  return pl.pallas_call(
      body,
      out_shape=(jax.ShapeDtypeStruct((n, d // 2), jnp.float32),
                 jax.ShapeDtypeStruct((n, d // 2), jnp.float32)),
  )(p1, s1l, s1r, degp, wg2, bg1)


def _tc3(p2, s2l, s2r, degp, bg2, wm0, g0, n, dout):
  c = (1.0 + _EPS) ** -0.5

  def body(p_ref, sl_ref, sr_ref, dp_ref, bg_ref, wm0_ref, g0_ref, a_ref,
           b_ref):
    dis = _dis_from_degp(dp_ref[...], n)
    tot = jnp.concatenate(
        [p_ref[0, :n, :] + sl_ref[...], p_ref[1, :n, :] + sr_ref[...]], axis=1)
    h2 = tot * dis + bg_ref[...]
    w0 = wm0_ref[...] * (g0_ref[...] * c)
    a_ref[...] = jnp.dot(h2, w0[:dout, :], preferred_element_type=jnp.float32)
    b_ref[...] = jnp.dot(h2, w0[dout:, :], preferred_element_type=jnp.float32)

  return pl.pallas_call(
      body,
      out_shape=(jax.ShapeDtypeStruct((n, dout), jnp.float32),
                 jax.ShapeDtypeStruct((n, dout), jnp.float32)),
  )(p2, s2l, s2r, degp, bg2, wm0, g0)


def _tc4(gg, bm0, g0, be0, wm1, bm1, g1, be1, wm2, bm2, e, dout):
  c = (1.0 + _EPS) ** -0.5
  blk = _EBLK
  grid = -(-e // blk)

  def body(g_ref, bm0_ref, g0_ref, be0_ref, wm1_ref, bm1_ref,
           gg1_ref, be1_ref, wm2_ref, bm2_ref, out_ref):
    b0 = bm0_ref[...] * (g0_ref[...] * c) + be0_ref[...]
    y0 = jnp.maximum(g_ref[:, :dout] + g_ref[:, dout:] + b0, 0.0)
    s1 = gg1_ref[...] * c
    w1 = wm1_ref[...] * s1
    b1 = bm1_ref[...] * s1 + be1_ref[...]
    y1 = jnp.maximum(
        jnp.dot(y0, w1, preferred_element_type=jnp.float32) + b1, 0.0)
    z = jnp.dot(y1, wm2_ref[...],
                preferred_element_type=jnp.float32) + bm2_ref[...]
    out_ref[...] = jax.nn.sigmoid(z)

  full = lambda a: pl.BlockSpec(a.shape, lambda i: (0,) * a.ndim)
  return pl.pallas_call(
      body,
      grid=(grid,),
      in_specs=[
          pl.BlockSpec((blk, 2 * dout), lambda i: (i, 0)),
          full(bm0), full(g0), full(be0), full(wm1), full(bm1),
          full(g1), full(be1), full(wm2), full(bm2),
      ],
      out_specs=pl.BlockSpec((blk, 1), lambda i: (i, 0)),
      out_shape=jax.ShapeDtypeStruct((e, 1), jnp.float32),
  )(gg, bm0, g0, be0, wm1, bm1, g1, be1, wm2, bm2)


def kernel(x, edge_index, Wemb, bemb, Wg1, bg1, Wg2, bg2, Wm0, bm0, g0, be0,
           Wm1, bm1, g1, be1, Wm2, bm2):
  n, _ = x.shape
  e = edge_index.shape[1]
  dhid = Wg1.shape[1]
  dout = Wg2.shape[1]

  tile_quant = _NS * _CHUNK
  npad = -(-n // tile_quant) * tile_quant
  if npad == n:
    npad += tile_quant
  edge_quant = max(_NW * _CHUNK, _EBLK)
  epad = -(-e // edge_quant) * edge_quant
  nchunks = epad // (_NW * _CHUNK)

  src = edge_index[0].astype(jnp.int32)
  dst = edge_index[1].astype(jnp.int32)
  pad = epad - e
  src2 = jnp.concatenate([src, jnp.zeros((pad,), jnp.int32)]).reshape(
      -1, _CHUNK)
  dst2_seg = jnp.concatenate([dst, jnp.full((pad,), n, jnp.int32)]).reshape(
      -1, _CHUNK)
  dst2_g = jnp.concatenate([dst, jnp.zeros((pad,), jnp.int32)]).reshape(
      -1, _CHUNK)
  nchunks_pt = epad // _CHUNK // _NS

  row = lambda v: v.reshape(1, -1)

  degp = _make_deg(npad, nchunks)(dst2_seg)
  s1l, s1r = _tc1(x, Wemb, row(bemb), Wg1, degp, n)
  p1 = _make_segsum(dhid // 2, npad, nchunks_pt)(s1l, s1r, src2, dst2_seg)
  s2l, s2r = _tc2(p1, s1l, s1r, degp, Wg2, row(bg1), n)
  p2 = _make_segsum(dout // 2, npad, nchunks_pt)(s2l, s2r, src2, dst2_seg)
  a, b = _tc3(p2, s2l, s2r, degp, row(bg2), Wm0, row(g0), n, dout)
  gg = _make_edge_gather(dout, epad, nchunks)(a, b, src2, dst2_g)
  return _tc4(gg, row(bm0), row(g0), row(be0), Wm1, row(bm1), row(g1),
              row(be1), Wm2, row(bm2), e, dout)

# --- scband reference (transcript-rebuilt; emitter-appended) ---
"""Pipeline reference for scband-edge-mask-7000796692946 (READ-ONLY COPY).

The authoritative reference and input builder live on the scoring server;
editing this copy changes nothing except your own understanding.
"""

import jax, jax.numpy as jnp
import numpy as np

N = 10000
E = 320000
D_IN = 128
D_HID = 128
D_OUT = 64
EPS = 1e-5


def _glorot(k, shape):
    lim = np.sqrt(6.0 / (shape[0] + shape[1]))
    return jax.random.uniform(k, shape, jnp.float32, -lim, lim)


def setup_inputs(seed: int = 0) -> dict:
    key = jax.random.key(seed)
    ks = jax.random.split(key, 20)
    inp = {}
    inp["x"] = jax.random.normal(ks[0], (N, D_IN), jnp.float32)
    inp["edge_index"] = jax.random.randint(ks[1], (2, E), 0, N)
    # embedding linear (input_dim -> hidden_dim)
    inp["Wemb"] = _glorot(ks[2], (D_IN, D_HID))
    inp["bemb"] = jnp.zeros((D_HID,), jnp.float32)
    # GCN layer 1 (hidden -> hidden)
    inp["Wg1"] = _glorot(ks[3], (D_HID, D_HID))
    inp["bg1"] = jnp.zeros((D_HID,), jnp.float32)
    # GCN layer 2 (hidden -> out)
    inp["Wg2"] = _glorot(ks[4], (D_HID, D_OUT))
    inp["bg2"] = jnp.zeros((D_OUT,), jnp.float32)
    # mask_net: hidden_dim = out_dim*2 = 128, L=2 -> 128->64->32->1
    inp["Wm0"] = _glorot(ks[5], (2 * D_OUT, D_OUT))
    inp["bm0"] = jnp.zeros((D_OUT,), jnp.float32)
    inp["g0"] = jnp.ones((D_OUT,), jnp.float32)
    inp["be0"] = jnp.zeros((D_OUT,), jnp.float32)
    inp["Wm1"] = _glorot(ks[6], (D_OUT, D_OUT // 2))
    inp["bm1"] = jnp.zeros((D_OUT // 2,), jnp.float32)
    inp["g1"] = jnp.ones((D_OUT // 2,), jnp.float32)
    inp["be1"] = jnp.zeros((D_OUT // 2,), jnp.float32)
    inp["Wm2"] = _glorot(ks[7], (D_OUT // 2, 1))
    inp["bm2"] = jnp.zeros((1,), jnp.float32)
    return inp


def _gcn(h, W, b, src, dst):
    # PyG GCNConv: self-loops + symmetric normalization
    hw = h @ W
    deg = jnp.zeros((N,), jnp.float32).at[dst].add(1.0)
    dis = jnp.where(deg > 0, deg ** -0.5, 0.0)
    norm = dis[src] * dis[dst]
    msg = hw[src] * norm[:, None]
    return jax.ops.segment_sum(msg, dst, num_segments=N) + b


def _bn_eval(y, g, b):
    # BatchNorm1d in eval mode with fresh running stats (mean=0, var=1)
    return (y / jnp.sqrt(1.0 + EPS)) * g + b


def reference(x, edge_index, Wemb, bemb, Wg1, bg1, Wg2, bg2, Wm0, bm0, g0, be0, Wm1, bm1, g1, be1, Wm2, bm2):
    loop = jnp.arange(N, dtype=edge_index.dtype)
    src = jnp.concatenate([edge_index[0], loop])
    dst = jnp.concatenate([edge_index[1], loop])
    h = x @ Wemb + bemb  # dropout is identity in eval
    h = _gcn(h, Wg1, bg1, src, dst)
    h = jax.nn.relu(h)
    h = _gcn(h, Wg2, bg2, src, dst)
    s = jnp.concatenate([h[edge_index[0]], h[edge_index[1]]], axis=1)
    y = jax.nn.relu(_bn_eval(s @ Wm0 + bm0, g0, be0))
    y = jax.nn.relu(_bn_eval(y @ Wm1 + bm1, g1, be1))
    y = y @ Wm2 + bm2
    return jax.nn.sigmoid(y)

if __name__ == "__main__":
    import jax
    _d = setup_inputs()
    print(jax.jit(kernel)(*tuple(_d.values())))

</pallas_src>

<mosaic_0001>
#map = affine_map<(d0, d1) -> (0, 0)>
#map1 = affine_map<(d0, d1) -> (0, 0, 0)>
module attributes {stable_mosaic.version = 14 : i64} {
  func.func @seg_kernel(%arg0: i32, %arg1: i32, %arg2: memref<10000x64xf32, #tpu.memory_space<hbm>>, %arg3: memref<10000x64xf32, #tpu.memory_space<hbm>>, %arg4: memref<2560x128xi32, #tpu.memory_space<hbm>>, %arg5: memref<2560x128xi32, #tpu.memory_space<hbm>>, %arg6: memref<2x10240x64xf32, #tpu.memory_space<hbm>>, %arg7: memref<160x128xi32, #tpu.memory_space<vmem>>, %arg8: memref<160x128xi32, #tpu.memory_space<vmem>>, %arg9: memref<128x64xf32, #tpu.memory_space<vmem>>, %arg10: memref<128x64xf32, #tpu.memory_space<vmem>>, %arg11: memref<128x64xf32, #tpu.memory_space<vmem>>, %arg12: memref<128x64xf32, #tpu.memory_space<vmem>>, %arg13: memref<10240x64xf32, #tpu.memory_space<vmem_shared>>, %arg14: memref<!tpu.dma_semaphore, #tpu.memory_space<semaphore_mem>>, %arg15: memref<!tpu.dma_semaphore, #tpu.memory_space<semaphore_mem>>, %arg16: memref<!tpu.dma_semaphore, #tpu.memory_space<semaphore_mem>>, %arg17: memref<!tpu.dma_semaphore, #tpu.memory_space<semaphore_mem>>, %arg18: memref<!tpu.dma_semaphore, #tpu.memory_space<semaphore_mem>>, %arg19: memref<!tpu.dma_semaphore, #tpu.memory_space<semaphore_mem>>, %arg20: memref<!tpu.dma_semaphore, #tpu.memory_space<semaphore_mem>>, %arg21: memref<!tpu.dma_semaphore, #tpu.memory_space<semaphore_mem>>) attributes {dimension_semantics = [#tpu.dimension_semantics<core_parallel>, #tpu.dimension_semantics<subcore_parallel>], iteration_bounds = array<i64: 2, 16>, scalar_prefetch = 0 : i64, scratch_operands = 15 : i64, tpu.core_type = #tpu.core_type<sc_vector_subcore>, window_params = [{transform_indices = #map}, {transform_indices = #map}, {transform_indices = #map}, {transform_indices = #map}, {transform_indices = #map1}]} {
    %mul3A = arith.constant 640 : i32
    %mul3A_0 = arith.muli %arg1, %mul3A : i32
    %scan3A = arith.constant 0 : i32
    %scan3A_1 = arith.constant 0 : i32
    %scan3A_2 = arith.constant 128 : i32
    %scan3A_3 = arith.addi %scan3A_1, %scan3A_2 : i32
    %scan3A_4 = arith.constant 1 : i32
    scf.for %scan3A_63 = %scan3A_1 to %scan3A_3 step %scan3A_4  : i32 {
      %broadcast_in_dim3A = arith.constant 0.000000e+00 : f32
      %broadcast_in_dim3A_64 = vector.broadcast %broadcast_in_dim3A : f32 to vector<16xf32>
      %swap3A = arith.index_cast %scan3A_63 : i32 to index
      %swap3A_65 = arith.constant 0 : index
      %swap3A_66 = tpu.vector_load %arg9[%swap3A, %swap3A_65] {strides = array<i32>} : memref<128x64xf32, #tpu.memory_space<vmem>>, vector<1x16xf32>,
      %swap3A_67 = vector.shape_cast %swap3A_66 : vector<1x16xf32> to vector<16xf32>
      %swap3A_68 = vector.shape_cast %broadcast_in_dim3A_64 : vector<16xf32> to vector<1x16xf32>
      tpu.vector_store %arg9[%swap3A, %swap3A_65], %swap3A_68 {strides = array<i32>} : memref<128x64xf32, #tpu.memory_space<vmem>>, vector<1x16xf32>,
      %broadcast_in_dim3A_69 = arith.constant 0.000000e+00 : f32
      %broadcast_in_dim3A_70 = vector.broadcast %broadcast_in_dim3A_69 : f32 to vector<16xf32>
      %swap3A_71 = arith.index_cast %scan3A_63 : i32 to index
      %swap3A_72 = arith.constant 16 : index
      %swap3A_73 = tpu.vector_load %arg9[%swap3A_71, %swap3A_72] {strides = array<i32>} : memref<128x64xf32, #tpu.memory_space<vmem>>, vector<1x16xf32>,
      %swap3A_74 = vector.shape_cast %swap3A_73 : vector<1x16xf32> to vector<16xf32>
      %swap3A_75 = vector.shape_cast %broadcast_in_dim3A_70 : vector<16xf32> to vector<1x16xf32>
      tpu.vector_store %arg9[%swap3A_71, %swap3A_72], %swap3A_75 {strides = array<i32>} : memref<128x64xf32, #tpu.memory_space<vmem>>, vector<1x16xf32>,
      %broadcast_in_dim3A_76 = arith.constant 0.000000e+00 : f32
      %broadcast_in_dim3A_77 = vector.broadcast %broadcast_in_dim3A_76 : f32 to vector<16xf32>
      %swap3A_78 = arith.index_cast %scan3A_63 : i32 to index
      %swap3A_79 = arith.constant 32 : index
      %swap3A_80 = tpu.vector_load %arg9[%swap3A_78, %swap3A_79] {strides = array<i32>} : memref<128x64xf32, #tpu.memory_space<vmem>>, vector<1x16xf32>,
      %swap3A_81 = vector.shape_cast %swap3A_80 : vector<1x16xf32> to vector<16xf32>
      %swap3A_82 = vector.shape_cast %broadcast_in_dim3A_77 : vector<16xf32> to vector<1x16xf32>
      tpu.vector_store %arg9[%swap3A_78, %swap3A_79], %swap3A_82 {strides = array<i32>} : memref<128x64xf32, #tpu.memory_space<vmem>>, vector<1x16xf32>,
      %broadcast_in_dim3A_83 = arith.constant 0.000000e+00 : f32
      %broadcast_in_dim3A_84 = vector.broadcast %broadcast_in_dim3A_83 : f32 to vector<16xf32>
      %swap3A_85 = arith.index_cast %scan3A_63 : i32 to index
      %swap3A_86 = arith.constant 48 : index
      %swap3A_87 = tpu.vector_load %arg9[%swap3A_85, %swap3A_86] {strides = array<i32>} : memref<128x64xf32, #tpu.memory_space<vmem>>, vector<1x16xf32>,
      %swap3A_88 = vector.shape_cast %swap3A_87 : vector<1x16xf32> to vector<16xf32>
      %swap3A_89 = vector.shape_cast %broadcast_in_dim3A_84 : vector<16xf32> to vector<1x16xf32>
      tpu.vector_store %arg9[%swap3A_85, %swap3A_86], %swap3A_89 {strides = array<i32>} : memref<128x64xf32, #tpu.memory_space<vmem>>, vector<1x16xf32>,
    }
    %scan3A_5 = arith.constant 128 : i32
    %add3A = arith.constant 0 : i32
    %add3A_6 = arith.addi %mul3A_0, %add3A : i32
    "tpu.region"() ({
      %run_scoped3A = tpu.sem_alloc : memref<!tpu.dma_semaphore, #tpu.memory_space<semaphore_mem>>
      %dma_start3A = arith.constant 0 : i32
      %dma_start3A_63 = tpu.memref_slice %arg13[%add3A_6, %dma_start3A] : memref<10240x64xf32, #tpu.memory_space<vmem_shared>> -> memref<128x64xf32, #tpu.memory_space<vmem_shared>>
      %dma_start3A_64 = arith.constant 0 : i32
      %dma_start3A_65 = tpu.memref_slice %arg13[%add3A_6, %dma_start3A_64] : memref<10240x64xf32, #tpu.memory_space<vmem_shared>> -> memref<128x64xf32, #tpu.memory_space<vmem_shared>>
      tpu.enqueue_dma source(%arg9 : memref<128x64xf32, #tpu.memory_space<vmem>>) target(%dma_start3A_65 : memref<128x64xf32, #tpu.memory_space<vmem_shared>>) target_semaphore(%run_scoped3A : memref<!tpu.dma_semaphore, #tpu.memory_space<semaphore_mem>>)
      %dma_wait3A_66 = arith.constant 0 : i32
      %dma_wait3A_67 = tpu.memref_slice %arg13[%add3A_6, %dma_wait3A_66] : memref<10240x64xf32, #tpu.memory_space<vmem_shared>> -> memref<128x64xf32, #tpu.memory_space<vmem_shared>>
      %dma_wait3A_68 = arith.constant 0 : i32
      %dma_wait3A_69 = tpu.memref_slice %arg13[%add3A_6, %dma_wait3A_68] : memref<10240x64xf32, #tpu.memory_space<vmem_shared>> -> memref<128x64xf32, #tpu.memory_space<vmem_shared>>
      tpu.wait_dma2 semaphore(%run_scoped3A : memref<!tpu.dma_semaphore, #tpu.memory_space<semaphore_mem>>) src(%arg9 : memref<128x64xf32, #tpu.memory_space<vmem>>) dst(%dma_wait3A_69 : memref<128x64xf32, #tpu.memory_space<vmem_shared>>)
      tpu.yield
    }) : () -> ()
    %add3A_7 = arith.constant 128 : i32
    %add3A_8 = arith.addi %mul3A_0, %add3A_7 : i32
    "tpu.region"() ({
      %run_scoped3A = tpu.sem_alloc : memref<!tpu.dma_semaphore, #tpu.memory_space<semaphore_mem>>
      %dma_start3A = arith.constant 0 : i32
      %dma_start3A_63 = tpu.memref_slice %arg13[%add3A_8, %dma_start3A] : memref<10240x64xf32, #tpu.memory_space<vmem_shared>> -> memref<128x64xf32, #tpu.memory_space<vmem_shared>>
      %dma_start3A_64 = arith.constant 0 : i32
      %dma_start3A_65 = tpu.memref_slice %arg13[%add3A_8, %dma_start3A_64] : memref<10240x64xf32, #tpu.memory_space<vmem_shared>> -> memref<128x64xf32, #tpu.memory_space<vmem_shared>>
      tpu.enqueue_dma source(%arg9 : memref<128x64xf32, #tpu.memory_space<vmem>>) target(%dma_start3A_65 : memref<128x64xf32, #tpu.memory_space<vmem_shared>>) target_semaphore(%run_scoped3A : memref<!tpu.dma_semaphore, #tpu.memory_space<semaphore_mem>>)
      %dma_wait3A_66 = arith.constant 0 : i32
      %dma_wait3A_67 = tpu.memref_slice %arg13[%add3A_8, %dma_wait3A_66] : memref<10240x64xf32, #tpu.memory_space<vmem_shared>> -> memref<128x64xf32, #tpu.memory_space<vmem_shared>>
      %dma_wait3A_68 = arith.constant 0 : i32
      %dma_wait3A_69 = tpu.memref_slice %arg13[%add3A_8, %dma_wait3A_68] : memref<10240x64xf32, #tpu.memory_space<vmem_shared>> -> memref<128x64xf32, #tpu.memory_space<vmem_shared>>
      tpu.wait_dma2 semaphore(%run_scoped3A : memref<!tpu.dma_semaphore, #tpu.memory_space<semaphore_mem>>) src(%arg9 : memref<128x64xf32, #tpu.memory_space<vmem>>) dst(%dma_wait3A_69 : memref<128x64xf32, #tpu.memory_space<vmem_shared>>)
      tpu.yield
    }) : () -> ()
    %add3A_9 = arith.constant 256 : i32
    %add3A_10 = arith.addi %mul3A_0, %add3A_9 : i32
    "tpu.region"() ({
      %run_scoped3A = tpu.sem_alloc : memref<!tpu.dma_semaphore, #tpu.memory_space<semaphore_mem>>
      %dma_start3A = arith.constant 0 : i32
      %dma_start3A_63 = tpu.memref_slice %arg13[%add3A_10, %dma_start3A] : memref<10240x64xf32, #tpu.memory_space<vmem_shared>> -> memref<128x64xf32, #tpu.memory_space<vmem_shared>>
      %dma_start3A_64 = arith.constant 0 : i32
      %dma_start3A_65 = tpu.memref_slice %arg13[%add3A_10, %dma_start3A_64] : memref<10240x64xf32, #tpu.memory_space<vmem_shared>> -> memref<128x64xf32, #tpu.memory_space<vmem_shared>>
      tpu.enqueue_dma source(%arg9 : memref<128x64xf32, #tpu.memory_space<vmem>>) target(%dma_start3A_65 : memref<128x64xf32, #tpu.memory_space<vmem_shared>>) target_semaphore(%run_scoped3A : memref<!tpu.dma_semaphore, #tpu.memory_space<semaphore_mem>>)
      %dma_wait3A_66 = arith.constant 0 : i32
      %dma_wait3A_67 = tpu.memref_slice %arg13[%add3A_10, %dma_wait3A_66] : memref<10240x64xf32, #tpu.memory_space<vmem_shared>> -> memref<128x64xf32, #tpu.memory_space<vmem_shared>>
      %dma_wait3A_68 = arith.constant 0 : i32
      %dma_wait3A_69 = tpu.memref_slice %arg13[%add3A_10, %dma_wait3A_68] : memref<10240x64xf32, #tpu.memory_space<vmem_shared>> -> memref<128x64xf32, #tpu.memory_space<vmem_shared>>
      tpu.wait_dma2 semaphore(%run_scoped3A : memref<!tpu.dma_semaphore, #tpu.memory_space<semaphore_mem>>) src(%arg9 : memref<128x64xf32, #tpu.memory_space<vmem>>) dst(%dma_wait3A_69 : memref<128x64xf32, #tpu.memory_space<vmem_shared>>)
      tpu.yield
    }) : () -> ()
    %add3A_11 = arith.constant 384 : i32
    %add3A_12 = arith.addi %mul3A_0, %add3A_11 : i32
    "tpu.region"() ({
      %run_scoped3A = tpu.sem_alloc : memref<!tpu.dma_semaphore, #tpu.memory_space<semaphore_mem>>
      %dma_start3A = arith.constant 0 : i32
      %dma_start3A_63 = tpu.memref_slice %arg13[%add3A_12, %dma_start3A] : memref<10240x64xf32, #tpu.memory_space<vmem_shared>> -> memref<128x64xf32, #tpu.memory_space<vmem_shared>>
      %dma_start3A_64 = arith.constant 0 : i32
      %dma_start3A_65 = tpu.memref_slice %arg13[%add3A_12, %dma_start3A_64] : memref<10240x64xf32, #tpu.memory_space<vmem_shared>> -> memref<128x64xf32, #tpu.memory_space<vmem_shared>>
      tpu.enqueue_dma source(%arg9 : memref<128x64xf32, #tpu.memory_space<vmem>>) target(%dma_start3A_65 : memref<128x64xf32, #tpu.memory_space<vmem_shared>>) target_semaphore(%run_scoped3A : memref<!tpu.dma_semaphore, #tpu.memory_space<semaphore_mem>>)
      %dma_wait3A_66 = arith.constant 0 : i32
      %dma_wait3A_67 = tpu.memref_slice %arg13[%add3A_12, %dma_wait3A_66] : memref<10240x64xf32, #tpu.memory_space<vmem_shared>> -> memref<128x64xf32, #tpu.memory_space<vmem_shared>>
      %dma_wait3A_68 = arith.constant 0 : i32
      %dma_wait3A_69 = tpu.memref_slice %arg13[%add3A_12, %dma_wait3A_68] : memref<10240x64xf32, #tpu.memory_space<vmem_shared>> -> memref<128x64xf32, #tpu.memory_space<vmem_shared>>
      tpu.wait_dma2 semaphore(%run_scoped3A : memref<!tpu.dma_semaphore, #tpu.memory_space<semaphore_mem>>) src(%arg9 : memref<128x64xf32, #tpu.memory_space<vmem>>) dst(%dma_wait3A_69 : memref<128x64xf32, #tpu.memory_space<vmem_shared>>)
      tpu.yield
    }) : () -> ()
    %add3A_13 = arith.constant 512 : i32
    %add3A_14 = arith.addi %mul3A_0, %add3A_13 : i32
    "tpu.region"() ({
      %run_scoped3A = tpu.sem_alloc : memref<!tpu.dma_semaphore, #tpu.memory_space<semaphore_mem>>
      %dma_start3A = arith.constant 0 : i32
      %dma_start3A_63 = tpu.memref_slice %arg13[%add3A_14, %dma_start3A] : memref<10240x64xf32, #tpu.memory_space<vmem_shared>> -> memref<128x64xf32, #tpu.memory_space<vmem_shared>>
      %dma_start3A_64 = arith.constant 0 : i32
      %dma_start3A_65 = tpu.memref_slice %arg13[%add3A_14, %dma_start3A_64] : memref<10240x64xf32, #tpu.memory_space<vmem_shared>> -> memref<128x64xf32, #tpu.memory_space<vmem_shared>>
      tpu.enqueue_dma source(%arg9 : memref<128x64xf32, #tpu.memory_space<vmem>>) target(%dma_start3A_65 : memref<128x64xf32, #tpu.memory_space<vmem_shared>>) target_semaphore(%run_scoped3A : memref<!tpu.dma_semaphore, #tpu.memory_space<semaphore_mem>>)
      %dma_wait3A_66 = arith.constant 0 : i32
      %dma_wait3A_67 = tpu.memref_slice %arg13[%add3A_14, %dma_wait3A_66] : memref<10240x64xf32, #tpu.memory_space<vmem_shared>> -> memref<128x64xf32, #tpu.memory_space<vmem_shared>>
      %dma_wait3A_68 = arith.constant 0 : i32
      %dma_wait3A_69 = tpu.memref_slice %arg13[%add3A_14, %dma_wait3A_68] : memref<10240x64xf32, #tpu.memory_space<vmem_shared>> -> memref<128x64xf32, #tpu.memory_space<vmem_shared>>
      tpu.wait_dma2 semaphore(%run_scoped3A : memref<!tpu.dma_semaphore, #tpu.memory_space<semaphore_mem>>) src(%arg9 : memref<128x64xf32, #tpu.memory_space<vmem>>) dst(%dma_wait3A_69 : memref<128x64xf32, #tpu.memory_space<vmem_shared>>)
      tpu.yield
    }) : () -> ()
    %mul3A_15 = arith.constant 160 : i32
    %mul3A_16 = arith.muli %arg1, %mul3A_15 : i32
    "tpu.region"() ({
      %run_scoped3A = tpu.sem_alloc : memref<!tpu.dma_semaphore, #tpu.memory_space<semaphore_mem>>
      %dma_start3A = arith.constant 0 : i32
      %dma_start3A_63 = tpu.memref_slice %arg4[%mul3A_16, %dma_start3A] : memref<2560x128xi32, #tpu.memory_space<hbm>> -> memref<160x128xi32, #tpu.memory_space<hbm>>
      %dma_start3A_64 = arith.constant 0 : i32
      %dma_start3A_65 = tpu.memref_slice %arg4[%mul3A_16, %dma_start3A_64] : memref<2560x128xi32, #tpu.memory_space<hbm>> -> memref<160x128xi32, #tpu.memory_space<hbm>>
      tpu.enqueue_dma source(%dma_start3A_65 : memref<160x128xi32, #tpu.memory_space<hbm>>) target(%arg7 : memref<160x128xi32, #tpu.memory_space<vmem>>) target_semaphore(%run_scoped3A : memref<!tpu.dma_semaphore, #tpu.memory_space<semaphore_mem>>)
      %dma_wait3A_66 = arith.constant 0 : i32
      %dma_wait3A_67 = tpu.memref_slice %arg4[%mul3A_16, %dma_wait3A_66] : memref<2560x128xi32, #tpu.memory_space<hbm>> -> memref<160x128xi32, #tpu.memory_space<hbm>>
      %dma_wait3A_68 = arith.constant 0 : i32
      %dma_wait3A_69 = tpu.memref_slice %arg4[%mul3A_16, %dma_wait3A_68] : memref<2560x128xi32, #tpu.memory_space<hbm>> -> memref<160x128xi32, #tpu.memory_space<hbm>>
      tpu.wait_dma2 semaphore(%run_scoped3A : memref<!tpu.dma_semaphore, #tpu.memory_space<semaphore_mem>>) src(%dma_wait3A_69 : memref<160x128xi32, #tpu.memory_space<hbm>>) dst(%arg7 : memref<160x128xi32, #tpu.memory_space<vmem>>)
      tpu.yield
    }) : () -> ()
    %mul3A_17 = arith.constant 160 : i32
    %mul3A_18 = arith.muli %arg1, %mul3A_17 : i32
    "tpu.region"() ({
      %run_scoped3A = tpu.sem_alloc : memref<!tpu.dma_semaphore, #tpu.memory_space<semaphore_mem>>
      %dma_start3A = arith.constant 0 : i32
      %dma_start3A_63 = tpu.memref_slice %arg5[%mul3A_18, %dma_start3A] : memref<2560x128xi32, #tpu.memory_space<hbm>> -> memref<160x128xi32, #tpu.memory_space<hbm>>
      %dma_start3A_64 = arith.constant 0 : i32
      %dma_start3A_65 = tpu.memref_slice %arg5[%mul3A_18, %dma_start3A_64] : memref<2560x128xi32, #tpu.memory_space<hbm>> -> memref<160x128xi32, #tpu.memory_space<hbm>>
      tpu.enqueue_dma source(%dma_start3A_65 : memref<160x128xi32, #tpu.memory_space<hbm>>) target(%arg8 : memref<160x128xi32, #tpu.memory_space<vmem>>) target_semaphore(%run_scoped3A : memref<!tpu.dma_semaphore, #tpu.memory_space<semaphore_mem>>)
      %dma_wait3A_66 = arith.constant 0 : i32
      %dma_wait3A_67 = tpu.memref_slice %arg5[%mul3A_18, %dma_wait3A_66] : memref<2560x128xi32, #tpu.memory_space<hbm>> -> memref<160x128xi32, #tpu.memory_space<hbm>>
      %dma_wait3A_68 = arith.constant 0 : i32
      %dma_wait3A_69 = tpu.memref_slice %arg5[%mul3A_18, %dma_wait3A_68] : memref<2560x128xi32, #tpu.memory_space<hbm>> -> memref<160x128xi32, #tpu.memory_space<hbm>>
      tpu.wait_dma2 semaphore(%run_scoped3A : memref<!tpu.dma_semaphore, #tpu.memory_space<semaphore_mem>>) src(%dma_wait3A_69 : memref<160x128xi32, #tpu.memory_space<hbm>>) dst(%arg8 : memref<160x128xi32, #tpu.memory_space<vmem>>)
      tpu.yield
    }) : () -> ()
    %barrier3A = arith.constant 0 : index
    tpu.barrier barrier_id(%barrier3A)
    %scan3A_19 = arith.constant 0 : i32
    %scan3A_20 = arith.constant 0 : i32
    %scan3A_21 = arith.constant 41 : i32
    %scan3A_22 = arith.addi %scan3A_20, %scan3A_21 : i32
    %scan3A_23 = arith.constant 1 : i32
    scf.for %scan3A_63 = %scan3A_20 to %scan3A_22 step %scan3A_23  : i32 {
      %mul3A_64 = arith.constant 4 : i32
      %mul3A_65 = arith.muli %scan3A_63, %mul3A_64 : i32
      %add3A_66 = arith.constant 0 : i32
      %add3A_67 = arith.addi %mul3A_65, %add3A_66 : i32
      %lt3A = arith.constant 160 : i32
      %lt3A_68 = arith.cmpi slt, %add3A_67, %lt3A : i32
      %convert_element_type3A = arith.extui %lt3A_68 : i1 to i32
      %cond3A = arith.constant 0 : i32
      %cond3A_69 = arith.cmpi ne, %convert_element_type3A, %cond3A : i32
      scf.if %cond3A_69 {
        %ge3A_134 = arith.constant 4 : i32
        %ge3A_135 = arith.cmpi sge, %add3A_67, %ge3A_134 : i32
        %convert_element_type3A_136 = arith.extui %ge3A_135 : i1 to i32
        %cond3A_137 = arith.constant 0 : i32
        %cond3A_138 = arith.cmpi ne, %convert_element_type3A_136, %cond3A_137 : i32
        scf.if %cond3A_138 {
          %sub3A_148 = arith.constant 4 : i32
          %sub3A_149 = arith.subi %add3A_67, %sub3A_148 : i32
          %dma_wait3A_150 = arith.constant 0 : i32
          %dma_wait3A_151 = tpu.memref_slice %arg8[%sub3A_149, %dma_wait3A_150] : memref<160x128xi32, #tpu.memory_space<vmem>> -> memref<1x128xi32, #tpu.memory_space<vmem>>
          %dma_wait3A_152 = tpu.memref_squeeze %dma_wait3A_151 : memref<1x128xi32, #tpu.memory_space<vmem>> -> memref<128xi32, #tpu.memory_space<vmem>>
          %dma_wait3A_153 = arith.constant 0 : i32
          %dma_wait3A_154 = arith.constant 0 : i32
          %dma_wait3A_155 = tpu.memref_slice %arg13[%dma_wait3A_153, %dma_wait3A_154] : memref<10240x64xf32, #tpu.memory_space<vmem_shared>> -> memref<10240x64xf32, #tpu.memory_space<vmem_shared>>
          tpu.wait_indirect_dma semaphore(%arg18 : memref<!tpu.dma_semaphore, #tpu.memory_space<semaphore_mem>>) src(%arg9 : memref<128x64xf32, #tpu.memory_space<vmem>>) dst(%dma_wait3A_155 : memref<10240x64xf32, #tpu.memory_space<vmem_shared>>)
        } else {
        }
        %eq3A = arith.constant 0 : i32
        %eq3A_139 = arith.cmpi eq, %arg0, %eq3A : i32
        %convert_element_type3A_140 = arith.extui %eq3A_139 : i1 to i32
        %cond3A_141 = arith.constant 0 : i32
        %cond3A_142 = arith.cmpi ne, %convert_element_type3A_140, %cond3A_141 : i32
        scf.if %cond3A_142 {
          %dma_start3A = arith.constant 0 : i32
          %dma_start3A_148 = tpu.memref_slice %arg7[%add3A_67, %dma_start3A] : memref<160x128xi32, #tpu.memory_space<vmem>> -> memref<1x128xi32, #tpu.memory_space<vmem>>
          %dma_start3A_149 = tpu.memref_squeeze %dma_start3A_148 : memref<1x128xi32, #tpu.memory_space<vmem>> -> memref<128xi32, #tpu.memory_space<vmem>>
          %dma_start3A_150 = arith.constant 0 : i32
          %dma_start3A_151 = arith.constant 0 : i32
          %dma_start3A_152 = tpu.memref_slice %arg2[%dma_start3A_150, %dma_start3A_151] : memref<10000x64xf32, #tpu.memory_space<hbm>> -> memref<10000x64xf32, #tpu.memory_space<hbm>>
          tpu.enqueue_indirect_dma source(%dma_start3A_152 : memref<10000x64xf32, #tpu.memory_space<hbm>>) target(%arg9 : memref<128x64xf32, #tpu.memory_space<vmem>>) offsets(%dma_start3A_149 : memref<128xi32, #tpu.memory_space<vmem>>) semaphore(%arg14 : memref<!tpu.dma_semaphore, #tpu.memory_space<semaphore_mem>>)
        } else {
        }
        %eq3A_143 = arith.constant 1 : i32
        %eq3A_144 = arith.cmpi eq, %arg0, %eq3A_143 : i32
        %convert_element_type3A_145 = arith.extui %eq3A_144 : i1 to i32
        %cond3A_146 = arith.constant 0 : i32
        %cond3A_147 = arith.cmpi ne, %convert_element_type3A_145, %cond3A_146 : i32
        scf.if %cond3A_147 {
          %dma_start3A = arith.constant 0 : i32
          %dma_start3A_148 = tpu.memref_slice %arg7[%add3A_67, %dma_start3A] : memref<160x128xi32, #tpu.memory_space<vmem>> -> memref<1x128xi32, #tpu.memory_space<vmem>>
          %dma_start3A_149 = tpu.memref_squeeze %dma_start3A_148 : memref<1x128xi32, #tpu.memory_space<vmem>> -> memref<128xi32, #tpu.memory_space<vmem>>
          %dma_start3A_150 = arith.constant 0 : i32
          %dma_start3A_151 = arith.constant 0 : i32
          %dma_start3A_152 = tpu.memref_slice %arg3[%dma_start3A_150, %dma_start3A_151] : memref<10000x64xf32, #tpu.memory_space<hbm>> -> memref<10000x64xf32, #tpu.memory_space<hbm>>
          tpu.enqueue_indirect_dma source(%dma_start3A_152 : memref<10000x64xf32, #tpu.memory_space<hbm>>) target(%arg9 : memref<128x64xf32, #tpu.memory_space<vmem>>) offsets(%dma_start3A_149 : memref<128xi32, #tpu.memory_space<vmem>>) semaphore(%arg14 : memref<!tpu.dma_semaphore, #tpu.memory_space<semaphore_mem>>)
        } else {
        }
      } else {
      }
      %sub3A = arith.constant 2 : i32
      %sub3A_70 = arith.subi %add3A_67, %sub3A : i32
      %ge3A = arith.constant 0 : i32
      %ge3A_71 = arith.cmpi sge, %sub3A_70, %ge3A : i32
      %lt3A_72 = arith.constant 160 : i32
      %lt3A_73 = arith.cmpi slt, %sub3A_70, %lt3A_72 : i32
      %and3A = arith.andi %ge3A_71, %lt3A_73 : i1
      %convert_element_type3A_74 = arith.extui %and3A : i1 to i32
      %cond3A_75 = arith.constant 0 : i32
      %cond3A_76 = arith.cmpi ne, %convert_element_type3A_74, %cond3A_75 : i32
      scf.if %cond3A_76 {
        %dma_wait3A_134 = arith.constant 0 : i32
        %dma_wait3A_135 = tpu.memref_slice %arg7[%sub3A_70, %dma_wait3A_134] : memref<160x128xi32, #tpu.memory_space<vmem>> -> memref<1x128xi32, #tpu.memory_space<vmem>>
        %dma_wait3A_136 = tpu.memref_squeeze %dma_wait3A_135 : memref<1x128xi32, #tpu.memory_space<vmem>> -> memref<128xi32, #tpu.memory_space<vmem>>
        %dma_wait3A_137 = arith.constant 0 : i32
        %dma_wait3A_138 = arith.constant 0 : i32
        %dma_wait3A_139 = tpu.memref_slice %arg2[%dma_wait3A_137, %dma_wait3A_138] : memref<10000x64xf32, #tpu.memory_space<hbm>> -> memref<10000x64xf32, #tpu.memory_space<hbm>>
        tpu.wait_indirect_dma semaphore(%arg16 : memref<!tpu.dma_semaphore, #tpu.memory_space<semaphore_mem>>) src(%dma_wait3A_139 : memref<10000x64xf32, #tpu.memory_space<hbm>>) dst(%arg11 : memref<128x64xf32, #tpu.memory_space<vmem>>)
        %dma_start3A = arith.constant 0 : i32
        %dma_start3A_140 = tpu.memref_slice %arg8[%sub3A_70, %dma_start3A] : memref<160x128xi32, #tpu.memory_space<vmem>> -> memref<1x128xi32, #tpu.memory_space<vmem>>
        %dma_start3A_141 = tpu.memref_squeeze %dma_start3A_140 : memref<1x128xi32, #tpu.memory_space<vmem>> -> memref<128xi32, #tpu.memory_space<vmem>>
        %dma_start3A_142 = arith.constant 0 : i32
        %dma_start3A_143 = arith.constant 0 : i32
        %dma_start3A_144 = tpu.memref_slice %arg13[%dma_start3A_142, %dma_start3A_143] : memref<10240x64xf32, #tpu.memory_space<vmem_shared>> -> memref<10240x64xf32, #tpu.memory_space<vmem_shared>>
        tpu.enqueue_indirect_dma source(%arg11 : memref<128x64xf32, #tpu.memory_space<vmem>>) target(%dma_start3A_144 : memref<10240x64xf32, #tpu.memory_space<vmem_shared>>) offsets(%dma_start3A_141 : memref<128xi32, #tpu.memory_space<vmem>>) semaphore(%arg20 : memref<!tpu.dma_semaphore, #tpu.memory_space<semaphore_mem>>) {add = true}
      } else {
      }
      %mul3A_77 = arith.constant 4 : i32
      %mul3A_78 = arith.muli %scan3A_63, %mul3A_77 : i32
      %add3A_79 = arith.constant 1 : i32
      %add3A_80 = arith.addi %mul3A_78, %add3A_79 : i32
      %lt3A_81 = arith.constant 160 : i32
      %lt3A_82 = arith.cmpi slt, %add3A_80, %lt3A_81 : i32
      %convert_element_type3A_83 = arith.extui %lt3A_82 : i1 to i32
      %cond3A_84 = arith.constant 0 : i32
      %cond3A_85 = arith.cmpi ne, %convert_element_type3A_83, %cond3A_84 : i32
      scf.if %cond3A_85 {
        %ge3A_134 = arith.constant 4 : i32
        %ge3A_135 = arith.cmpi sge, %add3A_80, %ge3A_134 : i32
        %convert_element_type3A_136 = arith.extui %ge3A_135 : i1 to i32
        %cond3A_137 = arith.constant 0 : i32
        %cond3A_138 = arith.cmpi ne, %convert_element_type3A_136, %cond3A_137 : i32
        scf.if %cond3A_138 {
          %sub3A_148 = arith.constant 4 : i32
          %sub3A_149 = arith.subi %add3A_80, %sub3A_148 : i32
          %dma_wait3A_150 = arith.constant 0 : i32
          %dma_wait3A_151 = tpu.memref_slice %arg8[%sub3A_149, %dma_wait3A_150] : memref<160x128xi32, #tpu.memory_space<vmem>> -> memref<1x128xi32, #tpu.memory_space<vmem>>
          %dma_wait3A_152 = tpu.memref_squeeze %dma_wait3A_151 : memref<1x128xi32, #tpu.memory_space<vmem>> -> memref<128xi32, #tpu.memory_space<vmem>>
          %dma_wait3A_153 = arith.constant 0 : i32
          %dma_wait3A_154 = arith.constant 0 : i32
          %dma_wait3A_155 = tpu.memref_slice %arg13[%dma_wait3A_153, %dma_wait3A_154] : memref<10240x64xf32, #tpu.memory_space<vmem_shared>> -> memref<10240x64xf32, #tpu.memory_space<vmem_shared>>
          tpu.wait_indirect_dma semaphore(%arg19 : memref<!tpu.dma_semaphore, #tpu.memory_space<semaphore_mem>>) src(%arg10 : memref<128x64xf32, #tpu.memory_space<vmem>>) dst(%dma_wait3A_155 : memref<10240x64xf32, #tpu.memory_space<vmem_shared>>)
        } else {
        }
        %eq3A = arith.constant 0 : i32
        %eq3A_139 = arith.cmpi eq, %arg0, %eq3A : i32
        %convert_element_type3A_140 = arith.extui %eq3A_139 : i1 to i32
        %cond3A_141 = arith.constant 0 : i32
        %cond3A_142 = arith.cmpi ne, %convert_element_type3A_140, %cond3A_141 : i32
        scf.if %cond3A_142 {
          %dma_start3A = arith.constant 0 : i32
          %dma_start3A_148 = tpu.memref_slice %arg7[%add3A_80, %dma_start3A] : memref<160x128xi32, #tpu.memory_space<vmem>> -> memref<1x128xi32, #tpu.memory_space<vmem>>
          %dma_start3A_149 = tpu.memref_squeeze %dma_start3A_148 : memref<1x128xi32, #tpu.memory_space<vmem>> -> memref<128xi32, #tpu.memory_space<vmem>>
          %dma_start3A_150 = arith.constant 0 : i32
          %dma_start3A_151 = arith.constant 0 : i32
          %dma_start3A_152 = tpu.memref_slice %arg2[%dma_start3A_150, %dma_start3A_151] : memref<10000x64xf32, #tpu.memory_space<hbm>> -> memref<10000x64xf32, #tpu.memory_space<hbm>>
          tpu.enqueue_indirect_dma source(%dma_start3A_152 : memref<10000x64xf32, #tpu.memory_space<hbm>>) target(%arg10 : memref<128x64xf32, #tpu.memory_space<vmem>>) offsets(%dma_start3A_149 : memref<128xi32, #tpu.memory_space<vmem>>) semaphore(%arg15 : memref<!tpu.dma_semaphore, #tpu.memory_space<semaphore_mem>>)
        } else {
        }
        %eq3A_143 = arith.constant 1 : i32
        %eq3A_144 = arith.cmpi eq, %arg0, %eq3A_143 : i32
        %convert_element_type3A_145 = arith.extui %eq3A_144 : i1 to i32
        %cond3A_146 = arith.constant 0 : i32
        %cond3A_147 = arith.cmpi ne, %convert_element_type3A_145, %cond3A_146 : i32
        scf.if %cond3A_147 {
          %dma_start3A = arith.constant 0 : i32
          %dma_start3A_148 = tpu.memref_slice %arg7[%add3A_80, %dma_start3A] : memref<160x128xi32, #tpu.memory_space<vmem>> -> memref<1x128xi32, #tpu.memory_space<vmem>>
          %dma_start3A_149 = tpu.memref_squeeze %dma_start3A_148 : memref<1x128xi32, #tpu.memory_space<vmem>> -> memref<128xi32, #tpu.memory_space<vmem>>
          %dma_start3A_150 = arith.constant 0 : i32
          %dma_start3A_151 = arith.constant 0 : i32
          %dma_start3A_152 = tpu.memref_slice %arg3[%dma_start3A_150, %dma_start3A_151] : memref<10000x64xf32, #tpu.memory_space<hbm>> -> memref<10000x64xf32, #tpu.memory_space<hbm>>
          tpu.enqueue_indirect_dma source(%dma_start3A_152 : memref<10000x64xf32, #tpu.memory_space<hbm>>) target(%arg10 : memref<128x64xf32, #tpu.memory_space<vmem>>) offsets(%dma_start3A_149 : memref<128xi32, #tpu.memory_space<vmem>>) semaphore(%arg15 : memref<!tpu.dma_semaphore, #tpu.memory_space<semaphore_mem>>)
        } else {
        }
      } else {
      }
      %sub3A_86 = arith.constant 2 : i32
      %sub3A_87 = arith.subi %add3A_80, %sub3A_86 : i32
      %ge3A_88 = arith.constant 0 : i32
      %ge3A_89 = arith.cmpi sge, %sub3A_87, %ge3A_88 : i32
      %lt3A_90 = arith.constant 160 : i32
      %lt3A_91 = arith.cmpi slt, %sub3A_87, %lt3A_90 : i32
      %and3A_92 = arith.andi %ge3A_89, %lt3A_91 : i1
      %convert_element_type3A_93 = arith.extui %and3A_92 : i1 to i32
      %cond3A_94 = arith.constant 0 : i32
      %cond3A_95 = arith.cmpi ne, %convert_element_type3A_93, %cond3A_94 : i32
      scf.if %cond3A_95 {
        %dma_wait3A_134 = arith.constant 0 : i32
        %dma_wait3A_135 = tpu.memref_slice %arg7[%sub3A_87, %dma_wait3A_134] : memref<160x128xi32, #tpu.memory_space<vmem>> -> memref<1x128xi32, #tpu.memory_space<vmem>>
        %dma_wait3A_136 = tpu.memref_squeeze %dma_wait3A_135 : memref<1x128xi32, #tpu.memory_space<vmem>> -> memref<128xi32, #tpu.memory_space<vmem>>
        %dma_wait3A_137 = arith.constant 0 : i32
        %dma_wait3A_138 = arith.constant 0 : i32
        %dma_wait3A_139 = tpu.memref_slice %arg2[%dma_wait3A_137, %dma_wait3A_138] : memref<10000x64xf32, #tpu.memory_space<hbm>> -> memref<10000x64xf32, #tpu.memory_space<hbm>>
        tpu.wait_indirect_dma semaphore(%arg17 : memref<!tpu.dma_semaphore, #tpu.memory_space<semaphore_mem>>) src(%dma_wait3A_139 : memref<10000x64xf32, #tpu.memory_space<hbm>>) dst(%arg12 : memref<128x64xf32, #tpu.memory_space<vmem>>)
        %dma_start3A = arith.constant 0 : i32
        %dma_start3A_140 = tpu.memref_slice %arg8[%sub3A_87, %dma_start3A] : memref<160x128xi32, #tpu.memory_space<vmem>> -> memref<1x128xi32, #tpu.memory_space<vmem>>
        %dma_start3A_141 = tpu.memref_squeeze %dma_start3A_140 : memref<1x128xi32, #tpu.memory_space<vmem>> -> memref<128xi32, #tpu.memory_space<vmem>>
        %dma_start3A_142 = arith.constant 0 : i32
        %dma_start3A_143 = arith.constant 0 : i32
        %dma_start3A_144 = tpu.memref_slice %arg13[%dma_start3A_142, %dma_start3A_143] : memref<10240x64xf32, #tpu.memory_space<vmem_shared>> -> memref<10240x64xf32, #tpu.memory_space<vmem_shared>>
        tpu.enqueue_indirect_dma source(%arg12 : memref<128x64xf32, #tpu.memory_space<vmem>>) target(%dma_start3A_144 : memref<10240x64xf32, #tpu.memory_space<vmem_shared>>) offsets(%dma_start3A_141 : memref<128xi32, #tpu.memory_space<vmem>>) semaphore(%arg21 : memref<!tpu.dma_semaphore, #tpu.memory_space<semaphore_mem>>) {add = true}
      } else {
      }
      %mul3A_96 = arith.constant 4 : i32
      %mul3A_97 = arith.muli %scan3A_63, %mul3A_96 : i32
      %add3A_98 = arith.constant 2 : i32
      %add3A_99 = arith.addi %mul3A_97, %add3A_98 : i32
      %lt3A_100 = arith.constant 160 : i32
      %lt3A_101 = arith.cmpi slt, %add3A_99, %lt3A_100 : i32
      %convert_element_type3A_102 = arith.extui %lt3A_101 : i1 to i32
      %cond3A_103 = arith.constant 0 : i32
      %cond3A_104 = arith.cmpi ne, %convert_element_type3A_102, %cond3A_103 : i32
      scf.if %cond3A_104 {
        %ge3A_134 = arith.constant 4 : i32
        %ge3A_135 = arith.cmpi sge, %add3A_99, %ge3A_134 : i32
        %convert_element_type3A_136 = arith.extui %ge3A_135 : i1 to i32
        %cond3A_137 = arith.constant 0 : i32
        %cond3A_138 = arith.cmpi ne, %convert_element_type3A_136, %cond3A_137 : i32
        scf.if %cond3A_138 {
          %sub3A_148 = arith.constant 4 : i32
          %sub3A_149 = arith.subi %add3A_99, %sub3A_148 : i32
          %dma_wait3A_150 = arith.constant 0 : i32
          %dma_wait3A_151 = tpu.memref_slice %arg8[%sub3A_149, %dma_wait3A_150] : memref<160x128xi32, #tpu.memory_space<vmem>> -> memref<1x128xi32, #tpu.memory_space<vmem>>
          %dma_wait3A_152 = tpu.memref_squeeze %dma_wait3A_151 : memref<1x128xi32, #tpu.memory_space<vmem>> -> memref<128xi32, #tpu.memory_space<vmem>>
          %dma_wait3A_153 = arith.constant 0 : i32
          %dma_wait3A_154 = arith.constant 0 : i32
          %dma_wait3A_155 = tpu.memref_slice %arg13[%dma_wait3A_153, %dma_wait3A_154] : memref<10240x64xf32, #tpu.memory_space<vmem_shared>> -> memref<10240x64xf32, #tpu.memory_space<vmem_shared>>
          tpu.wait_indirect_dma semaphore(%arg20 : memref<!tpu.dma_semaphore, #tpu.memory_space<semaphore_mem>>) src(%arg11 : memref<128x64xf32, #tpu.memory_space<vmem>>) dst(%dma_wait3A_155 : memref<10240x64xf32, #tpu.memory_space<vmem_shared>>)
        } else {
        }
        %eq3A = arith.constant 0 : i32
        %eq3A_139 = arith.cmpi eq, %arg0, %eq3A : i32
        %convert_element_type3A_140 = arith.extui %eq3A_139 : i1 to i32
        %cond3A_141 = arith.constant 0 : i32
        %cond3A_142 = arith.cmpi ne, %convert_element_type3A_140, %cond3A_141 : i32
        scf.if %cond3A_142 {
          %dma_start3A = arith.constant 0 : i32
          %dma_start3A_148 = tpu.memref_slice %arg7[%add3A_99, %dma_start3A] : memref<160x128xi32, #tpu.memory_space<vmem>> -> memref<1x128xi32, #tpu.memory_space<vmem>>
          %dma_start3A_149 = tpu.memref_squeeze %dma_start3A_148 : memref<1x128xi32, #tpu.memory_space<vmem>> -> memref<128xi32, #tpu.memory_space<vmem>>
          %dma_start3A_150 = arith.constant 0 : i32
          %dma_start3A_151 = arith.constant 0 : i32
          %dma_start3A_152 = tpu.memref_slice %arg2[%dma_start3A_150, %dma_start3A_151] : memref<10000x64xf32, #tpu.memory_space<hbm>> -> memref<10000x64xf32, #tpu.memory_space<hbm>>
          tpu.enqueue_indirect_dma source(%dma_start3A_152 : memref<10000x64xf32, #tpu.memory_space<hbm>>) target(%arg11 : memref<128x64xf32, #tpu.memory_space<vmem>>) offsets(%dma_start3A_149 : memref<128xi32, #tpu.memory_space<vmem>>) semaphore(%arg16 : memref<!tpu.dma_semaphore, #tpu.memory_space<semaphore_mem>>)
        } else {
        }
        %eq3A_143 = arith.constant 1 : i32
        %eq3A_144 = arith.cmpi eq, %arg0, %eq3A_143 : i32
        %convert_element_type3A_145 = arith.extui %eq3A_144 : i1 to i32
        %cond3A_146 = arith.constant 0 : i32
        %cond3A_147 = arith.cmpi ne, %convert_element_type3A_145, %cond3A_146 : i32
        scf.if %cond3A_147 {
          %dma_start3A = arith.constant 0 : i32
          %dma_start3A_148 = tpu.memref_slice %arg7[%add3A_99, %dma_start3A] : memref<160x128xi32, #tpu.memory_space<vmem>> -> memref<1x128xi32, #tpu.memory_space<vmem>>
          %dma_start3A_149 = tpu.memref_squeeze %dma_start3A_148 : memref<1x128xi32, #tpu.memory_space<vmem>> -> memref<128xi32, #tpu.memory_space<vmem>>
          %dma_start3A_150 = arith.constant 0 : i32
          %dma_start3A_151 = arith.constant 0 : i32
          %dma_start3A_152 = tpu.memref_slice %arg3[%dma_start3A_150, %dma_start3A_151] : memref<10000x64xf32, #tpu.memory_space<hbm>> -> memref<10000x64xf32, #tpu.memory_space<hbm>>
          tpu.enqueue_indirect_dma source(%dma_start3A_152 : memref<10000x64xf32, #tpu.memory_space<hbm>>) target(%arg11 : memref<128x64xf32, #tpu.memory_space<vmem>>) offsets(%dma_start3A_149 : memref<128xi32, #tpu.memory_space<vmem>>) semaphore(%arg16 : memref<!tpu.dma_semaphore, #tpu.memory_space<semaphore_mem>>)
        } else {
        }
      } else {
      }
      %sub3A_105 = arith.constant 2 : i32
      %sub3A_106 = arith.subi %add3A_99, %sub3A_105 : i32
      %ge3A_107 = arith.constant 0 : i32
      %ge3A_108 = arith.cmpi sge, %sub3A_106, %ge3A_107 : i32
      %lt3A_109 = arith.constant 160 : i32
      %lt3A_110 = arith.cmpi slt, %sub3A_106, %lt3A_109 : i32
      %and3A_111 = arith.andi %ge3A_108, %lt3A_110 : i1
      %convert_element_type3A_112 = arith.extui %and3A_111 : i1 to i32
      %cond3A_113 = arith.constant 0 : i32
      %cond3A_114 = arith.cmpi ne, %convert_element_type3A_112, %cond3A_113 : i32
      scf.if %cond3A_114 {
        %dma_wait3A_134 = arith.constant 0 : i32
        %dma_wait3A_135 = tpu.memref_slice %arg7[%sub3A_106, %dma_wait3A_134] : memref<160x128xi32, #tpu.memory_space<vmem>> -> memref<1x128xi32, #tpu.memory_space<vmem>>
        %dma_wait3A_136 = tpu.memref_squeeze %dma_wait3A_135 : memref<1x128xi32, #tpu.memory_space<vmem>> -> memref<128xi32, #tpu.memory_space<vmem>>
        %dma_wait3A_137 = arith.constant 0 : i32
        %dma_wait3A_138 = arith.constant 0 : i32
        %dma_wait3A_139 = tpu.memref_slice %arg2[%dma_wait3A_137, %dma_wait3A_138] : memref<10000x64xf32, #tpu.memory_space<hbm>> -> memref<10000x64xf32, #tpu.memory_space<hbm>>
        tpu.wait_indirect_dma semaphore(%arg14 : memref<!tpu.dma_semaphore, #tpu.memory_space<semaphore_mem>>) src(%dma_wait3A_139 : memref<10000x64xf32, #tpu.memory_space<hbm>>) dst(%arg9 : memref<128x64xf32, #tpu.memory_space<vmem>>)
        %dma_start3A = arith.constant 0 : i32
        %dma_start3A_140 = tpu.memref_slice %arg8[%sub3A_106, %dma_start3A] : memref<160x128xi32, #tpu.memory_space<vmem>> -> memref<1x128xi32, #tpu.memory_space<vmem>>
        %dma_start3A_141 = tpu.memref_squeeze %dma_start3A_140 : memref<1x128xi32, #tpu.memory_space<vmem>> -> memref<128xi32, #tpu.memory_space<vmem>>
        %dma_start3A_142 = arith.constant 0 : i32
        %dma_start3A_143 = arith.constant 0 : i32
        %dma_start3A_144 = tpu.memref_slice %arg13[%dma_start3A_142, %dma_start3A_143] : memref<10240x64xf32, #tpu.memory_space<vmem_shared>> -> memref<10240x64xf32, #tpu.memory_space<vmem_shared>>
        tpu.enqueue_indirect_dma source(%arg9 : memref<128x64xf32, #tpu.memory_space<vmem>>) target(%dma_start3A_144 : memref<10240x64xf32, #tpu.memory_space<vmem_shared>>) offsets(%dma_start3A_141 : memref<128xi32, #tpu.memory_space<vmem>>) semaphore(%arg18 : memref<!tpu.dma_semaphore, #tpu.memory_space<semaphore_mem>>) {add = true}
      } else {
      }
      %mul3A_115 = arith.constant 4 : i32
      %mul3A_116 = arith.muli %scan3A_63, %mul3A_115 : i32
      %add3A_117 = arith.constant 3 : i32
      %add3A_118 = arith.addi %mul3A_116, %add3A_117 : i32
      %lt3A_119 = arith.constant 160 : i32
      %lt3A_120 = arith.cmpi slt, %add3A_118, %lt3A_119 : i32
      %convert_element_type3A_121 = arith.extui %lt3A_120 : i1 to i32
      %cond3A_122 = arith.constant 0 : i32
      %cond3A_123 = arith.cmpi ne, %convert_element_type3A_121, %cond3A_122 : i32
      scf.if %cond3A_123 {
        %ge3A_134 = arith.constant 4 : i32
        %ge3A_135 = arith.cmpi sge, %add3A_118, %ge3A_134 : i32
        %convert_element_type3A_136 = arith.extui %ge3A_135 : i1 to i32
        %cond3A_137 = arith.constant 0 : i32
        %cond3A_138 = arith.cmpi ne, %convert_element_type3A_136, %cond3A_137 : i32
        scf.if %cond3A_138 {
          %sub3A_148 = arith.constant 4 : i32
          %sub3A_149 = arith.subi %add3A_118, %sub3A_148 : i32
          %dma_wait3A_150 = arith.constant 0 : i32
          %dma_wait3A_151 = tpu.memref_slice %arg8[%sub3A_149, %dma_wait3A_150] : memref<160x128xi32, #tpu.memory_space<vmem>> -> memref<1x128xi32, #tpu.memory_space<vmem>>
          %dma_wait3A_152 = tpu.memref_squeeze %dma_wait3A_151 : memref<1x128xi32, #tpu.memory_space<vmem>> -> memref<128xi32, #tpu.memory_space<vmem>>
          %dma_wait3A_153 = arith.constant 0 : i32
          %dma_wait3A_154 = arith.constant 0 : i32
          %dma_wait3A_155 = tpu.memref_slice %arg13[%dma_wait3A_153, %dma_wait3A_154] : memref<10240x64xf32, #tpu.memory_space<vmem_shared>> -> memref<10240x64xf32, #tpu.memory_space<vmem_shared>>
          tpu.wait_indirect_dma semaphore(%arg21 : memref<!tpu.dma_semaphore, #tpu.memory_space<semaphore_mem>>) src(%arg12 : memref<128x64xf32, #tpu.memory_space<vmem>>) dst(%dma_wait3A_155 : memref<10240x64xf32, #tpu.memory_space<vmem_shared>>)
        } else {
        }
        %eq3A = arith.constant 0 : i32
        %eq3A_139 = arith.cmpi eq, %arg0, %eq3A : i32
        %convert_element_type3A_140 = arith.extui %eq3A_139 : i1 to i32
        %cond3A_141 = arith.constant 0 : i32
        %cond3A_142 = arith.cmpi ne, %convert_element_type3A_140, %cond3A_141 : i32
        scf.if %cond3A_142 {
          %dma_start3A = arith.constant 0 : i32
          %dma_start3A_148 = tpu.memref_slice %arg7[%add3A_118, %dma_start3A] : memref<160x128xi32, #tpu.memory_space<vmem>> -> memref<1x128xi32, #tpu.memory_space<vmem>>
          %dma_start3A_149 = tpu.memref_squeeze %dma_start3A_148 : memref<1x128xi32, #tpu.memory_space<vmem>> -> memref<128xi32, #tpu.memory_space<vmem>>
          %dma_start3A_150 = arith.constant 0 : i32
          %dma_start3A_151 = arith.constant 0 : i32
          %dma_start3A_152 = tpu.memref_slice %arg2[%dma_start3A_150, %dma_start3A_151] : memref<10000x64xf32, #tpu.memory_space<hbm>> -> memref<10000x64xf32, #tpu.memory_space<hbm>>
          tpu.enqueue_indirect_dma source(%dma_start3A_152 : memref<10000x64xf32, #tpu.memory_space<hbm>>) target(%arg12 : memref<128x64xf32, #tpu.memory_space<vmem>>) offsets(%dma_start3A_149 : memref<128xi32, #tpu.memory_space<vmem>>) semaphore(%arg17 : memref<!tpu.dma_semaphore, #tpu.memory_space<semaphore_mem>>)
        } else {
        }
        %eq3A_143 = arith.constant 1 : i32
        %eq3A_144 = arith.cmpi eq, %arg0, %eq3A_143 : i32
        %convert_element_type3A_145 = arith.extui %eq3A_144 : i1 to i32
        %cond3A_146 = arith.constant 0 : i32
        %cond3A_147 = arith.cmpi ne, %convert_element_type3A_145, %cond3A_146 : i32
        scf.if %cond3A_147 {
          %dma_start3A = arith.constant 0 : i32
          %dma_start3A_148 = tpu.memref_slice %arg7[%add3A_118, %dma_start3A] : memref<160x128xi32, #tpu.memory_space<vmem>> -> memref<1x128xi32, #tpu.memory_space<vmem>>
          %dma_start3A_149 = tpu.memref_squeeze %dma_start3A_148 : memref<1x128xi32, #tpu.memory_space<vmem>> -> memref<128xi32, #tpu.memory_space<vmem>>
          %dma_start3A_150 = arith.constant 0 : i32
          %dma_start3A_151 = arith.constant 0 : i32
          %dma_start3A_152 = tpu.memref_slice %arg3[%dma_start3A_150, %dma_start3A_151] : memref<10000x64xf32, #tpu.memory_space<hbm>> -> memref<10000x64xf32, #tpu.memory_space<hbm>>
          tpu.enqueue_indirect_dma source(%dma_start3A_152 : memref<10000x64xf32, #tpu.memory_space<hbm>>) target(%arg12 : memref<128x64xf32, #tpu.memory_space<vmem>>) offsets(%dma_start3A_149 : memref<128xi32, #tpu.memory_space<vmem>>) semaphore(%arg17 : memref<!tpu.dma_semaphore, #tpu.memory_space<semaphore_mem>>)
        } else {
        }
      } else {
      }
      %sub3A_124 = arith.constant 2 : i32
      %sub3A_125 = arith.subi %add3A_118, %sub3A_124 : i32
      %ge3A_126 = arith.constant 0 : i32
      %ge3A_127 = arith.cmpi sge, %sub3A_125, %ge3A_126 : i32
      %lt3A_128 = arith.constant 160 : i32
      %lt3A_129 = arith.cmpi slt, %sub3A_125, %lt3A_128 : i32
      %and3A_130 = arith.andi %ge3A_127, %lt3A_129 : i1
      %convert_element_type3A_131 = arith.extui %and3A_130 : i1 to i32
      %cond3A_132 = arith.constant 0 : i32
      %cond3A_133 = arith.cmpi ne, %convert_element_type3A_131, %cond3A_132 : i32
      scf.if %cond3A_133 {
        %dma_wait3A_134 = arith.constant 0 : i32
        %dma_wait3A_135 = tpu.memref_slice %arg7[%sub3A_125, %dma_wait3A_134] : memref<160x128xi32, #tpu.memory_space<vmem>> -> memref<1x128xi32, #tpu.memory_space<vmem>>
        %dma_wait3A_136 = tpu.memref_squeeze %dma_wait3A_135 : memref<1x128xi32, #tpu.memory_space<vmem>> -> memref<128xi32, #tpu.memory_space<vmem>>
        %dma_wait3A_137 = arith.constant 0 : i32
        %dma_wait3A_138 = arith.constant 0 : i32
        %dma_wait3A_139 = tpu.memref_slice %arg2[%dma_wait3A_137, %dma_wait3A_138] : memref<10000x64xf32, #tpu.memory_space<hbm>> -> memref<10000x64xf32, #tpu.memory_space<hbm>>
        tpu.wait_indirect_dma semaphore(%arg15 : memref<!tpu.dma_semaphore, #tpu.memory_space<semaphore_mem>>) src(%dma_wait3A_139 : memref<10000x64xf32, #tpu.memory_space<hbm>>) dst(%arg10 : memref<128x64xf32, #tpu.memory_space<vmem>>)
        %dma_start3A = arith.constant 0 : i32
        %dma_start3A_140 = tpu.memref_slice %arg8[%sub3A_125, %dma_start3A] : memref<160x128xi32, #tpu.memory_space<vmem>> -> memref<1x128xi32, #tpu.memory_space<vmem>>
        %dma_start3A_141 = tpu.memref_squeeze %dma_start3A_140 : memref<1x128xi32, #tpu.memory_space<vmem>> -> memref<128xi32, #tpu.memory_space<vmem>>
        %dma_start3A_142 = arith.constant 0 : i32
        %dma_start3A_143 = arith.constant 0 : i32
        %dma_start3A_144 = tpu.memref_slice %arg13[%dma_start3A_142, %dma_start3A_143] : memref<10240x64xf32, #tpu.memory_space<vmem_shared>> -> memref<10240x64xf32, #tpu.memory_space<vmem_shared>>
        tpu.enqueue_indirect_dma source(%arg10 : memref<128x64xf32, #tpu.memory_space<vmem>>) target(%dma_start3A_144 : memref<10240x64xf32, #tpu.memory_space<vmem_shared>>) offsets(%dma_start3A_141 : memref<128xi32, #tpu.memory_space<vmem>>) semaphore(%arg19 : memref<!tpu.dma_semaphore, #tpu.memory_space<semaphore_mem>>) {add = true}
      } else {
      }
    }
    %scan3A_24 = arith.constant 41 : i32
    %dma_wait3A = arith.constant 156 : i32
    %dma_wait3A_25 = arith.constant 0 : i32
    %dma_wait3A_26 = tpu.memref_slice %arg8[%dma_wait3A, %dma_wait3A_25] : memref<160x128xi32, #tpu.memory_space<vmem>> -> memref<1x128xi32, #tpu.memory_space<vmem>>
    %dma_wait3A_27 = tpu.memref_squeeze %dma_wait3A_26 : memref<1x128xi32, #tpu.memory_space<vmem>> -> memref<128xi32, #tpu.memory_space<vmem>>
    %dma_wait3A_28 = arith.constant 0 : i32
    %dma_wait3A_29 = arith.constant 0 : i32
    %dma_wait3A_30 = tpu.memref_slice %arg13[%dma_wait3A_28, %dma_wait3A_29] : memref<10240x64xf32, #tpu.memory_space<vmem_shared>> -> memref<10240x64xf32, #tpu.memory_space<vmem_shared>>
    tpu.wait_indirect_dma semaphore(%arg18 : memref<!tpu.dma_semaphore, #tpu.memory_space<semaphore_mem>>) src(%arg9 : memref<128x64xf32, #tpu.memory_space<vmem>>) dst(%dma_wait3A_30 : memref<10240x64xf32, #tpu.memory_space<vmem_shared>>)
    %dma_wait3A_31 = arith.constant 157 : i32
    %dma_wait3A_32 = arith.constant 0 : i32
    %dma_wait3A_33 = tpu.memref_slice %arg8[%dma_wait3A_31, %dma_wait3A_32] : memref<160x128xi32, #tpu.memory_space<vmem>> -> memref<1x128xi32, #tpu.memory_space<vmem>>
    %dma_wait3A_34 = tpu.memref_squeeze %dma_wait3A_33 : memref<1x128xi32, #tpu.memory_space<vmem>> -> memref<128xi32, #tpu.memory_space<vmem>>
    %dma_wait3A_35 = arith.constant 0 : i32
    %dma_wait3A_36 = arith.constant 0 : i32
    %dma_wait3A_37 = tpu.memref_slice %arg13[%dma_wait3A_35, %dma_wait3A_36] : memref<10240x64xf32, #tpu.memory_space<vmem_shared>> -> memref<10240x64xf32, #tpu.memory_space<vmem_shared>>
    tpu.wait_indirect_dma semaphore(%arg19 : memref<!tpu.dma_semaphore, #tpu.memory_space<semaphore_mem>>) src(%arg10 : memref<128x64xf32, #tpu.memory_space<vmem>>) dst(%dma_wait3A_37 : memref<10240x64xf32, #tpu.memory_space<vmem_shared>>)
    %dma_wait3A_38 = arith.constant 158 : i32
    %dma_wait3A_39 = arith.constant 0 : i32
    %dma_wait3A_40 = tpu.memref_slice %arg8[%dma_wait3A_38, %dma_wait3A_39] : memref<160x128xi32, #tpu.memory_space<vmem>> -> memref<1x128xi32, #tpu.memory_space<vmem>>
    %dma_wait3A_41 = tpu.memref_squeeze %dma_wait3A_40 : memref<1x128xi32, #tpu.memory_space<vmem>> -> memref<128xi32, #tpu.memory_space<vmem>>
    %dma_wait3A_42 = arith.constant 0 : i32
    %dma_wait3A_43 = arith.constant 0 : i32
    %dma_wait3A_44 = tpu.memref_slice %arg13[%dma_wait3A_42, %dma_wait3A_43] : memref<10240x64xf32, #tpu.memory_space<vmem_shared>> -> memref<10240x64xf32, #tpu.memory_space<vmem_shared>>
    tpu.wait_indirect_dma semaphore(%arg20 : memref<!tpu.dma_semaphore, #tpu.memory_space<semaphore_mem>>) src(%arg11 : memref<128x64xf32, #tpu.memory_space<vmem>>) dst(%dma_wait3A_44 : memref<10240x64xf32, #tpu.memory_space<vmem_shared>>)
    %dma_wait3A_45 = arith.constant 159 : i32
    %dma_wait3A_46 = arith.constant 0 : i32
    %dma_wait3A_47 = tpu.memref_slice %arg8[%dma_wait3A_45, %dma_wait3A_46] : memref<160x128xi32, #tpu.memory_space<vmem>> -> memref<1x128xi32, #tpu.memory_space<vmem>>
    %dma_wait3A_48 = tpu.memref_squeeze %dma_wait3A_47 : memref<1x128xi32, #tpu.memory_space<vmem>> -> memref<128xi32, #tpu.memory_space<vmem>>
    %dma_wait3A_49 = arith.constant 0 : i32
    %dma_wait3A_50 = arith.constant 0 : i32
    %dma_wait3A_51 = tpu.memref_slice %arg13[%dma_wait3A_49, %dma_wait3A_50] : memref<10240x64xf32, #tpu.memory_space<vmem_shared>> -> memref<10240x64xf32, #tpu.memory_space<vmem_shared>>
    tpu.wait_indirect_dma semaphore(%arg21 : memref<!tpu.dma_semaphore, #tpu.memory_space<semaphore_mem>>) src(%arg12 : memref<128x64xf32, #tpu.memory_space<vmem>>) dst(%dma_wait3A_51 : memref<10240x64xf32, #tpu.memory_space<vmem_shared>>)
    %barrier3A_52 = arith.constant 0 : index
    tpu.barrier barrier_id(%barrier3A_52)
    %add3A_53 = arith.constant 0 : i32
    %add3A_54 = arith.addi %mul3A_0, %add3A_53 : i32
    "tpu.region"() ({
      %run_scoped3A = tpu.sem_alloc : memref<!tpu.dma_semaphore, #tpu.memory_space<semaphore_mem>>
      %dma_start3A = arith.constant 0 : i32
      %dma_start3A_63 = tpu.memref_slice %arg6[%arg0, %add3A_54, %dma_start3A] : memref<2x10240x64xf32, #tpu.memory_space<hbm>> -> memref<1x128x64xf32, #tpu.memory_space<hbm>>
      %dma_start3A_64 = tpu.memref_squeeze %dma_start3A_63 : memref<1x128x64xf32, #tpu.memory_space<hbm>> -> memref<128x64xf32, #tpu.memory_space<hbm>>
      %dma_start3A_65 = arith.constant 0 : i32
      %dma_start3A_66 = tpu.memref_slice %arg13[%add3A_54, %dma_start3A_65] : memref<10240x64xf32, #tpu.memory_space<vmem_shared>> -> memref<128x64xf32, #tpu.memory_space<vmem_shared>>
      tpu.enqueue_dma source(%dma_start3A_66 : memref<128x64xf32, #tpu.memory_space<vmem_shared>>) target(%dma_start3A_64 : memref<128x64xf32, #tpu.memory_space<hbm>>) target_semaphore(%run_scoped3A : memref<!tpu.dma_semaphore, #tpu.memory_space<semaphore_mem>>)
      %dma_wait3A_67 = arith.constant 0 : i32
      %dma_wait3A_68 = tpu.memref_slice %arg6[%arg0, %add3A_54, %dma_wait3A_67] : memref<2x10240x64xf32, #tpu.memory_space<hbm>> -> memref<1x128x64xf32, #tpu.memory_space<hbm>>
      %dma_wait3A_69 = tpu.memref_squeeze %dma_wait3A_68 : memref<1x128x64xf32, #tpu.memory_space<hbm>> -> memref<128x64xf32, #tpu.memory_space<hbm>>
      %dma_wait3A_70 = arith.constant 0 : i32
      %dma_wait3A_71 = tpu.memref_slice %arg13[%add3A_54, %dma_wait3A_70] : memref<10240x64xf32, #tpu.memory_space<vmem_shared>> -> memref<128x64xf32, #tpu.memory_space<vmem_shared>>
      tpu.wait_dma2 semaphore(%run_scoped3A : memref<!tpu.dma_semaphore, #tpu.memory_space<semaphore_mem>>) src(%dma_wait3A_71 : memref<128x64xf32, #tpu.memory_space<vmem_shared>>) dst(%dma_wait3A_69 : memref<128x64xf32, #tpu.memory_space<hbm>>)
      tpu.yield
    }) : () -> ()
    %add3A_55 = arith.constant 128 : i32
    %add3A_56 = arith.addi %mul3A_0, %add3A_55 : i32
    "tpu.region"() ({
      %run_scoped3A = tpu.sem_alloc : memref<!tpu.dma_semaphore, #tpu.memory_space<semaphore_mem>>
      %dma_start3A = arith.constant 0 : i32
      %dma_start3A_63 = tpu.memref_slice %arg6[%arg0, %add3A_56, %dma_start3A] : memref<2x10240x64xf32, #tpu.memory_space<hbm>> -> memref<1x128x64xf32, #tpu.memory_space<hbm>>
      %dma_start3A_64 = tpu.memref_squeeze %dma_start3A_63 : memref<1x128x64xf32, #tpu.memory_space<hbm>> -> memref<128x64xf32, #tpu.memory_space<hbm>>
      %dma_start3A_65 = arith.constant 0 : i32
      %dma_start3A_66 = tpu.memref_slice %arg13[%add3A_56, %dma_start3A_65] : memref<10240x64xf32, #tpu.memory_space<vmem_shared>> -> memref<128x64xf32, #tpu.memory_space<vmem_shared>>
      tpu.enqueue_dma source(%dma_start3A_66 : memref<128x64xf32, #tpu.memory_space<vmem_shared>>) target(%dma_start3A_64 : memref<128x64xf32, #tpu.memory_space<hbm>>) target_semaphore(%run_scoped3A : memref<!tpu.dma_semaphore, #tpu.memory_space<semaphore_mem>>)
      %dma_wait3A_67 = arith.constant 0 : i32
      %dma_wait3A_68 = tpu.memref_slice %arg6[%arg0, %add3A_56, %dma_wait3A_67] : memref<2x10240x64xf32, #tpu.memory_space<hbm>> -> memref<1x128x64xf32, #tpu.memory_space<hbm>>
      %dma_wait3A_69 = tpu.memref_squeeze %dma_wait3A_68 : memref<1x128x64xf32, #tpu.memory_space<hbm>> -> memref<128x64xf32, #tpu.memory_space<hbm>>
      %dma_wait3A_70 = arith.constant 0 : i32
      %dma_wait3A_71 = tpu.memref_slice %arg13[%add3A_56, %dma_wait3A_70] : memref<10240x64xf32, #tpu.memory_space<vmem_shared>> -> memref<128x64xf32, #tpu.memory_space<vmem_shared>>
      tpu.wait_dma2 semaphore(%run_scoped3A : memref<!tpu.dma_semaphore, #tpu.memory_space<semaphore_mem>>) src(%dma_wait3A_71 : memref<128x64xf32, #tpu.memory_space<vmem_shared>>) dst(%dma_wait3A_69 : memref<128x64xf32, #tpu.memory_space<hbm>>)
      tpu.yield
    }) : () -> ()
    %add3A_57 = arith.constant 256 : i32
    %add3A_58 = arith.addi %mul3A_0, %add3A_57 : i32
    "tpu.region"() ({
      %run_scoped3A = tpu.sem_alloc : memref<!tpu.dma_semaphore, #tpu.memory_space<semaphore_mem>>
      %dma_start3A = arith.constant 0 : i32
      %dma_start3A_63 = tpu.memref_slice %arg6[%arg0, %add3A_58, %dma_start3A] : memref<2x10240x64xf32, #tpu.memory_space<hbm>> -> memref<1x128x64xf32, #tpu.memory_space<hbm>>
      %dma_start3A_64 = tpu.memref_squeeze %dma_start3A_63 : memref<1x128x64xf32, #tpu.memory_space<hbm>> -> memref<128x64xf32, #tpu.memory_space<hbm>>
      %dma_start3A_65 = arith.constant 0 : i32
      %dma_start3A_66 = tpu.memref_slice %arg13[%add3A_58, %dma_start3A_65] : memref<10240x64xf32, #tpu.memory_space<vmem_shared>> -> memref<128x64xf32, #tpu.memory_space<vmem_shared>>
      tpu.enqueue_dma source(%dma_start3A_66 : memref<128x64xf32, #tpu.memory_space<vmem_shared>>) target(%dma_start3A_64 : memref<128x64xf32, #tpu.memory_space<hbm>>) target_semaphore(%run_scoped3A : memref<!tpu.dma_semaphore, #tpu.memory_space<semaphore_mem>>)
      %dma_wait3A_67 = arith.constant 0 : i32
      %dma_wait3A_68 = tpu.memref_slice %arg6[%arg0, %add3A_58, %dma_wait3A_67] : memref<2x10240x64xf32, #tpu.memory_space<hbm>> -> memref<1x128x64xf32, #tpu.memory_space<hbm>>
      %dma_wait3A_69 = tpu.memref_squeeze %dma_wait3A_68 : memref<1x128x64xf32, #tpu.memory_space<hbm>> -> memref<128x64xf32, #tpu.memory_space<hbm>>
      %dma_wait3A_70 = arith.constant 0 : i32
      %dma_wait3A_71 = tpu.memref_slice %arg13[%add3A_58, %dma_wait3A_70] : memref<10240x64xf32, #tpu.memory_space<vmem_shared>> -> memref<128x64xf32, #tpu.memory_space<vmem_shared>>
      tpu.wait_dma2 semaphore(%run_scoped3A : memref<!tpu.dma_semaphore, #tpu.memory_space<semaphore_mem>>) src(%dma_wait3A_71 : memref<128x64xf32, #tpu.memory_space<vmem_shared>>) dst(%dma_wait3A_69 : memref<128x64xf32, #tpu.memory_space<hbm>>)
      tpu.yield
    }) : () -> ()
    %add3A_59 = arith.constant 384 : i32
    %add3A_60 = arith.addi %mul3A_0, %add3A_59 : i32
    "tpu.region"() ({
      %run_scoped3A = tpu.sem_alloc : memref<!tpu.dma_semaphore, #tpu.memory_space<semaphore_mem>>
      %dma_start3A = arith.constant 0 : i32
      %dma_start3A_63 = tpu.memref_slice %arg6[%arg0, %add3A_60, %dma_start3A] : memref<2x10240x64xf32, #tpu.memory_space<hbm>> -> memref<1x128x64xf32, #tpu.memory_space<hbm>>
      %dma_start3A_64 = tpu.memref_squeeze %dma_start3A_63 : memref<1x128x64xf32, #tpu.memory_space<hbm>> -> memref<128x64xf32, #tpu.memory_space<hbm>>
      %dma_start3A_65 = arith.constant 0 : i32
      %dma_start3A_66 = tpu.memref_slice %arg13[%add3A_60, %dma_start3A_65] : memref<10240x64xf32, #tpu.memory_space<vmem_shared>> -> memref<128x64xf32, #tpu.memory_space<vmem_shared>>
      tpu.enqueue_dma source(%dma_start3A_66 : memref<128x64xf32, #tpu.memory_space<vmem_shared>>) target(%dma_start3A_64 : memref<128x64xf32, #tpu.memory_space<hbm>>) target_semaphore(%run_scoped3A : memref<!tpu.dma_semaphore, #tpu.memory_space<semaphore_mem>>)
      %dma_wait3A_67 = arith.constant 0 : i32
      %dma_wait3A_68 = tpu.memref_slice %arg6[%arg0, %add3A_60, %dma_wait3A_67] : memref<2x10240x64xf32, #tpu.memory_space<hbm>> -> memref<1x128x64xf32, #tpu.memory_space<hbm>>
      %dma_wait3A_69 = tpu.memref_squeeze %dma_wait3A_68 : memref<1x128x64xf32, #tpu.memory_space<hbm>> -> memref<128x64xf32, #tpu.memory_space<hbm>>
      %dma_wait3A_70 = arith.constant 0 : i32
      %dma_wait3A_71 = tpu.memref_slice %arg13[%add3A_60, %dma_wait3A_70] : memref<10240x64xf32, #tpu.memory_space<vmem_shared>> -> memref<128x64xf32, #tpu.memory_space<vmem_shared>>
      tpu.wait_dma2 semaphore(%run_scoped3A : memref<!tpu.dma_semaphore, #tpu.memory_space<semaphore_mem>>) src(%dma_wait3A_71 : memref<128x64xf32, #tpu.memory_space<vmem_shared>>) dst(%dma_wait3A_69 : memref<128x64xf32, #tpu.memory_space<hbm>>)
      tpu.yield
    }) : () -> ()
    %add3A_61 = arith.constant 512 : i32
    %add3A_62 = arith.addi %mul3A_0, %add3A_61 : i32
    "tpu.region"() ({
      %run_scoped3A = tpu.sem_alloc : memref<!tpu.dma_semaphore, #tpu.memory_space<semaphore_mem>>
      %dma_start3A = arith.constant 0 : i32
      %dma_start3A_63 = tpu.memref_slice %arg6[%arg0, %add3A_62, %dma_start3A] : memref<2x10240x64xf32, #tpu.memory_space<hbm>> -> memref<1x128x64xf32, #tpu.memory_space<hbm>>
      %dma_start3A_64 = tpu.memref_squeeze %dma_start3A_63 : memref<1x128x64xf32, #tpu.memory_space<hbm>> -> memref<128x64xf32, #tpu.memory_space<hbm>>
      %dma_start3A_65 = arith.constant 0 : i32
      %dma_start3A_66 = tpu.memref_slice %arg13[%add3A_62, %dma_start3A_65] : memref<10240x64xf32, #tpu.memory_space<vmem_shared>> -> memref<128x64xf32, #tpu.memory_space<vmem_shared>>
      tpu.enqueue_dma source(%dma_start3A_66 : memref<128x64xf32, #tpu.memory_space<vmem_shared>>) target(%dma_start3A_64 : memref<128x64xf32, #tpu.memory_space<hbm>>) target_semaphore(%run_scoped3A : memref<!tpu.dma_semaphore, #tpu.memory_space<semaphore_mem>>)
      %dma_wait3A_67 = arith.constant 0 : i32
      %dma_wait3A_68 = tpu.memref_slice %arg6[%arg0, %add3A_62, %dma_wait3A_67] : memref<2x10240x64xf32, #tpu.memory_space<hbm>> -> memref<1x128x64xf32, #tpu.memory_space<hbm>>
      %dma_wait3A_69 = tpu.memref_squeeze %dma_wait3A_68 : memref<1x128x64xf32, #tpu.memory_space<hbm>> -> memref<128x64xf32, #tpu.memory_space<hbm>>
      %dma_wait3A_70 = arith.constant 0 : i32
      %dma_wait3A_71 = tpu.memref_slice %arg13[%add3A_62, %dma_wait3A_70] : memref<10240x64xf32, #tpu.memory_space<vmem_shared>> -> memref<128x64xf32, #tpu.memory_space<vmem_shared>>
      tpu.wait_dma2 semaphore(%run_scoped3A : memref<!tpu.dma_semaphore, #tpu.memory_space<semaphore_mem>>) src(%dma_wait3A_71 : memref<128x64xf32, #tpu.memory_space<vmem_shared>>) dst(%dma_wait3A_69 : memref<128x64xf32, #tpu.memory_space<hbm>>)
      tpu.yield
    }) : () -> ()
    return
  }
}

#map = affine_map<(d0, d1) -> (0, 0)>
#map1 = affine_map<(d0, d1) -> (0, 0, 0)>
module attributes {stable_mosaic.version = 14 : i64} {
  func.func @deg_kernel(%arg0: i32, %arg1: i32, %arg2: memref<2560x128xi32, #tpu.memory_space<hbm>>, %arg3: memref<2x10240x16xf32, #tpu.memory_space<hbm>>, %arg4: memref<80x128xi32, #tpu.memory_space<vmem>>, %arg5: memref<128x16xf32, #tpu.memory_space<vmem>>, %arg6: memref<10240x16xf32, #tpu.memory_space<vmem_shared>>, %arg7: memref<!tpu.dma_semaphore, #tpu.memory_space<semaphore_mem>>, %arg8: memref<!tpu.dma_semaphore, #tpu.memory_space<semaphore_mem>>, %arg9: memref<!tpu.dma_semaphore, #tpu.memory_space<semaphore_mem>>, %arg10: memref<!tpu.dma_semaphore, #tpu.memory_space<semaphore_mem>>, %arg11: memref<!tpu.dma_semaphore, #tpu.memory_space<semaphore_mem>>, %arg12: memref<!tpu.dma_semaphore, #tpu.memory_space<semaphore_mem>>, %arg13: memref<!tpu.dma_semaphore, #tpu.memory_space<semaphore_mem>>, %arg14: memref<!tpu.dma_semaphore, #tpu.memory_space<semaphore_mem>>) attributes {dimension_semantics = [#tpu.dimension_semantics<core_parallel>, #tpu.dimension_semantics<subcore_parallel>], iteration_bounds = array<i64: 2, 16>, scalar_prefetch = 0 : i64, scratch_operands = 11 : i64, tpu.core_type = #tpu.core_type<sc_vector_subcore>, window_params = [{transform_indices = #map}, {transform_indices = #map1}]} {
    %mul3A = arith.constant 2 : i32
    %mul3A_0 = arith.muli %arg1, %mul3A : i32
    %add3A = arith.addi %mul3A_0, %arg0 : i32
    %mul3A_1 = arith.constant 640 : i32
    %mul3A_2 = arith.muli %arg1, %mul3A_1 : i32
    %scan3A = arith.constant 0 : i32
    %scan3A_3 = arith.constant 0 : i32
    %scan3A_4 = arith.constant 128 : i32
    %scan3A_5 = arith.addi %scan3A_3, %scan3A_4 : i32
    %scan3A_6 = arith.constant 1 : i32
    scf.for %scan3A_47 = %scan3A_3 to %scan3A_5 step %scan3A_6  : i32 {
      %broadcast_in_dim3A_48 = arith.constant 0.000000e+00 : f32
      %broadcast_in_dim3A_49 = vector.broadcast %broadcast_in_dim3A_48 : f32 to vector<16xf32>
      %swap3A = arith.index_cast %scan3A_47 : i32 to index
      %swap3A_50 = arith.constant 0 : index
      %swap3A_51 = tpu.vector_load %arg5[%swap3A, %swap3A_50] {strides = array<i32>} : memref<128x16xf32, #tpu.memory_space<vmem>>, vector<1x16xf32>,
      %swap3A_52 = vector.shape_cast %swap3A_51 : vector<1x16xf32> to vector<16xf32>
      %swap3A_53 = vector.shape_cast %broadcast_in_dim3A_49 : vector<16xf32> to vector<1x16xf32>
      tpu.vector_store %arg5[%swap3A, %swap3A_50], %swap3A_53 {strides = array<i32>} : memref<128x16xf32, #tpu.memory_space<vmem>>, vector<1x16xf32>,
    }
    %scan3A_7 = arith.constant 128 : i32
    %add3A_8 = arith.constant 0 : i32
    %add3A_9 = arith.addi %mul3A_2, %add3A_8 : i32
    "tpu.region"() ({
      %run_scoped3A = tpu.sem_alloc : memref<!tpu.dma_semaphore, #tpu.memory_space<semaphore_mem>>
      %dma_start3A = arith.constant 0 : i32
      %dma_start3A_47 = tpu.memref_slice %arg6[%add3A_9, %dma_start3A] : memref<10240x16xf32, #tpu.memory_space<vmem_shared>> -> memref<128x16xf32, #tpu.memory_space<vmem_shared>>
      %dma_start3A_48 = arith.constant 0 : i32
      %dma_start3A_49 = tpu.memref_slice %arg6[%add3A_9, %dma_start3A_48] : memref<10240x16xf32, #tpu.memory_space<vmem_shared>> -> memref<128x16xf32, #tpu.memory_space<vmem_shared>>
      tpu.enqueue_dma source(%arg5 : memref<128x16xf32, #tpu.memory_space<vmem>>) target(%dma_start3A_49 : memref<128x16xf32, #tpu.memory_space<vmem_shared>>) target_semaphore(%run_scoped3A : memref<!tpu.dma_semaphore, #tpu.memory_space<semaphore_mem>>)
      %dma_wait3A = arith.constant 0 : i32
      %dma_wait3A_50 = tpu.memref_slice %arg6[%add3A_9, %dma_wait3A] : memref<10240x16xf32, #tpu.memory_space<vmem_shared>> -> memref<128x16xf32, #tpu.memory_space<vmem_shared>>
      %dma_wait3A_51 = arith.constant 0 : i32
      %dma_wait3A_52 = tpu.memref_slice %arg6[%add3A_9, %dma_wait3A_51] : memref<10240x16xf32, #tpu.memory_space<vmem_shared>> -> memref<128x16xf32, #tpu.memory_space<vmem_shared>>
      tpu.wait_dma2 semaphore(%run_scoped3A : memref<!tpu.dma_semaphore, #tpu.memory_space<semaphore_mem>>) src(%arg5 : memref<128x16xf32, #tpu.memory_space<vmem>>) dst(%dma_wait3A_52 : memref<128x16xf32, #tpu.memory_space<vmem_shared>>)
      tpu.yield
    }) : () -> ()
    %add3A_10 = arith.constant 128 : i32
    %add3A_11 = arith.addi %mul3A_2, %add3A_10 : i32
    "tpu.region"() ({
      %run_scoped3A = tpu.sem_alloc : memref<!tpu.dma_semaphore, #tpu.memory_space<semaphore_mem>>
      %dma_start3A = arith.constant 0 : i32
      %dma_start3A_47 = tpu.memref_slice %arg6[%add3A_11, %dma_start3A] : memref<10240x16xf32, #tpu.memory_space<vmem_shared>> -> memref<128x16xf32, #tpu.memory_space<vmem_shared>>
      %dma_start3A_48 = arith.constant 0 : i32
      %dma_start3A_49 = tpu.memref_slice %arg6[%add3A_11, %dma_start3A_48] : memref<10240x16xf32, #tpu.memory_space<vmem_shared>> -> memref<128x16xf32, #tpu.memory_space<vmem_shared>>
      tpu.enqueue_dma source(%arg5 : memref<128x16xf32, #tpu.memory_space<vmem>>) target(%dma_start3A_49 : memref<128x16xf32, #tpu.memory_space<vmem_shared>>) target_semaphore(%run_scoped3A : memref<!tpu.dma_semaphore, #tpu.memory_space<semaphore_mem>>)
      %dma_wait3A = arith.constant 0 : i32
      %dma_wait3A_50 = tpu.memref_slice %arg6[%add3A_11, %dma_wait3A] : memref<10240x16xf32, #tpu.memory_space<vmem_shared>> -> memref<128x16xf32, #tpu.memory_space<vmem_shared>>
      %dma_wait3A_51 = arith.constant 0 : i32
      %dma_wait3A_52 = tpu.memref_slice %arg6[%add3A_11, %dma_wait3A_51] : memref<10240x16xf32, #tpu.memory_space<vmem_shared>> -> memref<128x16xf32, #tpu.memory_space<vmem_shared>>
      tpu.wait_dma2 semaphore(%run_scoped3A : memref<!tpu.dma_semaphore, #tpu.memory_space<semaphore_mem>>) src(%arg5 : memref<128x16xf32, #tpu.memory_space<vmem>>) dst(%dma_wait3A_52 : memref<128x16xf32, #tpu.memory_space<vmem_shared>>)
      tpu.yield
    }) : () -> ()
    %add3A_12 = arith.constant 256 : i32
    %add3A_13 = arith.addi %mul3A_2, %add3A_12 : i32
    "tpu.region"() ({
      %run_scoped3A = tpu.sem_alloc : memref<!tpu.dma_semaphore, #tpu.memory_space<semaphore_mem>>
      %dma_start3A = arith.constant 0 : i32
      %dma_start3A_47 = tpu.memref_slice %arg6[%add3A_13, %dma_start3A] : memref<10240x16xf32, #tpu.memory_space<vmem_shared>> -> memref<128x16xf32, #tpu.memory_space<vmem_shared>>
      %dma_start3A_48 = arith.constant 0 : i32
      %dma_start3A_49 = tpu.memref_slice %arg6[%add3A_13, %dma_start3A_48] : memref<10240x16xf32, #tpu.memory_space<vmem_shared>> -> memref<128x16xf32, #tpu.memory_space<vmem_shared>>
      tpu.enqueue_dma source(%arg5 : memref<128x16xf32, #tpu.memory_space<vmem>>) target(%dma_start3A_49 : memref<128x16xf32, #tpu.memory_space<vmem_shared>>) target_semaphore(%run_scoped3A : memref<!tpu.dma_semaphore, #tpu.memory_space<semaphore_mem>>)
      %dma_wait3A = arith.constant 0 : i32
      %dma_wait3A_50 = tpu.memref_slice %arg6[%add3A_13, %dma_wait3A] : memref<10240x16xf32, #tpu.memory_space<vmem_shared>> -> memref<128x16xf32, #tpu.memory_space<vmem_shared>>
      %dma_wait3A_51 = arith.constant 0 : i32
      %dma_wait3A_52 = tpu.memref_slice %arg6[%add3A_13, %dma_wait3A_51] : memref<10240x16xf32, #tpu.memory_space<vmem_shared>> -> memref<128x16xf32, #tpu.memory_space<vmem_shared>>
      tpu.wait_dma2 semaphore(%run_scoped3A : memref<!tpu.dma_semaphore, #tpu.memory_space<semaphore_mem>>) src(%arg5 : memref<128x16xf32, #tpu.memory_space<vmem>>) dst(%dma_wait3A_52 : memref<128x16xf32, #tpu.memory_space<vmem_shared>>)
      tpu.yield
    }) : () -> ()
    %add3A_14 = arith.constant 384 : i32
    %add3A_15 = arith.addi %mul3A_2, %add3A_14 : i32
    "tpu.region"() ({
      %run_scoped3A = tpu.sem_alloc : memref<!tpu.dma_semaphore, #tpu.memory_space<semaphore_mem>>
      %dma_start3A = arith.constant 0 : i32
      %dma_start3A_47 = tpu.memref_slice %arg6[%add3A_15, %dma_start3A] : memref<10240x16xf32, #tpu.memory_space<vmem_shared>> -> memref<128x16xf32, #tpu.memory_space<vmem_shared>>
      %dma_start3A_48 = arith.constant 0 : i32
      %dma_start3A_49 = tpu.memref_slice %arg6[%add3A_15, %dma_start3A_48] : memref<10240x16xf32, #tpu.memory_space<vmem_shared>> -> memref<128x16xf32, #tpu.memory_space<vmem_shared>>
      tpu.enqueue_dma source(%arg5 : memref<128x16xf32, #tpu.memory_space<vmem>>) target(%dma_start3A_49 : memref<128x16xf32, #tpu.memory_space<vmem_shared>>) target_semaphore(%run_scoped3A : memref<!tpu.dma_semaphore, #tpu.memory_space<semaphore_mem>>)
      %dma_wait3A = arith.constant 0 : i32
      %dma_wait3A_50 = tpu.memref_slice %arg6[%add3A_15, %dma_wait3A] : memref<10240x16xf32, #tpu.memory_space<vmem_shared>> -> memref<128x16xf32, #tpu.memory_space<vmem_shared>>
      %dma_wait3A_51 = arith.constant 0 : i32
      %dma_wait3A_52 = tpu.memref_slice %arg6[%add3A_15, %dma_wait3A_51] : memref<10240x16xf32, #tpu.memory_space<vmem_shared>> -> memref<128x16xf32, #tpu.memory_space<vmem_shared>>
      tpu.wait_dma2 semaphore(%run_scoped3A : memref<!tpu.dma_semaphore, #tpu.memory_space<semaphore_mem>>) src(%arg5 : memref<128x16xf32, #tpu.memory_space<vmem>>) dst(%dma_wait3A_52 : memref<128x16xf32, #tpu.memory_space<vmem_shared>>)
      tpu.yield
    }) : () -> ()
    %add3A_16 = arith.constant 512 : i32
    %add3A_17 = arith.addi %mul3A_2, %add3A_16 : i32
    "tpu.region"() ({
      %run_scoped3A = tpu.sem_alloc : memref<!tpu.dma_semaphore, #tpu.memory_space<semaphore_mem>>
      %dma_start3A = arith.constant 0 : i32
      %dma_start3A_47 = tpu.memref_slice %arg6[%add3A_17, %dma_start3A] : memref<10240x16xf32, #tpu.memory_space<vmem_shared>> -> memref<128x16xf32, #tpu.memory_space<vmem_shared>>
      %dma_start3A_48 = arith.constant 0 : i32
      %dma_start3A_49 = tpu.memref_slice %arg6[%add3A_17, %dma_start3A_48] : memref<10240x16xf32, #tpu.memory_space<vmem_shared>> -> memref<128x16xf32, #tpu.memory_space<vmem_shared>>
      tpu.enqueue_dma source(%arg5 : memref<128x16xf32, #tpu.memory_space<vmem>>) target(%dma_start3A_49 : memref<128x16xf32, #tpu.memory_space<vmem_shared>>) target_semaphore(%run_scoped3A : memref<!tpu.dma_semaphore, #tpu.memory_space<semaphore_mem>>)
      %dma_wait3A = arith.constant 0 : i32
      %dma_wait3A_50 = tpu.memref_slice %arg6[%add3A_17, %dma_wait3A] : memref<10240x16xf32, #tpu.memory_space<vmem_shared>> -> memref<128x16xf32, #tpu.memory_space<vmem_shared>>
      %dma_wait3A_51 = arith.constant 0 : i32
      %dma_wait3A_52 = tpu.memref_slice %arg6[%add3A_17, %dma_wait3A_51] : memref<10240x16xf32, #tpu.memory_space<vmem_shared>> -> memref<128x16xf32, #tpu.memory_space<vmem_shared>>
      tpu.wait_dma2 semaphore(%run_scoped3A : memref<!tpu.dma_semaphore, #tpu.memory_space<semaphore_mem>>) src(%arg5 : memref<128x16xf32, #tpu.memory_space<vmem>>) dst(%dma_wait3A_52 : memref<128x16xf32, #tpu.memory_space<vmem_shared>>)
      tpu.yield
    }) : () -> ()
    %iota3A = tpu.iota {dimensions = array<i32: 0>} : vector<16xi32>
    %eq3A = arith.constant 0 : i32
    %eq3A_18 = vector.broadcast %eq3A : i32 to vector<16xi32>
    %eq3A_19 = arith.cmpi eq, %iota3A, %eq3A_18 : vector<16xi32>
    %jit3A = arith.constant 1.000000e+00 : f32
    %jit3A_20 = arith.constant 0.000000e+00 : f32
    %broadcast_in_dim3A = vector.broadcast %jit3A : f32 to vector<16xf32>
    %broadcast_in_dim3A_21 = vector.broadcast %jit3A_20 : f32 to vector<16xf32>
    %select_n3A = arith.select %eq3A_19, %broadcast_in_dim3A, %broadcast_in_dim3A_21 : vector<16xi1>, vector<16xf32>
    %scan3A_22 = arith.constant 0 : i32
    %scan3A_23 = arith.constant 0 : i32
    %scan3A_24 = arith.constant 128 : i32
    %scan3A_25 = arith.addi %scan3A_23, %scan3A_24 : i32
    %scan3A_26 = arith.constant 1 : i32
    scf.for %scan3A_47 = %scan3A_23 to %scan3A_25 step %scan3A_26  : i32 {
      %swap3A = arith.index_cast %scan3A_47 : i32 to index
      %swap3A_48 = arith.constant 0 : index
      %swap3A_49 = tpu.vector_load %arg5[%swap3A, %swap3A_48] {strides = array<i32>} : memref<128x16xf32, #tpu.memory_space<vmem>>, vector<1x16xf32>,
      %swap3A_50 = vector.shape_cast %swap3A_49 : vector<1x16xf32> to vector<16xf32>
      %swap3A_51 = vector.shape_cast %select_n3A : vector<16xf32> to vector<1x16xf32>
      tpu.vector_store %arg5[%swap3A, %swap3A_48], %swap3A_51 {strides = array<i32>} : memref<128x16xf32, #tpu.memory_space<vmem>>, vector<1x16xf32>,
    }
    %scan3A_27 = arith.constant 128 : i32
    %mul3A_28 = arith.constant 80 : i32
    %mul3A_29 = arith.muli %add3A, %mul3A_28 : i32
    "tpu.region"() ({
      %run_scoped3A = tpu.sem_alloc : memref<!tpu.dma_semaphore, #tpu.memory_space<semaphore_mem>>
      %dma_start3A = arith.constant 0 : i32
      %dma_start3A_47 = tpu.memref_slice %arg2[%mul3A_29, %dma_start3A] : memref<2560x128xi32, #tpu.memory_space<hbm>> -> memref<80x128xi32, #tpu.memory_space<hbm>>
      %dma_start3A_48 = arith.constant 0 : i32
      %dma_start3A_49 = tpu.memref_slice %arg2[%mul3A_29, %dma_start3A_48] : memref<2560x128xi32, #tpu.memory_space<hbm>> -> memref<80x128xi32, #tpu.memory_space<hbm>>
      tpu.enqueue_dma source(%dma_start3A_49 : memref<80x128xi32, #tpu.memory_space<hbm>>) target(%arg4 : memref<80x128xi32, #tpu.memory_space<vmem>>) target_semaphore(%run_scoped3A : memref<!tpu.dma_semaphore, #tpu.memory_space<semaphore_mem>>)
      %dma_wait3A = arith.constant 0 : i32
      %dma_wait3A_50 = tpu.memref_slice %arg2[%mul3A_29, %dma_wait3A] : memref<2560x128xi32, #tpu.memory_space<hbm>> -> memref<80x128xi32, #tpu.memory_space<hbm>>
      %dma_wait3A_51 = arith.constant 0 : i32
      %dma_wait3A_52 = tpu.memref_slice %arg2[%mul3A_29, %dma_wait3A_51] : memref<2560x128xi32, #tpu.memory_space<hbm>> -> memref<80x128xi32, #tpu.memory_space<hbm>>
      tpu.wait_dma2 semaphore(%run_scoped3A : memref<!tpu.dma_semaphore, #tpu.memory_space<semaphore_mem>>) src(%dma_wait3A_52 : memref<80x128xi32, #tpu.memory_space<hbm>>) dst(%arg4 : memref<80x128xi32, #tpu.memory_space<vmem>>)
      tpu.yield
    }) : () -> ()
    %barrier3A = arith.constant 0 : index
    tpu.barrier barrier_id(%barrier3A)
    %scan3A_30 = arith.constant 0 : i32
    %scan3A_31 = arith.constant 0 : i32
    %scan3A_32 = arith.constant 10 : i32
    %scan3A_33 = arith.addi %scan3A_31, %scan3A_32 : i32
    %scan3A_34 = arith.constant 1 : i32
    scf.for %scan3A_47 = %scan3A_31 to %scan3A_33 step %scan3A_34  : i32 {
      %mul3A_48 = arith.constant 8 : i32
      %mul3A_49 = arith.muli %scan3A_47, %mul3A_48 : i32
      %add3A_50 = arith.constant 0 : i32
      %add3A_51 = arith.addi %mul3A_49, %add3A_50 : i32
      %dma_start3A = arith.constant 0 : i32
      %dma_start3A_52 = tpu.memref_slice %arg4[%add3A_51, %dma_start3A] : memref<80x128xi32, #tpu.memory_space<vmem>> -> memref<1x128xi32, #tpu.memory_space<vmem>>
      %dma_start3A_53 = tpu.memref_squeeze %dma_start3A_52 : memref<1x128xi32, #tpu.memory_space<vmem>> -> memref<128xi32, #tpu.memory_space<vmem>>
      %dma_start3A_54 = arith.constant 0 : i32
      %dma_start3A_55 = arith.constant 0 : i32
      %dma_start3A_56 = tpu.memref_slice %arg6[%dma_start3A_54, %dma_start3A_55] : memref<10240x16xf32, #tpu.memory_space<vmem_shared>> -> memref<10240x16xf32, #tpu.memory_space<vmem_shared>>
      tpu.enqueue_indirect_dma source(%arg5 : memref<128x16xf32, #tpu.memory_space<vmem>>) target(%dma_start3A_56 : memref<10240x16xf32, #tpu.memory_space<vmem_shared>>) offsets(%dma_start3A_53 : memref<128xi32, #tpu.memory_space<vmem>>) semaphore(%arg7 : memref<!tpu.dma_semaphore, #tpu.memory_space<semaphore_mem>>) {add = true}
      %mul3A_57 = arith.constant 8 : i32
      %mul3A_58 = arith.muli %scan3A_47, %mul3A_57 : i32
      %add3A_59 = arith.constant 1 : i32
      %add3A_60 = arith.addi %mul3A_58, %add3A_59 : i32
      %dma_start3A_61 = arith.constant 0 : i32
      %dma_start3A_62 = tpu.memref_slice %arg4[%add3A_60, %dma_start3A_61] : memref<80x128xi32, #tpu.memory_space<vmem>> -> memref<1x128xi32, #tpu.memory_space<vmem>>
      %dma_start3A_63 = tpu.memref_squeeze %dma_start3A_62 : memref<1x128xi32, #tpu.memory_space<vmem>> -> memref<128xi32, #tpu.memory_space<vmem>>
      %dma_start3A_64 = arith.constant 0 : i32
      %dma_start3A_65 = arith.constant 0 : i32
      %dma_start3A_66 = tpu.memref_slice %arg6[%dma_start3A_64, %dma_start3A_65] : memref<10240x16xf32, #tpu.memory_space<vmem_shared>> -> memref<10240x16xf32, #tpu.memory_space<vmem_shared>>
      tpu.enqueue_indirect_dma source(%arg5 : memref<128x16xf32, #tpu.memory_space<vmem>>) target(%dma_start3A_66 : memref<10240x16xf32, #tpu.memory_space<vmem_shared>>) offsets(%dma_start3A_63 : memref<128xi32, #tpu.memory_space<vmem>>) semaphore(%arg8 : memref<!tpu.dma_semaphore, #tpu.memory_space<semaphore_mem>>) {add = true}
      %mul3A_67 = arith.constant 8 : i32
      %mul3A_68 = arith.muli %scan3A_47, %mul3A_67 : i32
      %add3A_69 = arith.constant 2 : i32
      %add3A_70 = arith.addi %mul3A_68, %add3A_69 : i32
      %dma_start3A_71 = arith.constant 0 : i32
      %dma_start3A_72 = tpu.memref_slice %arg4[%add3A_70, %dma_start3A_71] : memref<80x128xi32, #tpu.memory_space<vmem>> -> memref<1x128xi32, #tpu.memory_space<vmem>>
      %dma_start3A_73 = tpu.memref_squeeze %dma_start3A_72 : memref<1x128xi32, #tpu.memory_space<vmem>> -> memref<128xi32, #tpu.memory_space<vmem>>
      %dma_start3A_74 = arith.constant 0 : i32
      %dma_start3A_75 = arith.constant 0 : i32
      %dma_start3A_76 = tpu.memref_slice %arg6[%dma_start3A_74, %dma_start3A_75] : memref<10240x16xf32, #tpu.memory_space<vmem_shared>> -> memref<10240x16xf32, #tpu.memory_space<vmem_shared>>
      tpu.enqueue_indirect_dma source(%arg5 : memref<128x16xf32, #tpu.memory_space<vmem>>) target(%dma_start3A_76 : memref<10240x16xf32, #tpu.memory_space<vmem_shared>>) offsets(%dma_start3A_73 : memref<128xi32, #tpu.memory_space<vmem>>) semaphore(%arg9 : memref<!tpu.dma_semaphore, #tpu.memory_space<semaphore_mem>>) {add = true}
      %mul3A_77 = arith.constant 8 : i32
      %mul3A_78 = arith.muli %scan3A_47, %mul3A_77 : i32
      %add3A_79 = arith.constant 3 : i32
      %add3A_80 = arith.addi %mul3A_78, %add3A_79 : i32
      %dma_start3A_81 = arith.constant 0 : i32
      %dma_start3A_82 = tpu.memref_slice %arg4[%add3A_80, %dma_start3A_81] : memref<80x128xi32, #tpu.memory_space<vmem>> -> memref<1x128xi32, #tpu.memory_space<vmem>>
      %dma_start3A_83 = tpu.memref_squeeze %dma_start3A_82 : memref<1x128xi32, #tpu.memory_space<vmem>> -> memref<128xi32, #tpu.memory_space<vmem>>
      %dma_start3A_84 = arith.constant 0 : i32
      %dma_start3A_85 = arith.constant 0 : i32
      %dma_start3A_86 = tpu.memref_slice %arg6[%dma_start3A_84, %dma_start3A_85] : memref<10240x16xf32, #tpu.memory_space<vmem_shared>> -> memref<10240x16xf32, #tpu.memory_space<vmem_shared>>
      tpu.enqueue_indirect_dma source(%arg5 : memref<128x16xf32, #tpu.memory_space<vmem>>) target(%dma_start3A_86 : memref<10240x16xf32, #tpu.memory_space<vmem_shared>>) offsets(%dma_start3A_83 : memref<128xi32, #tpu.memory_space<vmem>>) semaphore(%arg10 : memref<!tpu.dma_semaphore, #tpu.memory_space<semaphore_mem>>) {add = true}
      %mul3A_87 = arith.constant 8 : i32
      %mul3A_88 = arith.muli %scan3A_47, %mul3A_87 : i32
      %add3A_89 = arith.constant 4 : i32
      %add3A_90 = arith.addi %mul3A_88, %add3A_89 : i32
      %dma_start3A_91 = arith.constant 0 : i32
      %dma_start3A_92 = tpu.memref_slice %arg4[%add3A_90, %dma_start3A_91] : memref<80x128xi32, #tpu.memory_space<vmem>> -> memref<1x128xi32, #tpu.memory_space<vmem>>
      %dma_start3A_93 = tpu.memref_squeeze %dma_start3A_92 : memref<1x128xi32, #tpu.memory_space<vmem>> -> memref<128xi32, #tpu.memory_space<vmem>>
      %dma_start3A_94 = arith.constant 0 : i32
      %dma_start3A_95 = arith.constant 0 : i32
      %dma_start3A_96 = tpu.memref_slice %arg6[%dma_start3A_94, %dma_start3A_95] : memref<10240x16xf32, #tpu.memory_space<vmem_shared>> -> memref<10240x16xf32, #tpu.memory_space<vmem_shared>>
      tpu.enqueue_indirect_dma source(%arg5 : memref<128x16xf32, #tpu.memory_space<vmem>>) target(%dma_start3A_96 : memref<10240x16xf32, #tpu.memory_space<vmem_shared>>) offsets(%dma_start3A_93 : memref<128xi32, #tpu.memory_space<vmem>>) semaphore(%arg11 : memref<!tpu.dma_semaphore, #tpu.memory_space<semaphore_mem>>) {add = true}
      %mul3A_97 = arith.constant 8 : i32
      %mul3A_98 = arith.muli %scan3A_47, %mul3A_97 : i32
      %add3A_99 = arith.constant 5 : i32
      %add3A_100 = arith.addi %mul3A_98, %add3A_99 : i32
      %dma_start3A_101 = arith.constant 0 : i32
      %dma_start3A_102 = tpu.memref_slice %arg4[%add3A_100, %dma_start3A_101] : memref<80x128xi32, #tpu.memory_space<vmem>> -> memref<1x128xi32, #tpu.memory_space<vmem>>
      %dma_start3A_103 = tpu.memref_squeeze %dma_start3A_102 : memref<1x128xi32, #tpu.memory_space<vmem>> -> memref<128xi32, #tpu.memory_space<vmem>>
      %dma_start3A_104 = arith.constant 0 : i32
      %dma_start3A_105 = arith.constant 0 : i32
      %dma_start3A_106 = tpu.memref_slice %arg6[%dma_start3A_104, %dma_start3A_105] : memref<10240x16xf32, #tpu.memory_space<vmem_shared>> -> memref<10240x16xf32, #tpu.memory_space<vmem_shared>>
      tpu.enqueue_indirect_dma source(%arg5 : memref<128x16xf32, #tpu.memory_space<vmem>>) target(%dma_start3A_106 : memref<10240x16xf32, #tpu.memory_space<vmem_shared>>) offsets(%dma_start3A_103 : memref<128xi32, #tpu.memory_space<vmem>>) semaphore(%arg12 : memref<!tpu.dma_semaphore, #tpu.memory_space<semaphore_mem>>) {add = true}
      %mul3A_107 = arith.constant 8 : i32
      %mul3A_108 = arith.muli %scan3A_47, %mul3A_107 : i32
      %add3A_109 = arith.constant 6 : i32
      %add3A_110 = arith.addi %mul3A_108, %add3A_109 : i32
      %dma_start3A_111 = arith.constant 0 : i32
      %dma_start3A_112 = tpu.memref_slice %arg4[%add3A_110, %dma_start3A_111] : memref<80x128xi32, #tpu.memory_space<vmem>> -> memref<1x128xi32, #tpu.memory_space<vmem>>
      %dma_start3A_113 = tpu.memref_squeeze %dma_start3A_112 : memref<1x128xi32, #tpu.memory_space<vmem>> -> memref<128xi32, #tpu.memory_space<vmem>>
      %dma_start3A_114 = arith.constant 0 : i32
      %dma_start3A_115 = arith.constant 0 : i32
      %dma_start3A_116 = tpu.memref_slice %arg6[%dma_start3A_114, %dma_start3A_115] : memref<10240x16xf32, #tpu.memory_space<vmem_shared>> -> memref<10240x16xf32, #tpu.memory_space<vmem_shared>>
      tpu.enqueue_indirect_dma source(%arg5 : memref<128x16xf32, #tpu.memory_space<vmem>>) target(%dma_start3A_116 : memref<10240x16xf32, #tpu.memory_space<vmem_shared>>) offsets(%dma_start3A_113 : memref<128xi32, #tpu.memory_space<vmem>>) semaphore(%arg13 : memref<!tpu.dma_semaphore, #tpu.memory_space<semaphore_mem>>) {add = true}
      %mul3A_117 = arith.constant 8 : i32
      %mul3A_118 = arith.muli %scan3A_47, %mul3A_117 : i32
      %add3A_119 = arith.constant 7 : i32
      %add3A_120 = arith.addi %mul3A_118, %add3A_119 : i32
      %dma_start3A_121 = arith.constant 0 : i32
      %dma_start3A_122 = tpu.memref_slice %arg4[%add3A_120, %dma_start3A_121] : memref<80x128xi32, #tpu.memory_space<vmem>> -> memref<1x128xi32, #tpu.memory_space<vmem>>
      %dma_start3A_123 = tpu.memref_squeeze %dma_start3A_122 : memref<1x128xi32, #tpu.memory_space<vmem>> -> memref<128xi32, #tpu.memory_space<vmem>>
      %dma_start3A_124 = arith.constant 0 : i32
      %dma_start3A_125 = arith.constant 0 : i32
      %dma_start3A_126 = tpu.memref_slice %arg6[%dma_start3A_124, %dma_start3A_125] : memref<10240x16xf32, #tpu.memory_space<vmem_shared>> -> memref<10240x16xf32, #tpu.memory_space<vmem_shared>>
      tpu.enqueue_indirect_dma source(%arg5 : memref<128x16xf32, #tpu.memory_space<vmem>>) target(%dma_start3A_126 : memref<10240x16xf32, #tpu.memory_space<vmem_shared>>) offsets(%dma_start3A_123 : memref<128xi32, #tpu.memory_space<vmem>>) semaphore(%arg14 : memref<!tpu.dma_semaphore, #tpu.memory_space<semaphore_mem>>) {add = true}
      %mul3A_127 = arith.constant 8 : i32
      %mul3A_128 = arith.muli %scan3A_47, %mul3A_127 : i32
      %add3A_129 = arith.constant 0 : i32
      %add3A_130 = arith.addi %mul3A_128, %add3A_129 : i32
      %dma_wait3A = arith.constant 0 : i32
      %dma_wait3A_131 = tpu.memref_slice %arg4[%add3A_130, %dma_wait3A] : memref<80x128xi32, #tpu.memory_space<vmem>> -> memref<1x128xi32, #tpu.memory_space<vmem>>
      %dma_wait3A_132 = tpu.memref_squeeze %dma_wait3A_131 : memref<1x128xi32, #tpu.memory_space<vmem>> -> memref<128xi32, #tpu.memory_space<vmem>>
      %dma_wait3A_133 = arith.constant 0 : i32
      %dma_wait3A_134 = arith.constant 0 : i32
      %dma_wait3A_135 = tpu.memref_slice %arg6[%dma_wait3A_133, %dma_wait3A_134] : memref<10240x16xf32, #tpu.memory_space<vmem_shared>> -> memref<10240x16xf32, #tpu.memory_space<vmem_shared>>
      tpu.wait_indirect_dma semaphore(%arg7 : memref<!tpu.dma_semaphore, #tpu.memory_space<semaphore_mem>>) src(%arg5 : memref<128x16xf32, #tpu.memory_space<vmem>>) dst(%dma_wait3A_135 : memref<10240x16xf32, #tpu.memory_space<vmem_shared>>)
      %mul3A_136 = arith.constant 8 : i32
      %mul3A_137 = arith.muli %scan3A_47, %mul3A_136 : i32
      %add3A_138 = arith.constant 1 : i32
      %add3A_139 = arith.addi %mul3A_137, %add3A_138 : i32
      %dma_wait3A_140 = arith.constant 0 : i32
      %dma_wait3A_141 = tpu.memref_slice %arg4[%add3A_139, %dma_wait3A_140] : memref<80x128xi32, #tpu.memory_space<vmem>> -> memref<1x128xi32, #tpu.memory_space<vmem>>
      %dma_wait3A_142 = tpu.memref_squeeze %dma_wait3A_141 : memref<1x128xi32, #tpu.memory_space<vmem>> -> memref<128xi32, #tpu.memory_space<vmem>>
      %dma_wait3A_143 = arith.constant 0 : i32
      %dma_wait3A_144 = arith.constant 0 : i32
      %dma_wait3A_145 = tpu.memref_slice %arg6[%dma_wait3A_143, %dma_wait3A_144] : memref<10240x16xf32, #tpu.memory_space<vmem_shared>> -> memref<10240x16xf32, #tpu.memory_space<vmem_shared>>
      tpu.wait_indirect_dma semaphore(%arg8 : memref<!tpu.dma_semaphore, #tpu.memory_space<semaphore_mem>>) src(%arg5 : memref<128x16xf32, #tpu.memory_space<vmem>>) dst(%dma_wait3A_145 : memref<10240x16xf32, #tpu.memory_space<vmem_shared>>)
      %mul3A_146 = arith.constant 8 : i32
      %mul3A_147 = arith.muli %scan3A_47, %mul3A_146 : i32
      %add3A_148 = arith.constant 2 : i32
      %add3A_149 = arith.addi %mul3A_147, %add3A_148 : i32
      %dma_wait3A_150 = arith.constant 0 : i32
      %dma_wait3A_151 = tpu.memref_slice %arg4[%add3A_149, %dma_wait3A_150] : memref<80x128xi32, #tpu.memory_space<vmem>> -> memref<1x128xi32, #tpu.memory_space<vmem>>
      %dma_wait3A_152 = tpu.memref_squeeze %dma_wait3A_151 : memref<1x128xi32, #tpu.memory_space<vmem>> -> memref<128xi32, #tpu.memory_space<vmem>>
      %dma_wait3A_153 = arith.constant 0 : i32
      %dma_wait3A_154 = arith.constant 0 : i32
      %dma_wait3A_155 = tpu.memref_slice %arg6[%dma_wait3A_153, %dma_wait3A_154] : memref<10240x16xf32, #tpu.memory_space<vmem_shared>> -> memref<10240x16xf32, #tpu.memory_space<vmem_shared>>
      tpu.wait_indirect_dma semaphore(%arg9 : memref<!tpu.dma_semaphore, #tpu.memory_space<semaphore_mem>>) src(%arg5 : memref<128x16xf32, #tpu.memory_space<vmem>>) dst(%dma_wait3A_155 : memref<10240x16xf32, #tpu.memory_space<vmem_shared>>)
      %mul3A_156 = arith.constant 8 : i32
      %mul3A_157 = arith.muli %scan3A_47, %mul3A_156 : i32
      %add3A_158 = arith.constant 3 : i32
      %add3A_159 = arith.addi %mul3A_157, %add3A_158 : i32
      %dma_wait3A_160 = arith.constant 0 : i32
      %dma_wait3A_161 = tpu.memref_slice %arg4[%add3A_159, %dma_wait3A_160] : memref<80x128xi32, #tpu.memory_space<vmem>> -> memref<1x128xi32, #tpu.memory_space<vmem>>
      %dma_wait3A_162 = tpu.memref_squeeze %dma_wait3A_161 : memref<1x128xi32, #tpu.memory_space<vmem>> -> memref<128xi32, #tpu.memory_space<vmem>>
      %dma_wait3A_163 = arith.constant 0 : i32
      %dma_wait3A_164 = arith.constant 0 : i32
      %dma_wait3A_165 = tpu.memref_slice %arg6[%dma_wait3A_163, %dma_wait3A_164] : memref<10240x16xf32, #tpu.memory_space<vmem_shared>> -> memref<10240x16xf32, #tpu.memory_space<vmem_shared>>
      tpu.wait_indirect_dma semaphore(%arg10 : memref<!tpu.dma_semaphore, #tpu.memory_space<semaphore_mem>>) src(%arg5 : memref<128x16xf32, #tpu.memory_space<vmem>>) dst(%dma_wait3A_165 : memref<10240x16xf32, #tpu.memory_space<vmem_shared>>)
      %mul3A_166 = arith.constant 8 : i32
      %mul3A_167 = arith.muli %scan3A_47, %mul3A_166 : i32
      %add3A_168 = arith.constant 4 : i32
      %add3A_169 = arith.addi %mul3A_167, %add3A_168 : i32
      %dma_wait3A_170 = arith.constant 0 : i32
      %dma_wait3A_171 = tpu.memref_slice %arg4[%add3A_169, %dma_wait3A_170] : memref<80x128xi32, #tpu.memory_space<vmem>> -> memref<1x128xi32, #tpu.memory_space<vmem>>
      %dma_wait3A_172 = tpu.memref_squeeze %dma_wait3A_171 : memref<1x128xi32, #tpu.memory_space<vmem>> -> memref<128xi32, #tpu.memory_space<vmem>>
      %dma_wait3A_173 = arith.constant 0 : i32
      %dma_wait3A_174 = arith.constant 0 : i32
      %dma_wait3A_175 = tpu.memref_slice %arg6[%dma_wait3A_173, %dma_wait3A_174] : memref<10240x16xf32, #tpu.memory_space<vmem_shared>> -> memref<10240x16xf32, #tpu.memory_space<vmem_shared>>
      tpu.wait_indirect_dma semaphore(%arg11 : memref<!tpu.dma_semaphore, #tpu.memory_space<semaphore_mem>>) src(%arg5 : memref<128x16xf32, #tpu.memory_space<vmem>>) dst(%dma_wait3A_175 : memref<10240x16xf32, #tpu.memory_space<vmem_shared>>)
      %mul3A_176 = arith.constant 8 : i32
      %mul3A_177 = arith.muli %scan3A_47, %mul3A_176 : i32
      %add3A_178 = arith.constant 5 : i32
      %add3A_179 = arith.addi %mul3A_177, %add3A_178 : i32
      %dma_wait3A_180 = arith.constant 0 : i32
      %dma_wait3A_181 = tpu.memref_slice %arg4[%add3A_179, %dma_wait3A_180] : memref<80x128xi32, #tpu.memory_space<vmem>> -> memref<1x128xi32, #tpu.memory_space<vmem>>
      %dma_wait3A_182 = tpu.memref_squeeze %dma_wait3A_181 : memref<1x128xi32, #tpu.memory_space<vmem>> -> memref<128xi32, #tpu.memory_space<vmem>>
      %dma_wait3A_183 = arith.constant 0 : i32
      %dma_wait3A_184 = arith.constant 0 : i32
      %dma_wait3A_185 = tpu.memref_slice %arg6[%dma_wait3A_183, %dma_wait3A_184] : memref<10240x16xf32, #tpu.memory_space<vmem_shared>> -> memref<10240x16xf32, #tpu.memory_space<vmem_shared>>
      tpu.wait_indirect_dma semaphore(%arg12 : memref<!tpu.dma_semaphore, #tpu.memory_space<semaphore_mem>>) src(%arg5 : memref<128x16xf32, #tpu.memory_space<vmem>>) dst(%dma_wait3A_185 : memref<10240x16xf32, #tpu.memory_space<vmem_shared>>)
      %mul3A_186 = arith.constant 8 : i32
      %mul3A_187 = arith.muli %scan3A_47, %mul3A_186 : i32
      %add3A_188 = arith.constant 6 : i32
      %add3A_189 = arith.addi %mul3A_187, %add3A_188 : i32
      %dma_wait3A_190 = arith.constant 0 : i32
      %dma_wait3A_191 = tpu.memref_slice %arg4[%add3A_189, %dma_wait3A_190] : memref<80x128xi32, #tpu.memory_space<vmem>> -> memref<1x128xi32, #tpu.memory_space<vmem>>
      %dma_wait3A_192 = tpu.memref_squeeze %dma_wait3A_191 : memref<1x128xi32, #tpu.memory_space<vmem>> -> memref<128xi32, #tpu.memory_space<vmem>>
      %dma_wait3A_193 = arith.constant 0 : i32
      %dma_wait3A_194 = arith.constant 0 : i32
      %dma_wait3A_195 = tpu.memref_slice %arg6[%dma_wait3A_193, %dma_wait3A_194] : memref<10240x16xf32, #tpu.memory_space<vmem_shared>> -> memref<10240x16xf32, #tpu.memory_space<vmem_shared>>
      tpu.wait_indirect_dma semaphore(%arg13 : memref<!tpu.dma_semaphore, #tpu.memory_space<semaphore_mem>>) src(%arg5 : memref<128x16xf32, #tpu.memory_space<vmem>>) dst(%dma_wait3A_195 : memref<10240x16xf32, #tpu.memory_space<vmem_shared>>)
      %mul3A_196 = arith.constant 8 : i32
      %mul3A_197 = arith.muli %scan3A_47, %mul3A_196 : i32
      %add3A_198 = arith.constant 7 : i32
      %add3A_199 = arith.addi %mul3A_197, %add3A_198 : i32
      %dma_wait3A_200 = arith.constant 0 : i32
      %dma_wait3A_201 = tpu.memref_slice %arg4[%add3A_199, %dma_wait3A_200] : memref<80x128xi32, #tpu.memory_space<vmem>> -> memref<1x128xi32, #tpu.memory_space<vmem>>
      %dma_wait3A_202 = tpu.memref_squeeze %dma_wait3A_201 : memref<1x128xi32, #tpu.memory_space<vmem>> -> memref<128xi32, #tpu.memory_space<vmem>>
      %dma_wait3A_203 = arith.constant 0 : i32
      %dma_wait3A_204 = arith.constant 0 : i32
      %dma_wait3A_205 = tpu.memref_slice %arg6[%dma_wait3A_203, %dma_wait3A_204] : memref<10240x16xf32, #tpu.memory_space<vmem_shared>> -> memref<10240x16xf32, #tpu.memory_space<vmem_shared>>
      tpu.wait_indirect_dma semaphore(%arg14 : memref<!tpu.dma_semaphore, #tpu.memory_space<semaphore_mem>>) src(%arg5 : memref<128x16xf32, #tpu.memory_space<vmem>>) dst(%dma_wait3A_205 : memref<10240x16xf32, #tpu.memory_space<vmem_shared>>)
    }
    %scan3A_35 = arith.constant 10 : i32
    %barrier3A_36 = arith.constant 0 : index
    tpu.barrier barrier_id(%barrier3A_36)
    %add3A_37 = arith.constant 0 : i32
    %add3A_38 = arith.addi %mul3A_2, %add3A_37 : i32
    "tpu.region"() ({
      %run_scoped3A = tpu.sem_alloc : memref<!tpu.dma_semaphore, #tpu.memory_space<semaphore_mem>>
      %dma_start3A = arith.constant 0 : i32
      %dma_start3A_47 = tpu.memref_slice %arg3[%arg0, %add3A_38, %dma_start3A] : memref<2x10240x16xf32, #tpu.memory_space<hbm>> -> memref<1x128x16xf32, #tpu.memory_space<hbm>>
      %dma_start3A_48 = tpu.memref_squeeze %dma_start3A_47 : memref<1x128x16xf32, #tpu.memory_space<hbm>> -> memref<128x16xf32, #tpu.memory_space<hbm>>
      %dma_start3A_49 = arith.constant 0 : i32
      %dma_start3A_50 = tpu.memref_slice %arg6[%add3A_38, %dma_start3A_49] : memref<10240x16xf32, #tpu.memory_space<vmem_shared>> -> memref<128x16xf32, #tpu.memory_space<vmem_shared>>
      tpu.enqueue_dma source(%dma_start3A_50 : memref<128x16xf32, #tpu.memory_space<vmem_shared>>) target(%dma_start3A_48 : memref<128x16xf32, #tpu.memory_space<hbm>>) target_semaphore(%run_scoped3A : memref<!tpu.dma_semaphore, #tpu.memory_space<semaphore_mem>>)
      %dma_wait3A = arith.constant 0 : i32
      %dma_wait3A_51 = tpu.memref_slice %arg3[%arg0, %add3A_38, %dma_wait3A] : memref<2x10240x16xf32, #tpu.memory_space<hbm>> -> memref<1x128x16xf32, #tpu.memory_space<hbm>>
      %dma_wait3A_52 = tpu.memref_squeeze %dma_wait3A_51 : memref<1x128x16xf32, #tpu.memory_space<hbm>> -> memref<128x16xf32, #tpu.memory_space<hbm>>
      %dma_wait3A_53 = arith.constant 0 : i32
      %dma_wait3A_54 = tpu.memref_slice %arg6[%add3A_38, %dma_wait3A_53] : memref<10240x16xf32, #tpu.memory_space<vmem_shared>> -> memref<128x16xf32, #tpu.memory_space<vmem_shared>>
      tpu.wait_dma2 semaphore(%run_scoped3A : memref<!tpu.dma_semaphore, #tpu.memory_space<semaphore_mem>>) src(%dma_wait3A_54 : memref<128x16xf32, #tpu.memory_space<vmem_shared>>) dst(%dma_wait3A_52 : memref<128x16xf32, #tpu.memory_space<hbm>>)
      tpu.yield
    }) : () -> ()
    %add3A_39 = arith.constant 128 : i32
    %add3A_40 = arith.addi %mul3A_2, %add3A_39 : i32
    "tpu.region"() ({
      %run_scoped3A = tpu.sem_alloc : memref<!tpu.dma_semaphore, #tpu.memory_space<semaphore_mem>>
      %dma_start3A = arith.constant 0 : i32
      %dma_start3A_47 = tpu.memref_slice %arg3[%arg0, %add3A_40, %dma_start3A] : memref<2x10240x16xf32, #tpu.memory_space<hbm>> -> memref<1x128x16xf32, #tpu.memory_space<hbm>>
      %dma_start3A_48 = tpu.memref_squeeze %dma_start3A_47 : memref<1x128x16xf32, #tpu.memory_space<hbm>> -> memref<128x16xf32, #tpu.memory_space<hbm>>
      %dma_start3A_49 = arith.constant 0 : i32
      %dma_start3A_50 = tpu.memref_slice %arg6[%add3A_40, %dma_start3A_49] : memref<10240x16xf32, #tpu.memory_space<vmem_shared>> -> memref<128x16xf32, #tpu.memory_space<vmem_shared>>
      tpu.enqueue_dma source(%dma_start3A_50 : memref<128x16xf32, #tpu.memory_space<vmem_shared>>) target(%dma_start3A_48 : memref<128x16xf32, #tpu.memory_space<hbm>>) target_semaphore(%run_scoped3A : memref<!tpu.dma_semaphore, #tpu.memory_space<semaphore_mem>>)
      %dma_wait3A = arith.constant 0 : i32
      %dma_wait3A_51 = tpu.memref_slice %arg3[%arg0, %add3A_40, %dma_wait3A] : memref<2x10240x16xf32, #tpu.memory_space<hbm>> -> memref<1x128x16xf32, #tpu.memory_space<hbm>>
      %dma_wait3A_52 = tpu.memref_squeeze %dma_wait3A_51 : memref<1x128x16xf32, #tpu.memory_space<hbm>> -> memref<128x16xf32, #tpu.memory_space<hbm>>
      %dma_wait3A_53 = arith.constant 0 : i32
      %dma_wait3A_54 = tpu.memref_slice %arg6[%add3A_40, %dma_wait3A_53] : memref<10240x16xf32, #tpu.memory_space<vmem_shared>> -> memref<128x16xf32, #tpu.memory_space<vmem_shared>>
      tpu.wait_dma2 semaphore(%run_scoped3A : memref<!tpu.dma_semaphore, #tpu.memory_space<semaphore_mem>>) src(%dma_wait3A_54 : memref<128x16xf32, #tpu.memory_space<vmem_shared>>) dst(%dma_wait3A_52 : memref<128x16xf32, #tpu.memory_space<hbm>>)
      tpu.yield
    }) : () -> ()
    %add3A_41 = arith.constant 256 : i32
    %add3A_42 = arith.addi %mul3A_2, %add3A_41 : i32
    "tpu.region"() ({
      %run_scoped3A = tpu.sem_alloc : memref<!tpu.dma_semaphore, #tpu.memory_space<semaphore_mem>>
      %dma_start3A = arith.constant 0 : i32
      %dma_start3A_47 = tpu.memref_slice %arg3[%arg0, %add3A_42, %dma_start3A] : memref<2x10240x16xf32, #tpu.memory_space<hbm>> -> memref<1x128x16xf32, #tpu.memory_space<hbm>>
      %dma_start3A_48 = tpu.memref_squeeze %dma_start3A_47 : memref<1x128x16xf32, #tpu.memory_space<hbm>> -> memref<128x16xf32, #tpu.memory_space<hbm>>
      %dma_start3A_49 = arith.constant 0 : i32
      %dma_start3A_50 = tpu.memref_slice %arg6[%add3A_42, %dma_start3A_49] : memref<10240x16xf32, #tpu.memory_space<vmem_shared>> -> memref<128x16xf32, #tpu.memory_space<vmem_shared>>
      tpu.enqueue_dma source(%dma_start3A_50 : memref<128x16xf32, #tpu.memory_space<vmem_shared>>) target(%dma_start3A_48 : memref<128x16xf32, #tpu.memory_space<hbm>>) target_semaphore(%run_scoped3A : memref<!tpu.dma_semaphore, #tpu.memory_space<semaphore_mem>>)
      %dma_wait3A = arith.constant 0 : i32
      %dma_wait3A_51 = tpu.memref_slice %arg3[%arg0, %add3A_42, %dma_wait3A] : memref<2x10240x16xf32, #tpu.memory_space<hbm>> -> memref<1x128x16xf32, #tpu.memory_space<hbm>>
      %dma_wait3A_52 = tpu.memref_squeeze %dma_wait3A_51 : memref<1x128x16xf32, #tpu.memory_space<hbm>> -> memref<128x16xf32, #tpu.memory_space<hbm>>
      %dma_wait3A_53 = arith.constant 0 : i32
      %dma_wait3A_54 = tpu.memref_slice %arg6[%add3A_42, %dma_wait3A_53] : memref<10240x16xf32, #tpu.memory_space<vmem_shared>> -> memref<128x16xf32, #tpu.memory_space<vmem_shared>>
      tpu.wait_dma2 semaphore(%run_scoped3A : memref<!tpu.dma_semaphore, #tpu.memory_space<semaphore_mem>>) src(%dma_wait3A_54 : memref<128x16xf32, #tpu.memory_space<vmem_shared>>) dst(%dma_wait3A_52 : memref<128x16xf32, #tpu.memory_space<hbm>>)
      tpu.yield
    }) : () -> ()
    %add3A_43 = arith.constant 384 : i32
    %add3A_44 = arith.addi %mul3A_2, %add3A_43 : i32
    "tpu.region"() ({
      %run_scoped3A = tpu.sem_alloc : memref<!tpu.dma_semaphore, #tpu.memory_space<semaphore_mem>>
      %dma_start3A = arith.constant 0 : i32
      %dma_start3A_47 = tpu.memref_slice %arg3[%arg0, %add3A_44, %dma_start3A] : memref<2x10240x16xf32, #tpu.memory_space<hbm>> -> memref<1x128x16xf32, #tpu.memory_space<hbm>>
      %dma_start3A_48 = tpu.memref_squeeze %dma_start3A_47 : memref<1x128x16xf32, #tpu.memory_space<hbm>> -> memref<128x16xf32, #tpu.memory_space<hbm>>
      %dma_start3A_49 = arith.constant 0 : i32
      %dma_start3A_50 = tpu.memref_slice %arg6[%add3A_44, %dma_start3A_49] : memref<10240x16xf32, #tpu.memory_space<vmem_shared>> -> memref<128x16xf32, #tpu.memory_space<vmem_shared>>
      tpu.enqueue_dma source(%dma_start3A_50 : memref<128x16xf32, #tpu.memory_space<vmem_shared>>) target(%dma_start3A_48 : memref<128x16xf32, #tpu.memory_space<hbm>>) target_semaphore(%run_scoped3A : memref<!tpu.dma_semaphore, #tpu.memory_space<semaphore_mem>>)
      %dma_wait3A = arith.constant 0 : i32
      %dma_wait3A_51 = tpu.memref_slice %arg3[%arg0, %add3A_44, %dma_wait3A] : memref<2x10240x16xf32, #tpu.memory_space<hbm>> -> memref<1x128x16xf32, #tpu.memory_space<hbm>>
      %dma_wait3A_52 = tpu.memref_squeeze %dma_wait3A_51 : memref<1x128x16xf32, #tpu.memory_space<hbm>> -> memref<128x16xf32, #tpu.memory_space<hbm>>
      %dma_wait3A_53 = arith.constant 0 : i32
      %dma_wait3A_54 = tpu.memref_slice %arg6[%add3A_44, %dma_wait3A_53] : memref<10240x16xf32, #tpu.memory_space<vmem_shared>> -> memref<128x16xf32, #tpu.memory_space<vmem_shared>>
      tpu.wait_dma2 semaphore(%run_scoped3A : memref<!tpu.dma_semaphore, #tpu.memory_space<semaphore_mem>>) src(%dma_wait3A_54 : memref<128x16xf32, #tpu.memory_space<vmem_shared>>) dst(%dma_wait3A_52 : memref<128x16xf32, #tpu.memory_space<hbm>>)
      tpu.yield
    }) : () -> ()
    %add3A_45 = arith.constant 512 : i32
    %add3A_46 = arith.addi %mul3A_2, %add3A_45 : i32
    "tpu.region"() ({
      %run_scoped3A = tpu.sem_alloc : memref<!tpu.dma_semaphore, #tpu.memory_space<semaphore_mem>>
      %dma_start3A = arith.constant 0 : i32
      %dma_start3A_47 = tpu.memref_slice %arg3[%arg0, %add3A_46, %dma_start3A] : memref<2x10240x16xf32, #tpu.memory_space<hbm>> -> memref<1x128x16xf32, #tpu.memory_space<hbm>>
      %dma_start3A_48 = tpu.memref_squeeze %dma_start3A_47 : memref<1x128x16xf32, #tpu.memory_space<hbm>> -> memref<128x16xf32, #tpu.memory_space<hbm>>
      %dma_start3A_49 = arith.constant 0 : i32
      %dma_start3A_50 = tpu.memref_slice %arg6[%add3A_46, %dma_start3A_49] : memref<10240x16xf32, #tpu.memory_space<vmem_shared>> -> memref<128x16xf32, #tpu.memory_space<vmem_shared>>
      tpu.enqueue_dma source(%dma_start3A_50 : memref<128x16xf32, #tpu.memory_space<vmem_shared>>) target(%dma_start3A_48 : memref<128x16xf32, #tpu.memory_space<hbm>>) target_semaphore(%run_scoped3A : memref<!tpu.dma_semaphore, #tpu.memory_space<semaphore_mem>>)
      %dma_wait3A = arith.constant 0 : i32
      %dma_wait3A_51 = tpu.memref_slice %arg3[%arg0, %add3A_46, %dma_wait3A] : memref<2x10240x16xf32, #tpu.memory_space<hbm>> -> memref<1x128x16xf32, #tpu.memory_space<hbm>>
      %dma_wait3A_52 = tpu.memref_squeeze %dma_wait3A_51 : memref<1x128x16xf32, #tpu.memory_space<hbm>> -> memref<128x16xf32, #tpu.memory_space<hbm>>
      %dma_wait3A_53 = arith.constant 0 : i32
      %dma_wait3A_54 = tpu.memref_slice %arg6[%add3A_46, %dma_wait3A_53] : memref<10240x16xf32, #tpu.memory_space<vmem_shared>> -> memref<128x16xf32, #tpu.memory_space<vmem_shared>>
      tpu.wait_dma2 semaphore(%run_scoped3A : memref<!tpu.dma_semaphore, #tpu.memory_space<semaphore_mem>>) src(%dma_wait3A_54 : memref<128x16xf32, #tpu.memory_space<vmem_shared>>) dst(%dma_wait3A_52 : memref<128x16xf32, #tpu.memory_space<hbm>>)
      tpu.yield
    }) : () -> ()
    return
  }
}

#map = affine_map<(d0, d1) -> (0, 0)>
#map1 = affine_map<(d0, d1) -> (0, 0, 0)>
module attributes {stable_mosaic.version = 14 : i64} {
  func.func @seg_kernel(%arg0: i32, %arg1: i32, %arg2: memref<10000x32xf32, #tpu.memory_space<hbm>>, %arg3: memref<10000x32xf32, #tpu.memory_space<hbm>>, %arg4: memref<2560x128xi32, #tpu.memory_space<hbm>>, %arg5: memref<2560x128xi32, #tpu.memory_space<hbm>>, %arg6: memref<2x10240x32xf32, #tpu.memory_space<hbm>>, %arg7: memref<160x128xi32, #tpu.memory_space<vmem>>, %arg8: memref<160x128xi32, #tpu.memory_space<vmem>>, %arg9: memref<128x32xf32, #tpu.memory_space<vmem>>, %arg10: memref<128x32xf32, #tpu.memory_space<vmem>>, %arg11: memref<128x32xf32, #tpu.memory_space<vmem>>, %arg12: memref<128x32xf32, #tpu.memory_space<vmem>>, %arg13: memref<10240x32xf32, #tpu.memory_space<vmem_shared>>, %arg14: memref<!tpu.dma_semaphore, #tpu.memory_space<semaphore_mem>>, %arg15: memref<!tpu.dma_semaphore, #tpu.memory_space<semaphore_mem>>, %arg16: memref<!tpu.dma_semaphore, #tpu.memory_space<semaphore_mem>>, %arg17: memref<!tpu.dma_semaphore, #tpu.memory_space<semaphore_mem>>, %arg18: memref<!tpu.dma_semaphore, #tpu.memory_space<semaphore_mem>>, %arg19: memref<!tpu.dma_semaphore, #tpu.memory_space<semaphore_mem>>, %arg20: memref<!tpu.dma_semaphore, #tpu.memory_space<semaphore_mem>>, %arg21: memref<!tpu.dma_semaphore, #tpu.memory_space<semaphore_mem>>) attributes {dimension_semantics = [#tpu.dimension_semantics<core_parallel>, #tpu.dimension_semantics<subcore_parallel>], iteration_bounds = array<i64: 2, 16>, scalar_prefetch = 0 : i64, scratch_operands = 15 : i64, tpu.core_type = #tpu.core_type<sc_vector_subcore>, window_params = [{transform_indices = #map}, {transform_indices = #map}, {transform_indices = #map}, {transform_indices = #map}, {transform_indices = #map1}]} {
    %mul3A = arith.constant 640 : i32
    %mul3A_0 = arith.muli %arg1, %mul3A : i32
    %scan3A = arith.constant 0 : i32
    %scan3A_1 = arith.constant 0 : i32
    %scan3A_2 = arith.constant 128 : i32
    %scan3A_3 = arith.addi %scan3A_1, %scan3A_2 : i32
    %scan3A_4 = arith.constant 1 : i32
    scf.for %scan3A_63 = %scan3A_1 to %scan3A_3 step %scan3A_4  : i32 {
      %broadcast_in_dim3A = arith.constant 0.000000e+00 : f32
      %broadcast_in_dim3A_64 = vector.broadcast %broadcast_in_dim3A : f32 to vector<16xf32>
      %swap3A = arith.index_cast %scan3A_63 : i32 to index
      %swap3A_65 = arith.constant 0 : index
      %swap3A_66 = tpu.vector_load %arg9[%swap3A, %swap3A_65] {strides = array<i32>} : memref<128x32xf32, #tpu.memory_space<vmem>>, vector<1x16xf32>,
      %swap3A_67 = vector.shape_cast %swap3A_66 : vector<1x16xf32> to vector<16xf32>
      %swap3A_68 = vector.shape_cast %broadcast_in_dim3A_64 : vector<16xf32> to vector<1x16xf32>
      tpu.vector_store %arg9[%swap3A, %swap3A_65], %swap3A_68 {strides = array<i32>} : memref<128x32xf32, #tpu.memory_space<vmem>>, vector<1x16xf32>,
      %broadcast_in_dim3A_69 = arith.constant 0.000000e+00 : f32
      %broadcast_in_dim3A_70 = vector.broadcast %broadcast_in_dim3A_69 : f32 to vector<16xf32>
      %swap3A_71 = arith.index_cast %scan3A_63 : i32 to index
      %swap3A_72 = arith.constant 16 : index
      %swap3A_73 = tpu.vector_load %arg9[%swap3A_71, %swap3A_72] {strides = array<i32>} : memref<128x32xf32, #tpu.memory_space<vmem>>, vector<1x16xf32>,
      %swap3A_74 = vector.shape_cast %swap3A_73 : vector<1x16xf32> to vector<16xf32>
      %swap3A_75 = vector.shape_cast %broadcast_in_dim3A_70 : vector<16xf32> to vector<1x16xf32>
      tpu.vector_store %arg9[%swap3A_71, %swap3A_72], %swap3A_75 {strides = array<i32>} : memref<128x32xf32, #tpu.memory_space<vmem>>, vector<1x16xf32>,
    }
    %scan3A_5 = arith.constant 128 : i32
    %add3A = arith.constant 0 : i32
    %add3A_6 = arith.addi %mul3A_0, %add3A : i32
    "tpu.region"() ({
      %run_scoped3A = tpu.sem_alloc : memref<!tpu.dma_semaphore, #tpu.memory_space<semaphore_mem>>
      %dma_start3A = arith.constant 0 : i32
      %dma_start3A_63 = tpu.memref_slice %arg13[%add3A_6, %dma_start3A] : memref<10240x32xf32, #tpu.memory_space<vmem_shared>> -> memref<128x32xf32, #tpu.memory_space<vmem_shared>>
      %dma_start3A_64 = arith.constant 0 : i32
      %dma_start3A_65 = tpu.memref_slice %arg13[%add3A_6, %dma_start3A_64] : memref<10240x32xf32, #tpu.memory_space<vmem_shared>> -> memref<128x32xf32, #tpu.memory_space<vmem_shared>>
      tpu.enqueue_dma source(%arg9 : memref<128x32xf32, #tpu.memory_space<vmem>>) target(%dma_start3A_65 : memref<128x32xf32, #tpu.memory_space<vmem_shared>>) target_semaphore(%run_scoped3A : memref<!tpu.dma_semaphore, #tpu.memory_space<semaphore_mem>>)
      %dma_wait3A_66 = arith.constant 0 : i32
      %dma_wait3A_67 = tpu.memref_slice %arg13[%add3A_6, %dma_wait3A_66] : memref<10240x32xf32, #tpu.memory_space<vmem_shared>> -> memref<128x32xf32, #tpu.memory_space<vmem_shared>>
      %dma_wait3A_68 = arith.constant 0 : i32
      %dma_wait3A_69 = tpu.memref_slice %arg13[%add3A_6, %dma_wait3A_68] : memref<10240x32xf32, #tpu.memory_space<vmem_shared>> -> memref<128x32xf32, #tpu.memory_space<vmem_shared>>
      tpu.wait_dma2 semaphore(%run_scoped3A : memref<!tpu.dma_semaphore, #tpu.memory_space<semaphore_mem>>) src(%arg9 : memref<128x32xf32, #tpu.memory_space<vmem>>) dst(%dma_wait3A_69 : memref<128x32xf32, #tpu.memory_space<vmem_shared>>)
      tpu.yield
    }) : () -> ()
    %add3A_7 = arith.constant 128 : i32
    %add3A_8 = arith.addi %mul3A_0, %add3A_7 : i32
    "tpu.region"() ({
      %run_scoped3A = tpu.sem_alloc : memref<!tpu.dma_semaphore, #tpu.memory_space<semaphore_mem>>
      %dma_start3A = arith.constant 0 : i32
      %dma_start3A_63 = tpu.memref_slice %arg13[%add3A_8, %dma_start3A] : memref<10240x32xf32, #tpu.memory_space<vmem_shared>> -> memref<128x32xf32, #tpu.memory_space<vmem_shared>>
      %dma_start3A_64 = arith.constant 0 : i32
      %dma_start3A_65 = tpu.memref_slice %arg13[%add3A_8, %dma_start3A_64] : memref<10240x32xf32, #tpu.memory_space<vmem_shared>> -> memref<128x32xf32, #tpu.memory_space<vmem_shared>>
      tpu.enqueue_dma source(%arg9 : memref<128x32xf32, #tpu.memory_space<vmem>>) target(%dma_start3A_65 : memref<128x32xf32, #tpu.memory_space<vmem_shared>>) target_semaphore(%run_scoped3A : memref<!tpu.dma_semaphore, #tpu.memory_space<semaphore_mem>>)
      %dma_wait3A_66 = arith.constant 0 : i32
      %dma_wait3A_67 = tpu.memref_slice %arg13[%add3A_8, %dma_wait3A_66] : memref<10240x32xf32, #tpu.memory_space<vmem_shared>> -> memref<128x32xf32, #tpu.memory_space<vmem_shared>>
      %dma_wait3A_68 = arith.constant 0 : i32
      %dma_wait3A_69 = tpu.memref_slice %arg13[%add3A_8, %dma_wait3A_68] : memref<10240x32xf32, #tpu.memory_space<vmem_shared>> -> memref<128x32xf32, #tpu.memory_space<vmem_shared>>
      tpu.wait_dma2 semaphore(%run_scoped3A : memref<!tpu.dma_semaphore, #tpu.memory_space<semaphore_mem>>) src(%arg9 : memref<128x32xf32, #tpu.memory_space<vmem>>) dst(%dma_wait3A_69 : memref<128x32xf32, #tpu.memory_space<vmem_shared>>)
      tpu.yield
    }) : () -> ()
    %add3A_9 = arith.constant 256 : i32
    %add3A_10 = arith.addi %mul3A_0, %add3A_9 : i32
    "tpu.region"() ({
      %run_scoped3A = tpu.sem_alloc : memref<!tpu.dma_semaphore, #tpu.memory_space<semaphore_mem>>
      %dma_start3A = arith.constant 0 : i32
      %dma_start3A_63 = tpu.memref_slice %arg13[%add3A_10, %dma_start3A] : memref<10240x32xf32, #tpu.memory_space<vmem_shared>> -> memref<128x32xf32, #tpu.memory_space<vmem_shared>>
      %dma_start3A_64 = arith.constant 0 : i32
      %dma_start3A_65 = tpu.memref_slice %arg13[%add3A_10, %dma_start3A_64] : memref<10240x32xf32, #tpu.memory_space<vmem_shared>> -> memref<128x32xf32, #tpu.memory_space<vmem_shared>>
      tpu.enqueue_dma source(%arg9 : memref<128x32xf32, #tpu.memory_space<vmem>>) target(%dma_start3A_65 : memref<128x32xf32, #tpu.memory_space<vmem_shared>>) target_semaphore(%run_scoped3A : memref<!tpu.dma_semaphore, #tpu.memory_space<semaphore_mem>>)
      %dma_wait3A_66 = arith.constant 0 : i32
      %dma_wait3A_67 = tpu.memref_slice %arg13[%add3A_10, %dma_wait3A_66] : memref<10240x32xf32, #tpu.memory_space<vmem_shared>> -> memref<128x32xf32, #tpu.memory_space<vmem_shared>>
      %dma_wait3A_68 = arith.constant 0 : i32
      %dma_wait3A_69 = tpu.memref_slice %arg13[%add3A_10, %dma_wait3A_68] : memref<10240x32xf32, #tpu.memory_space<vmem_shared>> -> memref<128x32xf32, #tpu.memory_space<vmem_shared>>
      tpu.wait_dma2 semaphore(%run_scoped3A : memref<!tpu.dma_semaphore, #tpu.memory_space<semaphore_mem>>) src(%arg9 : memref<128x32xf32, #tpu.memory_space<vmem>>) dst(%dma_wait3A_69 : memref<128x32xf32, #tpu.memory_space<vmem_shared>>)
      tpu.yield
    }) : () -> ()
    %add3A_11 = arith.constant 384 : i32
    %add3A_12 = arith.addi %mul3A_0, %add3A_11 : i32
    "tpu.region"() ({
      %run_scoped3A = tpu.sem_alloc : memref<!tpu.dma_semaphore, #tpu.memory_space<semaphore_mem>>
      %dma_start3A = arith.constant 0 : i32
      %dma_start3A_63 = tpu.memref_slice %arg13[%add3A_12, %dma_start3A] : memref<10240x32xf32, #tpu.memory_space<vmem_shared>> -> memref<128x32xf32, #tpu.memory_space<vmem_shared>>
      %dma_start3A_64 = arith.constant 0 : i32
      %dma_start3A_65 = tpu.memref_slice %arg13[%add3A_12, %dma_start3A_64] : memref<10240x32xf32, #tpu.memory_space<vmem_shared>> -> memref<128x32xf32, #tpu.memory_space<vmem_shared>>
      tpu.enqueue_dma source(%arg9 : memref<128x32xf32, #tpu.memory_space<vmem>>) target(%dma_start3A_65 : memref<128x32xf32, #tpu.memory_space<vmem_shared>>) target_semaphore(%run_scoped3A : memref<!tpu.dma_semaphore, #tpu.memory_space<semaphore_mem>>)
      %dma_wait3A_66 = arith.constant 0 : i32
      %dma_wait3A_67 = tpu.memref_slice %arg13[%add3A_12, %dma_wait3A_66] : memref<10240x32xf32, #tpu.memory_space<vmem_shared>> -> memref<128x32xf32, #tpu.memory_space<vmem_shared>>
      %dma_wait3A_68 = arith.constant 0 : i32
      %dma_wait3A_69 = tpu.memref_slice %arg13[%add3A_12, %dma_wait3A_68] : memref<10240x32xf32, #tpu.memory_space<vmem_shared>> -> memref<128x32xf32, #tpu.memory_space<vmem_shared>>
      tpu.wait_dma2 semaphore(%run_scoped3A : memref<!tpu.dma_semaphore, #tpu.memory_space<semaphore_mem>>) src(%arg9 : memref<128x32xf32, #tpu.memory_space<vmem>>) dst(%dma_wait3A_69 : memref<128x32xf32, #tpu.memory_space<vmem_shared>>)
      tpu.yield
    }) : () -> ()
    %add3A_13 = arith.constant 512 : i32
    %add3A_14 = arith.addi %mul3A_0, %add3A_13 : i32
    "tpu.region"() ({
      %run_scoped3A = tpu.sem_alloc : memref<!tpu.dma_semaphore, #tpu.memory_space<semaphore_mem>>
      %dma_start3A = arith.constant 0 : i32
      %dma_start3A_63 = tpu.memref_slice %arg13[%add3A_14, %dma_start3A] : memref<10240x32xf32, #tpu.memory_space<vmem_shared>> -> memref<128x32xf32, #tpu.memory_space<vmem_shared>>
      %dma_start3A_64 = arith.constant 0 : i32
      %dma_start3A_65 = tpu.memref_slice %arg13[%add3A_14, %dma_start3A_64] : memref<10240x32xf32, #tpu.memory_space<vmem_shared>> -> memref<128x32xf32, #tpu.memory_space<vmem_shared>>
      tpu.enqueue_dma source(%arg9 : memref<128x32xf32, #tpu.memory_space<vmem>>) target(%dma_start3A_65 : memref<128x32xf32, #tpu.memory_space<vmem_shared>>) target_semaphore(%run_scoped3A : memref<!tpu.dma_semaphore, #tpu.memory_space<semaphore_mem>>)
      %dma_wait3A_66 = arith.constant 0 : i32
      %dma_wait3A_67 = tpu.memref_slice %arg13[%add3A_14, %dma_wait3A_66] : memref<10240x32xf32, #tpu.memory_space<vmem_shared>> -> memref<128x32xf32, #tpu.memory_space<vmem_shared>>
      %dma_wait3A_68 = arith.constant 0 : i32
      %dma_wait3A_69 = tpu.memref_slice %arg13[%add3A_14, %dma_wait3A_68] : memref<10240x32xf32, #tpu.memory_space<vmem_shared>> -> memref<128x32xf32, #tpu.memory_space<vmem_shared>>
      tpu.wait_dma2 semaphore(%run_scoped3A : memref<!tpu.dma_semaphore, #tpu.memory_space<semaphore_mem>>) src(%arg9 : memref<128x32xf32, #tpu.memory_space<vmem>>) dst(%dma_wait3A_69 : memref<128x32xf32, #tpu.memory_space<vmem_shared>>)
      tpu.yield
    }) : () -> ()
    %mul3A_15 = arith.constant 160 : i32
    %mul3A_16 = arith.muli %arg1, %mul3A_15 : i32
    "tpu.region"() ({
      %run_scoped3A = tpu.sem_alloc : memref<!tpu.dma_semaphore, #tpu.memory_space<semaphore_mem>>
      %dma_start3A = arith.constant 0 : i32
      %dma_start3A_63 = tpu.memref_slice %arg4[%mul3A_16, %dma_start3A] : memref<2560x128xi32, #tpu.memory_space<hbm>> -> memref<160x128xi32, #tpu.memory_space<hbm>>
      %dma_start3A_64 = arith.constant 0 : i32
      %dma_start3A_65 = tpu.memref_slice %arg4[%mul3A_16, %dma_start3A_64] : memref<2560x128xi32, #tpu.memory_space<hbm>> -> memref<160x128xi32, #tpu.memory_space<hbm>>
      tpu.enqueue_dma source(%dma_start3A_65 : memref<160x128xi32, #tpu.memory_space<hbm>>) target(%arg7 : memref<160x128xi32, #tpu.memory_space<vmem>>) target_semaphore(%run_scoped3A : memref<!tpu.dma_semaphore, #tpu.memory_space<semaphore_mem>>)
      %dma_wait3A_66 = arith.constant 0 : i32
      %dma_wait3A_67 = tpu.memref_slice %arg4[%mul3A_16, %dma_wait3A_66] : memref<2560x128xi32, #tpu.memory_space<hbm>> -> memref<160x128xi32, #tpu.memory_space<hbm>>
      %dma_wait3A_68 = arith.constant 0 : i32
      %dma_wait3A_69 = tpu.memref_slice %arg4[%mul3A_16, %dma_wait3A_68] : memref<2560x128xi32, #tpu.memory_space<hbm>> -> memref<160x128xi32, #tpu.memory_space<hbm>>
      tpu.wait_dma2 semaphore(%run_scoped3A : memref<!tpu.dma_semaphore, #tpu.memory_space<semaphore_mem>>) src(%dma_wait3A_69 : memref<160x128xi32, #tpu.memory_space<hbm>>) dst(%arg7 : memref<160x128xi32, #tpu.memory_space<vmem>>)
      tpu.yield
    }) : () -> ()
    %mul3A_17 = arith.constant 160 : i32
    %mul3A_18 = arith.muli %arg1, %mul3A_17 : i32
    "tpu.region"() ({
      %run_scoped3A = tpu.sem_alloc : memref<!tpu.dma_semaphore, #tpu.memory_space<semaphore_mem>>
      %dma_start3A = arith.constant 0 : i32
      %dma_start3A_63 = tpu.memref_slice %arg5[%mul3A_18, %dma_start3A] : memref<2560x128xi32, #tpu.memory_space<hbm>> -> memref<160x128xi32, #tpu.memory_space<hbm>>
      %dma_start3A_64 = arith.constant 0 : i32
      %dma_start3A_65 = tpu.memref_slice %arg5[%mul3A_18, %dma_start3A_64] : memref<2560x128xi32, #tpu.memory_space<hbm>> -> memref<160x128xi32, #tpu.memory_space<hbm>>
      tpu.enqueue_dma source(%dma_start3A_65 : memref<160x128xi32, #tpu.memory_space<hbm>>) target(%arg8 : memref<160x128xi32, #tpu.memory_space<vmem>>) target_semaphore(%run_scoped3A : memref<!tpu.dma_semaphore, #tpu.memory_space<semaphore_mem>>)
      %dma_wait3A_66 = arith.constant 0 : i32
      %dma_wait3A_67 = tpu.memref_slice %arg5[%mul3A_18, %dma_wait3A_66] : memref<2560x128xi32, #tpu.memory_space<hbm>> -> memref<160x128xi32, #tpu.memory_space<hbm>>
      %dma_wait3A_68 = arith.constant 0 : i32
      %dma_wait3A_69 = tpu.memref_slice %arg5[%mul3A_18, %dma_wait3A_68] : memref<2560x128xi32, #tpu.memory_space<hbm>> -> memref<160x128xi32, #tpu.memory_space<hbm>>
      tpu.wait_dma2 semaphore(%run_scoped3A : memref<!tpu.dma_semaphore, #tpu.memory_space<semaphore_mem>>) src(%dma_wait3A_69 : memref<160x128xi32, #tpu.memory_space<hbm>>) dst(%arg8 : memref<160x128xi32, #tpu.memory_space<vmem>>)
      tpu.yield
    }) : () -> ()
    %barrier3A = arith.constant 0 : index
    tpu.barrier barrier_id(%barrier3A)
    %scan3A_19 = arith.constant 0 : i32
    %scan3A_20 = arith.constant 0 : i32
    %scan3A_21 = arith.constant 41 : i32
    %scan3A_22 = arith.addi %scan3A_20, %scan3A_21 : i32
    %scan3A_23 = arith.constant 1 : i32
    scf.for %scan3A_63 = %scan3A_20 to %scan3A_22 step %scan3A_23  : i32 {
      %mul3A_64 = arith.constant 4 : i32
      %mul3A_65 = arith.muli %scan3A_63, %mul3A_64 : i32
      %add3A_66 = arith.constant 0 : i32
      %add3A_67 = arith.addi %mul3A_65, %add3A_66 : i32
      %lt3A = arith.constant 160 : i32
      %lt3A_68 = arith.cmpi slt, %add3A_67, %lt3A : i32
      %convert_element_type3A = arith.extui %lt3A_68 : i1 to i32
      %cond3A = arith.constant 0 : i32
      %cond3A_69 = arith.cmpi ne, %convert_element_type3A, %cond3A : i32
      scf.if %cond3A_69 {
        %ge3A_134 = arith.constant 4 : i32
        %ge3A_135 = arith.cmpi sge, %add3A_67, %ge3A_134 : i32
        %convert_element_type3A_136 = arith.extui %ge3A_135 : i1 to i32
        %cond3A_137 = arith.constant 0 : i32
        %cond3A_138 = arith.cmpi ne, %convert_element_type3A_136, %cond3A_137 : i32
        scf.if %cond3A_138 {
          %sub3A_148 = arith.constant 4 : i32
          %sub3A_149 = arith.subi %add3A_67, %sub3A_148 : i32
          %dma_wait3A_150 = arith.constant 0 : i32
          %dma_wait3A_151 = tpu.memref_slice %arg8[%sub3A_149, %dma_wait3A_150] : memref<160x128xi32, #tpu.memory_space<vmem>> -> memref<1x128xi32, #tpu.memory_space<vmem>>
          %dma_wait3A_152 = tpu.memref_squeeze %dma_wait3A_151 : memref<1x128xi32, #tpu.memory_space<vmem>> -> memref<128xi32, #tpu.memory_space<vmem>>
          %dma_wait3A_153 = arith.constant 0 : i32
          %dma_wait3A_154 = arith.constant 0 : i32
          %dma_wait3A_155 = tpu.memref_slice %arg13[%dma_wait3A_153, %dma_wait3A_154] : memref<10240x32xf32, #tpu.memory_space<vmem_shared>> -> memref<10240x32xf32, #tpu.memory_space<vmem_shared>>
          tpu.wait_indirect_dma semaphore(%arg18 : memref<!tpu.dma_semaphore, #tpu.memory_space<semaphore_mem>>) src(%arg9 : memref<128x32xf32, #tpu.memory_space<vmem>>) dst(%dma_wait3A_155 : memref<10240x32xf32, #tpu.memory_space<vmem_shared>>)
        } else {
        }
        %eq3A = arith.constant 0 : i32
        %eq3A_139 = arith.cmpi eq, %arg0, %eq3A : i32
        %convert_element_type3A_140 = arith.extui %eq3A_139 : i1 to i32
        %cond3A_141 = arith.constant 0 : i32
        %cond3A_142 = arith.cmpi ne, %convert_element_type3A_140, %cond3A_141 : i32
        scf.if %cond3A_142 {
          %dma_start3A = arith.constant 0 : i32
          %dma_start3A_148 = tpu.memref_slice %arg7[%add3A_67, %dma_start3A] : memref<160x128xi32, #tpu.memory_space<vmem>> -> memref<1x128xi32, #tpu.memory_space<vmem>>
          %dma_start3A_149 = tpu.memref_squeeze %dma_start3A_148 : memref<1x128xi32, #tpu.memory_space<vmem>> -> memref<128xi32, #tpu.memory_space<vmem>>
          %dma_start3A_150 = arith.constant 0 : i32
          %dma_start3A_151 = arith.constant 0 : i32
          %dma_start3A_152 = tpu.memref_slice %arg2[%dma_start3A_150, %dma_start3A_151] : memref<10000x32xf32, #tpu.memory_space<hbm>> -> memref<10000x32xf32, #tpu.memory_space<hbm>>
          tpu.enqueue_indirect_dma source(%dma_start3A_152 : memref<10000x32xf32, #tpu.memory_space<hbm>>) target(%arg9 : memref<128x32xf32, #tpu.memory_space<vmem>>) offsets(%dma_start3A_149 : memref<128xi32, #tpu.memory_space<vmem>>) semaphore(%arg14 : memref<!tpu.dma_semaphore, #tpu.memory_space<semaphore_mem>>)
        } else {
        }
        %eq3A_143 = arith.constant 1 : i32
        %eq3A_144 = arith.cmpi eq, %arg0, %eq3A_143 : i32
        %convert_element_type3A_145 = arith.extui %eq3A_144 : i1 to i32
        %cond3A_146 = arith.constant 0 : i32
        %cond3A_147 = arith.cmpi ne, %convert_element_type3A_145, %cond3A_146 : i32
        scf.if %cond3A_147 {
          %dma_start3A = arith.constant 0 : i32
          %dma_start3A_148 = tpu.memref_slice %arg7[%add3A_67, %dma_start3A] : memref<160x128xi32, #tpu.memory_space<vmem>> -> memref<1x128xi32, #tpu.memory_space<vmem>>
          %dma_start3A_149 = tpu.memref_squeeze %dma_start3A_148 : memref<1x128xi32, #tpu.memory_space<vmem>> -> memref<128xi32, #tpu.memory_space<vmem>>
          %dma_start3A_150 = arith.constant 0 : i32
          %dma_start3A_151 = arith.constant 0 : i32
          %dma_start3A_152 = tpu.memref_slice %arg3[%dma_start3A_150, %dma_start3A_151] : memref<10000x32xf32, #tpu.memory_space<hbm>> -> memref<10000x32xf32, #tpu.memory_space<hbm>>
          tpu.enqueue_indirect_dma source(%dma_start3A_152 : memref<10000x32xf32, #tpu.memory_space<hbm>>) target(%arg9 : memref<128x32xf32, #tpu.memory_space<vmem>>) offsets(%dma_start3A_149 : memref<128xi32, #tpu.memory_space<vmem>>) semaphore(%arg14 : memref<!tpu.dma_semaphore, #tpu.memory_space<semaphore_mem>>)
        } else {
        }
      } else {
      }
      %sub3A = arith.constant 2 : i32
      %sub3A_70 = arith.subi %add3A_67, %sub3A : i32
      %ge3A = arith.constant 0 : i32
      %ge3A_71 = arith.cmpi sge, %sub3A_70, %ge3A : i32
      %lt3A_72 = arith.constant 160 : i32
      %lt3A_73 = arith.cmpi slt, %sub3A_70, %lt3A_72 : i32
      %and3A = arith.andi %ge3A_71, %lt3A_73 : i1
      %convert_element_type3A_74 = arith.extui %and3A : i1 to i32
      %cond3A_75 = arith.constant 0 : i32
      %cond3A_76 = arith.cmpi ne, %convert_element_type3A_74, %cond3A_75 : i32
      scf.if %cond3A_76 {
        %dma_wait3A_134 = arith.constant 0 : i32
        %dma_wait3A_135 = tpu.memref_slice %arg7[%sub3A_70, %dma_wait3A_134] : memref<160x128xi32, #tpu.memory_space<vmem>> -> memref<1x128xi32, #tpu.memory_space<vmem>>
        %dma_wait3A_136 = tpu.memref_squeeze %dma_wait3A_135 : memref<1x128xi32, #tpu.memory_space<vmem>> -> memref<128xi32, #tpu.memory_space<vmem>>
        %dma_wait3A_137 = arith.constant 0 : i32
        %dma_wait3A_138 = arith.constant 0 : i32
        %dma_wait3A_139 = tpu.memref_slice %arg2[%dma_wait3A_137, %dma_wait3A_138] : memref<10000x32xf32, #tpu.memory_space<hbm>> -> memref<10000x32xf32, #tpu.memory_space<hbm>>
        tpu.wait_indirect_dma semaphore(%arg16 : memref<!tpu.dma_semaphore, #tpu.memory_space<semaphore_mem>>) src(%dma_wait3A_139 : memref<10000x32xf32, #tpu.memory_space<hbm>>) dst(%arg11 : memref<128x32xf32, #tpu.memory_space<vmem>>)
        %dma_start3A = arith.constant 0 : i32
        %dma_start3A_140 = tpu.memref_slice %arg8[%sub3A_70, %dma_start3A] : memref<160x128xi32, #tpu.memory_space<vmem>> -> memref<1x128xi32, #tpu.memory_space<vmem>>
        %dma_start3A_141 = tpu.memref_squeeze %dma_start3A_140 : memref<1x128xi32, #tpu.memory_space<vmem>> -> memref<128xi32, #tpu.memory_space<vmem>>
        %dma_start3A_142 = arith.constant 0 : i32
        %dma_start3A_143 = arith.constant 0 : i32
        %dma_start3A_144 = tpu.memref_slice %arg13[%dma_start3A_142, %dma_start3A_143] : memref<10240x32xf32, #tpu.memory_space<vmem_shared>> -> memref<10240x32xf32, #tpu.memory_space<vmem_shared>>
        tpu.enqueue_indirect_dma source(%arg11 : memref<128x32xf32, #tpu.memory_space<vmem>>) target(%dma_start3A_144 : memref<10240x32xf32, #tpu.memory_space<vmem_shared>>) offsets(%dma_start3A_141 : memref<128xi32, #tpu.memory_space<vmem>>) semaphore(%arg20 : memref<!tpu.dma_semaphore, #tpu.memory_space<semaphore_mem>>) {add = true}
      } else {
      }
      %mul3A_77 = arith.constant 4 : i32
      %mul3A_78 = arith.muli %scan3A_63, %mul3A_77 : i32
      %add3A_79 = arith.constant 1 : i32
      %add3A_80 = arith.addi %mul3A_78, %add3A_79 : i32
      %lt3A_81 = arith.constant 160 : i32
      %lt3A_82 = arith.cmpi slt, %add3A_80, %lt3A_81 : i32
      %convert_element_type3A_83 = arith.extui %lt3A_82 : i1 to i32
      %cond3A_84 = arith.constant 0 : i32
      %cond3A_85 = arith.cmpi ne, %convert_element_type3A_83, %cond3A_84 : i32
      scf.if %cond3A_85 {
        %ge3A_134 = arith.constant 4 : i32
        %ge3A_135 = arith.cmpi sge, %add3A_80, %ge3A_134 : i32
        %convert_element_type3A_136 = arith.extui %ge3A_135 : i1 to i32
        %cond3A_137 = arith.constant 0 : i32
        %cond3A_138 = arith.cmpi ne, %convert_element_type3A_136, %cond3A_137 : i32
        scf.if %cond3A_138 {
          %sub3A_148 = arith.constant 4 : i32
          %sub3A_149 = arith.subi %add3A_80, %sub3A_148 : i32
          %dma_wait3A_150 = arith.constant 0 : i32
          %dma_wait3A_151 = tpu.memref_slice %arg8[%sub3A_149, %dma_wait3A_150] : memref<160x128xi32, #tpu.memory_space<vmem>> -> memref<1x128xi32, #tpu.memory_space<vmem>>
          %dma_wait3A_152 = tpu.memref_squeeze %dma_wait3A_151 : memref<1x128xi32, #tpu.memory_space<vmem>> -> memref<128xi32, #tpu.memory_space<vmem>>
          %dma_wait3A_153 = arith.constant 0 : i32
          %dma_wait3A_154 = arith.constant 0 : i32
          %dma_wait3A_155 = tpu.memref_slice %arg13[%dma_wait3A_153, %dma_wait3A_154] : memref<10240x32xf32, #tpu.memory_space<vmem_shared>> -> memref<10240x32xf32, #tpu.memory_space<vmem_shared>>
          tpu.wait_indirect_dma semaphore(%arg19 : memref<!tpu.dma_semaphore, #tpu.memory_space<semaphore_mem>>) src(%arg10 : memref<128x32xf32, #tpu.memory_space<vmem>>) dst(%dma_wait3A_155 : memref<10240x32xf32, #tpu.memory_space<vmem_shared>>)
        } else {
        }
        %eq3A = arith.constant 0 : i32
        %eq3A_139 = arith.cmpi eq, %arg0, %eq3A : i32
        %convert_element_type3A_140 = arith.extui %eq3A_139 : i1 to i32
        %cond3A_141 = arith.constant 0 : i32
        %cond3A_142 = arith.cmpi ne, %convert_element_type3A_140, %cond3A_141 : i32
        scf.if %cond3A_142 {
          %dma_start3A = arith.constant 0 : i32
          %dma_start3A_148 = tpu.memref_slice %arg7[%add3A_80, %dma_start3A] : memref<160x128xi32, #tpu.memory_space<vmem>> -> memref<1x128xi32, #tpu.memory_space<vmem>>
          %dma_start3A_149 = tpu.memref_squeeze %dma_start3A_148 : memref<1x128xi32, #tpu.memory_space<vmem>> -> memref<128xi32, #tpu.memory_space<vmem>>
          %dma_start3A_150 = arith.constant 0 : i32
          %dma_start3A_151 = arith.constant 0 : i32
          %dma_start3A_152 = tpu.memref_slice %arg2[%dma_start3A_150, %dma_start3A_151] : memref<10000x32xf32, #tpu.memory_space<hbm>> -> memref<10000x32xf32, #tpu.memory_space<hbm>>
          tpu.enqueue_indirect_dma source(%dma_start3A_152 : memref<10000x32xf32, #tpu.memory_space<hbm>>) target(%arg10 : memref<128x32xf32, #tpu.memory_space<vmem>>) offsets(%dma_start3A_149 : memref<128xi32, #tpu.memory_space<vmem>>) semaphore(%arg15 : memref<!tpu.dma_semaphore, #tpu.memory_space<semaphore_mem>>)
        } else {
        }
        %eq3A_143 = arith.constant 1 : i32
        %eq3A_144 = arith.cmpi eq, %arg0, %eq3A_143 : i32
        %convert_element_type3A_145 = arith.extui %eq3A_144 : i1 to i32
        %cond3A_146 = arith.constant 0 : i32
        %cond3A_147 = arith.cmpi ne, %convert_element_type3A_145, %cond3A_146 : i32
        scf.if %cond3A_147 {
          %dma_start3A = arith.constant 0 : i32
          %dma_start3A_148 = tpu.memref_slice %arg7[%add3A_80, %dma_start3A] : memref<160x128xi32, #tpu.memory_space<vmem>> -> memref<1x128xi32, #tpu.memory_space<vmem>>
          %dma_start3A_149 = tpu.memref_squeeze %dma_start3A_148 : memref<1x128xi32, #tpu.memory_space<vmem>> -> memref<128xi32, #tpu.memory_space<vmem>>
          %dma_start3A_150 = arith.constant 0 : i32
          %dma_start3A_151 = arith.constant 0 : i32
          %dma_start3A_152 = tpu.memref_slice %arg3[%dma_start3A_150, %dma_start3A_151] : memref<10000x32xf32, #tpu.memory_space<hbm>> -> memref<10000x32xf32, #tpu.memory_space<hbm>>
          tpu.enqueue_indirect_dma source(%dma_start3A_152 : memref<10000x32xf32, #tpu.memory_space<hbm>>) target(%arg10 : memref<128x32xf32, #tpu.memory_space<vmem>>) offsets(%dma_start3A_149 : memref<128xi32, #tpu.memory_space<vmem>>) semaphore(%arg15 : memref<!tpu.dma_semaphore, #tpu.memory_space<semaphore_mem>>)
        } else {
        }
      } else {
      }
      %sub3A_86 = arith.constant 2 : i32
      %sub3A_87 = arith.subi %add3A_80, %sub3A_86 : i32
      %ge3A_88 = arith.constant 0 : i32
      %ge3A_89 = arith.cmpi sge, %sub3A_87, %ge3A_88 : i32
      %lt3A_90 = arith.constant 160 : i32
      %lt3A_91 = arith.cmpi slt, %sub3A_87, %lt3A_90 : i32
      %and3A_92 = arith.andi %ge3A_89, %lt3A_91 : i1
      %convert_element_type3A_93 = arith.extui %and3A_92 : i1 to i32
      %cond3A_94 = arith.constant 0 : i32
      %cond3A_95 = arith.cmpi ne, %convert_element_type3A_93, %cond3A_94 : i32
      scf.if %cond3A_95 {
        %dma_wait3A_134 = arith.constant 0 : i32
        %dma_wait3A_135 = tpu.memref_slice %arg7[%sub3A_87, %dma_wait3A_134] : memref<160x128xi32, #tpu.memory_space<vmem>> -> memref<1x128xi32, #tpu.memory_space<vmem>>
        %dma_wait3A_136 = tpu.memref_squeeze %dma_wait3A_135 : memref<1x128xi32, #tpu.memory_space<vmem>> -> memref<128xi32, #tpu.memory_space<vmem>>
        %dma_wait3A_137 = arith.constant 0 : i32
        %dma_wait3A_138 = arith.constant 0 : i32
        %dma_wait3A_139 = tpu.memref_slice %arg2[%dma_wait3A_137, %dma_wait3A_138] : memref<10000x32xf32, #tpu.memory_space<hbm>> -> memref<10000x32xf32, #tpu.memory_space<hbm>>
        tpu.wait_indirect_dma semaphore(%arg17 : memref<!tpu.dma_semaphore, #tpu.memory_space<semaphore_mem>>) src(%dma_wait3A_139 : memref<10000x32xf32, #tpu.memory_space<hbm>>) dst(%arg12 : memref<128x32xf32, #tpu.memory_space<vmem>>)
        %dma_start3A = arith.constant 0 : i32
        %dma_start3A_140 = tpu.memref_slice %arg8[%sub3A_87, %dma_start3A] : memref<160x128xi32, #tpu.memory_space<vmem>> -> memref<1x128xi32, #tpu.memory_space<vmem>>
        %dma_start3A_141 = tpu.memref_squeeze %dma_start3A_140 : memref<1x128xi32, #tpu.memory_space<vmem>> -> memref<128xi32, #tpu.memory_space<vmem>>
        %dma_start3A_142 = arith.constant 0 : i32
        %dma_start3A_143 = arith.constant 0 : i32
        %dma_start3A_144 = tpu.memref_slice %arg13[%dma_start3A_142, %dma_start3A_143] : memref<10240x32xf32, #tpu.memory_space<vmem_shared>> -> memref<10240x32xf32, #tpu.memory_space<vmem_shared>>
        tpu.enqueue_indirect_dma source(%arg12 : memref<128x32xf32, #tpu.memory_space<vmem>>) target(%dma_start3A_144 : memref<10240x32xf32, #tpu.memory_space<vmem_shared>>) offsets(%dma_start3A_141 : memref<128xi32, #tpu.memory_space<vmem>>) semaphore(%arg21 : memref<!tpu.dma_semaphore, #tpu.memory_space<semaphore_mem>>) {add = true}
      } else {
      }
      %mul3A_96 = arith.constant 4 : i32
      %mul3A_97 = arith.muli %scan3A_63, %mul3A_96 : i32
      %add3A_98 = arith.constant 2 : i32
      %add3A_99 = arith.addi %mul3A_97, %add3A_98 : i32
      %lt3A_100 = arith.constant 160 : i32
      %lt3A_101 = arith.cmpi slt, %add3A_99, %lt3A_100 : i32
      %convert_element_type3A_102 = arith.extui %lt3A_101 : i1 to i32
      %cond3A_103 = arith.constant 0 : i32
      %cond3A_104 = arith.cmpi ne, %convert_element_type3A_102, %cond3A_103 : i32
      scf.if %cond3A_104 {
        %ge3A_134 = arith.constant 4 : i32
        %ge3A_135 = arith.cmpi sge, %add3A_99, %ge3A_134 : i32
        %convert_element_type3A_136 = arith.extui %ge3A_135 : i1 to i32
        %cond3A_137 = arith.constant 0 : i32
        %cond3A_138 = arith.cmpi ne, %convert_element_type3A_136, %cond3A_137 : i32
        scf.if %cond3A_138 {
          %sub3A_148 = arith.constant 4 : i32
          %sub3A_149 = arith.subi %add3A_99, %sub3A_148 : i32
          %dma_wait3A_150 = arith.constant 0 : i32
          %dma_wait3A_151 = tpu.memref_slice %arg8[%sub3A_149, %dma_wait3A_150] : memref<160x128xi32, #tpu.memory_space<vmem>> -> memref<1x128xi32, #tpu.memory_space<vmem>>
          %dma_wait3A_152 = tpu.memref_squeeze %dma_wait3A_151 : memref<1x128xi32, #tpu.memory_space<vmem>> -> memref<128xi32, #tpu.memory_space<vmem>>
          %dma_wait3A_153 = arith.constant 0 : i32
          %dma_wait3A_154 = arith.constant 0 : i32
          %dma_wait3A_155 = tpu.memref_slice %arg13[%dma_wait3A_153, %dma_wait3A_154] : memref<10240x32xf32, #tpu.memory_space<vmem_shared>> -> memref<10240x32xf32, #tpu.memory_space<vmem_shared>>
          tpu.wait_indirect_dma semaphore(%arg20 : memref<!tpu.dma_semaphore, #tpu.memory_space<semaphore_mem>>) src(%arg11 : memref<128x32xf32, #tpu.memory_space<vmem>>) dst(%dma_wait3A_155 : memref<10240x32xf32, #tpu.memory_space<vmem_shared>>)
        } else {
        }
        %eq3A = arith.constant 0 : i32
        %eq3A_139 = arith.cmpi eq, %arg0, %eq3A : i32
        %convert_element_type3A_140 = arith.extui %eq3A_139 : i1 to i32
        %cond3A_141 = arith.constant 0 : i32
        %cond3A_142 = arith.cmpi ne, %convert_element_type3A_140, %cond3A_141 : i32
        scf.if %cond3A_142 {
          %dma_start3A = arith.constant 0 : i32
          %dma_start3A_148 = tpu.memref_slice %arg7[%add3A_99, %dma_start3A] : memref<160x128xi32, #tpu.memory_space<vmem>> -> memref<1x128xi32, #tpu.memory_space<vmem>>
          %dma_start3A_149 = tpu.memref_squeeze %dma_start3A_148 : memref<1x128xi32, #tpu.memory_space<vmem>> -> memref<128xi32, #tpu.memory_space<vmem>>
          %dma_start3A_150 = arith.constant 0 : i32
          %dma_start3A_151 = arith.constant 0 : i32
          %dma_start3A_152 = tpu.memref_slice %arg2[%dma_start3A_150, %dma_start3A_151] : memref<10000x32xf32, #tpu.memory_space<hbm>> -> memref<10000x32xf32, #tpu.memory_space<hbm>>
          tpu.enqueue_indirect_dma source(%dma_start3A_152 : memref<10000x32xf32, #tpu.memory_space<hbm>>) target(%arg11 : memref<128x32xf32, #tpu.memory_space<vmem>>) offsets(%dma_start3A_149 : memref<128xi32, #tpu.memory_space<vmem>>) semaphore(%arg16 : memref<!tpu.dma_semaphore, #tpu.memory_space<semaphore_mem>>)
        } else {
        }
        %eq3A_143 = arith.constant 1 : i32
        %eq3A_144 = arith.cmpi eq, %arg0, %eq3A_143 : i32
        %convert_element_type3A_145 = arith.extui %eq3A_144 : i1 to i32
        %cond3A_146 = arith.constant 0 : i32
        %cond3A_147 = arith.cmpi ne, %convert_element_type3A_145, %cond3A_146 : i32
        scf.if %cond3A_147 {
          %dma_start3A = arith.constant 0 : i32
          %dma_start3A_148 = tpu.memref_slice %arg7[%add3A_99, %dma_start3A] : memref<160x128xi32, #tpu.memory_space<vmem>> -> memref<1x128xi32, #tpu.memory_space<vmem>>
          %dma_start3A_149 = tpu.memref_squeeze %dma_start3A_148 : memref<1x128xi32, #tpu.memory_space<vmem>> -> memref<128xi32, #tpu.memory_space<vmem>>
          %dma_start3A_150 = arith.constant 0 : i32
          %dma_start3A_151 = arith.constant 0 : i32
          %dma_start3A_152 = tpu.memref_slice %arg3[%dma_start3A_150, %dma_start3A_151] : memref<10000x32xf32, #tpu.memory_space<hbm>> -> memref<10000x32xf32, #tpu.memory_space<hbm>>
          tpu.enqueue_indirect_dma source(%dma_start3A_152 : memref<10000x32xf32, #tpu.memory_space<hbm>>) target(%arg11 : memref<128x32xf32, #tpu.memory_space<vmem>>) offsets(%dma_start3A_149 : memref<128xi32, #tpu.memory_space<vmem>>) semaphore(%arg16 : memref<!tpu.dma_semaphore, #tpu.memory_space<semaphore_mem>>)
        } else {
        }
      } else {
      }
      %sub3A_105 = arith.constant 2 : i32
      %sub3A_106 = arith.subi %add3A_99, %sub3A_105 : i32
      %ge3A_107 = arith.constant 0 : i32
      %ge3A_108 = arith.cmpi sge, %sub3A_106, %ge3A_107 : i32
      %lt3A_109 = arith.constant 160 : i32
      %lt3A_110 = arith.cmpi slt, %sub3A_106, %lt3A_109 : i32
      %and3A_111 = arith.andi %ge3A_108, %lt3A_110 : i1
      %convert_element_type3A_112 = arith.extui %and3A_111 : i1 to i32
      %cond3A_113 = arith.constant 0 : i32
      %cond3A_114 = arith.cmpi ne, %convert_element_type3A_112, %cond3A_113 : i32
      scf.if %cond3A_114 {
        %dma_wait3A_134 = arith.constant 0 : i32
        %dma_wait3A_135 = tpu.memref_slice %arg7[%sub3A_106, %dma_wait3A_134] : memref<160x128xi32, #tpu.memory_space<vmem>> -> memref<1x128xi32, #tpu.memory_space<vmem>>
        %dma_wait3A_136 = tpu.memref_squeeze %dma_wait3A_135 : memref<1x128xi32, #tpu.memory_space<vmem>> -> memref<128xi32, #tpu.memory_space<vmem>>
        %dma_wait3A_137 = arith.constant 0 : i32
        %dma_wait3A_138 = arith.constant 0 : i32
        %dma_wait3A_139 = tpu.memref_slice %arg2[%dma_wait3A_137, %dma_wait3A_138] : memref<10000x32xf32, #tpu.memory_space<hbm>> -> memref<10000x32xf32, #tpu.memory_space<hbm>>
        tpu.wait_indirect_dma semaphore(%arg14 : memref<!tpu.dma_semaphore, #tpu.memory_space<semaphore_mem>>) src(%dma_wait3A_139 : memref<10000x32xf32, #tpu.memory_space<hbm>>) dst(%arg9 : memref<128x32xf32, #tpu.memory_space<vmem>>)
        %dma_start3A = arith.constant 0 : i32
        %dma_start3A_140 = tpu.memref_slice %arg8[%sub3A_106, %dma_start3A] : memref<160x128xi32, #tpu.memory_space<vmem>> -> memref<1x128xi32, #tpu.memory_space<vmem>>
        %dma_start3A_141 = tpu.memref_squeeze %dma_start3A_140 : memref<1x128xi32, #tpu.memory_space<vmem>> -> memref<128xi32, #tpu.memory_space<vmem>>
        %dma_start3A_142 = arith.constant 0 : i32
        %dma_start3A_143 = arith.constant 0 : i32
        %dma_start3A_144 = tpu.memref_slice %arg13[%dma_start3A_142, %dma_start3A_143] : memref<10240x32xf32, #tpu.memory_space<vmem_shared>> -> memref<10240x32xf32, #tpu.memory_space<vmem_shared>>
        tpu.enqueue_indirect_dma source(%arg9 : memref<128x32xf32, #tpu.memory_space<vmem>>) target(%dma_start3A_144 : memref<10240x32xf32, #tpu.memory_space<vmem_shared>>) offsets(%dma_start3A_141 : memref<128xi32, #tpu.memory_space<vmem>>) semaphore(%arg18 : memref<!tpu.dma_semaphore, #tpu.memory_space<semaphore_mem>>) {add = true}
      } else {
      }
      %mul3A_115 = arith.constant 4 : i32
      %mul3A_116 = arith.muli %scan3A_63, %mul3A_115 : i32
      %add3A_117 = arith.constant 3 : i32
      %add3A_118 = arith.addi %mul3A_116, %add3A_117 : i32
      %lt3A_119 = arith.constant 160 : i32
      %lt3A_120 = arith.cmpi slt, %add3A_118, %lt3A_119 : i32
      %convert_element_type3A_121 = arith.extui %lt3A_120 : i1 to i32
      %cond3A_122 = arith.constant 0 : i32
      %cond3A_123 = arith.cmpi ne, %convert_element_type3A_121, %cond3A_122 : i32
      scf.if %cond3A_123 {
        %ge3A_134 = arith.constant 4 : i32
        %ge3A_135 = arith.cmpi sge, %add3A_118, %ge3A_134 : i32
        %convert_element_type3A_136 = arith.extui %ge3A_135 : i1 to i32
        %cond3A_137 = arith.constant 0 : i32
        %cond3A_138 = arith.cmpi ne, %convert_element_type3A_136, %cond3A_137 : i32
        scf.if %cond3A_138 {
          %sub3A_148 = arith.constant 4 : i32
          %sub3A_149 = arith.subi %add3A_118, %sub3A_148 : i32
          %dma_wait3A_150 = arith.constant 0 : i32
          %dma_wait3A_151 = tpu.memref_slice %arg8[%sub3A_149, %dma_wait3A_150] : memref<160x128xi32, #tpu.memory_space<vmem>> -> memref<1x128xi32, #tpu.memory_space<vmem>>
          %dma_wait3A_152 = tpu.memref_squeeze %dma_wait3A_151 : memref<1x128xi32, #tpu.memory_space<vmem>> -> memref<128xi32, #tpu.memory_space<vmem>>
          %dma_wait3A_153 = arith.constant 0 : i32
          %dma_wait3A_154 = arith.constant 0 : i32
          %dma_wait3A_155 = tpu.memref_slice %arg13[%dma_wait3A_153, %dma_wait3A_154] : memref<10240x32xf32, #tpu.memory_space<vmem_shared>> -> memref<10240x32xf32, #tpu.memory_space<vmem_shared>>
          tpu.wait_indirect_dma semaphore(%arg21 : memref<!tpu.dma_semaphore, #tpu.memory_space<semaphore_mem>>) src(%arg12 : memref<128x32xf32, #tpu.memory_space<vmem>>) dst(%dma_wait3A_155 : memref<10240x32xf32, #tpu.memory_space<vmem_shared>>)
        } else {
        }
        %eq3A = arith.constant 0 : i32
        %eq3A_139 = arith.cmpi eq, %arg0, %eq3A : i32
        %convert_element_type3A_140 = arith.extui %eq3A_139 : i1 to i32
        %cond3A_141 = arith.constant 0 : i32
        %cond3A_142 = arith.cmpi ne, %convert_element_type3A_140, %cond3A_141 : i32
        scf.if %cond3A_142 {
          %dma_start3A = arith.constant 0 : i32
          %dma_start3A_148 = tpu.memref_slice %arg7[%add3A_118, %dma_start3A] : memref<160x128xi32, #tpu.memory_space<vmem>> -> memref<1x128xi32, #tpu.memory_space<vmem>>
          %dma_start3A_149 = tpu.memref_squeeze %dma_start3A_148 : memref<1x128xi32, #tpu.memory_space<vmem>> -> memref<128xi32, #tpu.memory_space<vmem>>
          %dma_start3A_150 = arith.constant 0 : i32
          %dma_start3A_151 = arith.constant 0 : i32
          %dma_start3A_152 = tpu.memref_slice %arg2[%dma_start3A_150, %dma_start3A_151] : memref<10000x32xf32, #tpu.memory_space<hbm>> -> memref<10000x32xf32, #tpu.memory_space<hbm>>
          tpu.enqueue_indirect_dma source(%dma_start3A_152 : memref<10000x32xf32, #tpu.memory_space<hbm>>) target(%arg12 : memref<128x32xf32, #tpu.memory_space<vmem>>) offsets(%dma_start3A_149 : memref<128xi32, #tpu.memory_space<vmem>>) semaphore(%arg17 : memref<!tpu.dma_semaphore, #tpu.memory_space<semaphore_mem>>)
        } else {
        }
        %eq3A_143 = arith.constant 1 : i32
        %eq3A_144 = arith.cmpi eq, %arg0, %eq3A_143 : i32
        %convert_element_type3A_145 = arith.extui %eq3A_144 : i1 to i32
        %cond3A_146 = arith.constant 0 : i32
        %cond3A_147 = arith.cmpi ne, %convert_element_type3A_145, %cond3A_146 : i32
        scf.if %cond3A_147 {
          %dma_start3A = arith.constant 0 : i32
          %dma_start3A_148 = tpu.memref_slice %arg7[%add3A_118, %dma_start3A] : memref<160x128xi32, #tpu.memory_space<vmem>> -> memref<1x128xi32, #tpu.memory_space<vmem>>
          %dma_start3A_149 = tpu.memref_squeeze %dma_start3A_148 : memref<1x128xi32, #tpu.memory_space<vmem>> -> memref<128xi32, #tpu.memory_space<vmem>>
          %dma_start3A_150 = arith.constant 0 : i32
          %dma_start3A_151 = arith.constant 0 : i32
          %dma_start3A_152 = tpu.memref_slice %arg3[%dma_start3A_150, %dma_start3A_151] : memref<10000x32xf32, #tpu.memory_space<hbm>> -> memref<10000x32xf32, #tpu.memory_space<hbm>>
          tpu.enqueue_indirect_dma source(%dma_start3A_152 : memref<10000x32xf32, #tpu.memory_space<hbm>>) target(%arg12 : memref<128x32xf32, #tpu.memory_space<vmem>>) offsets(%dma_start3A_149 : memref<128xi32, #tpu.memory_space<vmem>>) semaphore(%arg17 : memref<!tpu.dma_semaphore, #tpu.memory_space<semaphore_mem>>)
        } else {
        }
      } else {
      }
      %sub3A_124 = arith.constant 2 : i32
      %sub3A_125 = arith.subi %add3A_118, %sub3A_124 : i32
      %ge3A_126 = arith.constant 0 : i32
      %ge3A_127 = arith.cmpi sge, %sub3A_125, %ge3A_126 : i32
      %lt3A_128 = arith.constant 160 : i32
      %lt3A_129 = arith.cmpi slt, %sub3A_125, %lt3A_128 : i32
      %and3A_130 = arith.andi %ge3A_127, %lt3A_129 : i1
      %convert_element_type3A_131 = arith.extui %and3A_130 : i1 to i32
      %cond3A_132 = arith.constant 0 : i32
      %cond3A_133 = arith.cmpi ne, %convert_element_type3A_131, %cond3A_132 : i32
      scf.if %cond3A_133 {
        %dma_wait3A_134 = arith.constant 0 : i32
        %dma_wait3A_135 = tpu.memref_slice %arg7[%sub3A_125, %dma_wait3A_134] : memref<160x128xi32, #tpu.memory_space<vmem>> -> memref<1x128xi32, #tpu.memory_space<vmem>>
        %dma_wait3A_136 = tpu.memref_squeeze %dma_wait3A_135 : memref<1x128xi32, #tpu.memory_space<vmem>> -> memref<128xi32, #tpu.memory_space<vmem>>
        %dma_wait3A_137 = arith.constant 0 : i32
        %dma_wait3A_138 = arith.constant 0 : i32
        %dma_wait3A_139 = tpu.memref_slice %arg2[%dma_wait3A_137, %dma_wait3A_138] : memref<10000x32xf32, #tpu.memory_space<hbm>> -> memref<10000x32xf32, #tpu.memory_space<hbm>>
        tpu.wait_indirect_dma semaphore(%arg15 : memref<!tpu.dma_semaphore, #tpu.memory_space<semaphore_mem>>) src(%dma_wait3A_139 : memref<10000x32xf32, #tpu.memory_space<hbm>>) dst(%arg10 : memref<128x32xf32, #tpu.memory_space<vmem>>)
        %dma_start3A = arith.constant 0 : i32
        %dma_start3A_140 = tpu.memref_slice %arg8[%sub3A_125, %dma_start3A] : memref<160x128xi32, #tpu.memory_space<vmem>> -> memref<1x128xi32, #tpu.memory_space<vmem>>
        %dma_start3A_141 = tpu.memref_squeeze %dma_start3A_140 : memref<1x128xi32, #tpu.memory_space<vmem>> -> memref<128xi32, #tpu.memory_space<vmem>>
        %dma_start3A_142 = arith.constant 0 : i32
        %dma_start3A_143 = arith.constant 0 : i32
        %dma_start3A_144 = tpu.memref_slice %arg13[%dma_start3A_142, %dma_start3A_143] : memref<10240x32xf32, #tpu.memory_space<vmem_shared>> -> memref<10240x32xf32, #tpu.memory_space<vmem_shared>>
        tpu.enqueue_indirect_dma source(%arg10 : memref<128x32xf32, #tpu.memory_space<vmem>>) target(%dma_start3A_144 : memref<10240x32xf32, #tpu.memory_space<vmem_shared>>) offsets(%dma_start3A_141 : memref<128xi32, #tpu.memory_space<vmem>>) semaphore(%arg19 : memref<!tpu.dma_semaphore, #tpu.memory_space<semaphore_mem>>) {add = true}
      } else {
      }
    }
    %scan3A_24 = arith.constant 41 : i32
    %dma_wait3A = arith.constant 156 : i32
    %dma_wait3A_25 = arith.constant 0 : i32
    %dma_wait3A_26 = tpu.memref_slice %arg8[%dma_wait3A, %dma_wait3A_25] : memref<160x128xi32, #tpu.memory_space<vmem>> -> memref<1x128xi32, #tpu.memory_space<vmem>>
    %dma_wait3A_27 = tpu.memref_squeeze %dma_wait3A_26 : memref<1x128xi32, #tpu.memory_space<vmem>> -> memref<128xi32, #tpu.memory_space<vmem>>
    %dma_wait3A_28 = arith.constant 0 : i32
    %dma_wait3A_29 = arith.constant 0 : i32
    %dma_wait3A_30 = tpu.memref_slice %arg13[%dma_wait3A_28, %dma_wait3A_29] : memref<10240x32xf32, #tpu.memory_space<vmem_shared>> -> memref<10240x32xf32, #tpu.memory_space<vmem_shared>>
    tpu.wait_indirect_dma semaphore(%arg18 : memref<!tpu.dma_semaphore, #tpu.memory_space<semaphore_mem>>) src(%arg9 : memref<128x32xf32, #tpu.memory_space<vmem>>) dst(%dma_wait3A_30 : memref<10240x32xf32, #tpu.memory_space<vmem_shared>>)
    %dma_wait3A_31 = arith.constant 157 : i32
    %dma_wait3A_32 = arith.constant 0 : i32
    %dma_wait3A_33 = tpu.memref_slice %arg8[%dma_wait3A_31, %dma_wait3A_32] : memref<160x128xi32, #tpu.memory_space<vmem>> -> memref<1x128xi32, #tpu.memory_space<vmem>>
    %dma_wait3A_34 = tpu.memref_squeeze %dma_wait3A_33 : memref<1x128xi32, #tpu.memory_space<vmem>> -> memref<128xi32, #tpu.memory_space<vmem>>
    %dma_wait3A_35 = arith.constant 0 : i32
    %dma_wait3A_36 = arith.constant 0 : i32
    %dma_wait3A_37 = tpu.memref_slice %arg13[%dma_wait3A_35, %dma_wait3A_36] : memref<10240x32xf32, #tpu.memory_space<vmem_shared>> -> memref<10240x32xf32, #tpu.memory_space<vmem_shared>>
    tpu.wait_indirect_dma semaphore(%arg19 : memref<!tpu.dma_semaphore, #tpu.memory_space<semaphore_mem>>) src(%arg10 : memref<128x32xf32, #tpu.memory_space<vmem>>) dst(%dma_wait3A_37 : memref<10240x32xf32, #tpu.memory_space<vmem_shared>>)
    %dma_wait3A_38 = arith.constant 158 : i32
    %dma_wait3A_39 = arith.constant 0 : i32
    %dma_wait3A_40 = tpu.memref_slice %arg8[%dma_wait3A_38, %dma_wait3A_39] : memref<160x128xi32, #tpu.memory_space<vmem>> -> memref<1x128xi32, #tpu.memory_space<vmem>>
    %dma_wait3A_41 = tpu.memref_squeeze %dma_wait3A_40 : memref<1x128xi32, #tpu.memory_space<vmem>> -> memref<128xi32, #tpu.memory_space<vmem>>
    %dma_wait3A_42 = arith.constant 0 : i32
    %dma_wait3A_43 = arith.constant 0 : i32
    %dma_wait3A_44 = tpu.memref_slice %arg13[%dma_wait3A_42, %dma_wait3A_43] : memref<10240x32xf32, #tpu.memory_space<vmem_shared>> -> memref<10240x32xf32, #tpu.memory_space<vmem_shared>>
    tpu.wait_indirect_dma semaphore(%arg20 : memref<!tpu.dma_semaphore, #tpu.memory_space<semaphore_mem>>) src(%arg11 : memref<128x32xf32, #tpu.memory_space<vmem>>) dst(%dma_wait3A_44 : memref<10240x32xf32, #tpu.memory_space<vmem_shared>>)
    %dma_wait3A_45 = arith.constant 159 : i32
    %dma_wait3A_46 = arith.constant 0 : i32
    %dma_wait3A_47 = tpu.memref_slice %arg8[%dma_wait3A_45, %dma_wait3A_46] : memref<160x128xi32, #tpu.memory_space<vmem>> -> memref<1x128xi32, #tpu.memory_space<vmem>>
    %dma_wait3A_48 = tpu.memref_squeeze %dma_wait3A_47 : memref<1x128xi32, #tpu.memory_space<vmem>> -> memref<128xi32, #tpu.memory_space<vmem>>
    %dma_wait3A_49 = arith.constant 0 : i32
    %dma_wait3A_50 = arith.constant 0 : i32
    %dma_wait3A_51 = tpu.memref_slice %arg13[%dma_wait3A_49, %dma_wait3A_50] : memref<10240x32xf32, #tpu.memory_space<vmem_shared>> -> memref<10240x32xf32, #tpu.memory_space<vmem_shared>>
    tpu.wait_indirect_dma semaphore(%arg21 : memref<!tpu.dma_semaphore, #tpu.memory_space<semaphore_mem>>) src(%arg12 : memref<128x32xf32, #tpu.memory_space<vmem>>) dst(%dma_wait3A_51 : memref<10240x32xf32, #tpu.memory_space<vmem_shared>>)
    %barrier3A_52 = arith.constant 0 : index
    tpu.barrier barrier_id(%barrier3A_52)
    %add3A_53 = arith.constant 0 : i32
    %add3A_54 = arith.addi %mul3A_0, %add3A_53 : i32
    "tpu.region"() ({
      %run_scoped3A = tpu.sem_alloc : memref<!tpu.dma_semaphore, #tpu.memory_space<semaphore_mem>>
      %dma_start3A = arith.constant 0 : i32
      %dma_start3A_63 = tpu.memref_slice %arg6[%arg0, %add3A_54, %dma_start3A] : memref<2x10240x32xf32, #tpu.memory_space<hbm>> -> memref<1x128x32xf32, #tpu.memory_space<hbm>>
      %dma_start3A_64 = tpu.memref_squeeze %dma_start3A_63 : memref<1x128x32xf32, #tpu.memory_space<hbm>> -> memref<128x32xf32, #tpu.memory_space<hbm>>
      %dma_start3A_65 = arith.constant 0 : i32
      %dma_start3A_66 = tpu.memref_slice %arg13[%add3A_54, %dma_start3A_65] : memref<10240x32xf32, #tpu.memory_space<vmem_shared>> -> memref<128x32xf32, #tpu.memory_space<vmem_shared>>
      tpu.enqueue_dma source(%dma_start3A_66 : memref<128x32xf32, #tpu.memory_space<vmem_shared>>) target(%dma_start3A_64 : memref<128x32xf32, #tpu.memory_space<hbm>>) target_semaphore(%run_scoped3A : memref<!tpu.dma_semaphore, #tpu.memory_space<semaphore_mem>>)
      %dma_wait3A_67 = arith.constant 0 : i32
      %dma_wait3A_68 = tpu.memref_slice %arg6[%arg0, %add3A_54, %dma_wait3A_67] : memref<2x10240x32xf32, #tpu.memory_space<hbm>> -> memref<1x128x32xf32, #tpu.memory_space<hbm>>
      %dma_wait3A_69 = tpu.memref_squeeze %dma_wait3A_68 : memref<1x128x32xf32, #tpu.memory_space<hbm>> -> memref<128x32xf32, #tpu.memory_space<hbm>>
      %dma_wait3A_70 = arith.constant 0 : i32
      %dma_wait3A_71 = tpu.memref_slice %arg13[%add3A_54, %dma_wait3A_70] : memref<10240x32xf32, #tpu.memory_space<vmem_shared>> -> memref<128x32xf32, #tpu.memory_space<vmem_shared>>
      tpu.wait_dma2 semaphore(%run_scoped3A : memref<!tpu.dma_semaphore, #tpu.memory_space<semaphore_mem>>) src(%dma_wait3A_71 : memref<128x32xf32, #tpu.memory_space<vmem_shared>>) dst(%dma_wait3A_69 : memref<128x32xf32, #tpu.memory_space<hbm>>)
      tpu.yield
    }) : () -> ()
    %add3A_55 = arith.constant 128 : i32
    %add3A_56 = arith.addi %mul3A_0, %add3A_55 : i32
    "tpu.region"() ({
      %run_scoped3A = tpu.sem_alloc : memref<!tpu.dma_semaphore, #tpu.memory_space<semaphore_mem>>
      %dma_start3A = arith.constant 0 : i32
      %dma_start3A_63 = tpu.memref_slice %arg6[%arg0, %add3A_56, %dma_start3A] : memref<2x10240x32xf32, #tpu.memory_space<hbm>> -> memref<1x128x32xf32, #tpu.memory_space<hbm>>
      %dma_start3A_64 = tpu.memref_squeeze %dma_start3A_63 : memref<1x128x32xf32, #tpu.memory_space<hbm>> -> memref<128x32xf32, #tpu.memory_space<hbm>>
      %dma_start3A_65 = arith.constant 0 : i32
      %dma_start3A_66 = tpu.memref_slice %arg13[%add3A_56, %dma_start3A_65] : memref<10240x32xf32, #tpu.memory_space<vmem_shared>> -> memref<128x32xf32, #tpu.memory_space<vmem_shared>>
      tpu.enqueue_dma source(%dma_start3A_66 : memref<128x32xf32, #tpu.memory_space<vmem_shared>>) target(%dma_start3A_64 : memref<128x32xf32, #tpu.memory_space<hbm>>) target_semaphore(%run_scoped3A : memref<!tpu.dma_semaphore, #tpu.memory_space<semaphore_mem>>)
      %dma_wait3A_67 = arith.constant 0 : i32
      %dma_wait3A_68 = tpu.memref_slice %arg6[%arg0, %add3A_56, %dma_wait3A_67] : memref<2x10240x32xf32, #tpu.memory_space<hbm>> -> memref<1x128x32xf32, #tpu.memory_space<hbm>>
      %dma_wait3A_69 = tpu.memref_squeeze %dma_wait3A_68 : memref<1x128x32xf32, #tpu.memory_space<hbm>> -> memref<128x32xf32, #tpu.memory_space<hbm>>
      %dma_wait3A_70 = arith.constant 0 : i32
      %dma_wait3A_71 = tpu.memref_slice %arg13[%add3A_56, %dma_wait3A_70] : memref<10240x32xf32, #tpu.memory_space<vmem_shared>> -> memref<128x32xf32, #tpu.memory_space<vmem_shared>>
      tpu.wait_dma2 semaphore(%run_scoped3A : memref<!tpu.dma_semaphore, #tpu.memory_space<semaphore_mem>>) src(%dma_wait3A_71 : memref<128x32xf32, #tpu.memory_space<vmem_shared>>) dst(%dma_wait3A_69 : memref<128x32xf32, #tpu.memory_space<hbm>>)
      tpu.yield
    }) : () -> ()
    %add3A_57 = arith.constant 256 : i32
    %add3A_58 = arith.addi %mul3A_0, %add3A_57 : i32
    "tpu.region"() ({
      %run_scoped3A = tpu.sem_alloc : memref<!tpu.dma_semaphore, #tpu.memory_space<semaphore_mem>>
      %dma_start3A = arith.constant 0 : i32
      %dma_start3A_63 = tpu.memref_slice %arg6[%arg0, %add3A_58, %dma_start3A] : memref<2x10240x32xf32, #tpu.memory_space<hbm>> -> memref<1x128x32xf32, #tpu.memory_space<hbm>>
      %dma_start3A_64 = tpu.memref_squeeze %dma_start3A_63 : memref<1x128x32xf32, #tpu.memory_space<hbm>> -> memref<128x32xf32, #tpu.memory_space<hbm>>
      %dma_start3A_65 = arith.constant 0 : i32
      %dma_start3A_66 = tpu.memref_slice %arg13[%add3A_58, %dma_start3A_65] : memref<10240x32xf32, #tpu.memory_space<vmem_shared>> -> memref<128x32xf32, #tpu.memory_space<vmem_shared>>
      tpu.enqueue_dma source(%dma_start3A_66 : memref<128x32xf32, #tpu.memory_space<vmem_shared>>) target(%dma_start3A_64 : memref<128x32xf32, #tpu.memory_space<hbm>>) target_semaphore(%run_scoped3A : memref<!tpu.dma_semaphore, #tpu.memory_space<semaphore_mem>>)
      %dma_wait3A_67 = arith.constant 0 : i32
      %dma_wait3A_68 = tpu.memref_slice %arg6[%arg0, %add3A_58, %dma_wait3A_67] : memref<2x10240x32xf32, #tpu.memory_space<hbm>> -> memref<1x128x32xf32, #tpu.memory_space<hbm>>
      %dma_wait3A_69 = tpu.memref_squeeze %dma_wait3A_68 : memref<1x128x32xf32, #tpu.memory_space<hbm>> -> memref<128x32xf32, #tpu.memory_space<hbm>>
      %dma_wait3A_70 = arith.constant 0 : i32
      %dma_wait3A_71 = tpu.memref_slice %arg13[%add3A_58, %dma_wait3A_70] : memref<10240x32xf32, #tpu.memory_space<vmem_shared>> -> memref<128x32xf32, #tpu.memory_space<vmem_shared>>
      tpu.wait_dma2 semaphore(%run_scoped3A : memref<!tpu.dma_semaphore, #tpu.memory_space<semaphore_mem>>) src(%dma_wait3A_71 : memref<128x32xf32, #tpu.memory_space<vmem_shared>>) dst(%dma_wait3A_69 : memref<128x32xf32, #tpu.memory_space<hbm>>)
      tpu.yield
    }) : () -> ()
    %add3A_59 = arith.constant 384 : i32
    %add3A_60 = arith.addi %mul3A_0, %add3A_59 : i32
    "tpu.region"() ({
      %run_scoped3A = tpu.sem_alloc : memref<!tpu.dma_semaphore, #tpu.memory_space<semaphore_mem>>
      %dma_start3A = arith.constant 0 : i32
      %dma_start3A_63 = tpu.memref_slice %arg6[%arg0, %add3A_60, %dma_start3A] : memref<2x10240x32xf32, #tpu.memory_space<hbm>> -> memref<1x128x32xf32, #tpu.memory_space<hbm>>
      %dma_start3A_64 = tpu.memref_squeeze %dma_start3A_63 : memref<1x128x32xf32, #tpu.memory_space<hbm>> -> memref<128x32xf32, #tpu.memory_space<hbm>>
      %dma_start3A_65 = arith.constant 0 : i32
      %dma_start3A_66 = tpu.memref_slice %arg13[%add3A_60, %dma_start3A_65] : memref<10240x32xf32, #tpu.memory_space<vmem_shared>> -> memref<128x32xf32, #tpu.memory_space<vmem_shared>>
      tpu.enqueue_dma source(%dma_start3A_66 : memref<128x32xf32, #tpu.memory_space<vmem_shared>>) target(%dma_start3A_64 : memref<128x32xf32, #tpu.memory_space<hbm>>) target_semaphore(%run_scoped3A : memref<!tpu.dma_semaphore, #tpu.memory_space<semaphore_mem>>)
      %dma_wait3A_67 = arith.constant 0 : i32
      %dma_wait3A_68 = tpu.memref_slice %arg6[%arg0, %add3A_60, %dma_wait3A_67] : memref<2x10240x32xf32, #tpu.memory_space<hbm>> -> memref<1x128x32xf32, #tpu.memory_space<hbm>>
      %dma_wait3A_69 = tpu.memref_squeeze %dma_wait3A_68 : memref<1x128x32xf32, #tpu.memory_space<hbm>> -> memref<128x32xf32, #tpu.memory_space<hbm>>
      %dma_wait3A_70 = arith.constant 0 : i32
      %dma_wait3A_71 = tpu.memref_slice %arg13[%add3A_60, %dma_wait3A_70] : memref<10240x32xf32, #tpu.memory_space<vmem_shared>> -> memref<128x32xf32, #tpu.memory_space<vmem_shared>>
      tpu.wait_dma2 semaphore(%run_scoped3A : memref<!tpu.dma_semaphore, #tpu.memory_space<semaphore_mem>>) src(%dma_wait3A_71 : memref<128x32xf32, #tpu.memory_space<vmem_shared>>) dst(%dma_wait3A_69 : memref<128x32xf32, #tpu.memory_space<hbm>>)
      tpu.yield
    }) : () -> ()
    %add3A_61 = arith.constant 512 : i32
    %add3A_62 = arith.addi %mul3A_0, %add3A_61 : i32
    "tpu.region"() ({
      %run_scoped3A = tpu.sem_alloc : memref<!tpu.dma_semaphore, #tpu.memory_space<semaphore_mem>>
      %dma_start3A = arith.constant 0 : i32
      %dma_start3A_63 = tpu.memref_slice %arg6[%arg0, %add3A_62, %dma_start3A] : memref<2x10240x32xf32, #tpu.memory_space<hbm>> -> memref<1x128x32xf32, #tpu.memory_space<hbm>>
      %dma_start3A_64 = tpu.memref_squeeze %dma_start3A_63 : memref<1x128x32xf32, #tpu.memory_space<hbm>> -> memref<128x32xf32, #tpu.memory_space<hbm>>
      %dma_start3A_65 = arith.constant 0 : i32
      %dma_start3A_66 = tpu.memref_slice %arg13[%add3A_62, %dma_start3A_65] : memref<10240x32xf32, #tpu.memory_space<vmem_shared>> -> memref<128x32xf32, #tpu.memory_space<vmem_shared>>
      tpu.enqueue_dma source(%dma_start3A_66 : memref<128x32xf32, #tpu.memory_space<vmem_shared>>) target(%dma_start3A_64 : memref<128x32xf32, #tpu.memory_space<hbm>>) target_semaphore(%run_scoped3A : memref<!tpu.dma_semaphore, #tpu.memory_space<semaphore_mem>>)
      %dma_wait3A_67 = arith.constant 0 : i32
      %dma_wait3A_68 = tpu.memref_slice %arg6[%arg0, %add3A_62, %dma_wait3A_67] : memref<2x10240x32xf32, #tpu.memory_space<hbm>> -> memref<1x128x32xf32, #tpu.memory_space<hbm>>
      %dma_wait3A_69 = tpu.memref_squeeze %dma_wait3A_68 : memref<1x128x32xf32, #tpu.memory_space<hbm>> -> memref<128x32xf32, #tpu.memory_space<hbm>>
      %dma_wait3A_70 = arith.constant 0 : i32
      %dma_wait3A_71 = tpu.memref_slice %arg13[%add3A_62, %dma_wait3A_70] : memref<10240x32xf32, #tpu.memory_space<vmem_shared>> -> memref<128x32xf32, #tpu.memory_space<vmem_shared>>
      tpu.wait_dma2 semaphore(%run_scoped3A : memref<!tpu.dma_semaphore, #tpu.memory_space<semaphore_mem>>) src(%dma_wait3A_71 : memref<128x32xf32, #tpu.memory_space<vmem_shared>>) dst(%dma_wait3A_69 : memref<128x32xf32, #tpu.memory_space<hbm>>)
      tpu.yield
    }) : () -> ()
    return
  }
}

#map = affine_map<(d0, d1) -> (0, 0)>
module attributes {stable_mosaic.version = 14 : i64} {
  func.func @gather_kernel(%arg0: i32, %arg1: i32, %arg2: memref<10000x64xf32, #tpu.memory_space<hbm>>, %arg3: memref<10000x64xf32, #tpu.memory_space<hbm>>, %arg4: memref<2560x128xi32, #tpu.memory_space<hbm>>, %arg5: memref<2560x128xi32, #tpu.memory_space<hbm>>, %arg6: memref<327680x128xf32, #tpu.memory_space<hbm>>, %arg7: memref<80x128xi32, #tpu.memory_space<vmem>>, %arg8: memref<80x128xi32, #tpu.memory_space<vmem>>, %arg9: memref<128x64xf32, #tpu.memory_space<vmem>>, %arg10: memref<128x64xf32, #tpu.memory_space<vmem>>, %arg11: memref<128x64xf32, #tpu.memory_space<vmem>>, %arg12: memref<128x64xf32, #tpu.memory_space<vmem>>, %arg13: memref<128x64xf32, #tpu.memory_space<vmem>>, %arg14: memref<128x64xf32, #tpu.memory_space<vmem>>, %arg15: memref<128x64xf32, #tpu.memory_space<vmem>>, %arg16: memref<128x64xf32, #tpu.memory_space<vmem>>, %arg17: memref<!tpu.dma_semaphore, #tpu.memory_space<semaphore_mem>>, %arg18: memref<!tpu.dma_semaphore, #tpu.memory_space<semaphore_mem>>, %arg19: memref<!tpu.dma_semaphore, #tpu.memory_space<semaphore_mem>>, %arg20: memref<!tpu.dma_semaphore, #tpu.memory_space<semaphore_mem>>, %arg21: memref<!tpu.dma_semaphore, #tpu.memory_space<semaphore_mem>>, %arg22: memref<!tpu.dma_semaphore, #tpu.memory_space<semaphore_mem>>, %arg23: memref<!tpu.dma_semaphore, #tpu.memory_space<semaphore_mem>>, %arg24: memref<!tpu.dma_semaphore, #tpu.memory_space<semaphore_mem>>, %arg25: memref<!tpu.dma_semaphore, #tpu.memory_space<semaphore_mem>>, %arg26: memref<!tpu.dma_semaphore, #tpu.memory_space<semaphore_mem>>, %arg27: memref<!tpu.dma_semaphore, #tpu.memory_space<semaphore_mem>>, %arg28: memref<!tpu.dma_semaphore, #tpu.memory_space<semaphore_mem>>, %arg29: memref<!tpu.dma_semaphore, #tpu.memory_space<semaphore_mem>>, %arg30: memref<!tpu.dma_semaphore, #tpu.memory_space<semaphore_mem>>, %arg31: memref<!tpu.dma_semaphore, #tpu.memory_space<semaphore_mem>>, %arg32: memref<!tpu.dma_semaphore, #tpu.memory_space<semaphore_mem>>) attributes {dimension_semantics = [#tpu.dimension_semantics<core_parallel>, #tpu.dimension_semantics<subcore_parallel>], iteration_bounds = array<i64: 2, 16>, scalar_prefetch = 0 : i64, scratch_operands = 26 : i64, tpu.core_type = #tpu.core_type<sc_vector_subcore>, window_params = [{transform_indices = #map}, {transform_indices = #map}, {transform_indices = #map}, {transform_indices = #map}, {transform_indices = #map}]} {
    %mul3A = arith.constant 2 : i32
    %mul3A_0 = arith.muli %arg1, %mul3A : i32
    %add3A = arith.addi %mul3A_0, %arg0 : i32
    %mul3A_1 = arith.constant 80 : i32
    %mul3A_2 = arith.muli %add3A, %mul3A_1 : i32
    %mul3A_3 = arith.constant 128 : i32
    %mul3A_4 = arith.muli %mul3A_2, %mul3A_3 : i32
    %mul3A_5 = arith.constant 80 : i32
    %mul3A_6 = arith.muli %add3A, %mul3A_5 : i32
    "tpu.region"() ({
      %run_scoped3A = tpu.sem_alloc : memref<!tpu.dma_semaphore, #tpu.memory_space<semaphore_mem>>
      %dma_start3A = arith.constant 0 : i32
      %dma_start3A_53 = tpu.memref_slice %arg4[%mul3A_6, %dma_start3A] : memref<2560x128xi32, #tpu.memory_space<hbm>> -> memref<80x128xi32, #tpu.memory_space<hbm>>
      %dma_start3A_54 = arith.constant 0 : i32
      %dma_start3A_55 = tpu.memref_slice %arg4[%mul3A_6, %dma_start3A_54] : memref<2560x128xi32, #tpu.memory_space<hbm>> -> memref<80x128xi32, #tpu.memory_space<hbm>>
      tpu.enqueue_dma source(%dma_start3A_55 : memref<80x128xi32, #tpu.memory_space<hbm>>) target(%arg7 : memref<80x128xi32, #tpu.memory_space<vmem>>) target_semaphore(%run_scoped3A : memref<!tpu.dma_semaphore, #tpu.memory_space<semaphore_mem>>)
      %dma_wait3A_56 = arith.constant 0 : i32
      %dma_wait3A_57 = tpu.memref_slice %arg4[%mul3A_6, %dma_wait3A_56] : memref<2560x128xi32, #tpu.memory_space<hbm>> -> memref<80x128xi32, #tpu.memory_space<hbm>>
      %dma_wait3A_58 = arith.constant 0 : i32
      %dma_wait3A_59 = tpu.memref_slice %arg4[%mul3A_6, %dma_wait3A_58] : memref<2560x128xi32, #tpu.memory_space<hbm>> -> memref<80x128xi32, #tpu.memory_space<hbm>>
      tpu.wait_dma2 semaphore(%run_scoped3A : memref<!tpu.dma_semaphore, #tpu.memory_space<semaphore_mem>>) src(%dma_wait3A_59 : memref<80x128xi32, #tpu.memory_space<hbm>>) dst(%arg7 : memref<80x128xi32, #tpu.memory_space<vmem>>)
      tpu.yield
    }) : () -> ()
    %mul3A_7 = arith.constant 80 : i32
    %mul3A_8 = arith.muli %add3A, %mul3A_7 : i32
    "tpu.region"() ({
      %run_scoped3A = tpu.sem_alloc : memref<!tpu.dma_semaphore, #tpu.memory_space<semaphore_mem>>
      %dma_start3A = arith.constant 0 : i32
      %dma_start3A_53 = tpu.memref_slice %arg5[%mul3A_8, %dma_start3A] : memref<2560x128xi32, #tpu.memory_space<hbm>> -> memref<80x128xi32, #tpu.memory_space<hbm>>
      %dma_start3A_54 = arith.constant 0 : i32
      %dma_start3A_55 = tpu.memref_slice %arg5[%mul3A_8, %dma_start3A_54] : memref<2560x128xi32, #tpu.memory_space<hbm>> -> memref<80x128xi32, #tpu.memory_space<hbm>>
      tpu.enqueue_dma source(%dma_start3A_55 : memref<80x128xi32, #tpu.memory_space<hbm>>) target(%arg8 : memref<80x128xi32, #tpu.memory_space<vmem>>) target_semaphore(%run_scoped3A : memref<!tpu.dma_semaphore, #tpu.memory_space<semaphore_mem>>)
      %dma_wait3A_56 = arith.constant 0 : i32
      %dma_wait3A_57 = tpu.memref_slice %arg5[%mul3A_8, %dma_wait3A_56] : memref<2560x128xi32, #tpu.memory_space<hbm>> -> memref<80x128xi32, #tpu.memory_space<hbm>>
      %dma_wait3A_58 = arith.constant 0 : i32
      %dma_wait3A_59 = tpu.memref_slice %arg5[%mul3A_8, %dma_wait3A_58] : memref<2560x128xi32, #tpu.memory_space<hbm>> -> memref<80x128xi32, #tpu.memory_space<hbm>>
      tpu.wait_dma2 semaphore(%run_scoped3A : memref<!tpu.dma_semaphore, #tpu.memory_space<semaphore_mem>>) src(%dma_wait3A_59 : memref<80x128xi32, #tpu.memory_space<hbm>>) dst(%arg8 : memref<80x128xi32, #tpu.memory_space<vmem>>)
      tpu.yield
    }) : () -> ()
    %scan3A = arith.constant 0 : i32
    %scan3A_9 = arith.constant 0 : i32
    %scan3A_10 = arith.constant 21 : i32
    %scan3A_11 = arith.addi %scan3A_9, %scan3A_10 : i32
    %scan3A_12 = arith.constant 1 : i32
    scf.for %scan3A_53 = %scan3A_9 to %scan3A_11 step %scan3A_12  : i32 {
      %mul3A_54 = arith.constant 4 : i32
      %mul3A_55 = arith.muli %scan3A_53, %mul3A_54 : i32
      %add3A_56 = arith.constant 0 : i32
      %add3A_57 = arith.addi %mul3A_55, %add3A_56 : i32
      %lt3A = arith.constant 80 : i32
      %lt3A_58 = arith.cmpi slt, %add3A_57, %lt3A : i32
      %convert_element_type3A = arith.extui %lt3A_58 : i1 to i32
      %cond3A = arith.constant 0 : i32
      %cond3A_59 = arith.cmpi ne, %convert_element_type3A, %cond3A : i32
      scf.if %cond3A_59 {
        %ge3A_124 = arith.constant 4 : i32
        %ge3A_125 = arith.cmpi sge, %add3A_57, %ge3A_124 : i32
        %convert_element_type3A_126 = arith.extui %ge3A_125 : i1 to i32
        %cond3A_127 = arith.constant 0 : i32
        %cond3A_128 = arith.cmpi ne, %convert_element_type3A_126, %cond3A_127 : i32
        scf.if %cond3A_128 {
          %sub3A_140 = arith.constant 4 : i32
          %sub3A_141 = arith.subi %add3A_57, %sub3A_140 : i32
          %mul3A_142 = arith.constant 128 : i32
          %mul3A_143 = arith.muli %sub3A_141, %mul3A_142 : i32
          %add3A_144 = arith.addi %mul3A_4, %mul3A_143 : i32
          %dma_wait3A_145 = arith.constant 0 : i32
          %dma_wait3A_146 = tpu.memref_slice %arg6[%add3A_144, %dma_wait3A_145] : memref<327680x128xf32, #tpu.memory_space<hbm>> -> memref<128x64xf32, #tpu.memory_space<hbm>>
          %dma_wait3A_147 = arith.constant 0 : i32
          %dma_wait3A_148 = tpu.memref_slice %arg6[%add3A_144, %dma_wait3A_147] : memref<327680x128xf32, #tpu.memory_space<hbm>> -> memref<128x64xf32, #tpu.memory_space<hbm>>
          tpu.wait_dma2 semaphore(%arg25 : memref<!tpu.dma_semaphore, #tpu.memory_space<semaphore_mem>>) src(%arg9 : memref<128x64xf32, #tpu.memory_space<vmem>>) dst(%dma_wait3A_148 : memref<128x64xf32, #tpu.memory_space<hbm>>)
          %dma_wait3A_149 = arith.constant 64 : i32
          %dma_wait3A_150 = tpu.memref_slice %arg6[%add3A_144, %dma_wait3A_149] : memref<327680x128xf32, #tpu.memory_space<hbm>> -> memref<128x64xf32, #tpu.memory_space<hbm>>
          %dma_wait3A_151 = arith.constant 64 : i32
          %dma_wait3A_152 = tpu.memref_slice %arg6[%add3A_144, %dma_wait3A_151] : memref<327680x128xf32, #tpu.memory_space<hbm>> -> memref<128x64xf32, #tpu.memory_space<hbm>>
          tpu.wait_dma2 semaphore(%arg29 : memref<!tpu.dma_semaphore, #tpu.memory_space<semaphore_mem>>) src(%arg13 : memref<128x64xf32, #tpu.memory_space<vmem>>) dst(%dma_wait3A_152 : memref<128x64xf32, #tpu.memory_space<hbm>>)
        } else {
        }
        %dma_start3A = arith.constant 0 : i32
        %dma_start3A_129 = tpu.memref_slice %arg7[%add3A_57, %dma_start3A] : memref<80x128xi32, #tpu.memory_space<vmem>> -> memref<1x128xi32, #tpu.memory_space<vmem>>
        %dma_start3A_130 = tpu.memref_squeeze %dma_start3A_129 : memref<1x128xi32, #tpu.memory_space<vmem>> -> memref<128xi32, #tpu.memory_space<vmem>>
        %dma_start3A_131 = arith.constant 0 : i32
        %dma_start3A_132 = arith.constant 0 : i32
        %dma_start3A_133 = tpu.memref_slice %arg2[%dma_start3A_131, %dma_start3A_132] : memref<10000x64xf32, #tpu.memory_space<hbm>> -> memref<10000x64xf32, #tpu.memory_space<hbm>>
        tpu.enqueue_indirect_dma source(%dma_start3A_133 : memref<10000x64xf32, #tpu.memory_space<hbm>>) target(%arg9 : memref<128x64xf32, #tpu.memory_space<vmem>>) offsets(%dma_start3A_130 : memref<128xi32, #tpu.memory_space<vmem>>) semaphore(%arg17 : memref<!tpu.dma_semaphore, #tpu.memory_space<semaphore_mem>>)
        %dma_start3A_134 = arith.constant 0 : i32
        %dma_start3A_135 = tpu.memref_slice %arg8[%add3A_57, %dma_start3A_134] : memref<80x128xi32, #tpu.memory_space<vmem>> -> memref<1x128xi32, #tpu.memory_space<vmem>>
        %dma_start3A_136 = tpu.memref_squeeze %dma_start3A_135 : memref<1x128xi32, #tpu.memory_space<vmem>> -> memref<128xi32, #tpu.memory_space<vmem>>
        %dma_start3A_137 = arith.constant 0 : i32
        %dma_start3A_138 = arith.constant 0 : i32
        %dma_start3A_139 = tpu.memref_slice %arg3[%dma_start3A_137, %dma_start3A_138] : memref<10000x64xf32, #tpu.memory_space<hbm>> -> memref<10000x64xf32, #tpu.memory_space<hbm>>
        tpu.enqueue_indirect_dma source(%dma_start3A_139 : memref<10000x64xf32, #tpu.memory_space<hbm>>) target(%arg13 : memref<128x64xf32, #tpu.memory_space<vmem>>) offsets(%dma_start3A_136 : memref<128xi32, #tpu.memory_space<vmem>>) semaphore(%arg21 : memref<!tpu.dma_semaphore, #tpu.memory_space<semaphore_mem>>)
      } else {
      }
      %sub3A = arith.constant 2 : i32
      %sub3A_60 = arith.subi %add3A_57, %sub3A : i32
      %ge3A = arith.constant 0 : i32
      %ge3A_61 = arith.cmpi sge, %sub3A_60, %ge3A : i32
      %lt3A_62 = arith.constant 80 : i32
      %lt3A_63 = arith.cmpi slt, %sub3A_60, %lt3A_62 : i32
      %and3A = arith.andi %ge3A_61, %lt3A_63 : i1
      %convert_element_type3A_64 = arith.extui %and3A : i1 to i32
      %cond3A_65 = arith.constant 0 : i32
      %cond3A_66 = arith.cmpi ne, %convert_element_type3A_64, %cond3A_65 : i32
      scf.if %cond3A_66 {
        %dma_wait3A_124 = arith.constant 0 : i32
        %dma_wait3A_125 = tpu.memref_slice %arg7[%sub3A_60, %dma_wait3A_124] : memref<80x128xi32, #tpu.memory_space<vmem>> -> memref<1x128xi32, #tpu.memory_space<vmem>>
        %dma_wait3A_126 = tpu.memref_squeeze %dma_wait3A_125 : memref<1x128xi32, #tpu.memory_space<vmem>> -> memref<128xi32, #tpu.memory_space<vmem>>
        %dma_wait3A_127 = arith.constant 0 : i32
        %dma_wait3A_128 = arith.constant 0 : i32
        %dma_wait3A_129 = tpu.memref_slice %arg2[%dma_wait3A_127, %dma_wait3A_128] : memref<10000x64xf32, #tpu.memory_space<hbm>> -> memref<10000x64xf32, #tpu.memory_space<hbm>>
        tpu.wait_indirect_dma semaphore(%arg19 : memref<!tpu.dma_semaphore, #tpu.memory_space<semaphore_mem>>) src(%dma_wait3A_129 : memref<10000x64xf32, #tpu.memory_space<hbm>>) dst(%arg11 : memref<128x64xf32, #tpu.memory_space<vmem>>)
        %dma_wait3A_130 = arith.constant 0 : i32
        %dma_wait3A_131 = tpu.memref_slice %arg8[%sub3A_60, %dma_wait3A_130] : memref<80x128xi32, #tpu.memory_space<vmem>> -> memref<1x128xi32, #tpu.memory_space<vmem>>
        %dma_wait3A_132 = tpu.memref_squeeze %dma_wait3A_131 : memref<1x128xi32, #tpu.memory_space<vmem>> -> memref<128xi32, #tpu.memory_space<vmem>>
        %dma_wait3A_133 = arith.constant 0 : i32
        %dma_wait3A_134 = arith.constant 0 : i32
        %dma_wait3A_135 = tpu.memref_slice %arg3[%dma_wait3A_133, %dma_wait3A_134] : memref<10000x64xf32, #tpu.memory_space<hbm>> -> memref<10000x64xf32, #tpu.memory_space<hbm>>
        tpu.wait_indirect_dma semaphore(%arg23 : memref<!tpu.dma_semaphore, #tpu.memory_space<semaphore_mem>>) src(%dma_wait3A_135 : memref<10000x64xf32, #tpu.memory_space<hbm>>) dst(%arg15 : memref<128x64xf32, #tpu.memory_space<vmem>>)
        %mul3A_136 = arith.constant 128 : i32
        %mul3A_137 = arith.muli %sub3A_60, %mul3A_136 : i32
        %add3A_138 = arith.addi %mul3A_4, %mul3A_137 : i32
        %dma_start3A = arith.constant 0 : i32
        %dma_start3A_139 = tpu.memref_slice %arg6[%add3A_138, %dma_start3A] : memref<327680x128xf32, #tpu.memory_space<hbm>> -> memref<128x64xf32, #tpu.memory_space<hbm>>
        %dma_start3A_140 = arith.constant 0 : i32
        %dma_start3A_141 = tpu.memref_slice %arg6[%add3A_138, %dma_start3A_140] : memref<327680x128xf32, #tpu.memory_space<hbm>> -> memref<128x64xf32, #tpu.memory_space<hbm>>
        tpu.enqueue_dma source(%arg11 : memref<128x64xf32, #tpu.memory_space<vmem>>) target(%dma_start3A_141 : memref<128x64xf32, #tpu.memory_space<hbm>>) target_semaphore(%arg27 : memref<!tpu.dma_semaphore, #tpu.memory_space<semaphore_mem>>)
        %dma_start3A_142 = arith.constant 64 : i32
        %dma_start3A_143 = tpu.memref_slice %arg6[%add3A_138, %dma_start3A_142] : memref<327680x128xf32, #tpu.memory_space<hbm>> -> memref<128x64xf32, #tpu.memory_space<hbm>>
        %dma_start3A_144 = arith.constant 64 : i32
        %dma_start3A_145 = tpu.memref_slice %arg6[%add3A_138, %dma_start3A_144] : memref<327680x128xf32, #tpu.memory_space<hbm>> -> memref<128x64xf32, #tpu.memory_space<hbm>>
        tpu.enqueue_dma source(%arg15 : memref<128x64xf32, #tpu.memory_space<vmem>>) target(%dma_start3A_145 : memref<128x64xf32, #tpu.memory_space<hbm>>) target_semaphore(%arg31 : memref<!tpu.dma_semaphore, #tpu.memory_space<semaphore_mem>>)
      } else {
      }
      %mul3A_67 = arith.constant 4 : i32
      %mul3A_68 = arith.muli %scan3A_53, %mul3A_67 : i32
      %add3A_69 = arith.constant 1 : i32
      %add3A_70 = arith.addi %mul3A_68, %add3A_69 : i32
      %lt3A_71 = arith.constant 80 : i32
      %lt3A_72 = arith.cmpi slt, %add3A_70, %lt3A_71 : i32
      %convert_element_type3A_73 = arith.extui %lt3A_72 : i1 to i32
      %cond3A_74 = arith.constant 0 : i32
      %cond3A_75 = arith.cmpi ne, %convert_element_type3A_73, %cond3A_74 : i32
      scf.if %cond3A_75 {
        %ge3A_124 = arith.constant 4 : i32
        %ge3A_125 = arith.cmpi sge, %add3A_70, %ge3A_124 : i32
        %convert_element_type3A_126 = arith.extui %ge3A_125 : i1 to i32
        %cond3A_127 = arith.constant 0 : i32
        %cond3A_128 = arith.cmpi ne, %convert_element_type3A_126, %cond3A_127 : i32
        scf.if %cond3A_128 {
          %sub3A_140 = arith.constant 4 : i32
          %sub3A_141 = arith.subi %add3A_70, %sub3A_140 : i32
          %mul3A_142 = arith.constant 128 : i32
          %mul3A_143 = arith.muli %sub3A_141, %mul3A_142 : i32
          %add3A_144 = arith.addi %mul3A_4, %mul3A_143 : i32
          %dma_wait3A_145 = arith.constant 0 : i32
          %dma_wait3A_146 = tpu.memref_slice %arg6[%add3A_144, %dma_wait3A_145] : memref<327680x128xf32, #tpu.memory_space<hbm>> -> memref<128x64xf32, #tpu.memory_space<hbm>>
          %dma_wait3A_147 = arith.constant 0 : i32
          %dma_wait3A_148 = tpu.memref_slice %arg6[%add3A_144, %dma_wait3A_147] : memref<327680x128xf32, #tpu.memory_space<hbm>> -> memref<128x64xf32, #tpu.memory_space<hbm>>
          tpu.wait_dma2 semaphore(%arg26 : memref<!tpu.dma_semaphore, #tpu.memory_space<semaphore_mem>>) src(%arg10 : memref<128x64xf32, #tpu.memory_space<vmem>>) dst(%dma_wait3A_148 : memref<128x64xf32, #tpu.memory_space<hbm>>)
          %dma_wait3A_149 = arith.constant 64 : i32
          %dma_wait3A_150 = tpu.memref_slice %arg6[%add3A_144, %dma_wait3A_149] : memref<327680x128xf32, #tpu.memory_space<hbm>> -> memref<128x64xf32, #tpu.memory_space<hbm>>
          %dma_wait3A_151 = arith.constant 64 : i32
          %dma_wait3A_152 = tpu.memref_slice %arg6[%add3A_144, %dma_wait3A_151] : memref<327680x128xf32, #tpu.memory_space<hbm>> -> memref<128x64xf32, #tpu.memory_space<hbm>>
          tpu.wait_dma2 semaphore(%arg30 : memref<!tpu.dma_semaphore, #tpu.memory_space<semaphore_mem>>) src(%arg14 : memref<128x64xf32, #tpu.memory_space<vmem>>) dst(%dma_wait3A_152 : memref<128x64xf32, #tpu.memory_space<hbm>>)
        } else {
        }
        %dma_start3A = arith.constant 0 : i32
        %dma_start3A_129 = tpu.memref_slice %arg7[%add3A_70, %dma_start3A] : memref<80x128xi32, #tpu.memory_space<vmem>> -> memref<1x128xi32, #tpu.memory_space<vmem>>
        %dma_start3A_130 = tpu.memref_squeeze %dma_start3A_129 : memref<1x128xi32, #tpu.memory_space<vmem>> -> memref<128xi32, #tpu.memory_space<vmem>>
        %dma_start3A_131 = arith.constant 0 : i32
        %dma_start3A_132 = arith.constant 0 : i32
        %dma_start3A_133 = tpu.memref_slice %arg2[%dma_start3A_131, %dma_start3A_132] : memref<10000x64xf32, #tpu.memory_space<hbm>> -> memref<10000x64xf32, #tpu.memory_space<hbm>>
        tpu.enqueue_indirect_dma source(%dma_start3A_133 : memref<10000x64xf32, #tpu.memory_space<hbm>>) target(%arg10 : memref<128x64xf32, #tpu.memory_space<vmem>>) offsets(%dma_start3A_130 : memref<128xi32, #tpu.memory_space<vmem>>) semaphore(%arg18 : memref<!tpu.dma_semaphore, #tpu.memory_space<semaphore_mem>>)
        %dma_start3A_134 = arith.constant 0 : i32
        %dma_start3A_135 = tpu.memref_slice %arg8[%add3A_70, %dma_start3A_134] : memref<80x128xi32, #tpu.memory_space<vmem>> -> memref<1x128xi32, #tpu.memory_space<vmem>>
        %dma_start3A_136 = tpu.memref_squeeze %dma_start3A_135 : memref<1x128xi32, #tpu.memory_space<vmem>> -> memref<128xi32, #tpu.memory_space<vmem>>
        %dma_start3A_137 = arith.constant 0 : i32
        %dma_start3A_138 = arith.constant 0 : i32
        %dma_start3A_139 = tpu.memref_slice %arg3[%dma_start3A_137, %dma_start3A_138] : memref<10000x64xf32, #tpu.memory_space<hbm>> -> memref<10000x64xf32, #tpu.memory_space<hbm>>
        tpu.enqueue_indirect_dma source(%dma_start3A_139 : memref<10000x64xf32, #tpu.memory_space<hbm>>) target(%arg14 : memref<128x64xf32, #tpu.memory_space<vmem>>) offsets(%dma_start3A_136 : memref<128xi32, #tpu.memory_space<vmem>>) semaphore(%arg22 : memref<!tpu.dma_semaphore, #tpu.memory_space<semaphore_mem>>)
      } else {
      }
      %sub3A_76 = arith.constant 2 : i32
      %sub3A_77 = arith.subi %add3A_70, %sub3A_76 : i32
      %ge3A_78 = arith.constant 0 : i32
      %ge3A_79 = arith.cmpi sge, %sub3A_77, %ge3A_78 : i32
      %lt3A_80 = arith.constant 80 : i32
      %lt3A_81 = arith.cmpi slt, %sub3A_77, %lt3A_80 : i32
      %and3A_82 = arith.andi %ge3A_79, %lt3A_81 : i1
      %convert_element_type3A_83 = arith.extui %and3A_82 : i1 to i32
      %cond3A_84 = arith.constant 0 : i32
      %cond3A_85 = arith.cmpi ne, %convert_element_type3A_83, %cond3A_84 : i32
      scf.if %cond3A_85 {
        %dma_wait3A_124 = arith.constant 0 : i32
        %dma_wait3A_125 = tpu.memref_slice %arg7[%sub3A_77, %dma_wait3A_124] : memref<80x128xi32, #tpu.memory_space<vmem>> -> memref<1x128xi32, #tpu.memory_space<vmem>>
        %dma_wait3A_126 = tpu.memref_squeeze %dma_wait3A_125 : memref<1x128xi32, #tpu.memory_space<vmem>> -> memref<128xi32, #tpu.memory_space<vmem>>
        %dma_wait3A_127 = arith.constant 0 : i32
        %dma_wait3A_128 = arith.constant 0 : i32
        %dma_wait3A_129 = tpu.memref_slice %arg2[%dma_wait3A_127, %dma_wait3A_128] : memref<10000x64xf32, #tpu.memory_space<hbm>> -> memref<10000x64xf32, #tpu.memory_space<hbm>>
        tpu.wait_indirect_dma semaphore(%arg20 : memref<!tpu.dma_semaphore, #tpu.memory_space<semaphore_mem>>) src(%dma_wait3A_129 : memref<10000x64xf32, #tpu.memory_space<hbm>>) dst(%arg12 : memref<128x64xf32, #tpu.memory_space<vmem>>)
        %dma_wait3A_130 = arith.constant 0 : i32
        %dma_wait3A_131 = tpu.memref_slice %arg8[%sub3A_77, %dma_wait3A_130] : memref<80x128xi32, #tpu.memory_space<vmem>> -> memref<1x128xi32, #tpu.memory_space<vmem>>
        %dma_wait3A_132 = tpu.memref_squeeze %dma_wait3A_131 : memref<1x128xi32, #tpu.memory_space<vmem>> -> memref<128xi32, #tpu.memory_space<vmem>>
        %dma_wait3A_133 = arith.constant 0 : i32
        %dma_wait3A_134 = arith.constant 0 : i32
        %dma_wait3A_135 = tpu.memref_slice %arg3[%dma_wait3A_133, %dma_wait3A_134] : memref<10000x64xf32, #tpu.memory_space<hbm>> -> memref<10000x64xf32, #tpu.memory_space<hbm>>
        tpu.wait_indirect_dma semaphore(%arg24 : memref<!tpu.dma_semaphore, #tpu.memory_space<semaphore_mem>>) src(%dma_wait3A_135 : memref<10000x64xf32, #tpu.memory_space<hbm>>) dst(%arg16 : memref<128x64xf32, #tpu.memory_space<vmem>>)
        %mul3A_136 = arith.constant 128 : i32
        %mul3A_137 = arith.muli %sub3A_77, %mul3A_136 : i32
        %add3A_138 = arith.addi %mul3A_4, %mul3A_137 : i32
        %dma_start3A = arith.constant 0 : i32
        %dma_start3A_139 = tpu.memref_slice %arg6[%add3A_138, %dma_start3A] : memref<327680x128xf32, #tpu.memory_space<hbm>> -> memref<128x64xf32, #tpu.memory_space<hbm>>
        %dma_start3A_140 = arith.constant 0 : i32
        %dma_start3A_141 = tpu.memref_slice %arg6[%add3A_138, %dma_start3A_140] : memref<327680x128xf32, #tpu.memory_space<hbm>> -> memref<128x64xf32, #tpu.memory_space<hbm>>
        tpu.enqueue_dma source(%arg12 : memref<128x64xf32, #tpu.memory_space<vmem>>) target(%dma_start3A_141 : memref<128x64xf32, #tpu.memory_space<hbm>>) target_semaphore(%arg28 : memref<!tpu.dma_semaphore, #tpu.memory_space<semaphore_mem>>)
        %dma_start3A_142 = arith.constant 64 : i32
        %dma_start3A_143 = tpu.memref_slice %arg6[%add3A_138, %dma_start3A_142] : memref<327680x128xf32, #tpu.memory_space<hbm>> -> memref<128x64xf32, #tpu.memory_space<hbm>>
        %dma_start3A_144 = arith.constant 64 : i32
        %dma_start3A_145 = tpu.memref_slice %arg6[%add3A_138, %dma_start3A_144] : memref<327680x128xf32, #tpu.memory_space<hbm>> -> memref<128x64xf32, #tpu.memory_space<hbm>>
        tpu.enqueue_dma source(%arg16 : memref<128x64xf32, #tpu.memory_space<vmem>>) target(%dma_start3A_145 : memref<128x64xf32, #tpu.memory_space<hbm>>) target_semaphore(%arg32 : memref<!tpu.dma_semaphore, #tpu.memory_space<semaphore_mem>>)
      } else {
      }
      %mul3A_86 = arith.constant 4 : i32
      %mul3A_87 = arith.muli %scan3A_53, %mul3A_86 : i32
      %add3A_88 = arith.constant 2 : i32
      %add3A_89 = arith.addi %mul3A_87, %add3A_88 : i32
      %lt3A_90 = arith.constant 80 : i32
      %lt3A_91 = arith.cmpi slt, %add3A_89, %lt3A_90 : i32
      %convert_element_type3A_92 = arith.extui %lt3A_91 : i1 to i32
      %cond3A_93 = arith.constant 0 : i32
      %cond3A_94 = arith.cmpi ne, %convert_element_type3A_92, %cond3A_93 : i32
      scf.if %cond3A_94 {
        %ge3A_124 = arith.constant 4 : i32
        %ge3A_125 = arith.cmpi sge, %add3A_89, %ge3A_124 : i32
        %convert_element_type3A_126 = arith.extui %ge3A_125 : i1 to i32
        %cond3A_127 = arith.constant 0 : i32
        %cond3A_128 = arith.cmpi ne, %convert_element_type3A_126, %cond3A_127 : i32
        scf.if %cond3A_128 {
          %sub3A_140 = arith.constant 4 : i32
          %sub3A_141 = arith.subi %add3A_89, %sub3A_140 : i32
          %mul3A_142 = arith.constant 128 : i32
          %mul3A_143 = arith.muli %sub3A_141, %mul3A_142 : i32
          %add3A_144 = arith.addi %mul3A_4, %mul3A_143 : i32
          %dma_wait3A_145 = arith.constant 0 : i32
          %dma_wait3A_146 = tpu.memref_slice %arg6[%add3A_144, %dma_wait3A_145] : memref<327680x128xf32, #tpu.memory_space<hbm>> -> memref<128x64xf32, #tpu.memory_space<hbm>>
          %dma_wait3A_147 = arith.constant 0 : i32
          %dma_wait3A_148 = tpu.memref_slice %arg6[%add3A_144, %dma_wait3A_147] : memref<327680x128xf32, #tpu.memory_space<hbm>> -> memref<128x64xf32, #tpu.memory_space<hbm>>
          tpu.wait_dma2 semaphore(%arg27 : memref<!tpu.dma_semaphore, #tpu.memory_space<semaphore_mem>>) src(%arg11 : memref<128x64xf32, #tpu.memory_space<vmem>>) dst(%dma_wait3A_148 : memref<128x64xf32, #tpu.memory_space<hbm>>)
          %dma_wait3A_149 = arith.constant 64 : i32
          %dma_wait3A_150 = tpu.memref_slice %arg6[%add3A_144, %dma_wait3A_149] : memref<327680x128xf32, #tpu.memory_space<hbm>> -> memref<128x64xf32, #tpu.memory_space<hbm>>
          %dma_wait3A_151 = arith.constant 64 : i32
          %dma_wait3A_152 = tpu.memref_slice %arg6[%add3A_144, %dma_wait3A_151] : memref<327680x128xf32, #tpu.memory_space<hbm>> -> memref<128x64xf32, #tpu.memory_space<hbm>>
          tpu.wait_dma2 semaphore(%arg31 : memref<!tpu.dma_semaphore, #tpu.memory_space<semaphore_mem>>) src(%arg15 : memref<128x64xf32, #tpu.memory_space<vmem>>) dst(%dma_wait3A_152 : memref<128x64xf32, #tpu.memory_space<hbm>>)
        } else {
        }
        %dma_start3A = arith.constant 0 : i32
        %dma_start3A_129 = tpu.memref_slice %arg7[%add3A_89, %dma_start3A] : memref<80x128xi32, #tpu.memory_space<vmem>> -> memref<1x128xi32, #tpu.memory_space<vmem>>
        %dma_start3A_130 = tpu.memref_squeeze %dma_start3A_129 : memref<1x128xi32, #tpu.memory_space<vmem>> -> memref<128xi32, #tpu.memory_space<vmem>>
        %dma_start3A_131 = arith.constant 0 : i32
        %dma_start3A_132 = arith.constant 0 : i32
        %dma_start3A_133 = tpu.memref_slice %arg2[%dma_start3A_131, %dma_start3A_132] : memref<10000x64xf32, #tpu.memory_space<hbm>> -> memref<10000x64xf32, #tpu.memory_space<hbm>>
        tpu.enqueue_indirect_dma source(%dma_start3A_133 : memref<10000x64xf32, #tpu.memory_space<hbm>>) target(%arg11 : memref<128x64xf32, #tpu.memory_space<vmem>>) offsets(%dma_start3A_130 : memref<128xi32, #tpu.memory_space<vmem>>) semaphore(%arg19 : memref<!tpu.dma_semaphore, #tpu.memory_space<semaphore_mem>>)
        %dma_start3A_134 = arith.constant 0 : i32
        %dma_start3A_135 = tpu.memref_slice %arg8[%add3A_89, %dma_start3A_134] : memref<80x128xi32, #tpu.memory_space<vmem>> -> memref<1x128xi32, #tpu.memory_space<vmem>>
        %dma_start3A_136 = tpu.memref_squeeze %dma_start3A_135 : memref<1x128xi32, #tpu.memory_space<vmem>> -> memref<128xi32, #tpu.memory_space<vmem>>
        %dma_start3A_137 = arith.constant 0 : i32
        %dma_start3A_138 = arith.constant 0 : i32
        %dma_start3A_139 = tpu.memref_slice %arg3[%dma_start3A_137, %dma_start3A_138] : memref<10000x64xf32, #tpu.memory_space<hbm>> -> memref<10000x64xf32, #tpu.memory_space<hbm>>
        tpu.enqueue_indirect_dma source(%dma_start3A_139 : memref<10000x64xf32, #tpu.memory_space<hbm>>) target(%arg15 : memref<128x64xf32, #tpu.memory_space<vmem>>) offsets(%dma_start3A_136 : memref<128xi32, #tpu.memory_space<vmem>>) semaphore(%arg23 : memref<!tpu.dma_semaphore, #tpu.memory_space<semaphore_mem>>)
      } else {
      }
      %sub3A_95 = arith.constant 2 : i32
      %sub3A_96 = arith.subi %add3A_89, %sub3A_95 : i32
      %ge3A_97 = arith.constant 0 : i32
      %ge3A_98 = arith.cmpi sge, %sub3A_96, %ge3A_97 : i32
      %lt3A_99 = arith.constant 80 : i32
      %lt3A_100 = arith.cmpi slt, %sub3A_96, %lt3A_99 : i32
      %and3A_101 = arith.andi %ge3A_98, %lt3A_100 : i1
      %convert_element_type3A_102 = arith.extui %and3A_101 : i1 to i32
      %cond3A_103 = arith.constant 0 : i32
      %cond3A_104 = arith.cmpi ne, %convert_element_type3A_102, %cond3A_103 : i32
      scf.if %cond3A_104 {
        %dma_wait3A_124 = arith.constant 0 : i32
        %dma_wait3A_125 = tpu.memref_slice %arg7[%sub3A_96, %dma_wait3A_124] : memref<80x128xi32, #tpu.memory_space<vmem>> -> memref<1x128xi32, #tpu.memory_space<vmem>>
        %dma_wait3A_126 = tpu.memref_squeeze %dma_wait3A_125 : memref<1x128xi32, #tpu.memory_space<vmem>> -> memref<128xi32, #tpu.memory_space<vmem>>
        %dma_wait3A_127 = arith.constant 0 : i32
        %dma_wait3A_128 = arith.constant 0 : i32
        %dma_wait3A_129 = tpu.memref_slice %arg2[%dma_wait3A_127, %dma_wait3A_128] : memref<10000x64xf32, #tpu.memory_space<hbm>> -> memref<10000x64xf32, #tpu.memory_space<hbm>>
        tpu.wait_indirect_dma semaphore(%arg17 : memref<!tpu.dma_semaphore, #tpu.memory_space<semaphore_mem>>) src(%dma_wait3A_129 : memref<10000x64xf32, #tpu.memory_space<hbm>>) dst(%arg9 : memref<128x64xf32, #tpu.memory_space<vmem>>)
        %dma_wait3A_130 = arith.constant 0 : i32
        %dma_wait3A_131 = tpu.memref_slice %arg8[%sub3A_96, %dma_wait3A_130] : memref<80x128xi32, #tpu.memory_space<vmem>> -> memref<1x128xi32, #tpu.memory_space<vmem>>
        %dma_wait3A_132 = tpu.memref_squeeze %dma_wait3A_131 : memref<1x128xi32, #tpu.memory_space<vmem>> -> memref<128xi32, #tpu.memory_space<vmem>>
        %dma_wait3A_133 = arith.constant 0 : i32
        %dma_wait3A_134 = arith.constant 0 : i32
        %dma_wait3A_135 = tpu.memref_slice %arg3[%dma_wait3A_133, %dma_wait3A_134] : memref<10000x64xf32, #tpu.memory_space<hbm>> -> memref<10000x64xf32, #tpu.memory_space<hbm>>
        tpu.wait_indirect_dma semaphore(%arg21 : memref<!tpu.dma_semaphore, #tpu.memory_space<semaphore_mem>>) src(%dma_wait3A_135 : memref<10000x64xf32, #tpu.memory_space<hbm>>) dst(%arg13 : memref<128x64xf32, #tpu.memory_space<vmem>>)
        %mul3A_136 = arith.constant 128 : i32
        %mul3A_137 = arith.muli %sub3A_96, %mul3A_136 : i32
        %add3A_138 = arith.addi %mul3A_4, %mul3A_137 : i32
        %dma_start3A = arith.constant 0 : i32
        %dma_start3A_139 = tpu.memref_slice %arg6[%add3A_138, %dma_start3A] : memref<327680x128xf32, #tpu.memory_space<hbm>> -> memref<128x64xf32, #tpu.memory_space<hbm>>
        %dma_start3A_140 = arith.constant 0 : i32
        %dma_start3A_141 = tpu.memref_slice %arg6[%add3A_138, %dma_start3A_140] : memref<327680x128xf32, #tpu.memory_space<hbm>> -> memref<128x64xf32, #tpu.memory_space<hbm>>
        tpu.enqueue_dma source(%arg9 : memref<128x64xf32, #tpu.memory_space<vmem>>) target(%dma_start3A_141 : memref<128x64xf32, #tpu.memory_space<hbm>>) target_semaphore(%arg25 : memref<!tpu.dma_semaphore, #tpu.memory_space<semaphore_mem>>)
        %dma_start3A_142 = arith.constant 64 : i32
        %dma_start3A_143 = tpu.memref_slice %arg6[%add3A_138, %dma_start3A_142] : memref<327680x128xf32, #tpu.memory_space<hbm>> -> memref<128x64xf32, #tpu.memory_space<hbm>>
        %dma_start3A_144 = arith.constant 64 : i32
        %dma_start3A_145 = tpu.memref_slice %arg6[%add3A_138, %dma_start3A_144] : memref<327680x128xf32, #tpu.memory_space<hbm>> -> memref<128x64xf32, #tpu.memory_space<hbm>>
        tpu.enqueue_dma source(%arg13 : memref<128x64xf32, #tpu.memory_space<vmem>>) target(%dma_start3A_145 : memref<128x64xf32, #tpu.memory_space<hbm>>) target_semaphore(%arg29 : memref<!tpu.dma_semaphore, #tpu.memory_space<semaphore_mem>>)
      } else {
      }
      %mul3A_105 = arith.constant 4 : i32
      %mul3A_106 = arith.muli %scan3A_53, %mul3A_105 : i32
      %add3A_107 = arith.constant 3 : i32
      %add3A_108 = arith.addi %mul3A_106, %add3A_107 : i32
      %lt3A_109 = arith.constant 80 : i32
      %lt3A_110 = arith.cmpi slt, %add3A_108, %lt3A_109 : i32
      %convert_element_type3A_111 = arith.extui %lt3A_110 : i1 to i32
      %cond3A_112 = arith.constant 0 : i32
      %cond3A_113 = arith.cmpi ne, %convert_element_type3A_111, %cond3A_112 : i32
      scf.if %cond3A_113 {
        %ge3A_124 = arith.constant 4 : i32
        %ge3A_125 = arith.cmpi sge, %add3A_108, %ge3A_124 : i32
        %convert_element_type3A_126 = arith.extui %ge3A_125 : i1 to i32
        %cond3A_127 = arith.constant 0 : i32
        %cond3A_128 = arith.cmpi ne, %convert_element_type3A_126, %cond3A_127 : i32
        scf.if %cond3A_128 {
          %sub3A_140 = arith.constant 4 : i32
          %sub3A_141 = arith.subi %add3A_108, %sub3A_140 : i32
          %mul3A_142 = arith.constant 128 : i32
          %mul3A_143 = arith.muli %sub3A_141, %mul3A_142 : i32
          %add3A_144 = arith.addi %mul3A_4, %mul3A_143 : i32
          %dma_wait3A_145 = arith.constant 0 : i32
          %dma_wait3A_146 = tpu.memref_slice %arg6[%add3A_144, %dma_wait3A_145] : memref<327680x128xf32, #tpu.memory_space<hbm>> -> memref<128x64xf32, #tpu.memory_space<hbm>>
          %dma_wait3A_147 = arith.constant 0 : i32
          %dma_wait3A_148 = tpu.memref_slice %arg6[%add3A_144, %dma_wait3A_147] : memref<327680x128xf32, #tpu.memory_space<hbm>> -> memref<128x64xf32, #tpu.memory_space<hbm>>
          tpu.wait_dma2 semaphore(%arg28 : memref<!tpu.dma_semaphore, #tpu.memory_space<semaphore_mem>>) src(%arg12 : memref<128x64xf32, #tpu.memory_space<vmem>>) dst(%dma_wait3A_148 : memref<128x64xf32, #tpu.memory_space<hbm>>)
          %dma_wait3A_149 = arith.constant 64 : i32
          %dma_wait3A_150 = tpu.memref_slice %arg6[%add3A_144, %dma_wait3A_149] : memref<327680x128xf32, #tpu.memory_space<hbm>> -> memref<128x64xf32, #tpu.memory_space<hbm>>
          %dma_wait3A_151 = arith.constant 64 : i32
          %dma_wait3A_152 = tpu.memref_slice %arg6[%add3A_144, %dma_wait3A_151] : memref<327680x128xf32, #tpu.memory_space<hbm>> -> memref<128x64xf32, #tpu.memory_space<hbm>>
          tpu.wait_dma2 semaphore(%arg32 : memref<!tpu.dma_semaphore, #tpu.memory_space<semaphore_mem>>) src(%arg16 : memref<128x64xf32, #tpu.memory_space<vmem>>) dst(%dma_wait3A_152 : memref<128x64xf32, #tpu.memory_space<hbm>>)
        } else {
        }
        %dma_start3A = arith.constant 0 : i32
        %dma_start3A_129 = tpu.memref_slice %arg7[%add3A_108, %dma_start3A] : memref<80x128xi32, #tpu.memory_space<vmem>> -> memref<1x128xi32, #tpu.memory_space<vmem>>
        %dma_start3A_130 = tpu.memref_squeeze %dma_start3A_129 : memref<1x128xi32, #tpu.memory_space<vmem>> -> memref<128xi32, #tpu.memory_space<vmem>>
        %dma_start3A_131 = arith.constant 0 : i32
        %dma_start3A_132 = arith.constant 0 : i32
        %dma_start3A_133 = tpu.memref_slice %arg2[%dma_start3A_131, %dma_start3A_132] : memref<10000x64xf32, #tpu.memory_space<hbm>> -> memref<10000x64xf32, #tpu.memory_space<hbm>>
        tpu.enqueue_indirect_dma source(%dma_start3A_133 : memref<10000x64xf32, #tpu.memory_space<hbm>>) target(%arg12 : memref<128x64xf32, #tpu.memory_space<vmem>>) offsets(%dma_start3A_130 : memref<128xi32, #tpu.memory_space<vmem>>) semaphore(%arg20 : memref<!tpu.dma_semaphore, #tpu.memory_space<semaphore_mem>>)
        %dma_start3A_134 = arith.constant 0 : i32
        %dma_start3A_135 = tpu.memref_slice %arg8[%add3A_108, %dma_start3A_134] : memref<80x128xi32, #tpu.memory_space<vmem>> -> memref<1x128xi32, #tpu.memory_space<vmem>>
        %dma_start3A_136 = tpu.memref_squeeze %dma_start3A_135 : memref<1x128xi32, #tpu.memory_space<vmem>> -> memref<128xi32, #tpu.memory_space<vmem>>
        %dma_start3A_137 = arith.constant 0 : i32
        %dma_start3A_138 = arith.constant 0 : i32
        %dma_start3A_139 = tpu.memref_slice %arg3[%dma_start3A_137, %dma_start3A_138] : memref<10000x64xf32, #tpu.memory_space<hbm>> -> memref<10000x64xf32, #tpu.memory_space<hbm>>
        tpu.enqueue_indirect_dma source(%dma_start3A_139 : memref<10000x64xf32, #tpu.memory_space<hbm>>) target(%arg16 : memref<128x64xf32, #tpu.memory_space<vmem>>) offsets(%dma_start3A_136 : memref<128xi32, #tpu.memory_space<vmem>>) semaphore(%arg24 : memref<!tpu.dma_semaphore, #tpu.memory_space<semaphore_mem>>)
      } else {
      }
      %sub3A_114 = arith.constant 2 : i32
      %sub3A_115 = arith.subi %add3A_108, %sub3A_114 : i32
      %ge3A_116 = arith.constant 0 : i32
      %ge3A_117 = arith.cmpi sge, %sub3A_115, %ge3A_116 : i32
      %lt3A_118 = arith.constant 80 : i32
      %lt3A_119 = arith.cmpi slt, %sub3A_115, %lt3A_118 : i32
      %and3A_120 = arith.andi %ge3A_117, %lt3A_119 : i1
      %convert_element_type3A_121 = arith.extui %and3A_120 : i1 to i32
      %cond3A_122 = arith.constant 0 : i32
      %cond3A_123 = arith.cmpi ne, %convert_element_type3A_121, %cond3A_122 : i32
      scf.if %cond3A_123 {
        %dma_wait3A_124 = arith.constant 0 : i32
        %dma_wait3A_125 = tpu.memref_slice %arg7[%sub3A_115, %dma_wait3A_124] : memref<80x128xi32, #tpu.memory_space<vmem>> -> memref<1x128xi32, #tpu.memory_space<vmem>>
        %dma_wait3A_126 = tpu.memref_squeeze %dma_wait3A_125 : memref<1x128xi32, #tpu.memory_space<vmem>> -> memref<128xi32, #tpu.memory_space<vmem>>
        %dma_wait3A_127 = arith.constant 0 : i32
        %dma_wait3A_128 = arith.constant 0 : i32
        %dma_wait3A_129 = tpu.memref_slice %arg2[%dma_wait3A_127, %dma_wait3A_128] : memref<10000x64xf32, #tpu.memory_space<hbm>> -> memref<10000x64xf32, #tpu.memory_space<hbm>>
        tpu.wait_indirect_dma semaphore(%arg18 : memref<!tpu.dma_semaphore, #tpu.memory_space<semaphore_mem>>) src(%dma_wait3A_129 : memref<10000x64xf32, #tpu.memory_space<hbm>>) dst(%arg10 : memref<128x64xf32, #tpu.memory_space<vmem>>)
        %dma_wait3A_130 = arith.constant 0 : i32
        %dma_wait3A_131 = tpu.memref_slice %arg8[%sub3A_115, %dma_wait3A_130] : memref<80x128xi32, #tpu.memory_space<vmem>> -> memref<1x128xi32, #tpu.memory_space<vmem>>
        %dma_wait3A_132 = tpu.memref_squeeze %dma_wait3A_131 : memref<1x128xi32, #tpu.memory_space<vmem>> -> memref<128xi32, #tpu.memory_space<vmem>>
        %dma_wait3A_133 = arith.constant 0 : i32
        %dma_wait3A_134 = arith.constant 0 : i32
        %dma_wait3A_135 = tpu.memref_slice %arg3[%dma_wait3A_133, %dma_wait3A_134] : memref<10000x64xf32, #tpu.memory_space<hbm>> -> memref<10000x64xf32, #tpu.memory_space<hbm>>
        tpu.wait_indirect_dma semaphore(%arg22 : memref<!tpu.dma_semaphore, #tpu.memory_space<semaphore_mem>>) src(%dma_wait3A_135 : memref<10000x64xf32, #tpu.memory_space<hbm>>) dst(%arg14 : memref<128x64xf32, #tpu.memory_space<vmem>>)
        %mul3A_136 = arith.constant 128 : i32
        %mul3A_137 = arith.muli %sub3A_115, %mul3A_136 : i32
        %add3A_138 = arith.addi %mul3A_4, %mul3A_137 : i32
        %dma_start3A = arith.constant 0 : i32
        %dma_start3A_139 = tpu.memref_slice %arg6[%add3A_138, %dma_start3A] : memref<327680x128xf32, #tpu.memory_space<hbm>> -> memref<128x64xf32, #tpu.memory_space<hbm>>
        %dma_start3A_140 = arith.constant 0 : i32
        %dma_start3A_141 = tpu.memref_slice %arg6[%add3A_138, %dma_start3A_140] : memref<327680x128xf32, #tpu.memory_space<hbm>> -> memref<128x64xf32, #tpu.memory_space<hbm>>
        tpu.enqueue_dma source(%arg10 : memref<128x64xf32, #tpu.memory_space<vmem>>) target(%dma_start3A_141 : memref<128x64xf32, #tpu.memory_space<hbm>>) target_semaphore(%arg26 : memref<!tpu.dma_semaphore, #tpu.memory_space<semaphore_mem>>)
        %dma_start3A_142 = arith.constant 64 : i32
        %dma_start3A_143 = tpu.memref_slice %arg6[%add3A_138, %dma_start3A_142] : memref<327680x128xf32, #tpu.memory_space<hbm>> -> memref<128x64xf32, #tpu.memory_space<hbm>>
        %dma_start3A_144 = arith.constant 64 : i32
        %dma_start3A_145 = tpu.memref_slice %arg6[%add3A_138, %dma_start3A_144] : memref<327680x128xf32, #tpu.memory_space<hbm>> -> memref<128x64xf32, #tpu.memory_space<hbm>>
        tpu.enqueue_dma source(%arg14 : memref<128x64xf32, #tpu.memory_space<vmem>>) target(%dma_start3A_145 : memref<128x64xf32, #tpu.memory_space<hbm>>) target_semaphore(%arg30 : memref<!tpu.dma_semaphore, #tpu.memory_space<semaphore_mem>>)
      } else {
      }
    }
    %scan3A_13 = arith.constant 21 : i32
    %add3A_14 = arith.constant 9728 : i32
    %add3A_15 = arith.addi %mul3A_4, %add3A_14 : i32
    %dma_wait3A = arith.constant 0 : i32
    %dma_wait3A_16 = tpu.memref_slice %arg6[%add3A_15, %dma_wait3A] : memref<327680x128xf32, #tpu.memory_space<hbm>> -> memref<128x64xf32, #tpu.memory_space<hbm>>
    %dma_wait3A_17 = arith.constant 0 : i32
    %dma_wait3A_18 = tpu.memref_slice %arg6[%add3A_15, %dma_wait3A_17] : memref<327680x128xf32, #tpu.memory_space<hbm>> -> memref<128x64xf32, #tpu.memory_space<hbm>>
    tpu.wait_dma2 semaphore(%arg25 : memref<!tpu.dma_semaphore, #tpu.memory_space<semaphore_mem>>) src(%arg9 : memref<128x64xf32, #tpu.memory_space<vmem>>) dst(%dma_wait3A_18 : memref<128x64xf32, #tpu.memory_space<hbm>>)
    %dma_wait3A_19 = arith.constant 64 : i32
    %dma_wait3A_20 = tpu.memref_slice %arg6[%add3A_15, %dma_wait3A_19] : memref<327680x128xf32, #tpu.memory_space<hbm>> -> memref<128x64xf32, #tpu.memory_space<hbm>>
    %dma_wait3A_21 = arith.constant 64 : i32
    %dma_wait3A_22 = tpu.memref_slice %arg6[%add3A_15, %dma_wait3A_21] : memref<327680x128xf32, #tpu.memory_space<hbm>> -> memref<128x64xf32, #tpu.memory_space<hbm>>
    tpu.wait_dma2 semaphore(%arg29 : memref<!tpu.dma_semaphore, #tpu.memory_space<semaphore_mem>>) src(%arg13 : memref<128x64xf32, #tpu.memory_space<vmem>>) dst(%dma_wait3A_22 : memref<128x64xf32, #tpu.memory_space<hbm>>)
    %add3A_23 = arith.constant 9856 : i32
    %add3A_24 = arith.addi %mul3A_4, %add3A_23 : i32
    %dma_wait3A_25 = arith.constant 0 : i32
    %dma_wait3A_26 = tpu.memref_slice %arg6[%add3A_24, %dma_wait3A_25] : memref<327680x128xf32, #tpu.memory_space<hbm>> -> memref<128x64xf32, #tpu.memory_space<hbm>>
    %dma_wait3A_27 = arith.constant 0 : i32
    %dma_wait3A_28 = tpu.memref_slice %arg6[%add3A_24, %dma_wait3A_27] : memref<327680x128xf32, #tpu.memory_space<hbm>> -> memref<128x64xf32, #tpu.memory_space<hbm>>
    tpu.wait_dma2 semaphore(%arg26 : memref<!tpu.dma_semaphore, #tpu.memory_space<semaphore_mem>>) src(%arg10 : memref<128x64xf32, #tpu.memory_space<vmem>>) dst(%dma_wait3A_28 : memref<128x64xf32, #tpu.memory_space<hbm>>)
    %dma_wait3A_29 = arith.constant 64 : i32
    %dma_wait3A_30 = tpu.memref_slice %arg6[%add3A_24, %dma_wait3A_29] : memref<327680x128xf32, #tpu.memory_space<hbm>> -> memref<128x64xf32, #tpu.memory_space<hbm>>
    %dma_wait3A_31 = arith.constant 64 : i32
    %dma_wait3A_32 = tpu.memref_slice %arg6[%add3A_24, %dma_wait3A_31] : memref<327680x128xf32, #tpu.memory_space<hbm>> -> memref<128x64xf32, #tpu.memory_space<hbm>>
    tpu.wait_dma2 semaphore(%arg30 : memref<!tpu.dma_semaphore, #tpu.memory_space<semaphore_mem>>) src(%arg14 : memref<128x64xf32, #tpu.memory_space<vmem>>) dst(%dma_wait3A_32 : memref<128x64xf32, #tpu.memory_space<hbm>>)
    %add3A_33 = arith.constant 9984 : i32
    %add3A_34 = arith.addi %mul3A_4, %add3A_33 : i32
    %dma_wait3A_35 = arith.constant 0 : i32
    %dma_wait3A_36 = tpu.memref_slice %arg6[%add3A_34, %dma_wait3A_35] : memref<327680x128xf32, #tpu.memory_space<hbm>> -> memref<128x64xf32, #tpu.memory_space<hbm>>
    %dma_wait3A_37 = arith.constant 0 : i32
    %dma_wait3A_38 = tpu.memref_slice %arg6[%add3A_34, %dma_wait3A_37] : memref<327680x128xf32, #tpu.memory_space<hbm>> -> memref<128x64xf32, #tpu.memory_space<hbm>>
    tpu.wait_dma2 semaphore(%arg27 : memref<!tpu.dma_semaphore, #tpu.memory_space<semaphore_mem>>) src(%arg11 : memref<128x64xf32, #tpu.memory_space<vmem>>) dst(%dma_wait3A_38 : memref<128x64xf32, #tpu.memory_space<hbm>>)
    %dma_wait3A_39 = arith.constant 64 : i32
    %dma_wait3A_40 = tpu.memref_slice %arg6[%add3A_34, %dma_wait3A_39] : memref<327680x128xf32, #tpu.memory_space<hbm>> -> memref<128x64xf32, #tpu.memory_space<hbm>>
    %dma_wait3A_41 = arith.constant 64 : i32
    %dma_wait3A_42 = tpu.memref_slice %arg6[%add3A_34, %dma_wait3A_41] : memref<327680x128xf32, #tpu.memory_space<hbm>> -> memref<128x64xf32, #tpu.memory_space<hbm>>
    tpu.wait_dma2 semaphore(%arg31 : memref<!tpu.dma_semaphore, #tpu.memory_space<semaphore_mem>>) src(%arg15 : memref<128x64xf32, #tpu.memory_space<vmem>>) dst(%dma_wait3A_42 : memref<128x64xf32, #tpu.memory_space<hbm>>)
    %add3A_43 = arith.constant 10112 : i32
    %add3A_44 = arith.addi %mul3A_4, %add3A_43 : i32
    %dma_wait3A_45 = arith.constant 0 : i32
    %dma_wait3A_46 = tpu.memref_slice %arg6[%add3A_44, %dma_wait3A_45] : memref<327680x128xf32, #tpu.memory_space<hbm>> -> memref<128x64xf32, #tpu.memory_space<hbm>>
    %dma_wait3A_47 = arith.constant 0 : i32
    %dma_wait3A_48 = tpu.memref_slice %arg6[%add3A_44, %dma_wait3A_47] : memref<327680x128xf32, #tpu.memory_space<hbm>> -> memref<128x64xf32, #tpu.memory_space<hbm>>
    tpu.wait_dma2 semaphore(%arg28 : memref<!tpu.dma_semaphore, #tpu.memory_space<semaphore_mem>>) src(%arg12 : memref<128x64xf32, #tpu.memory_space<vmem>>) dst(%dma_wait3A_48 : memref<128x64xf32, #tpu.memory_space<hbm>>)
    %dma_wait3A_49 = arith.constant 64 : i32
    %dma_wait3A_50 = tpu.memref_slice %arg6[%add3A_44, %dma_wait3A_49] : memref<327680x128xf32, #tpu.memory_space<hbm>> -> memref<128x64xf32, #tpu.memory_space<hbm>>
    %dma_wait3A_51 = arith.constant 64 : i32
    %dma_wait3A_52 = tpu.memref_slice %arg6[%add3A_44, %dma_wait3A_51] : memref<327680x128xf32, #tpu.memory_space<hbm>> -> memref<128x64xf32, #tpu.memory_space<hbm>>
    tpu.wait_dma2 semaphore(%arg32 : memref<!tpu.dma_semaphore, #tpu.memory_space<semaphore_mem>>) src(%arg16 : memref<128x64xf32, #tpu.memory_space<vmem>>) dst(%dma_wait3A_52 : memref<128x64xf32, #tpu.memory_space<hbm>>)
    return
  }
}

module attributes {stable_mosaic.version = 14 : i64} {
  func.func @body(%arg0: memref<10000x128xf32, #tpu.memory_space<vmem>>, %arg1: memref<128x128xf32, #tpu.memory_space<vmem>>, %arg2: memref<1x128xf32, #tpu.memory_space<vmem>>, %arg3: memref<128x128xf32, #tpu.memory_space<vmem>>, %arg4: memref<2x10240x16xf32, #tpu.memory_space<vmem>>, %arg5: memref<10000x64xf32, #tpu.memory_space<vmem>>, %arg6: memref<10000x64xf32, #tpu.memory_space<vmem>>) attributes {dimension_semantics = [], scalar_prefetch = 0 : i64, scratch_operands = 0 : i64, tpu.core_type = #tpu.core_type<tc>} {
    %get3A = arith.constant 0 : index
    %get3A_0 = arith.constant 0 : index
    %get3A_1 = vector.load %arg0[%get3A, %get3A_0] : memref<10000x128xf32, #tpu.memory_space<vmem>>, vector<10000x128xf32>
    %get3A_2 = arith.constant 0 : index
    %get3A_3 = arith.constant 0 : index
    %get3A_4 = vector.load %arg1[%get3A_2, %get3A_3] : memref<128x128xf32, #tpu.memory_space<vmem>>, vector<128x128xf32>
    %dot_general3A = arith.constant dense<0.000000e+00> : vector<10000x128xf32>
    %dot_general3A_5 = tpu.matmul %get3A_1, %get3A_4, %dot_general3A {dimension_numbers = #tpu.dot_dimension_numbers<[1], [0], [0], [1], [0, 0, 1, 1], [], []>, transpose_lhs_hint = false} : vector<10000x128xf32>, vector<128x128xf32>, vector<10000x128xf32> -> vector<10000x128xf32>
    %get3A_6 = arith.constant 0 : index
    %get3A_7 = arith.constant 0 : index
    %get3A_8 = vector.load %arg2[%get3A_6, %get3A_7] : memref<1x128xf32, #tpu.memory_space<vmem>>, vector<1x128xf32>
    %add3A = vector.broadcast %get3A_8 : vector<1x128xf32> to vector<10000x128xf32>
    %add3A_9 = arith.addf %dot_general3A_5, %add3A : vector<10000x128xf32>
    %get3A_10 = arith.constant 0 : index
    %get3A_11 = arith.constant 0 : index
    %get3A_12 = vector.load %arg3[%get3A_10, %get3A_11] : memref<128x128xf32, #tpu.memory_space<vmem>>, vector<128x128xf32>
    %dot_general3A_13 = arith.constant dense<0.000000e+00> : vector<10000x128xf32>
    %dot_general3A_14 = tpu.matmul %add3A_9, %get3A_12, %dot_general3A_13 {dimension_numbers = #tpu.dot_dimension_numbers<[1], [0], [0], [1], [0, 0, 1, 1], [], []>, transpose_lhs_hint = false} : vector<10000x128xf32>, vector<128x128xf32>, vector<10000x128xf32> -> vector<10000x128xf32>
    %get3A_15 = arith.constant 0 : index
    %get3A_16 = arith.constant 0 : index
    %get3A_17 = arith.constant 0 : index
    %get3A_18 = vector.load %arg4[%get3A_15, %get3A_16, %get3A_17] : memref<2x10240x16xf32, #tpu.memory_space<vmem>>, vector<2x10240x16xf32>
    %reduce_sum3A = arith.constant dense<0.000000e+00> : vector<10240xf32>
    %reduce_sum3A_19 = vector.multi_reduction <add>, %get3A_18, %reduce_sum3A [0, 2] : vector<2x10240x16xf32> to vector<10240xf32>
    %slice3A = vector.extract_strided_slice %reduce_sum3A_19 {offsets = [0], sizes = [10000], strides = [1]} : vector<10240xf32> to vector<10000xf32>
    %add3A_20 = arith.constant 1.000000e+00 : f32
    %add3A_21 = vector.broadcast %add3A_20 : f32 to vector<10000xf32>
    %add3A_22 = arith.addf %add3A_21, %slice3A : vector<10000xf32>
    %rsqrt3A = math.rsqrt %add3A_22 : vector<10000xf32>
    %broadcast_in_dim3A = vector.shape_cast %rsqrt3A : vector<10000xf32> to vector<10000x1xf32>
    %mul3A = vector.broadcast %broadcast_in_dim3A : vector<10000x1xf32> to vector<10000x128xf32>
    %mul3A_23 = arith.mulf %dot_general3A_14, %mul3A : vector<10000x128xf32>
    %slice3A_24 = vector.extract_strided_slice %mul3A_23 {offsets = [0, 0], sizes = [10000, 64], strides = [1, 1]} : vector<10000x128xf32> to vector<10000x64xf32>
    %swap3A = arith.constant 0 : index
    %swap3A_25 = arith.constant 0 : index
    %swap3A_26 = vector.load %arg5[%swap3A, %swap3A_25] : memref<10000x64xf32, #tpu.memory_space<vmem>>, vector<10000x64xf32>
    tpu.vector_store %arg5[%swap3A, %swap3A_25], %slice3A_24 {strides = array<i32>} : memref<10000x64xf32, #tpu.memory_space<vmem>>, vector<10000x64xf32>,
    %slice3A_27 = vector.extract_strided_slice %mul3A_23 {offsets = [0, 64], sizes = [10000, 64], strides = [1, 1]} : vector<10000x128xf32> to vector<10000x64xf32>
    %swap3A_28 = arith.constant 0 : index
    %swap3A_29 = arith.constant 0 : index
    %swap3A_30 = vector.load %arg6[%swap3A_28, %swap3A_29] : memref<10000x64xf32, #tpu.memory_space<vmem>>, vector<10000x64xf32>
    tpu.vector_store %arg6[%swap3A_28, %swap3A_29], %slice3A_27 {strides = array<i32>} : memref<10000x64xf32, #tpu.memory_space<vmem>>, vector<10000x64xf32>,
    return
  }
}

module attributes {stable_mosaic.version = 14 : i64} {
  func.func @body(%arg0: memref<2x10240x64xf32, #tpu.memory_space<vmem>>, %arg1: memref<10000x64xf32, #tpu.memory_space<vmem>>, %arg2: memref<10000x64xf32, #tpu.memory_space<vmem>>, %arg3: memref<2x10240x16xf32, #tpu.memory_space<vmem>>, %arg4: memref<128x64xf32, #tpu.memory_space<vmem>>, %arg5: memref<1x128xf32, #tpu.memory_space<vmem>>, %arg6: memref<10000x32xf32, #tpu.memory_space<vmem>>, %arg7: memref<10000x32xf32, #tpu.memory_space<vmem>>) attributes {dimension_semantics = [], scalar_prefetch = 0 : i64, scratch_operands = 0 : i64, tpu.core_type = #tpu.core_type<tc>} {
    %get3A = arith.constant 0 : index
    %get3A_0 = arith.constant 0 : index
    %get3A_1 = arith.constant 0 : index
    %get3A_2 = vector.load %arg3[%get3A, %get3A_0, %get3A_1] : memref<2x10240x16xf32, #tpu.memory_space<vmem>>, vector<2x10240x16xf32>
    %reduce_sum3A = arith.constant dense<0.000000e+00> : vector<10240xf32>
    %reduce_sum3A_3 = vector.multi_reduction <add>, %get3A_2, %reduce_sum3A [0, 2] : vector<2x10240x16xf32> to vector<10240xf32>
    %slice3A = vector.extract_strided_slice %reduce_sum3A_3 {offsets = [0], sizes = [10000], strides = [1]} : vector<10240xf32> to vector<10000xf32>
    %add3A = arith.constant 1.000000e+00 : f32
    %add3A_4 = vector.broadcast %add3A : f32 to vector<10000xf32>
    %add3A_5 = arith.addf %add3A_4, %slice3A : vector<10000xf32>
    %rsqrt3A = math.rsqrt %add3A_5 : vector<10000xf32>
    %broadcast_in_dim3A = vector.shape_cast %rsqrt3A : vector<10000xf32> to vector<10000x1xf32>
    %get3A_6 = arith.constant 0 : index
    %get3A_7 = arith.constant 0 : index
    %get3A_8 = arith.constant 0 : index
    %get3A_9 = vector.load %arg0[%get3A_6, %get3A_7, %get3A_8] : memref<2x10240x64xf32, #tpu.memory_space<vmem>>, vector<1x10000x64xf32>
    %get3A_10 = vector.shape_cast %get3A_9 : vector<1x10000x64xf32> to vector<10000x64xf32>
    %get3A_11 = arith.constant 0 : index
    %get3A_12 = arith.constant 0 : index
    %get3A_13 = vector.load %arg1[%get3A_11, %get3A_12] : memref<10000x64xf32, #tpu.memory_space<vmem>>, vector<10000x64xf32>
    %add3A_14 = arith.addf %get3A_10, %get3A_13 : vector<10000x64xf32>
    %get3A_15 = arith.constant 1 : index
    %get3A_16 = arith.constant 0 : index
    %get3A_17 = arith.constant 0 : index
    %get3A_18 = vector.load %arg0[%get3A_15, %get3A_16, %get3A_17] : memref<2x10240x64xf32, #tpu.memory_space<vmem>>, vector<1x10000x64xf32>
    %get3A_19 = vector.shape_cast %get3A_18 : vector<1x10000x64xf32> to vector<10000x64xf32>
    %get3A_20 = arith.constant 0 : index
    %get3A_21 = arith.constant 0 : index
    %get3A_22 = vector.load %arg2[%get3A_20, %get3A_21] : memref<10000x64xf32, #tpu.memory_space<vmem>>, vector<10000x64xf32>
    %add3A_23 = arith.addf %get3A_19, %get3A_22 : vector<10000x64xf32>
    %concatenate3A = tpu.concatenate %add3A_14, %add3A_23 in 1 : vector<10000x64xf32>, vector<10000x64xf32> -> vector<10000x128xf32>
    %mul3A = vector.broadcast %broadcast_in_dim3A : vector<10000x1xf32> to vector<10000x128xf32>
    %mul3A_24 = arith.mulf %concatenate3A, %mul3A : vector<10000x128xf32>
    %get3A_25 = arith.constant 0 : index
    %get3A_26 = arith.constant 0 : index
    %get3A_27 = vector.load %arg5[%get3A_25, %get3A_26] : memref<1x128xf32, #tpu.memory_space<vmem>>, vector<1x128xf32>
    %add3A_28 = vector.broadcast %get3A_27 : vector<1x128xf32> to vector<10000x128xf32>
    %add3A_29 = arith.addf %mul3A_24, %add3A_28 : vector<10000x128xf32>
    %max3A = arith.constant 0.000000e+00 : f32
    %max3A_30 = vector.broadcast %max3A : f32 to vector<10000x128xf32>
    %max3A_31 = arith.maximumf %add3A_29, %max3A_30 : vector<10000x128xf32>
    %get3A_32 = arith.constant 0 : index
    %get3A_33 = arith.constant 0 : index
    %get3A_34 = vector.load %arg4[%get3A_32, %get3A_33] : memref<128x64xf32, #tpu.memory_space<vmem>>, vector<128x64xf32>
    %dot_general3A = arith.constant dense<0.000000e+00> : vector<10000x64xf32>
    %dot_general3A_35 = tpu.matmul %max3A_31, %get3A_34, %dot_general3A {dimension_numbers = #tpu.dot_dimension_numbers<[1], [0], [0], [1], [0, 0, 1, 1], [], []>, transpose_lhs_hint = false} : vector<10000x128xf32>, vector<128x64xf32>, vector<10000x64xf32> -> vector<10000x64xf32>
    %mul3A_36 = vector.broadcast %broadcast_in_dim3A : vector<10000x1xf32> to vector<10000x64xf32>
    %mul3A_37 = arith.mulf %dot_general3A_35, %mul3A_36 : vector<10000x64xf32>
    %slice3A_38 = vector.extract_strided_slice %mul3A_37 {offsets = [0, 0], sizes = [10000, 32], strides = [1, 1]} : vector<10000x64xf32> to vector<10000x32xf32>
    %swap3A = arith.constant 0 : index
    %swap3A_39 = arith.constant 0 : index
    %swap3A_40 = vector.load %arg6[%swap3A, %swap3A_39] : memref<10000x32xf32, #tpu.memory_space<vmem>>, vector<10000x32xf32>
    tpu.vector_store %arg6[%swap3A, %swap3A_39], %slice3A_38 {strides = array<i32>} : memref<10000x32xf32, #tpu.memory_space<vmem>>, vector<10000x32xf32>,
    %slice3A_41 = vector.extract_strided_slice %mul3A_37 {offsets = [0, 32], sizes = [10000, 32], strides = [1, 1]} : vector<10000x64xf32> to vector<10000x32xf32>
    %swap3A_42 = arith.constant 0 : index
    %swap3A_43 = arith.constant 0 : index
    %swap3A_44 = vector.load %arg7[%swap3A_42, %swap3A_43] : memref<10000x32xf32, #tpu.memory_space<vmem>>, vector<10000x32xf32>
    tpu.vector_store %arg7[%swap3A_42, %swap3A_43], %slice3A_41 {strides = array<i32>} : memref<10000x32xf32, #tpu.memory_space<vmem>>, vector<10000x32xf32>,
    return
  }
}

module attributes {stable_mosaic.version = 14 : i64} {
  func.func @body(%arg0: memref<2x10240x32xf32, #tpu.memory_space<vmem>>, %arg1: memref<10000x32xf32, #tpu.memory_space<vmem>>, %arg2: memref<10000x32xf32, #tpu.memory_space<vmem>>, %arg3: memref<2x10240x16xf32, #tpu.memory_space<vmem>>, %arg4: memref<1x64xf32, #tpu.memory_space<vmem>>, %arg5: memref<128x64xf32, #tpu.memory_space<vmem>>, %arg6: memref<1x64xf32, #tpu.memory_space<vmem>>, %arg7: memref<10000x64xf32, #tpu.memory_space<vmem>>, %arg8: memref<10000x64xf32, #tpu.memory_space<vmem>>) attributes {dimension_semantics = [], scalar_prefetch = 0 : i64, scratch_operands = 0 : i64, tpu.core_type = #tpu.core_type<tc>} {
    %get3A = arith.constant 0 : index
    %get3A_0 = arith.constant 0 : index
    %get3A_1 = arith.constant 0 : index
    %get3A_2 = vector.load %arg3[%get3A, %get3A_0, %get3A_1] : memref<2x10240x16xf32, #tpu.memory_space<vmem>>, vector<2x10240x16xf32>
    %reduce_sum3A = arith.constant dense<0.000000e+00> : vector<10240xf32>
    %reduce_sum3A_3 = vector.multi_reduction <add>, %get3A_2, %reduce_sum3A [0, 2] : vector<2x10240x16xf32> to vector<10240xf32>
    %slice3A = vector.extract_strided_slice %reduce_sum3A_3 {offsets = [0], sizes = [10000], strides = [1]} : vector<10240xf32> to vector<10000xf32>
    %add3A = arith.constant 1.000000e+00 : f32
    %add3A_4 = vector.broadcast %add3A : f32 to vector<10000xf32>
    %add3A_5 = arith.addf %add3A_4, %slice3A : vector<10000xf32>
    %rsqrt3A = math.rsqrt %add3A_5 : vector<10000xf32>
    %broadcast_in_dim3A = vector.shape_cast %rsqrt3A : vector<10000xf32> to vector<10000x1xf32>
    %get3A_6 = arith.constant 0 : index
    %get3A_7 = arith.constant 0 : index
    %get3A_8 = arith.constant 0 : index
    %get3A_9 = vector.load %arg0[%get3A_6, %get3A_7, %get3A_8] : memref<2x10240x32xf32, #tpu.memory_space<vmem>>, vector<1x10000x32xf32>
    %get3A_10 = vector.shape_cast %get3A_9 : vector<1x10000x32xf32> to vector<10000x32xf32>
    %get3A_11 = arith.constant 0 : index
    %get3A_12 = arith.constant 0 : index
    %get3A_13 = vector.load %arg1[%get3A_11, %get3A_12] : memref<10000x32xf32, #tpu.memory_space<vmem>>, vector<10000x32xf32>
    %add3A_14 = arith.addf %get3A_10, %get3A_13 : vector<10000x32xf32>
    %get3A_15 = arith.constant 1 : index
    %get3A_16 = arith.constant 0 : index
    %get3A_17 = arith.constant 0 : index
    %get3A_18 = vector.load %arg0[%get3A_15, %get3A_16, %get3A_17] : memref<2x10240x32xf32, #tpu.memory_space<vmem>>, vector<1x10000x32xf32>
    %get3A_19 = vector.shape_cast %get3A_18 : vector<1x10000x32xf32> to vector<10000x32xf32>
    %get3A_20 = arith.constant 0 : index
    %get3A_21 = arith.constant 0 : index
    %get3A_22 = vector.load %arg2[%get3A_20, %get3A_21] : memref<10000x32xf32, #tpu.memory_space<vmem>>, vector<10000x32xf32>
    %add3A_23 = arith.addf %get3A_19, %get3A_22 : vector<10000x32xf32>
    %concatenate3A = tpu.concatenate %add3A_14, %add3A_23 in 1 : vector<10000x32xf32>, vector<10000x32xf32> -> vector<10000x64xf32>
    %mul3A = vector.broadcast %broadcast_in_dim3A : vector<10000x1xf32> to vector<10000x64xf32>
    %mul3A_24 = arith.mulf %concatenate3A, %mul3A : vector<10000x64xf32>
    %get3A_25 = arith.constant 0 : index
    %get3A_26 = arith.constant 0 : index
    %get3A_27 = vector.load %arg4[%get3A_25, %get3A_26] : memref<1x64xf32, #tpu.memory_space<vmem>>, vector<1x64xf32>
    %add3A_28 = vector.broadcast %get3A_27 : vector<1x64xf32> to vector<10000x64xf32>
    %add3A_29 = arith.addf %mul3A_24, %add3A_28 : vector<10000x64xf32>
    %get3A_30 = arith.constant 0 : index
    %get3A_31 = arith.constant 0 : index
    %get3A_32 = vector.load %arg5[%get3A_30, %get3A_31] : memref<128x64xf32, #tpu.memory_space<vmem>>, vector<128x64xf32>
    %get3A_33 = arith.constant 0 : index
    %get3A_34 = arith.constant 0 : index
    %get3A_35 = vector.load %arg6[%get3A_33, %get3A_34] : memref<1x64xf32, #tpu.memory_space<vmem>>, vector<1x64xf32>
    %mul3A_36 = arith.constant 0.999994993 : f32
    %mul3A_37 = vector.broadcast %mul3A_36 : f32 to vector<1x64xf32>
    %mul3A_38 = arith.mulf %get3A_35, %mul3A_37 : vector<1x64xf32>
    %mul3A_39 = vector.broadcast %mul3A_38 : vector<1x64xf32> to vector<128x64xf32>
    %mul3A_40 = arith.mulf %get3A_32, %mul3A_39 : vector<128x64xf32>
    %slice3A_41 = vector.extract_strided_slice %mul3A_40 {offsets = [0, 0], sizes = [64, 64], strides = [1, 1]} : vector<128x64xf32> to vector<64x64xf32>
    %dot_general3A = arith.constant dense<0.000000e+00> : vector<10000x64xf32>
    %dot_general3A_42 = tpu.matmul %add3A_29, %slice3A_41, %dot_general3A {dimension_numbers = #tpu.dot_dimension_numbers<[1], [0], [0], [1], [0, 0, 1, 1], [], []>, transpose_lhs_hint = false} : vector<10000x64xf32>, vector<64x64xf32>, vector<10000x64xf32> -> vector<10000x64xf32>
    %swap3A = arith.constant 0 : index
    %swap3A_43 = arith.constant 0 : index
    %swap3A_44 = vector.load %arg7[%swap3A, %swap3A_43] : memref<10000x64xf32, #tpu.memory_space<vmem>>, vector<10000x64xf32>
    tpu.vector_store %arg7[%swap3A, %swap3A_43], %dot_general3A_42 {strides = array<i32>} : memref<10000x64xf32, #tpu.memory_space<vmem>>, vector<10000x64xf32>,
    %slice3A_45 = vector.extract_strided_slice %mul3A_40 {offsets = [64, 0], sizes = [64, 64], strides = [1, 1]} : vector<128x64xf32> to vector<64x64xf32>
    %dot_general3A_46 = arith.constant dense<0.000000e+00> : vector<10000x64xf32>
    %dot_general3A_47 = tpu.matmul %add3A_29, %slice3A_45, %dot_general3A_46 {dimension_numbers = #tpu.dot_dimension_numbers<[1], [0], [0], [1], [0, 0, 1, 1], [], []>, transpose_lhs_hint = false} : vector<10000x64xf32>, vector<64x64xf32>, vector<10000x64xf32> -> vector<10000x64xf32>
    %swap3A_48 = arith.constant 0 : index
    %swap3A_49 = arith.constant 0 : index
    %swap3A_50 = vector.load %arg8[%swap3A_48, %swap3A_49] : memref<10000x64xf32, #tpu.memory_space<vmem>>, vector<10000x64xf32>
    tpu.vector_store %arg8[%swap3A_48, %swap3A_49], %dot_general3A_47 {strides = array<i32>} : memref<10000x64xf32, #tpu.memory_space<vmem>>, vector<10000x64xf32>,
    return
  }
}

module attributes {stable_mosaic.version = 14 : i64} {
  func.func @body(%arg0: i32, %arg1: memref<8192x128xf32, #tpu.memory_space<vmem>>, %arg2: memref<1x64xf32, #tpu.memory_space<vmem>>, %arg3: memref<1x64xf32, #tpu.memory_space<vmem>>, %arg4: memref<1x64xf32, #tpu.memory_space<vmem>>, %arg5: memref<64x32xf32, #tpu.memory_space<vmem>>, %arg6: memref<1x32xf32, #tpu.memory_space<vmem>>, %arg7: memref<1x32xf32, #tpu.memory_space<vmem>>, %arg8: memref<1x32xf32, #tpu.memory_space<vmem>>, %arg9: memref<32x1xf32, #tpu.memory_space<vmem>>, %arg10: memref<1x1xf32, #tpu.memory_space<vmem>>, %arg11: memref<8192x1xf32, #tpu.memory_space<vmem>>) attributes {dimension_semantics = [#tpu.dimension_semantics<arbitrary>], iteration_bounds = array<i64: 40>, scalar_prefetch = 0 : i64, scratch_operands = 0 : i64, tpu.core_type = #tpu.core_type<tc>, window_params = [{transform_indices = @transform_0, window_bounds = array<i64: 8192, 128>}, {pipeline_mode = #tpu.pipeline_mode<synchronous>, transform_indices = @transform_1, window_bounds = array<i64: 1, 64>}, {pipeline_mode = #tpu.pipeline_mode<synchronous>, transform_indices = @transform_2, window_bounds = array<i64: 1, 64>}, {pipeline_mode = #tpu.pipeline_mode<synchronous>, transform_indices = @transform_3, window_bounds = array<i64: 1, 64>}, {pipeline_mode = #tpu.pipeline_mode<synchronous>, transform_indices = @transform_4, window_bounds = array<i64: 64, 32>}, {pipeline_mode = #tpu.pipeline_mode<synchronous>, transform_indices = @transform_5, window_bounds = array<i64: 1, 32>}, {pipeline_mode = #tpu.pipeline_mode<synchronous>, transform_indices = @transform_6, window_bounds = array<i64: 1, 32>}, {pipeline_mode = #tpu.pipeline_mode<synchronous>, transform_indices = @transform_7, window_bounds = array<i64: 1, 32>}, {pipeline_mode = #tpu.pipeline_mode<synchronous>, transform_indices = @transform_8, window_bounds = array<i64: 32, 1>}, {pipeline_mode = #tpu.pipeline_mode<synchronous>, transform_indices = @transform_9, window_bounds = array<i64: 1, 1>}, {transform_indices = @transform_10, window_bounds = array<i64: 8192, 1>}]} {
    %get3A = arith.constant 0 : index
    %get3A_0 = arith.constant 0 : index
    %get3A_1 = vector.load %arg2[%get3A, %get3A_0] : memref<1x64xf32, #tpu.memory_space<vmem>>, vector<1x64xf32>
    %get3A_2 = arith.constant 0 : index
    %get3A_3 = arith.constant 0 : index
    %get3A_4 = vector.load %arg3[%get3A_2, %get3A_3] : memref<1x64xf32, #tpu.memory_space<vmem>>, vector<1x64xf32>
    %mul3A = arith.constant 0.999994993 : f32
    %mul3A_5 = vector.broadcast %mul3A : f32 to vector<1x64xf32>
    %mul3A_6 = arith.mulf %get3A_4, %mul3A_5 : vector<1x64xf32>
    %mul3A_7 = arith.mulf %get3A_1, %mul3A_6 : vector<1x64xf32>
    %get3A_8 = arith.constant 0 : index
    %get3A_9 = arith.constant 0 : index
    %get3A_10 = vector.load %arg4[%get3A_8, %get3A_9] : memref<1x64xf32, #tpu.memory_space<vmem>>, vector<1x64xf32>
    %add3A = arith.addf %mul3A_7, %get3A_10 : vector<1x64xf32>
    %get3A_11 = arith.constant 0 : index
    %get3A_12 = arith.constant 0 : index
    %get3A_13 = vector.load %arg1[%get3A_11, %get3A_12] : memref<8192x128xf32, #tpu.memory_space<vmem>>, vector<8192x64xf32>
    %get3A_14 = arith.constant 0 : index
    %get3A_15 = arith.constant 64 : index
    %get3A_16 = vector.load %arg1[%get3A_14, %get3A_15] : memref<8192x128xf32, #tpu.memory_space<vmem>>, vector<8192x64xf32>
    %add3A_17 = arith.addf %get3A_13, %get3A_16 : vector<8192x64xf32>
    %add3A_18 = vector.broadcast %add3A : vector<1x64xf32> to vector<8192x64xf32>
    %add3A_19 = arith.addf %add3A_17, %add3A_18 : vector<8192x64xf32>
    %max3A = arith.constant 0.000000e+00 : f32
    %max3A_20 = vector.broadcast %max3A : f32 to vector<8192x64xf32>
    %max3A_21 = arith.maximumf %add3A_19, %max3A_20 : vector<8192x64xf32>
    %get3A_22 = arith.constant 0 : index
    %get3A_23 = arith.constant 0 : index
    %get3A_24 = vector.load %arg7[%get3A_22, %get3A_23] : memref<1x32xf32, #tpu.memory_space<vmem>>, vector<1x32xf32>
    %mul3A_25 = arith.constant 0.999994993 : f32
    %mul3A_26 = vector.broadcast %mul3A_25 : f32 to vector<1x32xf32>
    %mul3A_27 = arith.mulf %get3A_24, %mul3A_26 : vector<1x32xf32>
    %get3A_28 = arith.constant 0 : index
    %get3A_29 = arith.constant 0 : index
    %get3A_30 = vector.load %arg5[%get3A_28, %get3A_29] : memref<64x32xf32, #tpu.memory_space<vmem>>, vector<64x32xf32>
    %mul3A_31 = vector.broadcast %mul3A_27 : vector<1x32xf32> to vector<64x32xf32>
    %mul3A_32 = arith.mulf %get3A_30, %mul3A_31 : vector<64x32xf32>
    %get3A_33 = arith.constant 0 : index
    %get3A_34 = arith.constant 0 : index
    %get3A_35 = vector.load %arg6[%get3A_33, %get3A_34] : memref<1x32xf32, #tpu.memory_space<vmem>>, vector<1x32xf32>
    %mul3A_36 = arith.mulf %get3A_35, %mul3A_27 : vector<1x32xf32>
    %get3A_37 = arith.constant 0 : index
    %get3A_38 = arith.constant 0 : index
    %get3A_39 = vector.load %arg8[%get3A_37, %get3A_38] : memref<1x32xf32, #tpu.memory_space<vmem>>, vector<1x32xf32>
    %add3A_40 = arith.addf %mul3A_36, %get3A_39 : vector<1x32xf32>
    %dot_general3A = arith.constant dense<0.000000e+00> : vector<8192x32xf32>
    %dot_general3A_41 = tpu.matmul %max3A_21, %mul3A_32, %dot_general3A {dimension_numbers = #tpu.dot_dimension_numbers<[1], [0], [0], [1], [0, 0, 1, 1], [], []>, transpose_lhs_hint = false} : vector<8192x64xf32>, vector<64x32xf32>, vector<8192x32xf32> -> vector<8192x32xf32>
    %add3A_42 = vector.broadcast %add3A_40 : vector<1x32xf32> to vector<8192x32xf32>
    %add3A_43 = arith.addf %dot_general3A_41, %add3A_42 : vector<8192x32xf32>
    %max3A_44 = arith.constant 0.000000e+00 : f32
    %max3A_45 = vector.broadcast %max3A_44 : f32 to vector<8192x32xf32>
    %max3A_46 = arith.maximumf %add3A_43, %max3A_45 : vector<8192x32xf32>
    %get3A_47 = arith.constant 0 : index
    %get3A_48 = arith.constant 0 : index
    %get3A_49 = vector.load %arg9[%get3A_47, %get3A_48] : memref<32x1xf32, #tpu.memory_space<vmem>>, vector<32x1xf32>
    %dot_general3A_50 = arith.constant dense<0.000000e+00> : vector<8192x1xf32>
    %dot_general3A_51 = tpu.matmul %max3A_46, %get3A_49, %dot_general3A_50 {dimension_numbers = #tpu.dot_dimension_numbers<[1], [0], [0], [1], [0, 0, 1, 1], [], []>, transpose_lhs_hint = false} : vector<8192x32xf32>, vector<32x1xf32>, vector<8192x1xf32> -> vector<8192x1xf32>
    %get3A_52 = arith.constant 0 : index
    %get3A_53 = arith.constant 0 : index
    %get3A_54 = vector.load %arg10[%get3A_52, %get3A_53] : memref<1x1xf32, #tpu.memory_space<vmem>>, vector<1x1xf32>
    %add3A_55 = vector.broadcast %get3A_54 : vector<1x1xf32> to vector<8192x1xf32>
    %add3A_56 = arith.addf %dot_general3A_51, %add3A_55 : vector<8192x1xf32>
    %logistic3A = arith.negf %add3A_56 : vector<8192x1xf32>
    %logistic3A_57 = math.exp %logistic3A : vector<8192x1xf32>
    %logistic3A_58 = arith.constant 1.000000e+00 : f32
    %logistic3A_59 = vector.broadcast %logistic3A_58 : f32 to vector<8192x1xf32>
    %logistic3A_60 = arith.addf %logistic3A_59, %logistic3A_57 : vector<8192x1xf32>
    %logistic3A_61 = arith.divf %logistic3A_59, %logistic3A_60 : vector<8192x1xf32>
    %swap3A = arith.constant 0 : index
    %swap3A_62 = arith.constant 0 : index
    %swap3A_63 = vector.load %arg11[%swap3A, %swap3A_62] : memref<8192x1xf32, #tpu.memory_space<vmem>>, vector<8192x1xf32>
    tpu.vector_store %arg11[%swap3A, %swap3A_62], %logistic3A_61 {strides = array<i32>} : memref<8192x1xf32, #tpu.memory_space<vmem>>, vector<8192x1xf32>,
    return
  }
  func.func @transform_0(%arg0: i32) -> (i32, i32) {
    %c0_i32 = arith.constant 0 : i32
    %c0_i32_0 = arith.constant 0 : i32
    return %arg0, %c0_i32 : i32, i32
  }
  func.func @transform_1(%arg0: i32) -> (i32, i32) {
    %c0_i32 = arith.constant 0 : i32
    %c0_i32_0 = arith.constant 0 : i32
    %c0_i32_1 = arith.constant 0 : i32
    return %c0_i32, %c0_i32_0 : i32, i32
  }
  func.func @transform_2(%arg0: i32) -> (i32, i32) {
    %c0_i32 = arith.constant 0 : i32
    %c0_i32_0 = arith.constant 0 : i32
    %c0_i32_1 = arith.constant 0 : i32
    return %c0_i32, %c0_i32_0 : i32, i32
  }
  func.func @transform_3(%arg0: i32) -> (i32, i32) {
    %c0_i32 = arith.constant 0 : i32
    %c0_i32_0 = arith.constant 0 : i32
    %c0_i32_1 = arith.constant 0 : i32
    return %c0_i32, %c0_i32_0 : i32, i32
  }
  func.func @transform_4(%arg0: i32) -> (i32, i32) {
    %c0_i32 = arith.constant 0 : i32
    %c0_i32_0 = arith.constant 0 : i32
    %c0_i32_1 = arith.constant 0 : i32
    return %c0_i32, %c0_i32_0 : i32, i32
  }
  func.func @transform_5(%arg0: i32) -> (i32, i32) {
    %c0_i32 = arith.constant 0 : i32
    %c0_i32_0 = arith.constant 0 : i32
    %c0_i32_1 = arith.constant 0 : i32
    return %c0_i32, %c0_i32_0 : i32, i32
  }
  func.func @transform_6(%arg0: i32) -> (i32, i32) {
    %c0_i32 = arith.constant 0 : i32
    %c0_i32_0 = arith.constant 0 : i32
    %c0_i32_1 = arith.constant 0 : i32
    return %c0_i32, %c0_i32_0 : i32, i32
  }
  func.func @transform_7(%arg0: i32) -> (i32, i32) {
    %c0_i32 = arith.constant 0 : i32
    %c0_i32_0 = arith.constant 0 : i32
    %c0_i32_1 = arith.constant 0 : i32
    return %c0_i32, %c0_i32_0 : i32, i32
  }
  func.func @transform_8(%arg0: i32) -> (i32, i32) {
    %c0_i32 = arith.constant 0 : i32
    %c0_i32_0 = arith.constant 0 : i32
    %c0_i32_1 = arith.constant 0 : i32
    return %c0_i32, %c0_i32_0 : i32, i32
  }
  func.func @transform_9(%arg0: i32) -> (i32, i32) {
    %c0_i32 = arith.constant 0 : i32
    %c0_i32_0 = arith.constant 0 : i32
    %c0_i32_1 = arith.constant 0 : i32
    return %c0_i32, %c0_i32_0 : i32, i32
  }
  func.func @transform_10(%arg0: i32) -> (i32, i32) {
    %c0_i32 = arith.constant 0 : i32
    %c0_i32_0 = arith.constant 0 : i32
    return %arg0, %c0_i32 : i32, i32
  }
}

</mosaic_0001>

<sc_bundles>
// kernel: kernel.10.cloned.1.call-start
scs
__scs_entry_jumppad:
0x0: {  	(pc) =	sbr.rel $0x88, $3  }
0x1: {  	(tag) =	ssettag $0x0;
	lr =	simm.s32 $0x1  }
0x2: {  	[smem:$0x3F8F] =	sst lr;
	_ =	strace $0xD0000000  }
0x3: {  	_ = 	snop  }
0x4: {  	_ = 	snop  }
0x5: {  	_ = 	snop  }
0x6: {  	_ = 	snop  }
0x7: {  	_ = 	snop  }
__scs_overlays_trampoline_lowered:
0x8: {  	[smem:$0x3F9E] =	sst s0  }
0x9: {  	[smem:$0x3F9F] =	sst s1  }
0xa: {  	[smem:$0x3FA0] =	sst s2  }
0xb: {  	[smem:$0x3FA1] =	sst s3  }
0xc: {  	[smem:$0x3FA2] =	sst s4  }
0xd: {  	[smem:$0x3FA3] =	sst s5  }
0xe: {  	[smem:$0x3FA4] =	sst s6  }
0xf: {  	[smem:$0x3FA5] =	sst s7  }
0x10: {  	[smem:$0x3FA6] =	sst s8  }
0x11: {  	[smem:$0x3FA7] =	sst s9;
	s0 =	simm.s32 @!p0 $0x0  }
0x12: {  	s1 =	sld [smem:$0x3F8D];
	s0 =	simm.s32 @p0 $0x1  }
0x13: {  	[smem:$0x3FA8] =	sst s0;
	s0 =	simm.s32 @!p1 $0x0  }
0x14: {  	s2 =	sld [smem:$0x3F8C];
	s0 =	simm.s32 @p1 $0x1  }
0x15: {  	[smem:$0x3FA9] =	sst s0;
	s0 =	simm.s32 @!p2 $0x0  }
0x16: {  	s3 =	sld [smem:$0x3FDB];
	s0 =	simm.s32 @p2 $0x1  }
0x17: {  	s4 =	simm.s32 $0x1BF5;
	[smem:$0x3FAB] =	sst s0  }
0x18: {  	s0 =	sld [smem:$0x3F8E];
	_ =	swait.ge [sflag:s4], $0x0  }
0x19: {  	s7 =	sld [smem:$0x3F8F]  }
0x1a: {  	s8 =	sadd.s32 $0xFFFFE003, lr  }
0x1b: {  	s9 =	sadd.s32 $0xFFFFFEF7, lr;
	s5 =	simm.s32 $0xFFFFFFFF;
	p2 =	slt.u32 s8, $0xFFFFF086  }
0x1c: {  	p1 =	slt.u32 s9, $0xF7A;
	s5 =	simm.s32 @!p2 $0x0  }
0x1d: {  	s5 =	simm.s32 @p1 $0x1;
	p0 =	seq.s32 s7, s2  }
0x1e: {  	s7 =	smul.u32 @!p0 $0xF7A, s2;
	p2 =	seq.s32 @!p0 s5, $0x0  }
0x1f: {  	s9 =	smul.u32 $0xF7A, s1;
	s8 =	simm.s32 @!p0 $0x1BF5;
	p2 =	por !p2, p0  }
0x20: {  	[sflag:s8] =	ssyncset.s32 @!p0 $0xFFFFF086;
	s6 =	sadd.s32 @!p0 s3, s7;
	s7 =	simm.s32 @!p0 $0x108  }
0x21: {  	s3 =	sadd.s32 s3, s9;
	s6 =	sadd.s32 @!p0 $0x88, s6;
	s7 =	simm.s32 @p2 $0x1082  }
0x22: {  	[simem:s7], [sflag:s8] =	dma.local @!p0 [hbm:s6], $0xF7A  }
0x23: {  	s9 =	sor.u32 $0xD0000000, s2;
	s6 =	simm.s32 $0x108;
	_ =	swait.ge @!p0 [sflag:s8], $0x0  }
0x24: {  	s3 =	sadd.s32 $0x88, s3;
	s6 =	simm.s32 @!p1 $0x1082;
	[sflag:s4] =	ssyncset.s32 $0xFFFFF086  }
0x25: {  	[simem:s6], [sflag:s4] =	dma.local [hbm:s3], $0xF7A  }
0x26: {  	[smem:$0x3F8F] =	sst s1;
	(tag) =	ssettag s2;
	_ =	strace s9  }
0x27: {  	s1 =	sld [smem:$0x3F9F]  }
0x28: {  	s2 =	sld [smem:$0x3FA0]  }
0x29: {  	s4 =	sld [smem:$0x3FA2]  }
0x2a: {  	p0 =	seq.s32 s5, $0x0;
	s5 =	sld [smem:$0x3FA3]  }
0x2b: {  	s6 =	sld [smem:$0x3FA4]  }
0x2c: {  	s7 =	sld [smem:$0x3FA5]  }
0x2d: {  	s3 =	simm.s32 $0x108;
	s8 =	sld [smem:$0x3FA6]  }
0x2e: {  	s3 =	simm.s32 @!p0 $0x1082;
	s9 =	sld [smem:$0x3FA7]  }
0x2f: {  	lr =	sadd.s32 s0, s3;
	s0 =	sld [smem:$0x3F9E]  }
0x30: {  	s3 =	sld [smem:$0x3FA1]  }
0x31: {  	[smem:$0x3FAA] =	sst s10  }
0x32: {  	s10 =	sld [smem:$0x3FA8];
	_ =	sdelay $0x3  }
0x33: {  	p0 =	seq.s32 s10, $0x1;
	s10 =	sld [smem:$0x3FAA];
	_ =	sdelay $0x3  }
0x34: {  	[smem:$0x3FAA] =	sst s10  }
0x35: {  	s10 =	sld [smem:$0x3FA9];
	_ =	sdelay $0x3  }
0x36: {  	p1 =	seq.s32 s10, $0x1;
	s10 =	sld [smem:$0x3FAA];
	_ =	sdelay $0x3  }
0x37: {  	[smem:$0x3FAA] =	sst s10  }
0x38: {  	s10 =	sld [smem:$0x3FAB]  }
0x39: {  	_ = 	snop;
	(pc) =	sbr.ind lr, $3  }
0x3a: {  	_ = 	snop  }
0x3b: {  	_ = 	snop  }
0x3c: {  	p2 =	seq.s32 s10, $0x1;
	s10 =	sld [smem:$0x3FAA]  }
0x3d: {  	_ =	shalt  }
0x3e: {  	_ =	shalt  }
0x3f: {  	_ =	shalt  }
0x40: {  	_ =	shalt  }
0x41: {  	_ =	shalt  }
0x42: {  	_ =	shalt  }
0x43: {  	_ =	shalt  }
0x44: {  	_ =	shalt  }
0x45: {  	_ =	shalt  }
0x46: {  	_ =	shalt  }
0x47: {  	_ =	shalt  }
0x48: {  	_ =	shalt  }
0x49: {  	_ =	shalt  }
0x4a: {  	_ =	shalt  }
0x4b: {  	_ =	shalt  }
0x4c: {  	_ =	shalt  }
0x4d: {  	_ =	shalt  }
0x4e: {  	_ =	shalt  }
0x4f: {  	_ =	shalt  }
0x50: {  	_ =	shalt  }
0x51: {  	_ =	shalt  }
0x52: {  	_ =	shalt  }
0x53: {  	_ =	shalt  }
0x54: {  	_ =	shalt  }
0x55: {  	_ =	shalt  }
0x56: {  	_ =	shalt  }
0x57: {  	_ =	shalt  }
0x58: {  	_ =	shalt  }
0x59: {  	_ =	shalt  }
0x5a: {  	_ =	shalt  }
0x5b: {  	_ =	shalt  }
0x5c: {  	_ =	shalt  }
0x5d: {  	_ =	shalt  }
0x5e: {  	_ =	shalt  }
0x5f: {  	_ =	shalt  }
0x60: {  	_ =	shalt  }
0x61: {  	_ =	shalt  }
0x62: {  	_ =	shalt  }
0x63: {  	_ =	shalt  }
0x64: {  	_ =	shalt  }
0x65: {  	_ =	shalt  }
0x66: {  	_ =	shalt  }
0x67: {  	_ =	shalt  }
0x68: {  	_ =	shalt  }
0x69: {  	_ =	shalt  }
0x6a: {  	_ =	shalt  }
0x6b: {  	_ =	shalt  }
0x6c: {  	_ =	shalt  }
0x6d: {  	_ =	shalt  }
0x6e: {  	_ =	shalt  }
0x6f: {  	_ =	shalt  }
0x70: {  	_ =	shalt  }
0x71: {  	_ =	shalt  }
0x72: {  	_ =	shalt  }
0x73: {  	_ =	shalt  }
0x74: {  	_ =	shalt  }
0x75: {  	_ =	shalt  }
0x76: {  	_ =	shalt  }
0x77: {  	_ =	shalt  }
0x78: {  	_ =	shalt  }
0x79: {  	_ =	shalt  }
0x7a: {  	_ =	shalt  }
0x7b: {  	_ =	shalt  }
0x7c: {  	_ =	shalt  }
0x7d: {  	_ =	shalt  }
0x7e: {  	_ =	shalt  }
0x7f: {  	_ =	shalt  }
0x80: {  	_ =	shalt  }
0x81: {  	_ =	shalt  }
0x82: {  	_ =	shalt  }
0x83: {  	_ =	shalt  }
0x84: {  	_ =	shalt  }
0x85: {  	_ =	shalt  }
0x86: {  	_ =	shalt  }
0x87: {  	_ =	shalt  }
.Lfunc_end0:
.L_simem_size_0:
called_computation_lowered:
.L_overlay_start_0:
0x88: {  	s2 =	sld [smem:$0x3FD9]  }
0x89: {  	s3 =	sld [smem:$0x3FFE];
	_ =	sdelay $0x1  }
0x8a: {  	s1 =	srdreg.scid  }
0x8b: {  	s0 =	sand.u32 $0x1, s1  }
0x8c: {  	s16 =	sshll.u32 s0, $0xA;
	s2 =	sadd.s32 s3, s2  }
0x8d: {  	s2 =	sadd.s32 s2, s16  }
0x8e: {  	[smem:$0x3FB6] =	sst s2  }
0x8f: {  	_ = 	snop  }
0x90: {  	(tm) =	ssettm $0x1  }
0x91: {  	s17 =	sld [smem:$0x3FFB];
	_ =	sdelay $0x3  }
0x92: {  	_ =	strace s17  }
0x93: {  	s2 =	sld [smem:$0x3FFC];
	_ =	sdelay $0x3  }
0x94: {  	_ =	strace s2  }
0x95: {  	s2 =	sld [smem:$0x3FFD];
	_ =	sdelay $0x3  }
0x96: {  	_ =	strace s2  }
0x97: {  	_ =	strace $0x8FFFFFFF  }
0x98: {  	s18 =	sld [smem:$0x3FDB];
	_ =	sdelay $0x1  }
0x99: {  	s19 =	simm.s32 $_scs_section_size  }
0x9a: {  	s4 =	simm.s32 $_size__tile_overlayer_lowered;
	s5 =	simm.s32 $_tile_overlayer_lowered  }
0x9b: {  	s22 =	simm.s32 $0x1BFF;
	s21 =	sshll.u32 s5, $0x1;
	s2 =	sadd.s32 s19, s18  }
0x9c: {  	s6 =	simm.s32 $0x0;
	s20 =	sshll.u32 s4, $0x1;
	s4 =	sadd.s32 s21, s2  }
0x9d: {  	[timem:s6], [sflag:s22] =	dma.local [hbm:s4], s20  }
0x9e: {  	_ =	swait.ge [sflag:s22], s20  }
0x9f: {  	s3 =	ssub.s32 $0x0, s20;
	[sflag:s22] =	ssyncset.done $0x0  }
0xa0: {  	[sflag:s22] =	ssyncadd.s32 s3;
	_ =	sdelay $0x1  }
0xa1: {  	s23 =	simm.s32 $0x1B8B  }
0xa2: {  	_ =	swait.ge [sflag:s23], $0x1  }
0xa3: {  	[sflag:s23] =	ssyncset.done $0x0  }
0xa4: {  	s25 =	simm.s32 $0x1B8E;
	s24 =	sld [smem:$0x3FFE];
	[sflag:s23] =	ssyncadd.s32 $0xFFFFFFFF  }
0xa5: {  	s26 =	simm.s32 $execute0_lowered;
	[smem:$0x3FD2] =	sst s25  }
0xa6: {  	s4 =	sshll.u32 s26, $0x1;
	_ =	strace $0x80000046;
	[dreg:$0x1] =	wrdreg $0xFFFFFFFF  }
0xa7: {  	s28 =	simm.s32 $_size_execute0_lowered;
	s2 =	sadd.s32 s2, s4;
	[dreg:$0x0] =	wrdreg $0x0  }
0xa8: {  	s4 =	sshll.u32 s28, $0x1;
	[dreg:$0x2] =	wrdreg s2  }
0xa9: {  	[dreg:$0x3] =	wrdreg s4  }
0xaa: {  	[dreg:$0x4] =	wrdreg $0xC0  }
0xab: {  	_ =	task [dreg:s6], $0x5FFFF  }
0xac: {  	[dreg:$0x1] =	wrdreg $0xFFFFFFFF  }
0xad: {  	[dreg:$0x0] =	wrdreg $0x60  }
0xae: {  	[dreg:$0x2] =	wrdreg s24  }
0xaf: {  	[dreg:$0x3] =	wrdreg $0x30000  }
0xb0: {  	[dreg:$0x4] =	wrdreg $0x9  }
0xb1: {  	_ =	task.clear_ibuf [dreg:s6], $0x5FFFF;
	_ =	strace $0x90000046  }
0xb2: {  	s29 =	simm.s32 $0x9;
	_ =	strace $0x80000048  }
0xb3: {  	_ =	swait.ge [sflag:s29], $0x1  }
0xb4: {  	[sflag:s29] =	ssyncadd.s32 $0xFFFFFFFF  }
0xb5: {  	_ =	strace $0x90000048  }
0xb6: {  	_ =	sfence  }
0xb7: {  	s30 =	sld [smem:$0x0];
	_ =	sdelay $0x2  }
0xb8: {  	s31 =	sshll.u32 s1, $0xD;
	s1 =	sshrl.u32 s1, $0x2  }
0xb9: {  	s3 =	sand.u32 $0x4000, s31;
	s1 =	sadd.s32 s1, s30  }
0xba: {  	s0 =	sor.u32 s3, s0;
	s1 =	sshll.u32 s1, $0x11  }
0xbb: {  	s0 =	sor.u32 s1, s0  }
0xbc: {  	s0 =	sadd.s32 $0x8F2B, s0  }
0xbd: {  	[sflag:s0] =	ssyncadd.remote.s32 $0x1  }
0xbe: {  	_ =	sfence.sel $0xFFFF  }
0xbf: {  	[dreg:$0x0] =	wrdreg $0xFFFFFFFF;
	(pc) =	sbr.abs _section_cstart, $3  }
0xc0: {  	[dreg:$0x1] =	wrdreg $0xFFFFFFFF  }
0xc1: {  	_ =	task.clear_ibuf [dreg:s6], $0x2FFFF;
	_ =	strace $0x9FFFFFFF  }
0xc2: {  	(tm) =	ssettm $0x7FFFFFFF  }
0xc3: {  	_ =	shalt  }
tec
execute0_lowered:
.L_overlay_start_1:
0x0: {  	(tag) =	ssettag $0x1  }
0x1: {  	s4 =	rddreg [dreg:$0x0];
	s1 =	srdreg.scid  }
0x2: {  	s0 =	stileid.u32;
	s2 =	rddreg [dreg:$0x1];
	s3 =	simm.s32 $0x0  }
0x3: {  	s19 =	simm.s32 $0x1;
	s20 =	simm.s32 $0x2;
	s21 =	simm.s32 $0x3  }
0x4: {  	s22 =	simm.s32 $0x4;
	s23 =	simm.s32 $0x5;
	s24 =	simm.s32 $0x6  }
0x5: {  	s25 =	simm.s32 $0x7;
	s5 =	sand.u32 $0x1, s1;
	s1 =	rddreg [dreg:$0x2]  }
0x6: {  	s26 =	simm.s32 $0x8;
	s6 =	sshll.u32 s0, $0x1;
	[smem:$0x7FF] =	sst s3  }
0x7: {  	s8 =	smul.u32 $0x2800, s0;
	s14 =	sadd.s32 $0x18200, s4;
	s6 =	sor.u32 s5, s6  }
0x8: {  	_ =	strace $0x80000047;
	s7 =	ssub.s32 $0x2, s5;
	s16 =	smul.u32 $0x28000, s5  }
0x9: {  	s6 =	smul.u32 $0x500, s6;
	s31 =	sshrl.u32 s7, $0x1;
	s10 =	sadd.s32 $0x800, s8  }
0xa: {  	s12 =	sadd.s32 $0x1000, s8;
	s13 =	sadd.s32 $0x1800, s8;
	s17 =	sadd.s32 $0x2000, s8  }
0xb: {  	s15 =	ssub.s32 s7, s31;
	s5 =	sadd.s32 s10, s2;
	s7 =	sadd.s32 s13, s2  }
0xc: {  	s11 =	sadd.s32 s8, s16;
	s10 =	sadd.s32 s16, s10;
	s13 =	sadd.s32 s16, s13  }
0xd: {  	s9 =	sadd.s32 s6, s4;
	s4 =	sadd.s32 s8, s2;
	s6 =	sadd.s32 s12, s2  }
0xe: {  	s8 =	sadd.s32 s17, s2;
	s11 =	sshrl.u32 s11, $0x3;
	s18 =	sshrl.u32 s10, $0x3  }
0xf: {  	s12 =	sadd.s32 s16, s12;
	s16 =	sadd.s32 s16, s17;
	s13 =	sshrl.u32 s13, $0x3  }
0x10: {  	s15 =	smax.u32 s15, $0x1;
	s17 =	simm.s32 $0x9;
	s9 =	sadd.s32 $0x4200, s9  }
0x11: {  	s10 =	sadd.s32 s14, s11;
	s11 =	sadd.s32 s14, s18;
	s12 =	sshrl.u32 s12, $0x3  }
0x12: {  	v0 =	vimm.f32 $0.0e+00;
	vm0 =	vcmask $0x300;
	s16 =	sshrl.u32 s16, $0x3;
	s13 =	sadd.s32 s14, s13;
	s18 =	simm.s32 $0x80  }
0x13: {  	v1 =	vsel vm0, $0x3F800000, v0;
	s12 =	sadd.s32 s14, s12;
	s14 =	sadd.s32 s14, s16;
	s16 =	simm.s32 $0x2800  }
.LBB2_1:
0x14: {  	s28 =	simm.s32 $0x40;
	s29 =	simm.s32 $0x0  }
.LBB2_2:
0x15: {  	p0 =	sne.s32 s28, $0x1FC0;
	[tilespmem:s29+$0x2800] =	vst v0;
	s29 =	smov.u32 s28;
	s28 =	sadd.s32 $0x40, s28  }
.Ltmp0:
0x16: {  	(pc) =	sbr.rel @p0 .LBB2_2-.Ltmp0, $2  }
0x17: {  	_ =	sdelay $0x2  }
0x18: {  	s29 =	sshra.s32 s29, $0x2  }
0x19: {  	[tilespmem:s29+$0x2800] =	vst v0  }
0x1a: {  	[spmem:s4] =	stream.linear.scatter [tilespmem:s16], [sflag:$0x9], $0x800, $0x38;
	[tilespmem:$0x5800] =	vst v63  }
0x1b: {  	_ =	swait.ge [sflag:s17], $0x800  }
0x1c: {  	[sflag:s17] =	ssyncset.done $0x0  }
0x1d: {  	[sflag:s17] =	ssyncadd.s32 $0xFFFFF800  }
0x1e: {  	[spmem:s5] =	stream.linear.scatter [tilespmem:s16], [sflag:$0x9], $0x800, $0x38;
	[tilespmem:$0x5800] =	vst v63  }
0x1f: {  	_ =	swait.ge [sflag:s17], $0x800  }
0x20: {  	[sflag:s17] =	ssyncset.done $0x0  }
0x21: {  	[sflag:s17] =	ssyncadd.s32 $0xFFFFF800  }
0x22: {  	[spmem:s6] =	stream.linear.scatter [tilespmem:s16], [sflag:$0x9], $0x800, $0x38;
	[tilespmem:$0x5800] =	vst v63  }
0x23: {  	_ =	swait.ge [sflag:s17], $0x800  }
0x24: {  	[sflag:s17] =	ssyncset.done $0x0  }
0x25: {  	[sflag:s17] =	ssyncadd.s32 $0xFFFFF800  }
0x26: {  	[spmem:s7] =	stream.linear.scatter [tilespmem:s16], [sflag:$0x9], $0x800, $0x38;
	[tilespmem:$0x5800] =	vst v63  }
0x27: {  	_ =	swait.ge [sflag:s17], $0x800  }
0x28: {  	[sflag:s17] =	ssyncset.done $0x0  }
0x29: {  	[sflag:s17] =	ssyncadd.s32 $0xFFFFF800  }
0x2a: {  	[spmem:s8] =	stream.linear.scatter [tilespmem:s16], [sflag:$0x9], $0x800, $0x38;
	[tilespmem:$0x5800] =	vst v63  }
0x2b: {  	_ =	swait.ge [sflag:s17], $0x800  }
0x2c: {  	[sflag:s17] =	ssyncset.done $0x0  }
0x2d: {  	s28 =	simm.s32 $0x40;
	s29 =	simm.s32 $0x0;
	[sflag:s17] =	ssyncadd.s32 $0xFFFFF800  }
.LBB2_4:
0x2e: {  	p0 =	sne.s32 s28, $0x1FC0;
	[tilespmem:s29+$0x2800] =	vst v1;
	s29 =	smov.u32 s28;
	s28 =	sadd.s32 $0x40, s28  }
.Ltmp1:
0x2f: {  	(pc) =	sbr.rel @p0 .LBB2_4-.Ltmp1, $2  }
0x30: {  	_ =	sdelay $0x2  }
0x31: {  	s29 =	sshra.s32 s29, $0x2  }
0x32: {  	[tilespmem:s29+$0x2800] =	vst v1;
	s28 =	simm.s32 $0x0  }
0x33: {  	[tilespmem:s28], [sflag:$0x9] =	stream.linear.gather [hbm4b:s9+s28], $0x2800, $0x38;
	[tilespmem:$0x5800] =	vst v63  }
0x34: {  	_ =	swait.ge [sflag:s17], $0x2800  }
0x35: {  	[sflag:s17] =	ssyncset.done $0x0  }
0x36: {  	[sflag:s17] =	ssyncadd.s32 $0xFFFFD800  }
0x37: {  	s28 =	simm.s32 $0x0;
	[bflag:$0x0] =	sbarrier.arrive $0xFFFF  }
0x38: {  	[spmem:s2] =	stream.indirect.scatter.add.f32 [tilespmem:s16], [sflag:$0x1], $0x10, s28, s18, $0xb8;
	[tilespmem:$0x5800] =	vst v63  }
0x39: {  	s28 =	simm.s32 $0x80  }
0x3a: {  	[spmem:s2] =	stream.indirect.scatter.add.f32 [tilespmem:s16], [sflag:$0x2], $0x10, s28, s18, $0xb8;
	[tilespmem:$0x5800] =	vst v63  }
0x3b: {  	s28 =	simm.s32 $0x100  }
0x3c: {  	[spmem:s2] =	stream.indirect.scatter.add.f32 [tilespmem:s16], [sflag:$0x3], $0x10, s28, s18, $0xb8;
	[tilespmem:$0x5800] =	vst v63  }
0x3d: {  	s28 =	simm.s32 $0x180  }
0x3e: {  	[spmem:s2] =	stream.indirect.scatter.add.f32 [tilespmem:s16], [sflag:$0x4], $0x10, s28, s18, $0xb8;
	[tilespmem:$0x5800] =	vst v63  }
0x3f: {  	s28 =	simm.s32 $0x200  }
0x40: {  	[spmem:s2] =	stream.indirect.scatter.add.f32 [tilespmem:s16], [sflag:$0x5], $0x10, s28, s18, $0xb8;
	[tilespmem:$0x5800] =	vst v63  }
0x41: {  	s28 =	simm.s32 $0x280  }
0x42: {  	[spmem:s2] =	stream.indirect.scatter.add.f32 [tilespmem:s16], [sflag:$0x6], $0x10, s28, s18, $0xb8;
	[tilespmem:$0x5800] =	vst v63  }
0x43: {  	s28 =	simm.s32 $0x300  }
0x44: {  	[spmem:s2] =	stream.indirect.scatter.add.f32 [tilespmem:s16], [sflag:$0x7], $0x10, s28, s18, $0xb8;
	[tilespmem:$0x5800] =	vst v63  }
0x45: {  	s28 =	simm.s32 $0x380  }
0x46: {  	[spmem:s2] =	stream.indirect.scatter.add.f32 [tilespmem:s16], [sflag:$0x8], $0x10, s28, s18, $0xb8;
	[tilespmem:$0x5800] =	vst v63  }
0x47: {  	_ =	swait.ge [sflag:s19], $0x800  }
0x48: {  	[sflag:s19] =	ssyncset.done $0x0  }
0x49: {  	[sflag:s19] =	ssyncadd.s32 $0xFFFFF800  }
0x4a: {  	_ =	swait.ge [sflag:s20], $0x800  }
0x4b: {  	[sflag:s20] =	ssyncset.done $0x0  }
0x4c: {  	[sflag:s20] =	ssyncadd.s32 $0xFFFFF800  }
0x4d: {  	_ =	swait.ge [sflag:s21], $0x800  }
0x4e: {  	[sflag:s21] =	ssyncset.done $0x0  }
0x4f: {  	[sflag:s21] =	ssyncadd.s32 $0xFFFFF800  }
0x50: {  	_ =	swait.ge [sflag:s22], $0x800  }
0x51: {  	[sflag:s22] =	ssyncset.done $0x0  }
0x52: {  	[sflag:s22] =	ssyncadd.s32 $0xFFFFF800  }
0x53: {  	_ =	swait.ge [sflag:s23], $0x800  }
0x54: {  	[sflag:s23] =	ssyncset.done $0x0  }
0x55: {  	[sflag:s23] =	ssyncadd.s32 $0xFFFFF800  }
0x56: {  	_ =	swait.ge [sflag:s24], $0x800  }
0x57: {  	[sflag:s24] =	ssyncset.done $0x0  }
0x58: {  	[sflag:s24] =	ssyncadd.s32 $0xFFFFF800  }
0x59: {  	_ =	swait.ge [sflag:s25], $0x800  }
0x5a: {  	[sflag:s25] =	ssyncset.done $0x0  }
0x5b: {  	[sflag:s25] =	ssyncadd.s32 $0xFFFFF800  }
0x5c: {  	_ =	swait.ge [sflag:s26], $0x800  }
0x5d: {  	s30 =	simm.s32 $0x2000;
	s28 =	simm.s32 $0x1000;
	[sflag:s26] =	ssyncset.done $0x0  }
.LBB2_6:
0x5e: {  	s31 =	sshra.s32 s28, $0x2  }
0x5f: {  	[sflag:s26] =	ssyncadd.s32 $0xFFFFF800;
	s28 =	smov.u32 s30;
	s29 =	sadd.s32 $0x1000, s30  }
0x60: {  	[spmem:s2] =	stream.indirect.scatter.add.f32 [tilespmem:s16], [sflag:$0x1], $0x10, s31, s18, $0xb8;
	[tilespmem:$0x5800] =	vst v63  }
0x61: {  	p0 =	sne.s32 s30, $0x9000;
	s30 =	sadd.s32 $0x80, s31  }
0x62: {  	[spmem:s2] =	stream.indirect.scatter.add.f32 [tilespmem:s16], [sflag:$0x2], $0x10, s30, s18, $0xb8;
	[tilespmem:$0x5800] =	vst v63  }
0x63: {  	s30 =	sadd.s32 $0x100, s31  }
0x64: {  	[spmem:s2] =	stream.indirect.scatter.add.f32 [tilespmem:s16], [sflag:$0x3], $0x10, s30, s18, $0xb8;
	[tilespmem:$0x5800] =	vst v63  }
0x65: {  	s30 =	sadd.s32 $0x180, s31  }
0x66: {  	[spmem:s2] =	stream.indirect.scatter.add.f32 [tilespmem:s16], [sflag:$0x4], $0x10, s30, s18, $0xb8;
	[tilespmem:$0x5800] =	vst v63  }
0x67: {  	s30 =	sadd.s32 $0x200, s31  }
0x68: {  	[spmem:s2] =	stream.indirect.scatter.add.f32 [tilespmem:s16], [sflag:$0x5], $0x10, s30, s18, $0xb8;
	[tilespmem:$0x5800] =	vst v63  }
0x69: {  	s30 =	sadd.s32 $0x280, s31  }
0x6a: {  	[spmem:s2] =	stream.indirect.scatter.add.f32 [tilespmem:s16], [sflag:$0x6], $0x10, s30, s18, $0xb8;
	[tilespmem:$0x5800] =	vst v63  }
0x6b: {  	s30 =	sadd.s32 $0x300, s31  }
0x6c: {  	[spmem:s2] =	stream.indirect.scatter.add.f32 [tilespmem:s16], [sflag:$0x7], $0x10, s30, s18, $0xb8;
	[tilespmem:$0x5800] =	vst v63  }
0x6d: {  	s30 =	sadd.s32 $0x380, s31  }
0x6e: {  	[spmem:s2] =	stream.indirect.scatter.add.f32 [tilespmem:s16], [sflag:$0x8], $0x10, s30, s18, $0xb8;
	[tilespmem:$0x5800] =	vst v63  }
0x6f: {  	_ =	swait.ge [sflag:s19], $0x800  }
0x70: {  	[sflag:s19] =	ssyncset.done $0x0  }
0x71: {  	[sflag:s19] =	ssyncadd.s32 $0xFFFFF800  }
0x72: {  	_ =	swait.ge [sflag:s20], $0x800  }
0x73: {  	[sflag:s20] =	ssyncset.done $0x0  }
0x74: {  	[sflag:s20] =	ssyncadd.s32 $0xFFFFF800  }
0x75: {  	_ =	swait.ge [sflag:s21], $0x800  }
0x76: {  	[sflag:s21] =	ssyncset.done $0x0  }
0x77: {  	[sflag:s21] =	ssyncadd.s32 $0xFFFFF800  }
0x78: {  	_ =	swait.ge [sflag:s22], $0x800  }
0x79: {  	[sflag:s22] =	ssyncset.done $0x0  }
0x7a: {  	[sflag:s22] =	ssyncadd.s32 $0xFFFFF800  }
0x7b: {  	_ =	swait.ge [sflag:s23], $0x800  }
0x7c: {  	[sflag:s23] =	ssyncset.done $0x0  }
0x7d: {  	[sflag:s23] =	ssyncadd.s32 $0xFFFFF800  }
0x7e: {  	_ =	swait.ge [sflag:s24], $0x800  }
0x7f: {  	[sflag:s24] =	ssyncset.done $0x0  }
0x80: {  	[sflag:s24] =	ssyncadd.s32 $0xFFFFF800  }
.Ltmp2:
0x81: {  	_ =	swait.ge [sflag:s25], $0x800;
	(pc) =	sbr.rel @p0 .LBB2_6-.Ltmp2, $4  }
0x82: {  	[sflag:s25] =	ssyncset.done $0x0  }
0x83: {  	[sflag:s25] =	ssyncadd.s32 $0xFFFFF800  }
0x84: {  	_ =	swait.ge [sflag:s26], $0x800  }
0x85: {  	s30 =	smov.u32 s29;
	[sflag:s26] =	ssyncset.done $0x0  }
0x86: {  	s28 =	sshra.s32 s28, $0x2;
	[sflag:s26] =	ssyncadd.s32 $0xFFFFF800  }
0x87: {  	[spmem:s2] =	stream.indirect.scatter.add.f32 [tilespmem:s16], [sflag:$0x1], $0x10, s28, s18, $0xb8;
	[tilespmem:$0x5800] =	vst v63  }
0x88: {  	s29 =	sadd.s32 $0x80, s28  }
0x89: {  	[spmem:s2] =	stream.indirect.scatter.add.f32 [tilespmem:s16], [sflag:$0x2], $0x10, s29, s18, $0xb8;
	[tilespmem:$0x5800] =	vst v63  }
0x8a: {  	s31 =	sadd.s32 $0x100, s28  }
0x8b: {  	[spmem:s2] =	stream.indirect.scatter.add.f32 [tilespmem:s16], [sflag:$0x3], $0x10, s31, s18, $0xb8;
	[tilespmem:$0x5800] =	vst v63  }
0x8c: {  	s30 =	sadd.s32 $0x180, s28  }
0x8d: {  	[spmem:s2] =	stream.indirect.scatter.add.f32 [tilespmem:s16], [sflag:$0x4], $0x10, s30, s18, $0xb8;
	[tilespmem:$0x5800] =	vst v63  }
0x8e: {  	s31 =	sadd.s32 $0x200, s28  }
0x8f: {  	[spmem:s2] =	stream.indirect.scatter.add.f32 [tilespmem:s16], [sflag:$0x5], $0x10, s31, s18, $0xb8;
	[tilespmem:$0x5800] =	vst v63  }
0x90: {  	s30 =	sadd.s32 $0x280, s28  }
0x91: {  	[spmem:s2] =	stream.indirect.scatter.add.f32 [tilespmem:s16], [sflag:$0x6], $0x10, s30, s18, $0xb8;
	[tilespmem:$0x5800] =	vst v63  }
0x92: {  	s31 =	sadd.s32 $0x300, s28  }
0x93: {  	[spmem:s2] =	stream.indirect.scatter.add.f32 [tilespmem:s16], [sflag:$0x7], $0x10, s31, s18, $0xb8;
	[tilespmem:$0x5800] =	vst v63  }
0x94: {  	s28 =	sadd.s32 $0x380, s28  }
0x95: {  	[spmem:s2] =	stream.indirect.scatter.add.f32 [tilespmem:s16], [sflag:$0x8], $0x10, s28, s18, $0xb8;
	[tilespmem:$0x5800] =	vst v63  }
0x96: {  	_ =	swait.ge [sflag:s19], $0x800  }
0x97: {  	[sflag:s19] =	ssyncset.done $0x0  }
0x98: {  	[sflag:s19] =	ssyncadd.s32 $0xFFFFF800  }
0x99: {  	_ =	swait.ge [sflag:s20], $0x800  }
0x9a: {  	[sflag:s20] =	ssyncset.done $0x0  }
0x9b: {  	[sflag:s20] =	ssyncadd.s32 $0xFFFFF800  }
0x9c: {  	_ =	swait.ge [sflag:s21], $0x800  }
0x9d: {  	[sflag:s21] =	ssyncset.done $0x0  }
0x9e: {  	[sflag:s21] =	ssyncadd.s32 $0xFFFFF800  }
0x9f: {  	_ =	swait.ge [sflag:s22], $0x800  }
0xa0: {  	[sflag:s22] =	ssyncset.done $0x0  }
0xa1: {  	[sflag:s22] =	ssyncadd.s32 $0xFFFFF800  }
0xa2: {  	_ =	swait.ge [sflag:s23], $0x800  }
0xa3: {  	[sflag:s23] =	ssyncset.done $0x0  }
0xa4: {  	[sflag:s23] =	ssyncadd.s32 $0xFFFFF800  }
0xa5: {  	_ =	swait.ge [sflag:s24], $0x800  }
0xa6: {  	[sflag:s24] =	ssyncset.done $0x0  }
0xa7: {  	[sflag:s24] =	ssyncadd.s32 $0xFFFFF800  }
0xa8: {  	_ =	swait.ge [sflag:s25], $0x800  }
0xa9: {  	[sflag:s25] =	ssyncset.done $0x0  }
0xaa: {  	[sflag:s25] =	ssyncadd.s32 $0xFFFFF800  }
0xab: {  	_ =	swait.ge [sflag:s26], $0x800  }
0xac: {  	[sflag:s26] =	ssyncset.done $0x0  }
0xad: {  	s30 =	sshll.u32 s0, $0x6;
	[sflag:s26] =	ssyncadd.s32 $0xFFFFF800  }
0xae: {  	s31 =	sshrl.u32 s4, $0x3;
	s28 =	sor.u32 $0x1C09, s30;
	[bflag:$0x0] =	sbarrier.arrive $0xFFFF  }
0xaf: {  	[hbm:s10], [sflag:s28] =	dma.local [spmem:s31], $0x100  }
0xb0: {  	_ =	swait.ge [sflag:s17], $0x100  }
0xb1: {  	[sflag:s17] =	ssyncset.done $0x0  }
0xb2: {  	s30 =	sshrl.u32 s5, $0x3;
	[sflag:s17] =	ssyncadd.s32 $0xFFFFFF00  }
0xb3: {  	[hbm:s11], [sflag:s28] =	dma.local [spmem:s30], $0x100  }
0xb4: {  	_ =	swait.ge [sflag:s17], $0x100  }
0xb5: {  	[sflag:s17] =	ssyncset.done $0x0  }
0xb6: {  	s31 =	sshrl.u32 s6, $0x3;
	[sflag:s17] =	ssyncadd.s32 $0xFFFFFF00  }
0xb7: {  	[hbm:s12], [sflag:s28] =	dma.local [spmem:s31], $0x100  }
0xb8: {  	_ =	swait.ge [sflag:s17], $0x100  }
0xb9: {  	[sflag:s17] =	ssyncset.done $0x0  }
0xba: {  	s30 =	sshrl.u32 s7, $0x3;
	[sflag:s17] =	ssyncadd.s32 $0xFFFFFF00  }
0xbb: {  	[hbm:s13], [sflag:s28] =	dma.local [spmem:s30], $0x100  }
0xbc: {  	s3 =	sadd.s32 $0x1, s3;
	_ =	swait.ge [sflag:s17], $0x100  }
0xbd: {  	p0 =	sne.s32 s3, s15;
	[sflag:s17] =	ssyncset.done $0x0  }
.Ltmp3:
0xbe: {  	s31 =	sshrl.u32 s8, $0x3;
	[sflag:s17] =	ssyncadd.s32 $0xFFFFFF00;
	(pc) =	sbr.rel @p0 .LBB2_1-.Ltmp3, $4  }
0xbf: {  	[hbm:s14], [sflag:s28] =	dma.local [spmem:s31], $0x100  }
0xc0: {  	_ =	swait.ge [sflag:s17], $0x100  }
0xc1: {  	[sflag:s17] =	ssyncset.done $0x0  }
0xc2: {  	[sflag:s17] =	ssyncadd.s32 $0xFFFFFF00  }
0xc3: {  	_ =	sfence.sel $0x180000  }
0xc4: {  	[bflag:$0x0] =	sbarrier.arrive $0xFFFF  }
0xc5: {  	p0 =	sne.s32 s0, $0x0;
	_ =	strace $0x90000047  }
0xc6: {  	s0 =	sadd.s32 @!p0 $0x100000, s1;
	[bflag:$0x2] =	sbarrier.arrive $0xFFFF  }
0xc7: {  	[sflag:s0] =	ssyncadd.tile.s32 @!p0 $0x1;
	_ =	shalt  }
.Lfunc_end2:
_tile_overlayer_lowered:
.L_overlay_start_2:
0xc8: {  	(tag) =	ssettag $0x2  }
0xc9: {  	s0 =	rddreg [dreg:$0x0];
	s2 =	stileid.u32  }
0xca: {  	s1 =	rddreg [dreg:$0x1];
	p0 =	sne.s32 s2, $0x0  }
0xcb: {  	s3 =	rddreg [dreg:$0x2];
	[bflag:$0x3] =	sbarrier.arrive $0xFFFF;
	s2 =	simm.s32 @!p0 $0x1C09  }
0xcc: {  	[timem:s3], [sflag:s2] =	dma.local @!p0 [hbm:s0], s1  }
0xcd: {  	s0 =	simm.s32 @!p0 $0x9  }
0xce: {  	_ =	swait.ge @!p0 [sflag:s0], s1  }
0xcf: {  	s1 =	ssub.s32 @!p0 $0x0, s1;
	[sflag:s0] =	ssyncset.done @!p0 $0x0  }
0xd0: {  	[sflag:s0] =	ssyncadd.s32 @!p0 s1  }
0xd1: {  	[bflag:$0x3] =	sbarrier.arrive $0xFFFF  }
0xd2: {  	_ =	shalt  }

// kernel: kernel.13.cloned.1.call-start
scs
__scs_entry_jumppad:
0x0: {  	(pc) =	sbr.rel $0x88, $3  }
0x1: {  	(tag) =	ssettag $0x0;
	lr =	simm.s32 $0x1  }
0x2: {  	[smem:$0x3F8F] =	sst lr;
	_ =	strace $0xD0000000  }
0x3: {  	_ = 	snop  }
0x4: {  	_ = 	snop  }
0x5: {  	_ = 	snop  }
0x6: {  	_ = 	snop  }
0x7: {  	_ = 	snop  }
__scs_overlays_trampoline_lowered:
0x8: {  	[smem:$0x3F9E] =	sst s0  }
0x9: {  	[smem:$0x3F9F] =	sst s1  }
0xa: {  	[smem:$0x3FA0] =	sst s2  }
0xb: {  	[smem:$0x3FA1] =	sst s3  }
0xc: {  	[smem:$0x3FA2] =	sst s4  }
0xd: {  	[smem:$0x3FA3] =	sst s5  }
0xe: {  	[smem:$0x3FA4] =	sst s6  }
0xf: {  	[smem:$0x3FA5] =	sst s7  }
0x10: {  	[smem:$0x3FA6] =	sst s8  }
0x11: {  	[smem:$0x3FA7] =	sst s9;
	s0 =	simm.s32 @!p0 $0x0  }
0x12: {  	s1 =	sld [smem:$0x3F8D];
	s0 =	simm.s32 @p0 $0x1  }
0x13: {  	[smem:$0x3FA8] =	sst s0;
	s0 =	simm.s32 @!p1 $0x0  }
0x14: {  	s2 =	sld [smem:$0x3F8C];
	s0 =	simm.s32 @p1 $0x1  }
0x15: {  	[smem:$0x3FA9] =	sst s0;
	s0 =	simm.s32 @!p2 $0x0  }
0x16: {  	s3 =	sld [smem:$0x3FDB];
	s0 =	simm.s32 @p2 $0x1  }
0x17: {  	s4 =	simm.s32 $0x1BF5;
	[smem:$0x3FAB] =	sst s0  }
0x18: {  	s0 =	sld [smem:$0x3F8E];
	_ =	swait.ge [sflag:s4], $0x0  }
0x19: {  	s7 =	sld [smem:$0x3F8F]  }
0x1a: {  	s8 =	sadd.s32 $0xFFFFE003, lr  }
0x1b: {  	s9 =	sadd.s32 $0xFFFFFEF7, lr;
	s5 =	simm.s32 $0xFFFFFFFF;
	p2 =	slt.u32 s8, $0xFFFFF086  }
0x1c: {  	p1 =	slt.u32 s9, $0xF7A;
	s5 =	simm.s32 @!p2 $0x0  }
0x1d: {  	s5 =	simm.s32 @p1 $0x1;
	p0 =	seq.s32 s7, s2  }
0x1e: {  	s7 =	smul.u32 @!p0 $0xF7A, s2;
	p2 =	seq.s32 @!p0 s5, $0x0  }
0x1f: {  	s9 =	smul.u32 $0xF7A, s1;
	s8 =	simm.s32 @!p0 $0x1BF5;
	p2 =	por !p2, p0  }
0x20: {  	[sflag:s8] =	ssyncset.s32 @!p0 $0xFFFFF086;
	s6 =	sadd.s32 @!p0 s3, s7;
	s7 =	simm.s32 @!p0 $0x108  }
0x21: {  	s3 =	sadd.s32 s3, s9;
	s6 =	sadd.s32 @!p0 $0x88, s6;
	s7 =	simm.s32 @p2 $0x1082  }
0x22: {  	[simem:s7], [sflag:s8] =	dma.local @!p0 [hbm:s6], $0xF7A  }
0x23: {  	s9 =	sor.u32 $0xD0000000, s2;
	s6 =	simm.s32 $0x108;
	_ =	swait.ge @!p0 [sflag:s8], $0x0  }
0x24: {  	s3 =	sadd.s32 $0x88, s3;
	s6 =	simm.s32 @!p1 $0x1082;
	[sflag:s4] =	ssyncset.s32 $0xFFFFF086  }
0x25: {  	[simem:s6], [sflag:s4] =	dma.local [hbm:s3], $0xF7A  }
0x26: {  	[smem:$0x3F8F] =	sst s1;
	(tag) =	ssettag s2;
	_ =	strace s9  }
0x27: {  	s1 =	sld [smem:$0x3F9F]  }
0x28: {  	s2 =	sld [smem:$0x3FA0]  }
0x29: {  	s4 =	sld [smem:$0x3FA2]  }
0x2a: {  	p0 =	seq.s32 s5, $0x0;
	s5 =	sld [smem:$0x3FA3]  }
0x2b: {  	s6 =	sld [smem:$0x3FA4]  }
0x2c: {  	s7 =	sld [smem:$0x3FA5]  }
0x2d: {  	s3 =	simm.s32 $0x108;
	s8 =	sld [smem:$0x3FA6]  }
0x2e: {  	s3 =	simm.s32 @!p0 $0x1082;
	s9 =	sld [smem:$0x3FA7]  }
0x2f: {  	lr =	sadd.s32 s0, s3;
	s0 =	sld [smem:$0x3F9E]  }
0x30: {  	s3 =	sld [smem:$0x3FA1]  }
0x31: {  	[smem:$0x3FAA] =	sst s10  }
0x32: {  	s10 =	sld [smem:$0x3FA8];
	_ =	sdelay $0x3  }
0x33: {  	p0 =	seq.s32 s10, $0x1;
	s10 =	sld [smem:$0x3FAA];
	_ =	sdelay $0x3  }
0x34: {  	[smem:$0x3FAA] =	sst s10  }
0x35: {  	s10 =	sld [smem:$0x3FA9];
	_ =	sdelay $0x3  }
0x36: {  	p1 =	seq.s32 s10, $0x1;
	s10 =	sld [smem:$0x3FAA];
	_ =	sdelay $0x3  }
0x37: {  	[smem:$0x3FAA] =	sst s10  }
0x38: {  	s10 =	sld [smem:$0x3FAB]  }
0x39: {  	_ = 	snop;
	(pc) =	sbr.ind lr, $3  }
0x3a: {  	_ = 	snop  }
0x3b: {  	_ = 	snop  }
0x3c: {  	p2 =	seq.s32 s10, $0x1;
	s10 =	sld [smem:$0x3FAA]  }
0x3d: {  	_ =	shalt  }
0x3e: {  	_ =	shalt  }
0x3f: {  	_ =	shalt  }
0x40: {  	_ =	shalt  }
0x41: {  	_ =	shalt  }
0x42: {  	_ =	shalt  }
0x43: {  	_ =	shalt  }
0x44: {  	_ =	shalt  }
0x45: {  	_ =	shalt  }
0x46: {  	_ =	shalt  }
0x47: {  	_ =	shalt  }
0x48: {  	_ =	shalt  }
0x49: {  	_ =	shalt  }
0x4a: {  	_ =	shalt  }
0x4b: {  	_ =	shalt  }
0x4c: {  	_ =	shalt  }
0x4d: {  	_ =	shalt  }
0x4e: {  	_ =	shalt  }
0x4f: {  	_ =	shalt  }
0x50: {  	_ =	shalt  }
0x51: {  	_ =	shalt  }
0x52: {  	_ =	shalt  }
0x53: {  	_ =	shalt  }
0x54: {  	_ =	shalt  }
0x55: {  	_ =	shalt  }
0x56: {  	_ =	shalt  }
0x57: {  	_ =	shalt  }
0x58: {  	_ =	shalt  }
0x59: {  	_ =	shalt  }
0x5a: {  	_ =	shalt  }
0x5b: {  	_ =	shalt  }
0x5c: {  	_ =	shalt  }
0x5d: {  	_ =	shalt  }
0x5e: {  	_ =	shalt  }
0x5f: {  	_ =	shalt  }
0x60: {  	_ =	shalt  }
0x61: {  	_ =	shalt  }
0x62: {  	_ =	shalt  }
0x63: {  	_ =	shalt  }
0x64: {  	_ =	shalt  }
0x65: {  	_ =	shalt  }
0x66: {  	_ =	shalt  }
0x67: {  	_ =	shalt  }
0x68: {  	_ =	shalt  }
0x69: {  	_ =	shalt  }
0x6a: {  	_ =	shalt  }
0x6b: {  	_ =	shalt  }
0x6c: {  	_ =	shalt  }
0x6d: {  	_ =	shalt  }
0x6e: {  	_ =	shalt  }
0x6f: {  	_ =	shalt  }
0x70: {  	_ =	shalt  }
0x71: {  	_ =	shalt  }
0x72: {  	_ =	shalt  }
0x73: {  	_ =	shalt  }
0x74: {  	_ =	shalt  }
0x75: {  	_ =	shalt  }
0x76: {  	_ =	shalt  }
0x77: {  	_ =	shalt  }
0x78: {  	_ =	shalt  }
0x79: {  	_ =	shalt  }
0x7a: {  	_ =	shalt  }
0x7b: {  	_ =	shalt  }
0x7c: {  	_ =	shalt  }
0x7d: {  	_ =	shalt  }
0x7e: {  	_ =	shalt  }
0x7f: {  	_ =	shalt  }
0x80: {  	_ =	shalt  }
0x81: {  	_ =	shalt  }
0x82: {  	_ =	shalt  }
0x83: {  	_ =	shalt  }
0x84: {  	_ =	shalt  }
0x85: {  	_ =	shalt  }
0x86: {  	_ =	shalt  }
0x87: {  	_ =	shalt  }
.Lfunc_end0:
.L_simem_size_0:
called_computation.1_lowered:
.L_overlay_start_0:
0x88: {  	s2 =	sld [smem:$0x3FD9]  }
0x89: {  	s3 =	sld [smem:$0x3FFE];
	_ =	sdelay $0x1  }
0x8a: {  	s1 =	srdreg.scid  }
0x8b: {  	s0 =	sand.u32 $0x1, s1  }
0x8c: {  	s16 =	sshll.u32 s0, $0xA;
	s2 =	sadd.s32 s3, s2  }
0x8d: {  	s2 =	sadd.s32 s2, s16  }
0x8e: {  	[smem:$0x3FB6] =	sst s2  }
0x8f: {  	_ = 	snop  }
0x90: {  	(tm) =	ssettm $0x1  }
0x91: {  	s17 =	sld [smem:$0x3FFB];
	_ =	sdelay $0x3  }
0x92: {  	_ =	strace s17  }
0x93: {  	s2 =	sld [smem:$0x3FFC];
	_ =	sdelay $0x3  }
0x94: {  	_ =	strace s2  }
0x95: {  	s2 =	sld [smem:$0x3FFD];
	_ =	sdelay $0x3  }
0x96: {  	_ =	strace s2  }
0x97: {  	_ =	strace $0x8FFFFFFF  }
0x98: {  	s18 =	sld [smem:$0x3FDB];
	_ =	sdelay $0x1  }
0x99: {  	s19 =	simm.s32 $_scs_section_size  }
0x9a: {  	s4 =	simm.s32 $_size__tile_overlayer_lowered;
	s5 =	simm.s32 $_tile_overlayer_lowered  }
0x9b: {  	s22 =	simm.s32 $0x1BFF;
	s21 =	sshll.u32 s5, $0x1;
	s2 =	sadd.s32 s19, s18  }
0x9c: {  	s6 =	simm.s32 $0x0;
	s20 =	sshll.u32 s4, $0x1;
	s4 =	sadd.s32 s21, s2  }
0x9d: {  	[timem:s6], [sflag:s22] =	dma.local [hbm:s4], s20  }
0x9e: {  	_ =	swait.ge [sflag:s22], s20  }
0x9f: {  	s3 =	ssub.s32 $0x0, s20;
	[sflag:s22] =	ssyncset.done $0x0  }
0xa0: {  	[sflag:s22] =	ssyncadd.s32 s3;
	_ =	sdelay $0x1  }
0xa1: {  	s23 =	simm.s32 $0x1B8B  }
0xa2: {  	_ =	swait.ge [sflag:s23], $0x1  }
0xa3: {  	[sflag:s23] =	ssyncset.done $0x0  }
0xa4: {  	s25 =	simm.s32 $0x1B8E;
	s24 =	sld [smem:$0x3FFE];
	[sflag:s23] =	ssyncadd.s32 $0xFFFFFFFF  }
0xa5: {  	s26 =	simm.s32 $execute0_lowered;
	[smem:$0x3FD2] =	sst s25  }
0xa6: {  	s4 =	sshll.u32 s26, $0x1;
	_ =	strace $0x80000049;
	[dreg:$0x1] =	wrdreg $0xFFFFFFFF  }
0xa7: {  	s28 =	simm.s32 $_size_execute0_lowered;
	s2 =	sadd.s32 s2, s4;
	[dreg:$0x0] =	wrdreg $0x0  }
0xa8: {  	s4 =	sshll.u32 s28, $0x1;
	[dreg:$0x2] =	wrdreg s2  }
0xa9: {  	[dreg:$0x3] =	wrdreg s4  }
0xaa: {  	[dreg:$0x4] =	wrdreg $0xC0  }
0xab: {  	_ =	task [dreg:s6], $0x5FFFF  }
0xac: {  	[dreg:$0x1] =	wrdreg $0xFFFFFFFF  }
0xad: {  	[dreg:$0x0] =	wrdreg $0x60  }
0xae: {  	[dreg:$0x2] =	wrdreg s24  }
0xaf: {  	[dreg:$0x3] =	wrdreg $0x120000  }
0xb0: {  	[dreg:$0x4] =	wrdreg $0x9  }
0xb1: {  	_ =	task.clear_ibuf [dreg:s6], $0x5FFFF;
	_ =	strace $0x90000049  }
0xb2: {  	s29 =	simm.s32 $0x9;
	_ =	strace $0x8000004B  }
0xb3: {  	_ =	swait.ge [sflag:s29], $0x1  }
0xb4: {  	[sflag:s29] =	ssyncadd.s32 $0xFFFFFFFF  }
0xb5: {  	_ =	strace $0x9000004B  }
0xb6: {  	_ =	sfence  }
0xb7: {  	s30 =	sld [smem:$0x0];
	_ =	sdelay $0x2  }
0xb8: {  	s31 =	sshll.u32 s1, $0xD;
	s1 =	sshrl.u32 s1, $0x2  }
0xb9: {  	s3 =	sand.u32 $0x4000, s31;
	s1 =	sadd.s32 s1, s30  }
0xba: {  	s0 =	sor.u32 s3, s0;
	s1 =	sshll.u32 s1, $0x11  }
0xbb: {  	s0 =	sor.u32 s1, s0  }
0xbc: {  	s0 =	sadd.s32 $0x8F2B, s0  }
0xbd: {  	[sflag:s0] =	ssyncadd.remote.s32 $0x1  }
0xbe: {  	_ =	sfence.sel $0xFFFF  }
0xbf: {  	[dreg:$0x0] =	wrdreg $0xFFFFFFFF;
	(pc) =	sbr.abs _section_cstart, $3  }
0xc0: {  	[dreg:$0x1] =	wrdreg $0xFFFFFFFF  }
0xc1: {  	_ =	task.clear_ibuf [dreg:s6], $0x2FFFF;
	_ =	strace $0x9FFFFFFF  }
0xc2: {  	(tm) =	ssettm $0x7FFFFFFF  }
0xc3: {  	_ =	shalt  }
tec
execute0_lowered:
.L_overlay_start_1:
0x0: {  	(tag) =	ssettag $0x1  }
0x1: {  	s0 =	rddreg [dreg:$0x0]  }
0x2: {  	s2 =	rddreg [dreg:$0x1];
	s3 =	simm.s32 $0x0;
	s6 =	stileid.u32  }
0x3: {  	s1 =	srdreg.scid;
	s28 =	simm.s32 $0x2;
	s30 =	simm.s32 $0x3  }
0x4: {  	s31 =	simm.s32 $0x4;
	s29 =	simm.s32 $0x7;
	s4 =	smul.u32 $0xA00, s6  }
0x5: {  	[smem:$0x7FF] =	sst s3;
	s1 =	sand.u32 $0x1, s1;
	s9 =	smul.u32 $0xA000, s6  }
0x6: {  	s11 =	sadd.s32 $0xCA800, s0;
	_ =	strace $0x8000004A;
	s5 =	ssub.s32 $0x2, s1  }
0x7: {  	s17 =	smul.u32 $0xA0000, s1;
	p0 =	seq.s32 s1, $0x1;
	s10 =	sadd.s32 s4, s0  }
0x8: {  	s18 =	sshrl.u32 s5, $0x1;
	s12 =	sadd.s32 $0x2000, s9;
	s13 =	sadd.s32 $0x4000, s9  }
0x9: {  	s4 =	sadd.s32 s9, s2;
	s14 =	sadd.s32 $0x6000, s9;
	s15 =	sadd.s32 $0x8000, s9  }
0xa: {  	s16 =	ssub.s32 s5, s18;
	s5 =	sadd.s32 s12, s2;
	s6 =	sadd.s32 s13, s2  }
0xb: {  	s7 =	sadd.s32 s14, s2;
	s8 =	sadd.s32 s15, s2;
	s18 =	sadd.s32 $0x22200, s10  }
0xc: {  	s10 =	sadd.s32 $0x4200, s10;
	s19 =	sadd.s32 s9, s17;
	s20 =	sadd.s32 s17, s12  }
0xd: {  	s21 =	sadd.s32 s17, s13;
	s24 =	sadd.s32 s17, s14;
	[dreg:$0x3] =	wrdreg s18  }
0xe: {  	s25 =	sadd.s32 s17, s15;
	[dreg:$0x4] =	wrdreg s10;
	s1 =	sshrl.u32 s19, $0x3  }
0xf: {  	s22 =	sshrl.u32 s20, $0x3;
	s23 =	sshrl.u32 s21, $0x3;
	s10 =	simm.s32 $0xB6E00  }
0x10: {  	s26 =	sshrl.u32 s25, $0x3;
	s16 =	smax.u32 s16, $0x1;
	s18 =	simm.s32 $0xA000  }
0x11: {  	s19 =	simm.s32 $0x9;
	s20 =	simm.s32 $0x5000;
	s21 =	simm.s32 $0x80  }
0x12: {  	s25 =	simm.s32 $0x6;
	s1 =	sadd.s32 s11, s1;
	s13 =	sadd.s32 s11, s23  }
.Ltmp0:
0x13: {  	s10 =	simm.s32 @!p0 $0xA3400;
	s15 =	sadd.s32 s11, s26;
	(pc) =	sbr.rel .LBB2_1-.Ltmp0, $4  }
0x14: {  	s26 =	simm.s32 $0x10000;
	s23 =	simm.s32 $0x5;
	[dreg:$0x5] =	wrdreg s1  }
0x15: {  	s1 =	sadd.s32 s11, s22;
	s17 =	sadd.s32 s10, s0;
	s22 =	simm.s32 $0xC000  }
0x16: {  	s0 =	simm.s32 $0x1;
	[dreg:$0x6] =	wrdreg s1;
	s1 =	sshrl.u32 s24, $0x3  }
0x17: {  	v0 =	vimm.f32 $0.0e+00;
	s24 =	simm.s32 $0xE000;
	s14 =	sadd.s32 s11, s1;
	s1 =	simm.s32 $0x8  }
.LBB2_16:
0x18: {  	_ =	swait.ge [sflag:s23], $0x2000  }
0x19: {  	[sflag:s23] =	ssyncset.done $0x0  }
0x1a: {  	[sflag:s23] =	ssyncadd.s32 $0xFFFFE000  }
0x1b: {  	_ =	swait.ge [sflag:s25], $0x2000  }
0x1c: {  	[sflag:s25] =	ssyncset.done $0x0  }
0x1d: {  	[sflag:s25] =	ssyncadd.s32 $0xFFFFE000  }
0x1e: {  	_ =	swait.ge [sflag:s29], $0x2000  }
0x1f: {  	[sflag:s29] =	ssyncset.done $0x0  }
0x20: {  	[sflag:s29] =	ssyncadd.s32 $0xFFFFE000  }
0x21: {  	_ =	swait.ge [sflag:s1], $0x2000  }
0x22: {  	[sflag:s1] =	ssyncset.done $0x0  }
0x23: {  	s9 =	stileid.u32;
	[sflag:s1] =	ssyncadd.s32 $0xFFFFE000  }
0x24: {  	s9 =	sshll.u32 s9, $0x6;
	[bflag:$0x0] =	sbarrier.arrive $0xFFFF  }
0x25: {  	s10 =	sshrl.u32 s4, $0x3;
	s9 =	sor.u32 $0x1C09, s9;
	s11 =	rddreg [dreg:$0x5]  }
0x26: {  	[hbm:s11], [sflag:s9] =	dma.local [spmem:s10], $0x400  }
0x27: {  	_ =	swait.ge [sflag:s19], $0x400  }
0x28: {  	[sflag:s19] =	ssyncset.done $0x0  }
0x29: {  	s11 =	sshrl.u32 s5, $0x3;
	s12 =	rddreg [dreg:$0x6];
	[sflag:s19] =	ssyncadd.s32 $0xFFFFFC00  }
0x2a: {  	[hbm:s12], [sflag:s9] =	dma.local [spmem:s11], $0x400  }
0x2b: {  	_ =	swait.ge [sflag:s19], $0x400  }
0x2c: {  	[sflag:s19] =	ssyncset.done $0x0  }
0x2d: {  	s12 =	sshrl.u32 s6, $0x3;
	[sflag:s19] =	ssyncadd.s32 $0xFFFFFC00  }
0x2e: {  	[hbm:s13], [sflag:s9] =	dma.local [spmem:s12], $0x400  }
0x2f: {  	_ =	swait.ge [sflag:s19], $0x400  }
0x30: {  	[sflag:s19] =	ssyncset.done $0x0  }
0x31: {  	s11 =	sshrl.u32 s7, $0x3;
	[sflag:s19] =	ssyncadd.s32 $0xFFFFFC00  }
0x32: {  	[hbm:s14], [sflag:s9] =	dma.local [spmem:s11], $0x400  }
0x33: {  	s3 =	sadd.s32 $0x1, s3;
	_ =	swait.ge [sflag:s19], $0x400  }
0x34: {  	p0 =	sne.s32 s3, s16;
	[sflag:s19] =	ssyncset.done $0x0  }
.Ltmp1:
0x35: {  	s12 =	sshrl.u32 s8, $0x3;
	[sflag:s19] =	ssyncadd.s32 $0xFFFFFC00;
	(pc) =	sbr.rel @!p0 .LBB2_17-.Ltmp1, $4  }
0x36: {  	[hbm:s15], [sflag:s9] =	dma.local [spmem:s12], $0x400  }
0x37: {  	_ =	swait.ge [sflag:s19], $0x400  }
0x38: {  	[sflag:s19] =	ssyncset.done $0x0  }
0x39: {  	[sflag:s19] =	ssyncadd.s32 $0xFFFFFC00  }
.LBB2_1:
0x3a: {  	s10 =	simm.s32 $0x100;
	s9 =	simm.s32 $0x0  }
.LBB2_2:
0x3b: {  	p0 =	sne.s32 s10, $0x7F00;
	[tilespmem:s9+$0xA030] =	vst v0;
	s11 =	smov.u32 s10;
	s10 =	sadd.s32 $0x100, s10  }
.Ltmp2:
0x3c: {  	[tilespmem:s9+$0xA020] =	vst v0;
	(pc) =	sbr.rel @p0 .LBB2_2-.Ltmp2, $3  }
0x3d: {  	[tilespmem:s9+$0xA000] =	vst v0  }
0x3e: {  	[tilespmem:s9+$0xA010] =	vst v0;
	_ =	sdelay $0x1  }
0x3f: {  	s9 =	sshra.s32 s11, $0x2  }
0x40: {  	[tilespmem:s9+$0xA030] =	vst v0  }
0x41: {  	[tilespmem:s9+$0xA020] =	vst v0  }
0x42: {  	[tilespmem:s9+$0xA000] =	vst v0  }
0x43: {  	[tilespmem:s9+$0xA010] =	vst v0  }
0x44: {  	[spmem:s4] =	stream.linear.scatter [tilespmem:s18], [sflag:$0x9], $0x2000, $0x38;
	[tilespmem:$0x1C000] =	vst v63  }
0x45: {  	_ =	swait.ge [sflag:s19], $0x2000  }
0x46: {  	[sflag:s19] =	ssyncset.done $0x0  }
0x47: {  	[sflag:s19] =	ssyncadd.s32 $0xFFFFE000  }
0x48: {  	[spmem:s5] =	stream.linear.scatter [tilespmem:s18], [sflag:$0x9], $0x2000, $0x38;
	[tilespmem:$0x1C000] =	vst v63  }
0x49: {  	_ =	swait.ge [sflag:s19], $0x2000  }
0x4a: {  	[sflag:s19] =	ssyncset.done $0x0  }
0x4b: {  	[sflag:s19] =	ssyncadd.s32 $0xFFFFE000  }
0x4c: {  	[spmem:s6] =	stream.linear.scatter [tilespmem:s18], [sflag:$0x9], $0x2000, $0x38;
	[tilespmem:$0x1C000] =	vst v63  }
0x4d: {  	_ =	swait.ge [sflag:s19], $0x2000  }
0x4e: {  	[sflag:s19] =	ssyncset.done $0x0  }
0x4f: {  	[sflag:s19] =	ssyncadd.s32 $0xFFFFE000  }
0x50: {  	[spmem:s7] =	stream.linear.scatter [tilespmem:s18], [sflag:$0x9], $0x2000, $0x38;
	[tilespmem:$0x1C000] =	vst v63  }
0x51: {  	_ =	swait.ge [sflag:s19], $0x2000  }
0x52: {  	[sflag:s19] =	ssyncset.done $0x0  }
0x53: {  	[sflag:s19] =	ssyncadd.s32 $0xFFFFE000  }
0x54: {  	[spmem:s8] =	stream.linear.scatter [tilespmem:s18], [sflag:$0x9], $0x2000, $0x38;
	[tilespmem:$0x1C000] =	vst v63  }
0x55: {  	_ =	swait.ge [sflag:s19], $0x2000  }
0x56: {  	[sflag:s19] =	ssyncset.done $0x0  }
0x57: {  	s9 =	simm.s32 $0x0;
	s10 =	rddreg [dreg:$0x3];
	[sflag:s19] =	ssyncadd.s32 $0xFFFFE000  }
0x58: {  	[tilespmem:s9], [sflag:$0x9] =	stream.linear.gather [hbm4b:s10+s9], $0x5000, $0x38;
	[tilespmem:$0x1C000] =	vst v63  }
0x59: {  	_ =	swait.ge [sflag:s19], $0x5000  }
0x5a: {  	[sflag:s19] =	ssyncset.done $0x0  }
0x5b: {  	s12 =	rddreg [dreg:$0x4];
	[sflag:s19] =	ssyncadd.s32 $0xFFFFB000  }
0x5c: {  	[tilespmem:s20], [sflag:$0x9] =	stream.linear.gather [hbm4b:s12+s9], $0x5000, $0x38;
	[tilespmem:$0x1C000] =	vst v63  }
0x5d: {  	_ =	swait.ge [sflag:s19], $0x5000  }
0x5e: {  	[sflag:s19] =	ssyncset.done $0x0  }
0x5f: {  	[sflag:s19] =	ssyncadd.s32 $0xFFFFB000  }
0x60: {  	[bflag:$0x0] =	sbarrier.arrive $0xFFFF  }
0x61: {  	[tilespmem:s18], [sflag:$0x1] =	stream.indirect.gather [hbm4b:s17+s21], $0x40, s9, s21, $0xb8;
	[tilespmem:$0x1C000] =	vst v63  }
0x62: {  	_ = 	snop  }
0x63: {  	[tilespmem:s22], [sflag:$0x2] =	stream.indirect.gather [hbm4b:s17+s21], $0x40, s21, s21, $0xb8;
	[tilespmem:$0x1C000] =	vst v63  }
0x64: {  	s11 =	simm.s32 $0x100;
	s10 =	simm.s32 $0x1  }
0x65: {  	[tilespmem:s24], [sflag:$0x3] =	stream.indirect.gather [hbm4b:s17+s21], $0x40, s11, s21, $0xb8;
	[tilespmem:$0x1C000] =	vst v63  }
0x66: {  	_ =	swait.ge [sflag:s10], $0x2000  }
0x67: {  	[sflag:s10] =	ssyncset.done $0x0  }
0x68: {  	[sflag:s10] =	ssyncadd.s32 $0xFFFFE000  }
0x69: {  	[spmem:s2] =	stream.indirect.scatter.add.f32 [tilespmem:s18], [sflag:$0x5], $0x40, s20, s21, $0xb8;
	[tilespmem:$0x1C000] =	vst v63  }
0x6a: {  	s11 =	simm.s32 $0x180  }
0x6b: {  	[tilespmem:s26], [sflag:$0x4] =	stream.indirect.gather [hbm4b:s17+s21], $0x40, s11, s21, $0xb8;
	[tilespmem:$0x1C000] =	vst v63  }
.Ltmp3:
0x6c: {  	_ = 	snop;
	(pc) =	sbr.rel .LBB2_4-.Ltmp3, $4  }
0x6d: {  	_ =	swait.ge [sflag:s28], $0x2000  }
0x6e: {  	[sflag:s28] =	ssyncset.done $0x0  }
0x6f: {  	s12 =	simm.s32 $0x5080;
	[sflag:s28] =	ssyncadd.s32 $0xFFFFE000  }
0x70: {  	[spmem:s2] =	stream.indirect.scatter.add.f32 [tilespmem:s22], [sflag:$0x6], $0x40, s12, s21, $0xb8;
	[tilespmem:$0x1C000] =	vst v63  }
.LBB2_15:
0x71: {  	s11 =	sshra.s32 s9, $0x2  }
0x72: {  	s12 =	sadd.s32 $0x300, s11  }
0x73: {  	[tilespmem:s24], [sflag:$0x3] =	stream.indirect.gather [hbm4b:s17+s21], $0x40, s12, s21, $0xb8;
	[tilespmem:$0x1C000] =	vst v63  }
0x74: {  	_ =	swait.ge [sflag:s0], $0x2000  }
0x75: {  	[sflag:s0] =	ssyncset.done $0x0  }
0x76: {  	s12 =	sadd.s32 $0x5200, s11;
	[sflag:s0] =	ssyncadd.s32 $0xFFFFE000  }
0x77: {  	[spmem:s2] =	stream.indirect.scatter.add.f32 [tilespmem:s18], [sflag:$0x5], $0x40, s12, s21, $0xb8;
	[tilespmem:$0x1C000] =	vst v63  }
0x78: {  	_ =	swait.ge [sflag:s1], $0x2000  }
0x79: {  	[sflag:s1] =	ssyncset.done $0x0  }
0x7a: {  	s12 =	sadd.s32 $0x380, s11;
	[sflag:s1] =	ssyncadd.s32 $0xFFFFE000  }
0x7b: {  	[tilespmem:s26], [sflag:$0x4] =	stream.indirect.gather [hbm4b:s17+s21], $0x40, s12, s21, $0xb8;
	[tilespmem:$0x1C000] =	vst v63  }
0x7c: {  	_ =	swait.ge [sflag:s28], $0x2000  }
0x7d: {  	s10 =	sadd.s32 $0x1, s10;
	[sflag:s28] =	ssyncset.done $0x0  }
0x7e: {  	s9 =	sadd.s32 $0x800, s9;
	s11 =	sadd.s32 $0x5280, s11;
	[sflag:s28] =	ssyncadd.s32 $0xFFFFE000  }
0x7f: {  	[spmem:s2] =	stream.indirect.scatter.add.f32 [tilespmem:s22], [sflag:$0x6], $0x40, s11, s21, $0xb8;
	[tilespmem:$0x1C000] =	vst v63  }
.LBB2_4:
0x80: {  	p0 =	seq.s32 s10, $0x0  }
.Ltmp4:
0x81: {  	_ = 	snop;
	(pc) =	sbr.rel @p0 .LBB2_7-.Ltmp4, $1  }
0x82: {  	_ =	sdelay $0x3  }
0x83: {  	p1 =	seq.s32 s10, $0x28  }
.Ltmp5:
0x84: {  	_ = 	snop;
	(pc) =	sbr.rel @p1 .LBB2_8-.Ltmp5, $2  }
0x85: {  	_ =	sdelay $0x2  }
0x86: {  	s11 =	simm.s32 $0x13C00  }
0x87: {  	_ =	swait.ge [sflag:s23], $0x2000  }
0x88: {  	[sflag:s23] =	ssyncset.done $0x0  }
0x89: {  	[sflag:s23] =	ssyncadd.s32 $0xFFFFE000  }
.LBB2_7:
0x8a: {  	s11 =	sshra.s32 s9, $0x2  }
0x8b: {  	s11 =	sadd.s32 $0x200, s11  }
0x8c: {  	[tilespmem:s18], [sflag:$0x1] =	stream.indirect.gather [hbm4b:s17+s21], $0x40, s11, s21, $0xb8;
	[tilespmem:$0x1C000] =	vst v63  }
0x8d: {  	s11 =	sadd.s32 $0x400, s9  }
.LBB2_8:
.Ltmp6:
0x8e: {  	(pc) =	sbr.rel @p0 .LBB2_11-.Ltmp6, $4  }
0x8f: {  	_ =	swait.ge [sflag:s30], $0x2000  }
0x90: {  	s11 =	sshra.s32 s11, $0x2;
	[sflag:s30] =	ssyncset.done $0x0  }
0x91: {  	s11 =	sadd.s32 $0x5000, s11;
	[sflag:s30] =	ssyncadd.s32 $0xFFFFE000  }
0x92: {  	[spmem:s2] =	stream.indirect.scatter.add.f32 [tilespmem:s24], [sflag:$0x7], $0x40, s11, s21, $0xb8;
	[tilespmem:$0x1C000] =	vst v63  }
0x93: {  	p1 =	seq.s32 s10, $0x28  }
.Ltmp7:
0x94: {  	_ = 	snop;
	(pc) =	sbr.rel @p1 .LBB2_12-.Ltmp7, $2  }
0x95: {  	_ =	sdelay $0x2  }
0x96: {  	s11 =	simm.s32 $0x13E00  }
0x97: {  	_ =	swait.ge [sflag:s25], $0x2000  }
0x98: {  	[sflag:s25] =	ssyncset.done $0x0  }
0x99: {  	[sflag:s25] =	ssyncadd.s32 $0xFFFFE000  }
.LBB2_11:
0x9a: {  	s11 =	sshra.s32 s9, $0x2  }
0x9b: {  	s11 =	sadd.s32 $0x280, s11  }
0x9c: {  	[tilespmem:s22], [sflag:$0x2] =	stream.indirect.gather [hbm4b:s17+s21], $0x40, s11, s21, $0xb8;
	[tilespmem:$0x1C000] =	vst v63  }
0x9d: {  	s11 =	sadd.s32 $0x600, s9  }
.LBB2_12:
.Ltmp8:
0x9e: {  	(pc) =	sbr.rel @p0 .LBB2_15-.Ltmp8, $4  }
0x9f: {  	_ =	swait.ge [sflag:s31], $0x2000  }
0xa0: {  	s11 =	sshra.s32 s11, $0x2;
	[sflag:s31] =	ssyncset.done $0x0  }
0xa1: {  	s11 =	sadd.s32 $0x5000, s11;
	[sflag:s31] =	ssyncadd.s32 $0xFFFFE000  }
0xa2: {  	[spmem:s2] =	stream.indirect.scatter.add.f32 [tilespmem:s26], [sflag:$0x8], $0x40, s11, s21, $0xb8;
	[tilespmem:$0x1C000] =	vst v63  }
0xa3: {  	p0 =	seq.s32 s10, $0x28  }
.Ltmp9:
0xa4: {  	_ = 	snop;
	(pc) =	sbr.rel @p0 .LBB2_16-.Ltmp9, $1  }
0xa5: {  	_ =	sdelay $0x3  }
.Ltmp10:
0xa6: {  	(pc) =	sbr.rel .LBB2_15-.Ltmp10, $4  }
0xa7: {  	_ = 	snop  }
0xa8: {  	_ =	swait.ge [sflag:s29], $0x2000  }
0xa9: {  	[sflag:s29] =	ssyncset.done $0x0  }
0xaa: {  	[sflag:s29] =	ssyncadd.s32 $0xFFFFE000  }
.LBB2_17:
0xab: {  	_ =	sfence.sel $0x180000  }
0xac: {  	[bflag:$0x0] =	sbarrier.arrive $0xFFFF  }
0xad: {  	_ =	strace $0x9000004A  }
0xae: {  	s0 =	stileid.u32;
	[bflag:$0x2] =	sbarrier.arrive $0xFFFF  }
0xaf: {  	p0 =	sne.s32 s0, $0x0;
	s0 =	rddreg [dreg:$0x2]  }
0xb0: {  	s0 =	sadd.s32 @!p0 $0x100000, s0  }
0xb1: {  	[sflag:s0] =	ssyncadd.tile.s32 @!p0 $0x1;
	_ =	shalt  }
.Lfunc_end2:
_tile_overlayer_lowered:
.L_overlay_start_2:
0xb2: {  	(tag) =	ssettag $0x2  }
0xb3: {  	s0 =	rddreg [dreg:$0x0];
	s2 =	stileid.u32  }
0xb4: {  	s1 =	rddreg [dreg:$0x1];
	p0 =	sne.s32 s2, $0x0  }
0xb5: {  	s3 =	rddreg [dreg:$0x2];
	[bflag:$0x3] =	sbarrier.arrive $0xFFFF;
	s2 =	simm.s32 @!p0 $0x1C09  }
0xb6: {  	[timem:s3], [sflag:s2] =	dma.local @!p0 [hbm:s0], s1  }
0xb7: {  	s0 =	simm.s32 @!p0 $0x9  }
0xb8: {  	_ =	swait.ge @!p0 [sflag:s0], s1  }
0xb9: {  	s1 =	ssub.s32 @!p0 $0x0, s1;
	[sflag:s0] =	ssyncset.done @!p0 $0x0  }
0xba: {  	[sflag:s0] =	ssyncadd.s32 @!p0 s1  }
0xbb: {  	[bflag:$0x3] =	sbarrier.arrive $0xFFFF  }
0xbc: {  	_ =	shalt  }

// kernel: kernel.16.cloned.1.call-start
scs
__scs_entry_jumppad:
0x0: {  	(pc) =	sbr.rel $0x88, $3  }
0x1: {  	(tag) =	ssettag $0x0;
	lr =	simm.s32 $0x1  }
0x2: {  	[smem:$0x3F8F] =	sst lr;
	_ =	strace $0xD0000000  }
0x3: {  	_ = 	snop  }
0x4: {  	_ = 	snop  }
0x5: {  	_ = 	snop  }
0x6: {  	_ = 	snop  }
0x7: {  	_ = 	snop  }
__scs_overlays_trampoline_lowered:
0x8: {  	[smem:$0x3F9E] =	sst s0  }
0x9: {  	[smem:$0x3F9F] =	sst s1  }
0xa: {  	[smem:$0x3FA0] =	sst s2  }
0xb: {  	[smem:$0x3FA1] =	sst s3  }
0xc: {  	[smem:$0x3FA2] =	sst s4  }
0xd: {  	[smem:$0x3FA3] =	sst s5  }
0xe: {  	[smem:$0x3FA4] =	sst s6  }
0xf: {  	[smem:$0x3FA5] =	sst s7  }
0x10: {  	[smem:$0x3FA6] =	sst s8  }
0x11: {  	[smem:$0x3FA7] =	sst s9;
	s0 =	simm.s32 @!p0 $0x0  }
0x12: {  	s1 =	sld [smem:$0x3F8D];
	s0 =	simm.s32 @p0 $0x1  }
0x13: {  	[smem:$0x3FA8] =	sst s0;
	s0 =	simm.s32 @!p1 $0x0  }
0x14: {  	s2 =	sld [smem:$0x3F8C];
	s0 =	simm.s32 @p1 $0x1  }
0x15: {  	[smem:$0x3FA9] =	sst s0;
	s0 =	simm.s32 @!p2 $0x0  }
0x16: {  	s3 =	sld [smem:$0x3FDB];
	s0 =	simm.s32 @p2 $0x1  }
0x17: {  	s4 =	simm.s32 $0x1BF5;
	[smem:$0x3FAB] =	sst s0  }
0x18: {  	s0 =	sld [smem:$0x3F8E];
	_ =	swait.ge [sflag:s4], $0x0  }
0x19: {  	s7 =	sld [smem:$0x3F8F]  }
0x1a: {  	s8 =	sadd.s32 $0xFFFFE003, lr  }
0x1b: {  	s9 =	sadd.s32 $0xFFFFFEF7, lr;
	s5 =	simm.s32 $0xFFFFFFFF;
	p2 =	slt.u32 s8, $0xFFFFF086  }
0x1c: {  	p1 =	slt.u32 s9, $0xF7A;
	s5 =	simm.s32 @!p2 $0x0  }
0x1d: {  	s5 =	simm.s32 @p1 $0x1;
	p0 =	seq.s32 s7, s2  }
0x1e: {  	s7 =	smul.u32 @!p0 $0xF7A, s2;
	p2 =	seq.s32 @!p0 s5, $0x0  }
0x1f: {  	s9 =	smul.u32 $0xF7A, s1;
	s8 =	simm.s32 @!p0 $0x1BF5;
	p2 =	por !p2, p0  }
0x20: {  	[sflag:s8] =	ssyncset.s32 @!p0 $0xFFFFF086;
	s6 =	sadd.s32 @!p0 s3, s7;
	s7 =	simm.s32 @!p0 $0x108  }
0x21: {  	s3 =	sadd.s32 s3, s9;
	s6 =	sadd.s32 @!p0 $0x88, s6;
	s7 =	simm.s32 @p2 $0x1082  }
0x22: {  	[simem:s7], [sflag:s8] =	dma.local @!p0 [hbm:s6], $0xF7A  }
0x23: {  	s9 =	sor.u32 $0xD0000000, s2;
	s6 =	simm.s32 $0x108;
	_ =	swait.ge @!p0 [sflag:s8], $0x0  }
0x24: {  	s3 =	sadd.s32 $0x88, s3;
	s6 =	simm.s32 @!p1 $0x1082;
	[sflag:s4] =	ssyncset.s32 $0xFFFFF086  }
0x25: {  	[simem:s6], [sflag:s4] =	dma.local [hbm:s3], $0xF7A  }
0x26: {  	[smem:$0x3F8F] =	sst s1;
	(tag) =	ssettag s2;
	_ =	strace s9  }
0x27: {  	s1 =	sld [smem:$0x3F9F]  }
0x28: {  	s2 =	sld [smem:$0x3FA0]  }
0x29: {  	s4 =	sld [smem:$0x3FA2]  }
0x2a: {  	p0 =	seq.s32 s5, $0x0;
	s5 =	sld [smem:$0x3FA3]  }
0x2b: {  	s6 =	sld [smem:$0x3FA4]  }
0x2c: {  	s7 =	sld [smem:$0x3FA5]  }
0x2d: {  	s3 =	simm.s32 $0x108;
	s8 =	sld [smem:$0x3FA6]  }
0x2e: {  	s3 =	simm.s32 @!p0 $0x1082;
	s9 =	sld [smem:$0x3FA7]  }
0x2f: {  	lr =	sadd.s32 s0, s3;
	s0 =	sld [smem:$0x3F9E]  }
0x30: {  	s3 =	sld [smem:$0x3FA1]  }
0x31: {  	[smem:$0x3FAA] =	sst s10  }
0x32: {  	s10 =	sld [smem:$0x3FA8];
	_ =	sdelay $0x3  }
0x33: {  	p0 =	seq.s32 s10, $0x1;
	s10 =	sld [smem:$0x3FAA];
	_ =	sdelay $0x3  }
0x34: {  	[smem:$0x3FAA] =	sst s10  }
0x35: {  	s10 =	sld [smem:$0x3FA9];
	_ =	sdelay $0x3  }
0x36: {  	p1 =	seq.s32 s10, $0x1;
	s10 =	sld [smem:$0x3FAA];
	_ =	sdelay $0x3  }
0x37: {  	[smem:$0x3FAA] =	sst s10  }
0x38: {  	s10 =	sld [smem:$0x3FAB]  }
0x39: {  	_ = 	snop;
	(pc) =	sbr.ind lr, $3  }
0x3a: {  	_ = 	snop  }
0x3b: {  	_ = 	snop  }
0x3c: {  	p2 =	seq.s32 s10, $0x1;
	s10 =	sld [smem:$0x3FAA]  }
0x3d: {  	_ =	shalt  }
0x3e: {  	_ =	shalt  }
0x3f: {  	_ =	shalt  }
0x40: {  	_ =	shalt  }
0x41: {  	_ =	shalt  }
0x42: {  	_ =	shalt  }
0x43: {  	_ =	shalt  }
0x44: {  	_ =	shalt  }
0x45: {  	_ =	shalt  }
0x46: {  	_ =	shalt  }
0x47: {  	_ =	shalt  }
0x48: {  	_ =	shalt  }
0x49: {  	_ =	shalt  }
0x4a: {  	_ =	shalt  }
0x4b: {  	_ =	shalt  }
0x4c: {  	_ =	shalt  }
0x4d: {  	_ =	shalt  }
0x4e: {  	_ =	shalt  }
0x4f: {  	_ =	shalt  }
0x50: {  	_ =	shalt  }
0x51: {  	_ =	shalt  }
0x52: {  	_ =	shalt  }
0x53: {  	_ =	shalt  }
0x54: {  	_ =	shalt  }
0x55: {  	_ =	shalt  }
0x56: {  	_ =	shalt  }
0x57: {  	_ =	shalt  }
0x58: {  	_ =	shalt  }
0x59: {  	_ =	shalt  }
0x5a: {  	_ =	shalt  }
0x5b: {  	_ =	shalt  }
0x5c: {  	_ =	shalt  }
0x5d: {  	_ =	shalt  }
0x5e: {  	_ =	shalt  }
0x5f: {  	_ =	shalt  }
0x60: {  	_ =	shalt  }
0x61: {  	_ =	shalt  }
0x62: {  	_ =	shalt  }
0x63: {  	_ =	shalt  }
0x64: {  	_ =	shalt  }
0x65: {  	_ =	shalt  }
0x66: {  	_ =	shalt  }
0x67: {  	_ =	shalt  }
0x68: {  	_ =	shalt  }
0x69: {  	_ =	shalt  }
0x6a: {  	_ =	shalt  }
0x6b: {  	_ =	shalt  }
0x6c: {  	_ =	shalt  }
0x6d: {  	_ =	shalt  }
0x6e: {  	_ =	shalt  }
0x6f: {  	_ =	shalt  }
0x70: {  	_ =	shalt  }
0x71: {  	_ =	shalt  }
0x72: {  	_ =	shalt  }
0x73: {  	_ =	shalt  }
0x74: {  	_ =	shalt  }
0x75: {  	_ =	shalt  }
0x76: {  	_ =	shalt  }
0x77: {  	_ =	shalt  }
0x78: {  	_ =	shalt  }
0x79: {  	_ =	shalt  }
0x7a: {  	_ =	shalt  }
0x7b: {  	_ =	shalt  }
0x7c: {  	_ =	shalt  }
0x7d: {  	_ =	shalt  }
0x7e: {  	_ =	shalt  }
0x7f: {  	_ =	shalt  }
0x80: {  	_ =	shalt  }
0x81: {  	_ =	shalt  }
0x82: {  	_ =	shalt  }
0x83: {  	_ =	shalt  }
0x84: {  	_ =	shalt  }
0x85: {  	_ =	shalt  }
0x86: {  	_ =	shalt  }
0x87: {  	_ =	shalt  }
.Lfunc_end0:
.L_simem_size_0:
called_computation.2_lowered:
.L_overlay_start_0:
0x88: {  	s2 =	sld [smem:$0x3FD9]  }
0x89: {  	s3 =	sld [smem:$0x3FFE];
	_ =	sdelay $0x1  }
0x8a: {  	s1 =	srdreg.scid  }
0x8b: {  	s0 =	sand.u32 $0x1, s1  }
0x8c: {  	s16 =	sshll.u32 s0, $0xA;
	s2 =	sadd.s32 s3, s2  }
0x8d: {  	s2 =	sadd.s32 s2, s16  }
0x8e: {  	[smem:$0x3FB6] =	sst s2  }
0x8f: {  	_ = 	snop  }
0x90: {  	(tm) =	ssettm $0x1  }
0x91: {  	s17 =	sld [smem:$0x3FFB];
	_ =	sdelay $0x3  }
0x92: {  	_ =	strace s17  }
0x93: {  	s2 =	sld [smem:$0x3FFC];
	_ =	sdelay $0x3  }
0x94: {  	_ =	strace s2  }
0x95: {  	s2 =	sld [smem:$0x3FFD];
	_ =	sdelay $0x3  }
0x96: {  	_ =	strace s2  }
0x97: {  	_ =	strace $0x8FFFFFFF  }
0x98: {  	s18 =	sld [smem:$0x3FDB];
	_ =	sdelay $0x1  }
0x99: {  	s19 =	simm.s32 $_scs_section_size  }
0x9a: {  	s4 =	simm.s32 $_size__tile_overlayer_lowered;
	s5 =	simm.s32 $_tile_overlayer_lowered  }
0x9b: {  	s22 =	simm.s32 $0x1BFF;
	s21 =	sshll.u32 s5, $0x1;
	s2 =	sadd.s32 s19, s18  }
0x9c: {  	s6 =	simm.s32 $0x0;
	s20 =	sshll.u32 s4, $0x1;
	s4 =	sadd.s32 s21, s2  }
0x9d: {  	[timem:s6], [sflag:s22] =	dma.local [hbm:s4], s20  }
0x9e: {  	_ =	swait.ge [sflag:s22], s20  }
0x9f: {  	s3 =	ssub.s32 $0x0, s20;
	[sflag:s22] =	ssyncset.done $0x0  }
0xa0: {  	[sflag:s22] =	ssyncadd.s32 s3;
	_ =	sdelay $0x1  }
0xa1: {  	s23 =	simm.s32 $0x1B8B  }
0xa2: {  	_ =	swait.ge [sflag:s23], $0x1  }
0xa3: {  	[sflag:s23] =	ssyncset.done $0x0  }
0xa4: {  	s25 =	simm.s32 $0x1B8E;
	s24 =	sld [smem:$0x3FFE];
	[sflag:s23] =	ssyncadd.s32 $0xFFFFFFFF  }
0xa5: {  	s26 =	simm.s32 $execute0_lowered;
	[smem:$0x3FD2] =	sst s25  }
0xa6: {  	s4 =	sshll.u32 s26, $0x1;
	_ =	strace $0x8000004C;
	[dreg:$0x1] =	wrdreg $0xFFFFFFFF  }
0xa7: {  	s28 =	simm.s32 $_size_execute0_lowered;
	s2 =	sadd.s32 s2, s4;
	[dreg:$0x0] =	wrdreg $0x0  }
0xa8: {  	s4 =	sshll.u32 s28, $0x1;
	[dreg:$0x2] =	wrdreg s2  }
0xa9: {  	[dreg:$0x3] =	wrdreg s4  }
0xaa: {  	[dreg:$0x4] =	wrdreg $0xC0  }
0xab: {  	_ =	task [dreg:s6], $0x5FFFF  }
0xac: {  	[dreg:$0x1] =	wrdreg $0xFFFFFFFF  }
0xad: {  	[dreg:$0x0] =	wrdreg $0x60  }
0xae: {  	[dreg:$0x2] =	wrdreg s24  }
0xaf: {  	[dreg:$0x3] =	wrdreg $0xE0000  }
0xb0: {  	[dreg:$0x4] =	wrdreg $0x9  }
0xb1: {  	_ =	task.clear_ibuf [dreg:s6], $0x5FFFF;
	_ =	strace $0x9000004C  }
0xb2: {  	s29 =	simm.s32 $0x9;
	_ =	strace $0x8000004E  }
0xb3: {  	_ =	swait.ge [sflag:s29], $0x1  }
0xb4: {  	[sflag:s29] =	ssyncadd.s32 $0xFFFFFFFF  }
0xb5: {  	_ =	strace $0x9000004E  }
0xb6: {  	_ =	sfence  }
0xb7: {  	s30 =	sld [smem:$0x0];
	_ =	sdelay $0x2  }
0xb8: {  	s31 =	sshll.u32 s1, $0xD;
	s1 =	sshrl.u32 s1, $0x2  }
0xb9: {  	s3 =	sand.u32 $0x4000, s31;
	s1 =	sadd.s32 s1, s30  }
0xba: {  	s0 =	sor.u32 s3, s0;
	s1 =	sshll.u32 s1, $0x11  }
0xbb: {  	s0 =	sor.u32 s1, s0  }
0xbc: {  	s0 =	sadd.s32 $0x8F2B, s0  }
0xbd: {  	[sflag:s0] =	ssyncadd.remote.s32 $0x1  }
0xbe: {  	_ =	sfence.sel $0xFFFF  }
0xbf: {  	[dreg:$0x0] =	wrdreg $0xFFFFFFFF;
	(pc) =	sbr.abs _section_cstart, $3  }
0xc0: {  	[dreg:$0x1] =	wrdreg $0xFFFFFFFF  }
0xc1: {  	_ =	task.clear_ibuf [dreg:s6], $0x2FFFF;
	_ =	strace $0x9FFFFFFF  }
0xc2: {  	(tm) =	ssettm $0x7FFFFFFF  }
0xc3: {  	_ =	shalt  }
tec
execute0_lowered:
.L_overlay_start_1:
0x0: {  	(tag) =	ssettag $0x1  }
0x1: {  	s0 =	rddreg [dreg:$0x0]  }
0x2: {  	s2 =	rddreg [dreg:$0x1];
	s3 =	simm.s32 $0x0;
	s6 =	stileid.u32  }
0x3: {  	s1 =	srdreg.scid;
	s28 =	simm.s32 $0x2;
	s30 =	simm.s32 $0x3  }
0x4: {  	s31 =	simm.s32 $0x4;
	s29 =	simm.s32 $0x7;
	s4 =	smul.u32 $0xA00, s6  }
0x5: {  	[smem:$0x7FF] =	sst s3;
	s1 =	sand.u32 $0x1, s1;
	s9 =	smul.u32 $0x5000, s6  }
0x6: {  	s11 =	sadd.s32 $0x86000, s0;
	_ =	strace $0x8000004D;
	s5 =	ssub.s32 $0x2, s1  }
0x7: {  	s17 =	smul.u32 $0x50000, s1;
	p0 =	seq.s32 s1, $0x1;
	s10 =	sadd.s32 s4, s0  }
0x8: {  	s18 =	sshrl.u32 s5, $0x1;
	s12 =	sadd.s32 $0x1000, s9;
	s13 =	sadd.s32 $0x2000, s9  }
0x9: {  	s4 =	sadd.s32 s9, s2;
	s14 =	sadd.s32 $0x3000, s9;
	s15 =	sadd.s32 $0x4000, s9  }
0xa: {  	s16 =	ssub.s32 s5, s18;
	s5 =	sadd.s32 s12, s2;
	s6 =	sadd.s32 s13, s2  }
0xb: {  	s7 =	sadd.s32 s14, s2;
	s8 =	sadd.s32 s15, s2;
	s18 =	sadd.s32 $0x22200, s10  }
0xc: {  	s10 =	sadd.s32 $0x4200, s10;
	s19 =	sadd.s32 s9, s17;
	s20 =	sadd.s32 s17, s12  }
0xd: {  	s21 =	sadd.s32 s17, s13;
	s24 =	sadd.s32 s17, s14;
	[dreg:$0x3] =	wrdreg s18  }
0xe: {  	s25 =	sadd.s32 s17, s15;
	[dreg:$0x4] =	wrdreg s10;
	s1 =	sshrl.u32 s19, $0x3  }
0xf: {  	s22 =	sshrl.u32 s20, $0x3;
	s23 =	sshrl.u32 s21, $0x3;
	s10 =	simm.s32 $0x7C200  }
0x10: {  	s26 =	sshrl.u32 s25, $0x3;
	s16 =	smax.u32 s16, $0x1;
	s18 =	simm.s32 $0xA000  }
0x11: {  	s19 =	simm.s32 $0x9;
	s20 =	simm.s32 $0x5000;
	s21 =	simm.s32 $0x80  }
0x12: {  	s25 =	simm.s32 $0x6;
	s1 =	sadd.s32 s11, s1;
	s13 =	sadd.s32 s11, s23  }
.Ltmp0:
0x13: {  	s10 =	simm.s32 @!p0 $0x18200;
	s15 =	sadd.s32 s11, s26;
	(pc) =	sbr.rel .LBB2_1-.Ltmp0, $4  }
0x14: {  	s26 =	simm.s32 $0xD000;
	s23 =	simm.s32 $0x5;
	[dreg:$0x5] =	wrdreg s1  }
0x15: {  	s1 =	sadd.s32 s11, s22;
	s17 =	sadd.s32 s10, s0;
	s22 =	simm.s32 $0xB000  }
0x16: {  	s0 =	simm.s32 $0x1;
	[dreg:$0x6] =	wrdreg s1;
	s1 =	sshrl.u32 s24, $0x3  }
0x17: {  	v0 =	vimm.f32 $0.0e+00;
	s24 =	simm.s32 $0xC000;
	s14 =	sadd.s32 s11, s1;
	s1 =	simm.s32 $0x8  }
.LBB2_16:
0x18: {  	_ =	swait.ge [sflag:s23], $0x1000  }
0x19: {  	[sflag:s23] =	ssyncset.done $0x0  }
0x1a: {  	[sflag:s23] =	ssyncadd.s32 $0xFFFFF000  }
0x1b: {  	_ =	swait.ge [sflag:s25], $0x1000  }
0x1c: {  	[sflag:s25] =	ssyncset.done $0x0  }
0x1d: {  	[sflag:s25] =	ssyncadd.s32 $0xFFFFF000  }
0x1e: {  	_ =	swait.ge [sflag:s29], $0x1000  }
0x1f: {  	[sflag:s29] =	ssyncset.done $0x0  }
0x20: {  	[sflag:s29] =	ssyncadd.s32 $0xFFFFF000  }
0x21: {  	_ =	swait.ge [sflag:s1], $0x1000  }
0x22: {  	[sflag:s1] =	ssyncset.done $0x0  }
0x23: {  	s9 =	stileid.u32;
	[sflag:s1] =	ssyncadd.s32 $0xFFFFF000  }
0x24: {  	s9 =	sshll.u32 s9, $0x6;
	[bflag:$0x0] =	sbarrier.arrive $0xFFFF  }
0x25: {  	s10 =	sshrl.u32 s4, $0x3;
	s9 =	sor.u32 $0x1C09, s9;
	s11 =	rddreg [dreg:$0x5]  }
0x26: {  	[hbm:s11], [sflag:s9] =	dma.local [spmem:s10], $0x200  }
0x27: {  	_ =	swait.ge [sflag:s19], $0x200  }
0x28: {  	[sflag:s19] =	ssyncset.done $0x0  }
0x29: {  	s11 =	sshrl.u32 s5, $0x3;
	s12 =	rddreg [dreg:$0x6];
	[sflag:s19] =	ssyncadd.s32 $0xFFFFFE00  }
0x2a: {  	[hbm:s12], [sflag:s9] =	dma.local [spmem:s11], $0x200  }
0x2b: {  	_ =	swait.ge [sflag:s19], $0x200  }
0x2c: {  	[sflag:s19] =	ssyncset.done $0x0  }
0x2d: {  	s12 =	sshrl.u32 s6, $0x3;
	[sflag:s19] =	ssyncadd.s32 $0xFFFFFE00  }
0x2e: {  	[hbm:s13], [sflag:s9] =	dma.local [spmem:s12], $0x200  }
0x2f: {  	_ =	swait.ge [sflag:s19], $0x200  }
0x30: {  	[sflag:s19] =	ssyncset.done $0x0  }
0x31: {  	s11 =	sshrl.u32 s7, $0x3;
	[sflag:s19] =	ssyncadd.s32 $0xFFFFFE00  }
0x32: {  	[hbm:s14], [sflag:s9] =	dma.local [spmem:s11], $0x200  }
0x33: {  	s3 =	sadd.s32 $0x1, s3;
	_ =	swait.ge [sflag:s19], $0x200  }
0x34: {  	p0 =	sne.s32 s3, s16;
	[sflag:s19] =	ssyncset.done $0x0  }
.Ltmp1:
0x35: {  	s12 =	sshrl.u32 s8, $0x3;
	[sflag:s19] =	ssyncadd.s32 $0xFFFFFE00;
	(pc) =	sbr.rel @!p0 .LBB2_17-.Ltmp1, $4  }
0x36: {  	[hbm:s15], [sflag:s9] =	dma.local [spmem:s12], $0x200  }
0x37: {  	_ =	swait.ge [sflag:s19], $0x200  }
0x38: {  	[sflag:s19] =	ssyncset.done $0x0  }
0x39: {  	[sflag:s19] =	ssyncadd.s32 $0xFFFFFE00  }
.LBB2_1:
0x3a: {  	s9 =	simm.s32 $0x80;
	s10 =	simm.s32 $0x0  }
.LBB2_2:
0x3b: {  	p0 =	sne.s32 s9, $0x3F80;
	[tilespmem:s10+$0xA000] =	vst v0;
	s11 =	smov.u32 s9;
	s9 =	sadd.s32 $0x80, s9  }
.Ltmp2:
0x3c: {  	[tilespmem:s10+$0xA010] =	vst v0;
	(pc) =	sbr.rel @p0 .LBB2_2-.Ltmp2, $2  }
0x3d: {  	_ =	sdelay $0x2  }
0x3e: {  	s10 =	sshra.s32 s11, $0x2  }
0x3f: {  	[tilespmem:s10+$0xA000] =	vst v0  }
0x40: {  	[tilespmem:s10+$0xA010] =	vst v0  }
0x41: {  	[spmem:s4] =	stream.linear.scatter [tilespmem:s18], [sflag:$0x9], $0x1000, $0x38;
	[tilespmem:$0x13000] =	vst v63  }
0x42: {  	_ =	swait.ge [sflag:s19], $0x1000  }
0x43: {  	[sflag:s19] =	ssyncset.done $0x0  }
0x44: {  	[sflag:s19] =	ssyncadd.s32 $0xFFFFF000  }
0x45: {  	[spmem:s5] =	stream.linear.scatter [tilespmem:s18], [sflag:$0x9], $0x1000, $0x38;
	[tilespmem:$0x13000] =	vst v63  }
0x46: {  	_ =	swait.ge [sflag:s19], $0x1000  }
0x47: {  	[sflag:s19] =	ssyncset.done $0x0  }
0x48: {  	[sflag:s19] =	ssyncadd.s32 $0xFFFFF000  }
0x49: {  	[spmem:s6] =	stream.linear.scatter [tilespmem:s18], [sflag:$0x9], $0x1000, $0x38;
	[tilespmem:$0x13000] =	vst v63  }
0x4a: {  	_ =	swait.ge [sflag:s19], $0x1000  }
0x4b: {  	[sflag:s19] =	ssyncset.done $0x0  }
0x4c: {  	[sflag:s19] =	ssyncadd.s32 $0xFFFFF000  }
0x4d: {  	[spmem:s7] =	stream.linear.scatter [tilespmem:s18], [sflag:$0x9], $0x1000, $0x38;
	[tilespmem:$0x13000] =	vst v63  }
0x4e: {  	_ =	swait.ge [sflag:s19], $0x1000  }
0x4f: {  	[sflag:s19] =	ssyncset.done $0x0  }
0x50: {  	[sflag:s19] =	ssyncadd.s32 $0xFFFFF000  }
0x51: {  	[spmem:s8] =	stream.linear.scatter [tilespmem:s18], [sflag:$0x9], $0x1000, $0x38;
	[tilespmem:$0x13000] =	vst v63  }
0x52: {  	_ =	swait.ge [sflag:s19], $0x1000  }
0x53: {  	[sflag:s19] =	ssyncset.done $0x0  }
0x54: {  	s9 =	simm.s32 $0x0;
	s11 =	rddreg [dreg:$0x3];
	[sflag:s19] =	ssyncadd.s32 $0xFFFFF000  }
0x55: {  	[tilespmem:s9], [sflag:$0x9] =	stream.linear.gather [hbm4b:s11+s9], $0x5000, $0x38;
	[tilespmem:$0x13000] =	vst v63  }
0x56: {  	_ =	swait.ge [sflag:s19], $0x5000  }
0x57: {  	[sflag:s19] =	ssyncset.done $0x0  }
0x58: {  	s12 =	rddreg [dreg:$0x4];
	[sflag:s19] =	ssyncadd.s32 $0xFFFFB000  }
0x59: {  	[tilespmem:s20], [sflag:$0x9] =	stream.linear.gather [hbm4b:s12+s9], $0x5000, $0x38;
	[tilespmem:$0x13000] =	vst v63  }
0x5a: {  	_ =	swait.ge [sflag:s19], $0x5000  }
0x5b: {  	[sflag:s19] =	ssyncset.done $0x0  }
0x5c: {  	[sflag:s19] =	ssyncadd.s32 $0xFFFFB000  }
0x5d: {  	[bflag:$0x0] =	sbarrier.arrive $0xFFFF  }
0x5e: {  	[tilespmem:s18], [sflag:$0x1] =	stream.indirect.gather [hbm4b:s17+s21], $0x20, s9, s21, $0xb8;
	[tilespmem:$0x13000] =	vst v63  }
0x5f: {  	_ = 	snop  }
0x60: {  	[tilespmem:s22], [sflag:$0x2] =	stream.indirect.gather [hbm4b:s17+s21], $0x20, s21, s21, $0xb8;
	[tilespmem:$0x13000] =	vst v63  }
0x61: {  	s10 =	simm.s32 $0x1;
	s11 =	simm.s32 $0x100  }
0x62: {  	[tilespmem:s24], [sflag:$0x3] =	stream.indirect.gather [hbm4b:s17+s21], $0x20, s11, s21, $0xb8;
	[tilespmem:$0x13000] =	vst v63  }
0x63: {  	_ =	swait.ge [sflag:s10], $0x1000  }
0x64: {  	[sflag:s10] =	ssyncset.done $0x0  }
0x65: {  	[sflag:s10] =	ssyncadd.s32 $0xFFFFF000  }
0x66: {  	[spmem:s2] =	stream.indirect.scatter.add.f32 [tilespmem:s18], [sflag:$0x5], $0x20, s20, s21, $0xb8;
	[tilespmem:$0x13000] =	vst v63  }
0x67: {  	s11 =	simm.s32 $0x180  }
0x68: {  	[tilespmem:s26], [sflag:$0x4] =	stream.indirect.gather [hbm4b:s17+s21], $0x20, s11, s21, $0xb8;
	[tilespmem:$0x13000] =	vst v63  }
.Ltmp3:
0x69: {  	_ = 	snop;
	(pc) =	sbr.rel .LBB2_4-.Ltmp3, $4  }
0x6a: {  	_ =	swait.ge [sflag:s28], $0x1000  }
0x6b: {  	[sflag:s28] =	ssyncset.done $0x0  }
0x6c: {  	s12 =	simm.s32 $0x5080;
	[sflag:s28] =	ssyncadd.s32 $0xFFFFF000  }
0x6d: {  	[spmem:s2] =	stream.indirect.scatter.add.f32 [tilespmem:s22], [sflag:$0x6], $0x20, s12, s21, $0xb8;
	[tilespmem:$0x13000] =	vst v63  }
.LBB2_15:
0x6e: {  	s11 =	sshra.s32 s9, $0x2  }
0x6f: {  	s12 =	sadd.s32 $0x300, s11  }
0x70: {  	[tilespmem:s24], [sflag:$0x3] =	stream.indirect.gather [hbm4b:s17+s21], $0x20, s12, s21, $0xb8;
	[tilespmem:$0x13000] =	vst v63  }
0x71: {  	_ =	swait.ge [sflag:s0], $0x1000  }
0x72: {  	[sflag:s0] =	ssyncset.done $0x0  }
0x73: {  	s12 =	sadd.s32 $0x5200, s11;
	[sflag:s0] =	ssyncadd.s32 $0xFFFFF000  }
0x74: {  	[spmem:s2] =	stream.indirect.scatter.add.f32 [tilespmem:s18], [sflag:$0x5], $0x20, s12, s21, $0xb8;
	[tilespmem:$0x13000] =	vst v63  }
0x75: {  	_ =	swait.ge [sflag:s1], $0x1000  }
0x76: {  	[sflag:s1] =	ssyncset.done $0x0  }
0x77: {  	s12 =	sadd.s32 $0x380, s11;
	[sflag:s1] =	ssyncadd.s32 $0xFFFFF000  }
0x78: {  	[tilespmem:s26], [sflag:$0x4] =	stream.indirect.gather [hbm4b:s17+s21], $0x20, s12, s21, $0xb8;
	[tilespmem:$0x13000] =	vst v63  }
0x79: {  	_ =	swait.ge [sflag:s28], $0x1000  }
0x7a: {  	s10 =	sadd.s32 $0x1, s10;
	[sflag:s28] =	ssyncset.done $0x0  }
0x7b: {  	s9 =	sadd.s32 $0x800, s9;
	s11 =	sadd.s32 $0x5280, s11;
	[sflag:s28] =	ssyncadd.s32 $0xFFFFF000  }
0x7c: {  	[spmem:s2] =	stream.indirect.scatter.add.f32 [tilespmem:s22], [sflag:$0x6], $0x20, s11, s21, $0xb8;
	[tilespmem:$0x13000] =	vst v63  }
.LBB2_4:
0x7d: {  	p0 =	seq.s32 s10, $0x0  }
.Ltmp4:
0x7e: {  	_ = 	snop;
	(pc) =	sbr.rel @p0 .LBB2_7-.Ltmp4, $1  }
0x7f: {  	_ =	sdelay $0x3  }
0x80: {  	p1 =	seq.s32 s10, $0x28  }
.Ltmp5:
0x81: {  	_ = 	snop;
	(pc) =	sbr.rel @p1 .LBB2_8-.Ltmp5, $2  }
0x82: {  	_ =	sdelay $0x2  }
0x83: {  	s11 =	simm.s32 $0x13C00  }
0x84: {  	_ =	swait.ge [sflag:s23], $0x1000  }
0x85: {  	[sflag:s23] =	ssyncset.done $0x0  }
0x86: {  	[sflag:s23] =	ssyncadd.s32 $0xFFFFF000  }
.LBB2_7:
0x87: {  	s11 =	sshra.s32 s9, $0x2  }
0x88: {  	s11 =	sadd.s32 $0x200, s11  }
0x89: {  	[tilespmem:s18], [sflag:$0x1] =	stream.indirect.gather [hbm4b:s17+s21], $0x20, s11, s21, $0xb8;
	[tilespmem:$0x13000] =	vst v63  }
0x8a: {  	s11 =	sadd.s32 $0x400, s9  }
.LBB2_8:
.Ltmp6:
0x8b: {  	(pc) =	sbr.rel @p0 .LBB2_11-.Ltmp6, $4  }
0x8c: {  	_ =	swait.ge [sflag:s30], $0x1000  }
0x8d: {  	s11 =	sshra.s32 s11, $0x2;
	[sflag:s30] =	ssyncset.done $0x0  }
0x8e: {  	s11 =	sadd.s32 $0x5000, s11;
	[sflag:s30] =	ssyncadd.s32 $0xFFFFF000  }
0x8f: {  	[spmem:s2] =	stream.indirect.scatter.add.f32 [tilespmem:s24], [sflag:$0x7], $0x20, s11, s21, $0xb8;
	[tilespmem:$0x13000] =	vst v63  }
0x90: {  	p1 =	seq.s32 s10, $0x28  }
.Ltmp7:
0x91: {  	_ = 	snop;
	(pc) =	sbr.rel @p1 .LBB2_12-.Ltmp7, $2  }
0x92: {  	_ =	sdelay $0x2  }
0x93: {  	s11 =	simm.s32 $0x13E00  }
0x94: {  	_ =	swait.ge [sflag:s25], $0x1000  }
0x95: {  	[sflag:s25] =	ssyncset.done $0x0  }
0x96: {  	[sflag:s25] =	ssyncadd.s32 $0xFFFFF000  }
.LBB2_11:
0x97: {  	s11 =	sshra.s32 s9, $0x2  }
0x98: {  	s11 =	sadd.s32 $0x280, s11  }
0x99: {  	[tilespmem:s22], [sflag:$0x2] =	stream.indirect.gather [hbm4b:s17+s21], $0x20, s11, s21, $0xb8;
	[tilespmem:$0x13000] =	vst v63  }
0x9a: {  	s11 =	sadd.s32 $0x600, s9  }
.LBB2_12:
.Ltmp8:
0x9b: {  	(pc) =	sbr.rel @p0 .LBB2_15-.Ltmp8, $4  }
0x9c: {  	_ =	swait.ge [sflag:s31], $0x1000  }
0x9d: {  	s11 =	sshra.s32 s11, $0x2;
	[sflag:s31] =	ssyncset.done $0x0  }
0x9e: {  	s11 =	sadd.s32 $0x5000, s11;
	[sflag:s31] =	ssyncadd.s32 $0xFFFFF000  }
0x9f: {  	[spmem:s2] =	stream.indirect.scatter.add.f32 [tilespmem:s26], [sflag:$0x8], $0x20, s11, s21, $0xb8;
	[tilespmem:$0x13000] =	vst v63  }
0xa0: {  	p0 =	seq.s32 s10, $0x28  }
.Ltmp9:
0xa1: {  	_ = 	snop;
	(pc) =	sbr.rel @p0 .LBB2_16-.Ltmp9, $1  }
0xa2: {  	_ =	sdelay $0x3  }
.Ltmp10:
0xa3: {  	(pc) =	sbr.rel .LBB2_15-.Ltmp10, $4  }
0xa4: {  	_ = 	snop  }
0xa5: {  	_ =	swait.ge [sflag:s29], $0x1000  }
0xa6: {  	[sflag:s29] =	ssyncset.done $0x0  }
0xa7: {  	[sflag:s29] =	ssyncadd.s32 $0xFFFFF000  }
.LBB2_17:
0xa8: {  	_ =	sfence.sel $0x180000  }
0xa9: {  	[bflag:$0x0] =	sbarrier.arrive $0xFFFF  }
0xaa: {  	_ =	strace $0x9000004D  }
0xab: {  	s0 =	stileid.u32;
	[bflag:$0x2] =	sbarrier.arrive $0xFFFF  }
0xac: {  	p0 =	sne.s32 s0, $0x0;
	s0 =	rddreg [dreg:$0x2]  }
0xad: {  	s0 =	sadd.s32 @!p0 $0x100000, s0  }
0xae: {  	[sflag:s0] =	ssyncadd.tile.s32 @!p0 $0x1;
	_ =	shalt  }
.Lfunc_end2:
_tile_overlayer_lowered:
.L_overlay_start_2:
0xaf: {  	(tag) =	ssettag $0x2  }
0xb0: {  	s0 =	rddreg [dreg:$0x0];
	s2 =	stileid.u32  }
0xb1: {  	s1 =	rddreg [dreg:$0x1];
	p0 =	sne.s32 s2, $0x0  }
0xb2: {  	s3 =	rddreg [dreg:$0x2];
	[bflag:$0x3] =	sbarrier.arrive $0xFFFF;
	s2 =	simm.s32 @!p0 $0x1C09  }
0xb3: {  	[timem:s3], [sflag:s2] =	dma.local @!p0 [hbm:s0], s1  }
0xb4: {  	s0 =	simm.s32 @!p0 $0x9  }
0xb5: {  	_ =	swait.ge @!p0 [sflag:s0], s1  }
0xb6: {  	s1 =	ssub.s32 @!p0 $0x0, s1;
	[sflag:s0] =	ssyncset.done @!p0 $0x0  }
0xb7: {  	[sflag:s0] =	ssyncadd.s32 @!p0 s1  }
0xb8: {  	[bflag:$0x3] =	sbarrier.arrive $0xFFFF  }
0xb9: {  	_ =	shalt  }

// kernel: kernel.19.cloned.1.call-start
scs
__scs_entry_jumppad:
0x0: {  	(pc) =	sbr.rel $0x88, $3  }
0x1: {  	(tag) =	ssettag $0x0;
	lr =	simm.s32 $0x1  }
0x2: {  	[smem:$0x3F8F] =	sst lr;
	_ =	strace $0xD0000000  }
0x3: {  	_ = 	snop  }
0x4: {  	_ = 	snop  }
0x5: {  	_ = 	snop  }
0x6: {  	_ = 	snop  }
0x7: {  	_ = 	snop  }
__scs_overlays_trampoline_lowered:
0x8: {  	[smem:$0x3F9E] =	sst s0  }
0x9: {  	[smem:$0x3F9F] =	sst s1  }
0xa: {  	[smem:$0x3FA0] =	sst s2  }
0xb: {  	[smem:$0x3FA1] =	sst s3  }
0xc: {  	[smem:$0x3FA2] =	sst s4  }
0xd: {  	[smem:$0x3FA3] =	sst s5  }
0xe: {  	[smem:$0x3FA4] =	sst s6  }
0xf: {  	[smem:$0x3FA5] =	sst s7  }
0x10: {  	[smem:$0x3FA6] =	sst s8  }
0x11: {  	[smem:$0x3FA7] =	sst s9;
	s0 =	simm.s32 @!p0 $0x0  }
0x12: {  	s1 =	sld [smem:$0x3F8D];
	s0 =	simm.s32 @p0 $0x1  }
0x13: {  	[smem:$0x3FA8] =	sst s0;
	s0 =	simm.s32 @!p1 $0x0  }
0x14: {  	s2 =	sld [smem:$0x3F8C];
	s0 =	simm.s32 @p1 $0x1  }
0x15: {  	[smem:$0x3FA9] =	sst s0;
	s0 =	simm.s32 @!p2 $0x0  }
0x16: {  	s3 =	sld [smem:$0x3FDB];
	s0 =	simm.s32 @p2 $0x1  }
0x17: {  	s4 =	simm.s32 $0x1BF5;
	[smem:$0x3FAB] =	sst s0  }
0x18: {  	s0 =	sld [smem:$0x3F8E];
	_ =	swait.ge [sflag:s4], $0x0  }
0x19: {  	s7 =	sld [smem:$0x3F8F]  }
0x1a: {  	s8 =	sadd.s32 $0xFFFFE003, lr  }
0x1b: {  	s9 =	sadd.s32 $0xFFFFFEF7, lr;
	s5 =	simm.s32 $0xFFFFFFFF;
	p2 =	slt.u32 s8, $0xFFFFF086  }
0x1c: {  	p1 =	slt.u32 s9, $0xF7A;
	s5 =	simm.s32 @!p2 $0x0  }
0x1d: {  	s5 =	simm.s32 @p1 $0x1;
	p0 =	seq.s32 s7, s2  }
0x1e: {  	s7 =	smul.u32 @!p0 $0xF7A, s2;
	p2 =	seq.s32 @!p0 s5, $0x0  }
0x1f: {  	s9 =	smul.u32 $0xF7A, s1;
	s8 =	simm.s32 @!p0 $0x1BF5;
	p2 =	por !p2, p0  }
0x20: {  	[sflag:s8] =	ssyncset.s32 @!p0 $0xFFFFF086;
	s6 =	sadd.s32 @!p0 s3, s7;
	s7 =	simm.s32 @!p0 $0x108  }
0x21: {  	s3 =	sadd.s32 s3, s9;
	s6 =	sadd.s32 @!p0 $0x88, s6;
	s7 =	simm.s32 @p2 $0x1082  }
0x22: {  	[simem:s7], [sflag:s8] =	dma.local @!p0 [hbm:s6], $0xF7A  }
0x23: {  	s9 =	sor.u32 $0xD0000000, s2;
	s6 =	simm.s32 $0x108;
	_ =	swait.ge @!p0 [sflag:s8], $0x0  }
0x24: {  	s3 =	sadd.s32 $0x88, s3;
	s6 =	simm.s32 @!p1 $0x1082;
	[sflag:s4] =	ssyncset.s32 $0xFFFFF086  }
0x25: {  	[simem:s6], [sflag:s4] =	dma.local [hbm:s3], $0xF7A  }
0x26: {  	[smem:$0x3F8F] =	sst s1;
	(tag) =	ssettag s2;
	_ =	strace s9  }
0x27: {  	s1 =	sld [smem:$0x3F9F]  }
0x28: {  	s2 =	sld [smem:$0x3FA0]  }
0x29: {  	s4 =	sld [smem:$0x3FA2]  }
0x2a: {  	p0 =	seq.s32 s5, $0x0;
	s5 =	sld [smem:$0x3FA3]  }
0x2b: {  	s6 =	sld [smem:$0x3FA4]  }
0x2c: {  	s7 =	sld [smem:$0x3FA5]  }
0x2d: {  	s3 =	simm.s32 $0x108;
	s8 =	sld [smem:$0x3FA6]  }
0x2e: {  	s3 =	simm.s32 @!p0 $0x1082;
	s9 =	sld [smem:$0x3FA7]  }
0x2f: {  	lr =	sadd.s32 s0, s3;
	s0 =	sld [smem:$0x3F9E]  }
0x30: {  	s3 =	sld [smem:$0x3FA1]  }
0x31: {  	[smem:$0x3FAA] =	sst s10  }
0x32: {  	s10 =	sld [smem:$0x3FA8];
	_ =	sdelay $0x3  }
0x33: {  	p0 =	seq.s32 s10, $0x1;
	s10 =	sld [smem:$0x3FAA];
	_ =	sdelay $0x3  }
0x34: {  	[smem:$0x3FAA] =	sst s10  }
0x35: {  	s10 =	sld [smem:$0x3FA9];
	_ =	sdelay $0x3  }
0x36: {  	p1 =	seq.s32 s10, $0x1;
	s10 =	sld [smem:$0x3FAA];
	_ =	sdelay $0x3  }
0x37: {  	[smem:$0x3FAA] =	sst s10  }
0x38: {  	s10 =	sld [smem:$0x3FAB]  }
0x39: {  	_ = 	snop;
	(pc) =	sbr.ind lr, $3  }
0x3a: {  	_ = 	snop  }
0x3b: {  	_ = 	snop  }
0x3c: {  	p2 =	seq.s32 s10, $0x1;
	s10 =	sld [smem:$0x3FAA]  }
0x3d: {  	_ =	shalt  }
0x3e: {  	_ =	shalt  }
0x3f: {  	_ =	shalt  }
0x40: {  	_ =	shalt  }
0x41: {  	_ =	shalt  }
0x42: {  	_ =	shalt  }
0x43: {  	_ =	shalt  }
0x44: {  	_ =	shalt  }
0x45: {  	_ =	shalt  }
0x46: {  	_ =	shalt  }
0x47: {  	_ =	shalt  }
0x48: {  	_ =	shalt  }
0x49: {  	_ =	shalt  }
0x4a: {  	_ =	shalt  }
0x4b: {  	_ =	shalt  }
0x4c: {  	_ =	shalt  }
0x4d: {  	_ =	shalt  }
0x4e: {  	_ =	shalt  }
0x4f: {  	_ =	shalt  }
0x50: {  	_ =	shalt  }
0x51: {  	_ =	shalt  }
0x52: {  	_ =	shalt  }
0x53: {  	_ =	shalt  }
0x54: {  	_ =	shalt  }
0x55: {  	_ =	shalt  }
0x56: {  	_ =	shalt  }
0x57: {  	_ =	shalt  }
0x58: {  	_ =	shalt  }
0x59: {  	_ =	shalt  }
0x5a: {  	_ =	shalt  }
0x5b: {  	_ =	shalt  }
0x5c: {  	_ =	shalt  }
0x5d: {  	_ =	shalt  }
0x5e: {  	_ =	shalt  }
0x5f: {  	_ =	shalt  }
0x60: {  	_ =	shalt  }
0x61: {  	_ =	shalt  }
0x62: {  	_ =	shalt  }
0x63: {  	_ =	shalt  }
0x64: {  	_ =	shalt  }
0x65: {  	_ =	shalt  }
0x66: {  	_ =	shalt  }
0x67: {  	_ =	shalt  }
0x68: {  	_ =	shalt  }
0x69: {  	_ =	shalt  }
0x6a: {  	_ =	shalt  }
0x6b: {  	_ =	shalt  }
0x6c: {  	_ =	shalt  }
0x6d: {  	_ =	shalt  }
0x6e: {  	_ =	shalt  }
0x6f: {  	_ =	shalt  }
0x70: {  	_ =	shalt  }
0x71: {  	_ =	shalt  }
0x72: {  	_ =	shalt  }
0x73: {  	_ =	shalt  }
0x74: {  	_ =	shalt  }
0x75: {  	_ =	shalt  }
0x76: {  	_ =	shalt  }
0x77: {  	_ =	shalt  }
0x78: {  	_ =	shalt  }
0x79: {  	_ =	shalt  }
0x7a: {  	_ =	shalt  }
0x7b: {  	_ =	shalt  }
0x7c: {  	_ =	shalt  }
0x7d: {  	_ =	shalt  }
0x7e: {  	_ =	shalt  }
0x7f: {  	_ =	shalt  }
0x80: {  	_ =	shalt  }
0x81: {  	_ =	shalt  }
0x82: {  	_ =	shalt  }
0x83: {  	_ =	shalt  }
0x84: {  	_ =	shalt  }
0x85: {  	_ =	shalt  }
0x86: {  	_ =	shalt  }
0x87: {  	_ =	shalt  }
.Lfunc_end0:
.L_simem_size_0:
called_computation.3_lowered:
.L_overlay_start_0:
0x88: {  	s2 =	sld [smem:$0x3FD9]  }
0x89: {  	s3 =	sld [smem:$0x3FFE];
	_ =	sdelay $0x1  }
0x8a: {  	s1 =	srdreg.scid  }
0x8b: {  	s0 =	sand.u32 $0x1, s1  }
0x8c: {  	s16 =	sshll.u32 s0, $0xA;
	s2 =	sadd.s32 s3, s2  }
0x8d: {  	s2 =	sadd.s32 s2, s16  }
0x8e: {  	[smem:$0x3FB6] =	sst s2  }
0x8f: {  	_ = 	snop  }
0x90: {  	(tm) =	ssettm $0x1  }
0x91: {  	s17 =	sld [smem:$0x3FFB];
	_ =	sdelay $0x3  }
0x92: {  	_ =	strace s17  }
0x93: {  	s2 =	sld [smem:$0x3FFC];
	_ =	sdelay $0x3  }
0x94: {  	_ =	strace s2  }
0x95: {  	s2 =	sld [smem:$0x3FFD];
	_ =	sdelay $0x3  }
0x96: {  	_ =	strace s2  }
0x97: {  	_ =	strace $0x8FFFFFFF  }
0x98: {  	s18 =	sld [smem:$0x3FDB];
	_ =	sdelay $0x1  }
0x99: {  	s19 =	simm.s32 $_scs_section_size  }
0x9a: {  	s4 =	simm.s32 $_size__tile_overlayer_lowered;
	s5 =	simm.s32 $_tile_overlayer_lowered  }
0x9b: {  	s22 =	simm.s32 $0x1BFF;
	s21 =	sshll.u32 s5, $0x1;
	s2 =	sadd.s32 s19, s18  }
0x9c: {  	s6 =	simm.s32 $0x0;
	s20 =	sshll.u32 s4, $0x1;
	s4 =	sadd.s32 s21, s2  }
0x9d: {  	[timem:s6], [sflag:s22] =	dma.local [hbm:s4], s20  }
0x9e: {  	_ =	swait.ge [sflag:s22], s20  }
0x9f: {  	s3 =	ssub.s32 $0x0, s20;
	[sflag:s22] =	ssyncset.done $0x0  }
0xa0: {  	[sflag:s22] =	ssyncadd.s32 s3;
	_ =	sdelay $0x1  }
0xa1: {  	s23 =	simm.s32 $0x1B8B  }
0xa2: {  	_ =	swait.ge [sflag:s23], $0x1  }
0xa3: {  	[sflag:s23] =	ssyncset.done $0x0  }
0xa4: {  	s25 =	simm.s32 $0x1B8E;
	s24 =	sld [smem:$0x3FFE];
	[sflag:s23] =	ssyncadd.s32 $0xFFFFFFFF  }
0xa5: {  	s26 =	simm.s32 $execute0_lowered;
	[smem:$0x3FD2] =	sst s25  }
0xa6: {  	s4 =	sshll.u32 s26, $0x1;
	_ =	strace $0x8000004F;
	[dreg:$0x1] =	wrdreg $0xFFFFFFFF  }
0xa7: {  	s28 =	simm.s32 $_size_execute0_lowered;
	s2 =	sadd.s32 s2, s4;
	[dreg:$0x0] =	wrdreg $0x0  }
0xa8: {  	s4 =	sshll.u32 s28, $0x1;
	[dreg:$0x2] =	wrdreg s2  }
0xa9: {  	[dreg:$0x3] =	wrdreg s4  }
0xaa: {  	[dreg:$0x4] =	wrdreg $0xC0  }
0xab: {  	_ =	task [dreg:s6], $0x5FFFF  }
0xac: {  	[dreg:$0x1] =	wrdreg $0xFFFFFFFF  }
0xad: {  	[dreg:$0x0] =	wrdreg $0x60  }
0xae: {  	[dreg:$0x2] =	wrdreg s24  }
0xaf: {  	[dreg:$0x3] =	wrdreg $0x9  }
0xb0: {  	_ =	task.clear_ibuf [dreg:s6], $0x4FFFF;
	_ =	strace $0x9000004F  }
0xb1: {  	s29 =	simm.s32 $0x9;
	_ =	strace $0x80000051  }
0xb2: {  	_ =	swait.ge [sflag:s29], $0x1  }
0xb3: {  	[sflag:s29] =	ssyncadd.s32 $0xFFFFFFFF  }
0xb4: {  	_ =	strace $0x90000051  }
0xb5: {  	_ =	sfence  }
0xb6: {  	s30 =	sld [smem:$0x0];
	_ =	sdelay $0x2  }
0xb7: {  	s31 =	sshll.u32 s1, $0xD;
	s1 =	sshrl.u32 s1, $0x2  }
0xb8: {  	s3 =	sand.u32 $0x4000, s31;
	s1 =	sadd.s32 s1, s30  }
0xb9: {  	s0 =	sor.u32 s3, s0;
	s1 =	sshll.u32 s1, $0x11  }
0xba: {  	s0 =	sor.u32 s1, s0  }
0xbb: {  	s0 =	sadd.s32 $0x8F2B, s0  }
0xbc: {  	[sflag:s0] =	ssyncadd.remote.s32 $0x1  }
0xbd: {  	_ =	sfence.sel $0xFFFF  }
0xbe: {  	[dreg:$0x0] =	wrdreg $0xFFFFFFFF;
	(pc) =	sbr.abs _section_cstart, $3  }
0xbf: {  	[dreg:$0x1] =	wrdreg $0xFFFFFFFF  }
0xc0: {  	_ =	task.clear_ibuf [dreg:s6], $0x2FFFF;
	_ =	strace $0x9FFFFFFF  }
0xc1: {  	(tm) =	ssettm $0x7FFFFFFF  }
tec
execute0_lowered:
.L_overlay_start_1:
0x0: {  	(tag) =	ssettag $0x1  }
0x1: {  	s0 =	rddreg [dreg:$0x0];
	s1 =	srdreg.scid  }
0x2: {  	s7 =	stileid.u32;
	s3 =	simm.s32 $0x0;
	s15 =	simm.s32 $0x80  }
0x3: {  	s18 =	simm.s32 $0x3;
	s19 =	simm.s32 $0x7;
	s20 =	simm.s32 $0x40  }
0x4: {  	s21 =	simm.s32 $0x9000;
	s22 =	simm.s32 $0x11000;
	s28 =	simm.s32 $0xB000  }
0x5: {  	s29 =	simm.s32 $0x13000;
	s30 =	simm.s32 $0x1;
	s31 =	simm.s32 $0x5  }
0x6: {  	s10 =	simm.s32 $0xB;
	s11 =	simm.s32 $0xF;
	s17 =	simm.s32 $0x5000  }
0x7: {  	s1 =	sand.u32 $0x1, s1;
	s2 =	sshll.u32 s7, $0x1;
	[smem:$0x7FF] =	sst s3  }
0x8: {  	s3 =	sadd.s32 $0x2C200, s0;
	s4 =	sadd.s32 $0x3FC00, s0;
	s7 =	smul.u32 $0x280000, s7  }
0x9: {  	s2 =	sor.u32 s1, s2;
	s6 =	ssub.s32 $0x2, s1;
	s1 =	smul.u32 $0x140000, s1  }
0xa: {  	_ =	strace $0x80000050;
	s5 =	smul.u32 $0x500, s2;
	s9 =	sshrl.u32 s6, $0x1  }
0xb: {  	s6 =	ssub.s32 s6, s9;
	s1 =	sadd.s32 s1, s7;
	s9 =	sadd.s32 $0x53608, s0  }
0xc: {  	s7 =	simm.s32 $0x0;
	s8 =	sadd.s32 s5, s0;
	s5 =	sadd.s32 $0x53600, s0  }
0xd: {  	s24 =	sshrl.u32 s1, $0x3;
	s1 =	sor.u32 $0x4000, s1;
	s25 =	smax.u32 s6, $0x1  }
0xe: {  	s23 =	sadd.s32 $0x22200, s8;
	s8 =	sadd.s32 $0xE200, s8;
	[dreg:$0x4] =	wrdreg s25  }
.Ltmp0:
0xf: {  	s0 =	sadd.s32 s24, s9;
	s26 =	sshrl.u32 s1, $0x3;
	(pc) =	sbr.rel .LBB2_1-.Ltmp0, $4  }
0x10: {  	s24 =	simm.s32 $0xF000;
	s25 =	simm.s32 $0x4;
	[dreg:$0x2] =	wrdreg s23  }
0x11: {  	s1 =	simm.s32 $0x6;
	[dreg:$0x3] =	wrdreg s8;
	s8 =	smul.u32 $0x140000, s2  }
0x12: {  	[dreg:$0x5] =	wrdreg s0;
	s0 =	sadd.s32 s26, s9;
	s23 =	simm.s32 $0x7000  }
0x13: {  	s26 =	simm.s32 $0x8;
	[dreg:$0x6] =	wrdreg s0;
	s0 =	simm.s32 $0x2  }
.LBB2_16:
0x14: {  	s2 =	simm.s32 $0x9  }
0x15: {  	_ =	swait.ge [sflag:s2], $0x2000  }
0x16: {  	[sflag:s2] =	ssyncset.done $0x0  }
0x17: {  	s7 =	simm.s32 $0xD;
	[sflag:s2] =	ssyncadd.s32 $0xFFFFE000  }
0x18: {  	_ =	swait.ge [sflag:s7], $0x2000  }
0x19: {  	[sflag:s7] =	ssyncset.done $0x0  }
0x1a: {  	s12 =	simm.s32 $0xA;
	[sflag:s7] =	ssyncadd.s32 $0xFFFFE000  }
0x1b: {  	_ =	swait.ge [sflag:s12], $0x2000  }
0x1c: {  	[sflag:s12] =	ssyncset.done $0x0  }
0x1d: {  	s13 =	simm.s32 $0xE;
	[sflag:s12] =	ssyncadd.s32 $0xFFFFE000  }
0x1e: {  	_ =	swait.ge [sflag:s13], $0x2000  }
0x1f: {  	[sflag:s13] =	ssyncset.done $0x0  }
0x20: {  	[sflag:s13] =	ssyncadd.s32 $0xFFFFE000  }
0x21: {  	_ =	swait.ge [sflag:s10], $0x2000  }
0x22: {  	[sflag:s10] =	ssyncset.done $0x0  }
0x23: {  	[sflag:s10] =	ssyncadd.s32 $0xFFFFE000  }
0x24: {  	_ =	swait.ge [sflag:s11], $0x2000  }
0x25: {  	[sflag:s11] =	ssyncset.done $0x0  }
0x26: {  	s14 =	simm.s32 $0xC;
	[sflag:s11] =	ssyncadd.s32 $0xFFFFE000  }
0x27: {  	_ =	swait.ge [sflag:s14], $0x2000  }
0x28: {  	[sflag:s14] =	ssyncset.done $0x0  }
0x29: {  	s6 =	simm.s32 $0x10;
	[sflag:s14] =	ssyncadd.s32 $0xFFFFE000  }
0x2a: {  	_ =	swait.ge [sflag:s6], $0x2000  }
0x2b: {  	s7 =	rddreg [dreg:$0x7]  }
0x2c: {  	s16 =	rddreg [dreg:$0x4];
	s7 =	sadd.s32 $0x1, s7  }
0x2d: {  	p0 =	sne.s32 s7, s16  }
.Ltmp1:
0x2e: {  	_ = 	snop;
	(pc) =	sbr.rel @!p0 .LBB2_17-.Ltmp1, $3  }
0x2f: {  	_ =	sdelay $0x1  }
0x30: {  	[sflag:s6] =	ssyncset.done $0x0  }
0x31: {  	[sflag:s6] =	ssyncadd.s32 $0xFFFFE000  }
.LBB2_1:
0x32: {  	[dreg:$0x7] =	wrdreg s7  }
0x33: {  	s2 =	simm.s32 $0x0;
	s6 =	rddreg [dreg:$0x2];
	s14 =	simm.s32 $0x11  }
0x34: {  	[tilespmem:s2], [sflag:$0x11] =	stream.linear.gather [hbm4b:s6+s2], $0x2800, $0x38;
	[tilespmem:$0x15000] =	vst v63  }
0x35: {  	_ =	swait.ge [sflag:s14], $0x2800  }
0x36: {  	s12 =	simm.s32 $0x2800;
	[sflag:s14] =	ssyncset.done $0x0  }
.Ltmp2:
0x37: {  	s16 =	rddreg [dreg:$0x3];
	[sflag:s14] =	ssyncadd.s32 $0xFFFFD800;
	(pc) =	sbr.rel .LBB2_2-.Ltmp2, $4  }
0x38: {  	[tilespmem:s12], [sflag:$0x11] =	stream.linear.gather [hbm4b:s16+s2], $0x2800, $0x38;
	[tilespmem:$0x15000] =	vst v63  }
0x39: {  	s13 =	simm.s32 $0xFFFFFFFE;
	_ =	swait.ge [sflag:s14], $0x2800  }
0x3a: {  	s6 =	simm.s32 $0x0;
	[sflag:s14] =	ssyncset.done $0x0;
	s12 =	rddreg [dreg:$0x6]  }
0x3b: {  	s2 =	rddreg [dreg:$0x5];
	[sflag:s14] =	ssyncadd.s32 $0xFFFFD800;
	s14 =	simm.s32 $0x0  }
.LBB2_15:
0x3c: {  	s7 =	sshra.s32 s14, $0x2  }
0x3d: {  	s16 =	sadd.s32 $0x100, s7  }
0x3e: {  	[tilespmem:s21], [sflag:$0x3] =	stream.indirect.gather [hbm4b:s3+s15], $0x40, s16, s15, $0xb8;
	[tilespmem:$0x15000] =	vst v63  }
0x3f: {  	s16 =	sadd.s32 $0x2900, s7  }
0x40: {  	[tilespmem:s22], [sflag:$0x7] =	stream.indirect.gather [hbm4b:s4+s15], $0x40, s16, s15, $0xb8;
	[tilespmem:$0x15000] =	vst v63  }
0x41: {  	_ =	swait.ge [sflag:s30], $0x2000  }
0x42: {  	[sflag:s30] =	ssyncset.done $0x0  }
0x43: {  	[sflag:s30] =	ssyncadd.s32 $0xFFFFE000  }
0x44: {  	_ =	swait.ge [sflag:s31], $0x2000  }
0x45: {  	[sflag:s31] =	ssyncset.done $0x0  }
0x46: {  	s16 =	sadd.s32 $0xFFFFFFF8, s2;
	[sflag:s31] =	ssyncadd.s32 $0xFFFFE000  }
0x47: {  	[hbm4b:s16+s20] =	stream.strided.scatter [tilespmem:s17], [sflag:$0x9], $0x2000, s15, s20, $0x38;
	[tilespmem:$0x15000] =	vst v63  }
0x48: {  	p0 =	seq.s32 s14, $0x0;
	s16 =	simm.s32 $0xD000  }
0x49: {  	[hbm4b:s2+s20] =	stream.strided.scatter [tilespmem:s16], [sflag:$0xD], $0x2000, s15, s20, $0x38;
	[tilespmem:$0x15000] =	vst v63  }
0x4a: {  	s16 =	simm.s32 @!p0 $0xC  }
0x4b: {  	_ =	swait.ge @!p0 [sflag:s16], $0x2000  }
0x4c: {  	[sflag:s16] =	ssyncset.done @!p0 $0x0  }
0x4d: {  	[sflag:s16] =	ssyncadd.s32 @!p0 $0xFFFFE000;
	s16 =	simm.s32 @!p0 $0x10  }
0x4e: {  	_ =	swait.ge @!p0 [sflag:s16], $0x2000  }
0x4f: {  	[sflag:s16] =	ssyncset.done @!p0 $0x0  }
0x50: {  	[sflag:s16] =	ssyncadd.s32 @!p0 $0xFFFFE000;
	s16 =	sadd.s32 $0x180, s7  }
0x51: {  	[tilespmem:s28], [sflag:$0x4] =	stream.indirect.gather [hbm4b:s3+s15], $0x40, s16, s15, $0xb8;
	[tilespmem:$0x15000] =	vst v63  }
0x52: {  	s7 =	sadd.s32 $0x2980, s7  }
0x53: {  	[tilespmem:s29], [sflag:$0x8] =	stream.indirect.gather [hbm4b:s4+s15], $0x40, s7, s15, $0xb8;
	[tilespmem:$0x15000] =	vst v63  }
0x54: {  	_ =	swait.ge [sflag:s0], $0x2000  }
0x55: {  	[sflag:s0] =	ssyncset.done $0x0  }
0x56: {  	[sflag:s0] =	ssyncadd.s32 $0xFFFFE000  }
0x57: {  	_ =	swait.ge [sflag:s1], $0x2000  }
0x58: {  	[sflag:s1] =	ssyncset.done $0x0  }
0x59: {  	s16 =	sadd.s32 $0xFFFFFFF8, s12;
	[sflag:s1] =	ssyncadd.s32 $0xFFFFE000  }
0x5a: {  	[hbm4b:s16+s20] =	stream.strided.scatter [tilespmem:s23], [sflag:$0xA], $0x2000, s15, s20, $0x38;
	[tilespmem:$0x15000] =	vst v63  }
0x5b: {  	s6 =	sadd.s32 $0x1, s6;
	s14 =	sadd.s32 $0x800, s14  }
0x5c: {  	[hbm4b:s12+s20] =	stream.strided.scatter [tilespmem:s24], [sflag:$0xE], $0x2000, s15, s20, $0x38;
	[tilespmem:$0x15000] =	vst v63  }
0x5d: {  	s13 =	sadd.s32 $0x4, s13;
	s2 =	sadd.s32 $0x2000, s2;
	s12 =	sadd.s32 $0x2000, s12  }
.LBB2_2:
0x5e: {  	p0 =	seq.s32 s6, $0x0  }
.Ltmp3:
0x5f: {  	_ = 	snop;
	(pc) =	sbr.rel @p0 .LBB2_5-.Ltmp3, $1  }
0x60: {  	_ =	sdelay $0x3  }
0x61: {  	p1 =	seq.s32 s6, $0x14  }
.Ltmp4:
0x62: {  	_ = 	snop;
	(pc) =	sbr.rel @p1 .LBB2_6-.Ltmp4, $2  }
0x63: {  	_ =	sdelay $0x2  }
0x64: {  	s7 =	simm.s32 $0x4E  }
0x65: {  	s7 =	simm.s32 $0x9  }
0x66: {  	_ =	swait.ge [sflag:s7], $0x2000  }
0x67: {  	[sflag:s7] =	ssyncset.done $0x0  }
0x68: {  	s16 =	simm.s32 $0xD;
	[sflag:s7] =	ssyncadd.s32 $0xFFFFE000  }
0x69: {  	_ =	swait.ge [sflag:s16], $0x2000  }
0x6a: {  	[sflag:s16] =	ssyncset.done $0x0  }
0x6b: {  	[sflag:s16] =	ssyncadd.s32 $0xFFFFE000  }
.LBB2_5:
0x6c: {  	p1 =	sgt.u32 s13, $0x4F  }
.Ltmp5:
0x6d: {  	s7 =	sshra.s32 s14, $0x2;
	s16 =	simm.s32 $0x5000;
	(pc) =	sbr.rel @p1 .LBB2_7-.Ltmp5, $4  }
0x6e: {  	[tilespmem:s16], [sflag:$0x1] =	stream.indirect.gather [hbm4b:s3+s15], $0x40, s7, s15, $0xb8;
	[tilespmem:$0x15000] =	vst v63  }
0x6f: {  	s7 =	sadd.s32 $0x2800, s7;
	s16 =	simm.s32 $0xD000  }
0x70: {  	[tilespmem:s16], [sflag:$0x5] =	stream.indirect.gather [hbm4b:s4+s15], $0x40, s7, s15, $0xb8;
	[tilespmem:$0x15000] =	vst v63  }
0x71: {  	s7 =	smov.u32 s13  }
.LBB2_6:
0x72: {  	_ =	swait.ge [sflag:s18], $0x2000  }
0x73: {  	[sflag:s18] =	ssyncset.done $0x0  }
0x74: {  	s7 =	sshll.u32 s7, $0xE;
	[sflag:s18] =	ssyncadd.s32 $0xFFFFE000  }
0x75: {  	s7 =	sadd.s32 s8, s7;
	_ =	swait.ge [sflag:s19], $0x2000  }
0x76: {  	s7 =	sshrl.u32 s7, $0x3;
	[sflag:s19] =	ssyncset.done $0x0  }
0x77: {  	s16 =	sadd.s32 s5, s7;
	[sflag:s19] =	ssyncadd.s32 $0xFFFFE000  }
0x78: {  	[hbm4b:s16+s20] =	stream.strided.scatter [tilespmem:s21], [sflag:$0xB], $0x2000, s15, s20, $0x38;
	[tilespmem:$0x15000] =	vst v63  }
0x79: {  	s7 =	sadd.s32 s7, s9  }
0x7a: {  	[hbm4b:s7+s20] =	stream.strided.scatter [tilespmem:s22], [sflag:$0xF], $0x2000, s15, s20, $0x38;
	[tilespmem:$0x15000] =	vst v63  }
.LBB2_7:
.Ltmp6:
0x7b: {  	(pc) =	sbr.rel @p0 .LBB2_10-.Ltmp6, $1  }
0x7c: {  	_ =	sdelay $0x3  }
0x7d: {  	p1 =	seq.s32 s6, $0x14  }
.Ltmp7:
0x7e: {  	_ = 	snop;
	(pc) =	sbr.rel @p1 .LBB2_11-.Ltmp7, $2  }
0x7f: {  	_ =	sdelay $0x2  }
0x80: {  	s7 =	simm.s32 $0x4F  }
0x81: {  	s7 =	simm.s32 $0xA  }
0x82: {  	_ =	swait.ge [sflag:s7], $0x2000  }
0x83: {  	[sflag:s7] =	ssyncset.done $0x0  }
0x84: {  	s16 =	simm.s32 $0xE;
	[sflag:s7] =	ssyncadd.s32 $0xFFFFE000  }
0x85: {  	_ =	swait.ge [sflag:s16], $0x2000  }
0x86: {  	[sflag:s16] =	ssyncset.done $0x0  }
0x87: {  	[sflag:s16] =	ssyncadd.s32 $0xFFFFE000  }
.LBB2_10:
0x88: {  	s7 =	sshra.s32 s14, $0x2  }
0x89: {  	s16 =	sadd.s32 $0x80, s7  }
0x8a: {  	[tilespmem:s23], [sflag:$0x2] =	stream.indirect.gather [hbm4b:s3+s15], $0x40, s16, s15, $0xb8;
	[tilespmem:$0x15000] =	vst v63  }
0x8b: {  	s7 =	sadd.s32 $0x2880, s7  }
0x8c: {  	[tilespmem:s24], [sflag:$0x6] =	stream.indirect.gather [hbm4b:s4+s15], $0x40, s7, s15, $0xb8;
	[tilespmem:$0x15000] =	vst v63  }
0x8d: {  	s7 =	sadd.s32 $0x1, s13  }
0x8e: {  	p1 =	sgt.u32 s7, $0x4F  }
.Ltmp8:
0x8f: {  	_ = 	snop;
	(pc) =	sbr.rel @p1 .LBB2_12-.Ltmp8, $1  }
0x90: {  	_ =	sdelay $0x3  }
.LBB2_11:
0x91: {  	_ =	swait.ge [sflag:s25], $0x2000  }
0x92: {  	[sflag:s25] =	ssyncset.done $0x0  }
0x93: {  	s7 =	sshll.u32 s7, $0xE;
	[sflag:s25] =	ssyncadd.s32 $0xFFFFE000  }
0x94: {  	s7 =	sadd.s32 s8, s7;
	_ =	swait.ge [sflag:s26], $0x2000  }
0x95: {  	s7 =	sshrl.u32 s7, $0x3;
	[sflag:s26] =	ssyncset.done $0x0  }
0x96: {  	s16 =	sadd.s32 s5, s7;
	[sflag:s26] =	ssyncadd.s32 $0xFFFFE000  }
0x97: {  	[hbm4b:s16+s20] =	stream.strided.scatter [tilespmem:s28], [sflag:$0xC], $0x2000, s15, s20, $0x38;
	[tilespmem:$0x15000] =	vst v63  }
0x98: {  	s7 =	sadd.s32 s7, s9  }
0x99: {  	[hbm4b:s7+s20] =	stream.strided.scatter [tilespmem:s29], [sflag:$0x10], $0x2000, s15, s20, $0x38;
	[tilespmem:$0x15000] =	vst v63  }
.LBB2_12:
.Ltmp9:
0x9a: {  	(pc) =	sbr.rel @p0 .LBB2_15-.Ltmp9, $1  }
0x9b: {  	_ =	sdelay $0x3  }
0x9c: {  	p0 =	seq.s32 s6, $0x14  }
.Ltmp10:
0x9d: {  	_ = 	snop;
	(pc) =	sbr.rel @p0 .LBB2_16-.Ltmp10, $1  }
0x9e: {  	_ =	sdelay $0x3  }
0x9f: {  	_ =	swait.ge [sflag:s10], $0x2000  }
.Ltmp11:
0xa0: {  	[sflag:s10] =	ssyncset.done $0x0;
	(pc) =	sbr.rel .LBB2_15-.Ltmp11, $4  }
0xa1: {  	[sflag:s10] =	ssyncadd.s32 $0xFFFFE000  }
0xa2: {  	_ =	swait.ge [sflag:s11], $0x2000  }
0xa3: {  	[sflag:s11] =	ssyncset.done $0x0  }
0xa4: {  	[sflag:s11] =	ssyncadd.s32 $0xFFFFE000  }
.LBB2_17:
0xa5: {  	_ =	sfence.sel $0x180000  }
0xa6: {  	[bflag:$0x0] =	sbarrier.arrive $0xFFFF  }
0xa7: {  	_ =	strace $0x90000050  }
0xa8: {  	s0 =	stileid.u32;
	[bflag:$0x2] =	sbarrier.arrive $0xFFFF  }
0xa9: {  	p0 =	sne.s32 s0, $0x0;
	s0 =	rddreg [dreg:$0x1]  }
0xaa: {  	s0 =	sadd.s32 @!p0 $0x100000, s0  }
0xab: {  	[sflag:s0] =	ssyncadd.tile.s32 @!p0 $0x1;
	_ =	shalt  }
.Lfunc_end2:
_tile_overlayer_lowered:
.L_overlay_start_2:
0xac: {  	(tag) =	ssettag $0x2  }
0xad: {  	s0 =	rddreg [dreg:$0x0];
	s2 =	stileid.u32  }
0xae: {  	s1 =	rddreg [dreg:$0x1];
	p0 =	sne.s32 s2, $0x0  }
0xaf: {  	s3 =	rddreg [dreg:$0x2];
	[bflag:$0x3] =	sbarrier.arrive $0xFFFF;
	s2 =	simm.s32 @!p0 $0x1C11  }
0xb0: {  	[timem:s3], [sflag:s2] =	dma.local @!p0 [hbm:s0], s1  }
0xb1: {  	s0 =	simm.s32 @!p0 $0x11  }
0xb2: {  	_ =	swait.ge @!p0 [sflag:s0], s1  }
0xb3: {  	s1 =	ssub.s32 @!p0 $0x0, s1;
	[sflag:s0] =	ssyncset.done @!p0 $0x0  }
0xb4: {  	[sflag:s0] =	ssyncadd.s32 @!p0 s1  }
0xb5: {  	[bflag:$0x3] =	sbarrier.arrive $0xFFFF  }
0xb6: {  	_ =	shalt  }

</sc_bundles>
